<compile_context>
chip_gen: v7x
topology: tpu7x:2x2x1
jax: 0.10.2.dev20260603
libtpu: 0.0.44.dev20260713+nightly
codegen_flags: <defaults>
</compile_context>

<pallas_src>
import functools

import jax
import jax.numpy as jnp
from jax import lax
from jax.experimental import pallas as pl
from jax.experimental.pallas import tpu as pltpu
from jax.experimental.pallas import tpu_sc as plsc

N = 50000
D = 256
NSEG = 128
NCORES = 2
NSUB = 16
NW = NCORES * NSUB
SEG_PER_W = NSEG // NW
CH = 144
NG = D // 16
GH = 8

_NEG_INF = float("-inf")
_POS_INF = float("inf")


def _pool_kernel(x_hbm, batch_hbm, out_hbm, batch_v, xbuf0, xbuf1, accbuf,
                 offs_s, sem0, sem1):
    wid = lax.axis_index("s") * NCORES + lax.axis_index("c")
    s_base = wid * SEG_PER_W

    pltpu.sync_copy(batch_hbm, batch_v.at[pl.ds(0, N)])
    batch_v[pl.ds(N, 16)] = jnp.full((16,), NSEG, jnp.int32)

    def lower_bound(target):
        def body(_, lohi):
            lo, hi = lohi
            mid = (lo + hi) // 2
            v = batch_v[pl.ds(mid, 16)][0]
            pred = v < target
            return jnp.where(pred, mid + 1, lo), jnp.where(pred, hi, mid)

        lo, _ = lax.fori_loop(0, 16, body, (jnp.int32(0), jnp.int32(N)))
        return lo

    for k in range(SEG_PER_W + 1):
        offs_s[k] = lower_bound(s_base + k)

    def acc_rows(xbuf, ab, base, nrows):
        nrows = jnp.maximum(nrows, 0)
        for gh in range(NG // GH):
            g0 = gh * GH
            mx0 = [accbuf[pl.ds(ab + (g0 + t) * 16, 16)] for t in range(GH)]
            mn0 = [accbuf[pl.ds(ab + D + (g0 + t) * 16, 16)]
                   for t in range(GH)]
            sm0 = [accbuf[pl.ds(ab + 2 * D + (g0 + t) * 16, 16)]
                   for t in range(GH)]
            init = tuple([base] + mx0 + mn0 + sm0)

            def body(_, c):
                r = c[0]
                v = [xbuf[r, pl.ds((g0 + t) * 16, 16)] for t in range(GH)]
                mx = [jnp.maximum(c[1 + t], v[t]) for t in range(GH)]
                mn = [jnp.minimum(c[1 + GH + t], v[t]) for t in range(GH)]
                sm = [c[1 + 2 * GH + t] + v[t] for t in range(GH)]
                return tuple([r + 1] + mx + mn + sm)

            c = lax.fori_loop(0, nrows, body, init)
            for t in range(GH):
                accbuf[pl.ds(ab + (g0 + t) * 16, 16)] = c[1 + t]
                accbuf[pl.ds(ab + D + (g0 + t) * 16, 16)] = c[1 + GH + t]
                accbuf[pl.ds(ab + 2 * D + (g0 + t) * 16, 16)] = c[1 + 2 * GH + t]

    def init_body(k, _):
        ab = k * 3 * D
        for g in range(NG):
            accbuf[pl.ds(ab + g * 16, 16)] = jnp.full((16,), _NEG_INF, jnp.float32)
            accbuf[pl.ds(ab + D + g * 16, 16)] = jnp.full((16,), _POS_INF, jnp.float32)
            accbuf[pl.ds(ab + 2 * D + g * 16, 16)] = jnp.zeros((16,), jnp.float32)
        return 0

    lax.fori_loop(0, SEG_PER_W, init_body, 0)

    o_beg = offs_s[0]
    o_end = offs_s[SEG_PER_W]
    a_s = (o_beg // 8) * 8
    nch = (o_end - a_s + CH - 1) // CH

    def chunk_start(i):
        return pl.multiple_of(jnp.minimum(a_s + i * CH, N - CH), 8)

    def dma_start(i, xbuf, sem):
        pltpu.async_copy(x_hbm.at[pl.ds(chunk_start(i), CH)], xbuf, sem)

    def dma_wait(i, xbuf, sem):
        pltpu.make_async_copy(x_hbm.at[pl.ds(chunk_start(i), CH)], xbuf,
                              sem).wait()

    def process(i, xbuf):
        st = a_s + i * CH
        std = chunk_start(i)

        def seg_k(k, _):
            lo = jnp.maximum(offs_s[k], st)
            hi = jnp.minimum(offs_s[k + 1], st + CH)

            @pl.when(hi > lo)
            def _():
                acc_rows(xbuf, k * 3 * D, lo - std, hi - lo)

            return 0

        lax.fori_loop(0, SEG_PER_W, seg_k, 0)

    @pl.when(nch > 0)
    def _():
        dma_start(0, xbuf0, sem0)

    def pair_body(j, _):
        i0 = 2 * j
        i1 = i0 + 1

        @pl.when(i1 < nch)
        def _():
            dma_start(i1, xbuf1, sem1)

        dma_wait(i0, xbuf0, sem0)
        process(i0, xbuf0)

        @pl.when(i0 + 2 < nch)
        def _():
            dma_start(i0 + 2, xbuf0, sem0)

        @pl.when(i1 < nch)
        def _():
            dma_wait(i1, xbuf1, sem1)
            process(i1, xbuf1)

        return 0

    lax.fori_loop(0, (nch + 1) // 2, pair_body, 0)

    def fin_body(k, _):
        ab = k * 3 * D
        cnt = offs_s[k + 1] - offs_s[k]
        denom = jnp.maximum(cnt.astype(jnp.float32), 1.0)
        for g in range(NG):
            sm = accbuf[pl.ds(ab + 2 * D + g * 16, 16)]
            accbuf[pl.ds(ab + 2 * D + g * 16, 16)] = sm / denom
        pltpu.sync_copy(accbuf.at[pl.ds(ab, 3 * D)], out_hbm.at[s_base + k])
        return 0

    lax.fori_loop(0, SEG_PER_W, fin_body, 0)


def _pool(x2d, batch):
    mesh = plsc.VectorSubcoreMesh(core_axis_name="c", subcore_axis_name="s")
    call = functools.partial(
        pl.kernel,
        mesh=mesh,
        out_type=jax.ShapeDtypeStruct((NSEG, 3 * D), jnp.float32),
        scratch_types=[
            pltpu.VMEM((N + 16,), jnp.int32),
            pltpu.VMEM((CH, D), jnp.float32),
            pltpu.VMEM((CH, D), jnp.float32),
            pltpu.VMEM((SEG_PER_W * 3 * D,), jnp.float32),
            pltpu.SMEM((SEG_PER_W + 1,), jnp.int32),
            pltpu.SemaphoreType.DMA,
            pltpu.SemaphoreType.DMA,
        ],
    )(_pool_kernel)
    return call(x2d, batch)


def _mm_kernel(feat_ref, w_ref, b_ref, out_ref):
    out_ref[...] = (
        jnp.dot(feat_ref[...], w_ref[...], preferred_element_type=jnp.float32)
        + b_ref[...]
    )


def _mm(feat, W, b):
    return pl.pallas_call(
        _mm_kernel,
        out_shape=jax.ShapeDtypeStruct((NSEG, D), jnp.float32),
    )(feat, W, b.reshape(1, D))


def kernel(x, batch, W, b):
    feat = _pool(x, batch.astype(jnp.int32))
    return _mm(feat, W, b)

# --- scband reference (transcript-rebuilt; emitter-appended) ---
"""Pipeline reference for scband-multi-pooling-88141318849067 (READ-ONLY COPY).

The authoritative reference and input builder live on the scoring server;
editing this copy changes nothing except your own understanding.
"""

import jax, jax.numpy as jnp
import numpy as np

NUM_SEGMENTS = 128


def setup_inputs(seed: int = 0) -> dict:
    key = jax.random.key(seed)
    k1, k2, k3, k4 = jax.random.split(key, 4)
    N, d = 50000, 256
    x = jax.random.normal(k1, (N, d), dtype=jnp.float32)
    batch = jnp.sort(jax.random.randint(k2, (N,), 0, NUM_SEGMENTS)).astype(jnp.int64)
    # nn.Linear(3*d, d): weight [out, in] in torch; store transposed [in, out] for jax matmul
    W = jax.random.normal(k3, (3 * d, d), dtype=jnp.float32) * (1.0 / np.sqrt(3 * d))
    b = jax.random.normal(k4, (d,), dtype=jnp.float32) * 0.01
    return {"x": x, "batch": batch, "W": W, "b": b}


def reference(x, batch, W, b):
    # global_max_pool(x, batch)
    mx = jax.ops.segment_max(x, batch, num_segments=NUM_SEGMENTS)
    # -global_max_pool(-x, batch) == global min pool
    mn = -jax.ops.segment_max(-x, batch, num_segments=NUM_SEGMENTS)
    # global_mean_pool(x, batch)
    s = jax.ops.segment_sum(x, batch, num_segments=NUM_SEGMENTS)
    cnt = jax.ops.segment_sum(jnp.ones((x.shape[0],), dtype=x.dtype), batch, num_segments=NUM_SEGMENTS)
    mean = s / jnp.maximum(cnt, 1.0)[:, None]
    # dropout p=0.0 -> identity
    feat = jnp.concatenate([mx, mn, mean], axis=1)
    return feat @ W + b

if __name__ == "__main__":
    import jax
    _d = setup_inputs()
    print(jax.jit(kernel)(*tuple(_d.values())))

</pallas_src>

<mosaic_0001>
#map = affine_map<(d0, d1) -> (0, 0)>
#map1 = affine_map<(d0, d1) -> (0)>
module attributes {stable_mosaic.version = 14 : i64} {
  func.func @_pool_kernel(%arg0: i32, %arg1: i32, %arg2: memref<50000x256xf32, #tpu.memory_space<hbm>>, %arg3: memref<50000xi32, #tpu.memory_space<hbm>>, %arg4: memref<128x768xf32, #tpu.memory_space<hbm>>, %arg5: memref<50016xi32, #tpu.memory_space<vmem>>, %arg6: memref<144x256xf32, #tpu.memory_space<vmem>>, %arg7: memref<144x256xf32, #tpu.memory_space<vmem>>, %arg8: memref<3072xf32, #tpu.memory_space<vmem>>, %arg9: memref<5xi32, #tpu.memory_space<smem>>, %arg10: memref<!tpu.dma_semaphore, #tpu.memory_space<semaphore_mem>>, %arg11: memref<!tpu.dma_semaphore, #tpu.memory_space<semaphore_mem>>) attributes {dimension_semantics = [#tpu.dimension_semantics<core_parallel>, #tpu.dimension_semantics<subcore_parallel>], iteration_bounds = array<i64: 2, 16>, scalar_prefetch = 0 : i64, scratch_operands = 7 : i64, tpu.core_type = #tpu.core_type<sc_vector_subcore>, window_params = [{transform_indices = #map}, {transform_indices = #map1}, {transform_indices = #map}]} {
    %mul3A = arith.constant 2 : i32
    %mul3A_0 = arith.muli %arg1, %mul3A : i32
    %add3A = arith.addi %mul3A_0, %arg0 : i32
    %mul3A_1 = arith.constant 4 : i32
    %mul3A_2 = arith.muli %add3A, %mul3A_1 : i32
    "tpu.region"() ({
      %run_scoped3A = tpu.sem_alloc : memref<!tpu.dma_semaphore, #tpu.memory_space<semaphore_mem>>
      %dma_start3A = arith.constant 0 : i32
      %dma_start3A_176 = tpu.memref_slice %arg5[%dma_start3A] : memref<50016xi32, #tpu.memory_space<vmem>> -> memref<50000xi32, #tpu.memory_space<vmem>>
      %dma_start3A_177 = arith.constant 0 : i32
      %dma_start3A_178 = tpu.memref_slice %arg5[%dma_start3A_177] : memref<50016xi32, #tpu.memory_space<vmem>> -> memref<50000xi32, #tpu.memory_space<vmem>>
      tpu.enqueue_dma source(%arg3 : memref<50000xi32, #tpu.memory_space<hbm>>) target(%dma_start3A_178 : memref<50000xi32, #tpu.memory_space<vmem>>) target_semaphore(%run_scoped3A : memref<!tpu.dma_semaphore, #tpu.memory_space<semaphore_mem>>)
      %dma_wait3A = arith.constant 0 : i32
      %dma_wait3A_179 = tpu.memref_slice %arg5[%dma_wait3A] : memref<50016xi32, #tpu.memory_space<vmem>> -> memref<50000xi32, #tpu.memory_space<vmem>>
      %dma_wait3A_180 = arith.constant 0 : i32
      %dma_wait3A_181 = tpu.memref_slice %arg5[%dma_wait3A_180] : memref<50016xi32, #tpu.memory_space<vmem>> -> memref<50000xi32, #tpu.memory_space<vmem>>
      tpu.wait_dma2 semaphore(%run_scoped3A : memref<!tpu.dma_semaphore, #tpu.memory_space<semaphore_mem>>) src(%arg3 : memref<50000xi32, #tpu.memory_space<hbm>>) dst(%dma_wait3A_181 : memref<50000xi32, #tpu.memory_space<vmem>>)
      tpu.yield
    }) : () -> ()
    %broadcast_in_dim3A = arith.constant 128 : i32
    %broadcast_in_dim3A_3 = vector.broadcast %broadcast_in_dim3A : i32 to vector<16xi32>
    %swap3A = arith.constant 50000 : index
    %swap3A_4 = tpu.vector_load %arg5[%swap3A] {strides = array<i32>} : memref<50016xi32, #tpu.memory_space<vmem>>, vector<16xi32>,
    %swap3A_5 = vector.shape_cast %swap3A_4 : vector<16xi32> to vector<16xi32>
    %swap3A_6 = vector.shape_cast %broadcast_in_dim3A_3 : vector<16xi32> to vector<16xi32>
    tpu.vector_store %arg5[%swap3A], %swap3A_6 {strides = array<i32>} : memref<50016xi32, #tpu.memory_space<vmem>>, vector<16xi32>,
    %add3A_7 = arith.constant 0 : i32
    %add3A_8 = arith.addi %mul3A_2, %add3A_7 : i32
    %scan3A = arith.constant 0 : i32
    %scan3A_9 = arith.constant 50000 : i32
    %scan3A_10 = arith.constant 0 : i32
    %scan3A_11 = arith.constant 16 : i32
    %scan3A_12 = arith.addi %scan3A_10, %scan3A_11 : i32
    %scan3A_13 = arith.constant 1 : i32
    %scan3A_14:2 = scf.for %scan3A_176 = %scan3A_10 to %scan3A_12 step %scan3A_13 iter_args(%scan3A_177 = %scan3A, %scan3A_178 = %scan3A_9) -> (i32, i32)  : i32 {
      %add3A_179 = arith.addi %scan3A_177, %scan3A_178 : i32
      %jit3A_180 = arith.constant 2 : i32
      %div3A_181 = arith.divsi %add3A_179, %jit3A_180 : i32
      %sign3A_182 = arith.constant 0 : i32
      %sign3A_183 = arith.cmpi sgt, %add3A_179, %sign3A_182 : i32
      %sign3A_184 = arith.extui %sign3A_183 : i1 to i32
      %sign3A_185 = arith.constant 0 : i32
      %sign3A_186 = arith.cmpi slt, %add3A_179, %sign3A_185 : i32
      %sign3A_187 = arith.extui %sign3A_186 : i1 to i32
      %sign3A_188 = arith.subi %sign3A_184, %sign3A_187 : i32
      %sign3A_189 = arith.constant 0 : i32
      %sign3A_190 = arith.cmpi sgt, %jit3A_180, %sign3A_189 : i32
      %sign3A_191 = arith.extui %sign3A_190 : i1 to i32
      %sign3A_192 = arith.constant 0 : i32
      %sign3A_193 = arith.cmpi slt, %jit3A_180, %sign3A_192 : i32
      %sign3A_194 = arith.extui %sign3A_193 : i1 to i32
      %sign3A_195 = arith.subi %sign3A_191, %sign3A_194 : i32
      %ne3A_196 = arith.cmpi ne, %sign3A_188, %sign3A_195 : i32
      %rem3A_197 = arith.remsi %add3A_179, %jit3A_180 : i32
      %ne3A_198 = arith.constant 0 : i32
      %ne3A_199 = arith.cmpi ne, %rem3A_197, %ne3A_198 : i32
      %and3A_200 = arith.andi %ne3A_196, %ne3A_199 : i1
      %sub3A_201 = arith.constant 1 : i32
      %sub3A_202 = arith.subi %div3A_181, %sub3A_201 : i32
      %select_n3A_203 = arith.select %and3A_200, %sub3A_202, %div3A_181 : i32
      %get3A_204 = arith.index_cast %select_n3A_203 : i32 to index
      %get3A_205 = tpu.vector_load %arg5[%get3A_204] {strides = array<i32>} : memref<50016xi32, #tpu.memory_space<vmem>>, vector<16xi32>,
      %get3A_206 = vector.shape_cast %get3A_205 : vector<16xi32> to vector<16xi32>
      %slice3A = vector.extract_strided_slice %get3A_206 {offsets = [0], sizes = [1], strides = [1]} : vector<16xi32> to vector<1xi32>
      %squeeze3A = vector.extract %slice3A[0] : i32 from vector<1xi32>
      %lt3A = arith.cmpi slt, %squeeze3A, %add3A_8 : i32
      %add3A_207 = arith.constant 1 : i32
      %add3A_208 = arith.addi %select_n3A_203, %add3A_207 : i32
      %select_n3A_209 = arith.select %lt3A, %add3A_208, %scan3A_177 : i32
      %select_n3A_210 = arith.select %lt3A, %scan3A_178, %select_n3A_203 : i32
      scf.yield %select_n3A_209, %select_n3A_210 : i32, i32
    }
    %scan3A_15 = arith.constant 16 : i32
    %swap3A_16 = arith.constant 0 : i32
    %swap3A_17 = arith.index_cast %swap3A_16 : i32 to index
    %swap3A_18 = memref.load %arg9[%swap3A_17] : memref<5xi32, #tpu.memory_space<smem>>
    memref.store %scan3A_14#0, %arg9[%swap3A_17] : memref<5xi32, #tpu.memory_space<smem>>
    %add3A_19 = arith.constant 1 : i32
    %add3A_20 = arith.addi %mul3A_2, %add3A_19 : i32
    %scan3A_21 = arith.constant 0 : i32
    %scan3A_22 = arith.constant 50000 : i32
    %scan3A_23 = arith.constant 0 : i32
    %scan3A_24 = arith.constant 16 : i32
    %scan3A_25 = arith.addi %scan3A_23, %scan3A_24 : i32
    %scan3A_26 = arith.constant 1 : i32
    %scan3A_27:2 = scf.for %scan3A_176 = %scan3A_23 to %scan3A_25 step %scan3A_26 iter_args(%scan3A_177 = %scan3A_21, %scan3A_178 = %scan3A_22) -> (i32, i32)  : i32 {
      %add3A_179 = arith.addi %scan3A_177, %scan3A_178 : i32
      %jit3A_180 = arith.constant 2 : i32
      %div3A_181 = arith.divsi %add3A_179, %jit3A_180 : i32
      %sign3A_182 = arith.constant 0 : i32
      %sign3A_183 = arith.cmpi sgt, %add3A_179, %sign3A_182 : i32
      %sign3A_184 = arith.extui %sign3A_183 : i1 to i32
      %sign3A_185 = arith.constant 0 : i32
      %sign3A_186 = arith.cmpi slt, %add3A_179, %sign3A_185 : i32
      %sign3A_187 = arith.extui %sign3A_186 : i1 to i32
      %sign3A_188 = arith.subi %sign3A_184, %sign3A_187 : i32
      %sign3A_189 = arith.constant 0 : i32
      %sign3A_190 = arith.cmpi sgt, %jit3A_180, %sign3A_189 : i32
      %sign3A_191 = arith.extui %sign3A_190 : i1 to i32
      %sign3A_192 = arith.constant 0 : i32
      %sign3A_193 = arith.cmpi slt, %jit3A_180, %sign3A_192 : i32
      %sign3A_194 = arith.extui %sign3A_193 : i1 to i32
      %sign3A_195 = arith.subi %sign3A_191, %sign3A_194 : i32
      %ne3A_196 = arith.cmpi ne, %sign3A_188, %sign3A_195 : i32
      %rem3A_197 = arith.remsi %add3A_179, %jit3A_180 : i32
      %ne3A_198 = arith.constant 0 : i32
      %ne3A_199 = arith.cmpi ne, %rem3A_197, %ne3A_198 : i32
      %and3A_200 = arith.andi %ne3A_196, %ne3A_199 : i1
      %sub3A_201 = arith.constant 1 : i32
      %sub3A_202 = arith.subi %div3A_181, %sub3A_201 : i32
      %select_n3A_203 = arith.select %and3A_200, %sub3A_202, %div3A_181 : i32
      %get3A_204 = arith.index_cast %select_n3A_203 : i32 to index
      %get3A_205 = tpu.vector_load %arg5[%get3A_204] {strides = array<i32>} : memref<50016xi32, #tpu.memory_space<vmem>>, vector<16xi32>,
      %get3A_206 = vector.shape_cast %get3A_205 : vector<16xi32> to vector<16xi32>
      %slice3A = vector.extract_strided_slice %get3A_206 {offsets = [0], sizes = [1], strides = [1]} : vector<16xi32> to vector<1xi32>
      %squeeze3A = vector.extract %slice3A[0] : i32 from vector<1xi32>
      %lt3A = arith.cmpi slt, %squeeze3A, %add3A_20 : i32
      %add3A_207 = arith.constant 1 : i32
      %add3A_208 = arith.addi %select_n3A_203, %add3A_207 : i32
      %select_n3A_209 = arith.select %lt3A, %add3A_208, %scan3A_177 : i32
      %select_n3A_210 = arith.select %lt3A, %scan3A_178, %select_n3A_203 : i32
      scf.yield %select_n3A_209, %select_n3A_210 : i32, i32
    }
    %scan3A_28 = arith.constant 16 : i32
    %swap3A_29 = arith.constant 1 : i32
    %swap3A_30 = arith.index_cast %swap3A_29 : i32 to index
    %swap3A_31 = memref.load %arg9[%swap3A_30] : memref<5xi32, #tpu.memory_space<smem>>
    memref.store %scan3A_27#0, %arg9[%swap3A_30] : memref<5xi32, #tpu.memory_space<smem>>
    %add3A_32 = arith.constant 2 : i32
    %add3A_33 = arith.addi %mul3A_2, %add3A_32 : i32
    %scan3A_34 = arith.constant 0 : i32
    %scan3A_35 = arith.constant 50000 : i32
    %scan3A_36 = arith.constant 0 : i32
    %scan3A_37 = arith.constant 16 : i32
    %scan3A_38 = arith.addi %scan3A_36, %scan3A_37 : i32
    %scan3A_39 = arith.constant 1 : i32
    %scan3A_40:2 = scf.for %scan3A_176 = %scan3A_36 to %scan3A_38 step %scan3A_39 iter_args(%scan3A_177 = %scan3A_34, %scan3A_178 = %scan3A_35) -> (i32, i32)  : i32 {
      %add3A_179 = arith.addi %scan3A_177, %scan3A_178 : i32
      %jit3A_180 = arith.constant 2 : i32
      %div3A_181 = arith.divsi %add3A_179, %jit3A_180 : i32
      %sign3A_182 = arith.constant 0 : i32
      %sign3A_183 = arith.cmpi sgt, %add3A_179, %sign3A_182 : i32
      %sign3A_184 = arith.extui %sign3A_183 : i1 to i32
      %sign3A_185 = arith.constant 0 : i32
      %sign3A_186 = arith.cmpi slt, %add3A_179, %sign3A_185 : i32
      %sign3A_187 = arith.extui %sign3A_186 : i1 to i32
      %sign3A_188 = arith.subi %sign3A_184, %sign3A_187 : i32
      %sign3A_189 = arith.constant 0 : i32
      %sign3A_190 = arith.cmpi sgt, %jit3A_180, %sign3A_189 : i32
      %sign3A_191 = arith.extui %sign3A_190 : i1 to i32
      %sign3A_192 = arith.constant 0 : i32
      %sign3A_193 = arith.cmpi slt, %jit3A_180, %sign3A_192 : i32
      %sign3A_194 = arith.extui %sign3A_193 : i1 to i32
      %sign3A_195 = arith.subi %sign3A_191, %sign3A_194 : i32
      %ne3A_196 = arith.cmpi ne, %sign3A_188, %sign3A_195 : i32
      %rem3A_197 = arith.remsi %add3A_179, %jit3A_180 : i32
      %ne3A_198 = arith.constant 0 : i32
      %ne3A_199 = arith.cmpi ne, %rem3A_197, %ne3A_198 : i32
      %and3A_200 = arith.andi %ne3A_196, %ne3A_199 : i1
      %sub3A_201 = arith.constant 1 : i32
      %sub3A_202 = arith.subi %div3A_181, %sub3A_201 : i32
      %select_n3A_203 = arith.select %and3A_200, %sub3A_202, %div3A_181 : i32
      %get3A_204 = arith.index_cast %select_n3A_203 : i32 to index
      %get3A_205 = tpu.vector_load %arg5[%get3A_204] {strides = array<i32>} : memref<50016xi32, #tpu.memory_space<vmem>>, vector<16xi32>,
      %get3A_206 = vector.shape_cast %get3A_205 : vector<16xi32> to vector<16xi32>
      %slice3A = vector.extract_strided_slice %get3A_206 {offsets = [0], sizes = [1], strides = [1]} : vector<16xi32> to vector<1xi32>
      %squeeze3A = vector.extract %slice3A[0] : i32 from vector<1xi32>
      %lt3A = arith.cmpi slt, %squeeze3A, %add3A_33 : i32
      %add3A_207 = arith.constant 1 : i32
      %add3A_208 = arith.addi %select_n3A_203, %add3A_207 : i32
      %select_n3A_209 = arith.select %lt3A, %add3A_208, %scan3A_177 : i32
      %select_n3A_210 = arith.select %lt3A, %scan3A_178, %select_n3A_203 : i32
      scf.yield %select_n3A_209, %select_n3A_210 : i32, i32
    }
    %scan3A_41 = arith.constant 16 : i32
    %swap3A_42 = arith.constant 2 : i32
    %swap3A_43 = arith.index_cast %swap3A_42 : i32 to index
    %swap3A_44 = memref.load %arg9[%swap3A_43] : memref<5xi32, #tpu.memory_space<smem>>
    memref.store %scan3A_40#0, %arg9[%swap3A_43] : memref<5xi32, #tpu.memory_space<smem>>
    %add3A_45 = arith.constant 3 : i32
    %add3A_46 = arith.addi %mul3A_2, %add3A_45 : i32
    %scan3A_47 = arith.constant 0 : i32
    %scan3A_48 = arith.constant 50000 : i32
    %scan3A_49 = arith.constant 0 : i32
    %scan3A_50 = arith.constant 16 : i32
    %scan3A_51 = arith.addi %scan3A_49, %scan3A_50 : i32
    %scan3A_52 = arith.constant 1 : i32
    %scan3A_53:2 = scf.for %scan3A_176 = %scan3A_49 to %scan3A_51 step %scan3A_52 iter_args(%scan3A_177 = %scan3A_47, %scan3A_178 = %scan3A_48) -> (i32, i32)  : i32 {
      %add3A_179 = arith.addi %scan3A_177, %scan3A_178 : i32
      %jit3A_180 = arith.constant 2 : i32
      %div3A_181 = arith.divsi %add3A_179, %jit3A_180 : i32
      %sign3A_182 = arith.constant 0 : i32
      %sign3A_183 = arith.cmpi sgt, %add3A_179, %sign3A_182 : i32
      %sign3A_184 = arith.extui %sign3A_183 : i1 to i32
      %sign3A_185 = arith.constant 0 : i32
      %sign3A_186 = arith.cmpi slt, %add3A_179, %sign3A_185 : i32
      %sign3A_187 = arith.extui %sign3A_186 : i1 to i32
      %sign3A_188 = arith.subi %sign3A_184, %sign3A_187 : i32
      %sign3A_189 = arith.constant 0 : i32
      %sign3A_190 = arith.cmpi sgt, %jit3A_180, %sign3A_189 : i32
      %sign3A_191 = arith.extui %sign3A_190 : i1 to i32
      %sign3A_192 = arith.constant 0 : i32
      %sign3A_193 = arith.cmpi slt, %jit3A_180, %sign3A_192 : i32
      %sign3A_194 = arith.extui %sign3A_193 : i1 to i32
      %sign3A_195 = arith.subi %sign3A_191, %sign3A_194 : i32
      %ne3A_196 = arith.cmpi ne, %sign3A_188, %sign3A_195 : i32
      %rem3A_197 = arith.remsi %add3A_179, %jit3A_180 : i32
      %ne3A_198 = arith.constant 0 : i32
      %ne3A_199 = arith.cmpi ne, %rem3A_197, %ne3A_198 : i32
      %and3A_200 = arith.andi %ne3A_196, %ne3A_199 : i1
      %sub3A_201 = arith.constant 1 : i32
      %sub3A_202 = arith.subi %div3A_181, %sub3A_201 : i32
      %select_n3A_203 = arith.select %and3A_200, %sub3A_202, %div3A_181 : i32
      %get3A_204 = arith.index_cast %select_n3A_203 : i32 to index
      %get3A_205 = tpu.vector_load %arg5[%get3A_204] {strides = array<i32>} : memref<50016xi32, #tpu.memory_space<vmem>>, vector<16xi32>,
      %get3A_206 = vector.shape_cast %get3A_205 : vector<16xi32> to vector<16xi32>
      %slice3A = vector.extract_strided_slice %get3A_206 {offsets = [0], sizes = [1], strides = [1]} : vector<16xi32> to vector<1xi32>
      %squeeze3A = vector.extract %slice3A[0] : i32 from vector<1xi32>
      %lt3A = arith.cmpi slt, %squeeze3A, %add3A_46 : i32
      %add3A_207 = arith.constant 1 : i32
      %add3A_208 = arith.addi %select_n3A_203, %add3A_207 : i32
      %select_n3A_209 = arith.select %lt3A, %add3A_208, %scan3A_177 : i32
      %select_n3A_210 = arith.select %lt3A, %scan3A_178, %select_n3A_203 : i32
      scf.yield %select_n3A_209, %select_n3A_210 : i32, i32
    }
    %scan3A_54 = arith.constant 16 : i32
    %swap3A_55 = arith.constant 3 : i32
    %swap3A_56 = arith.index_cast %swap3A_55 : i32 to index
    %swap3A_57 = memref.load %arg9[%swap3A_56] : memref<5xi32, #tpu.memory_space<smem>>
    memref.store %scan3A_53#0, %arg9[%swap3A_56] : memref<5xi32, #tpu.memory_space<smem>>
    %add3A_58 = arith.constant 4 : i32
    %add3A_59 = arith.addi %mul3A_2, %add3A_58 : i32
    %scan3A_60 = arith.constant 0 : i32
    %scan3A_61 = arith.constant 50000 : i32
    %scan3A_62 = arith.constant 0 : i32
    %scan3A_63 = arith.constant 16 : i32
    %scan3A_64 = arith.addi %scan3A_62, %scan3A_63 : i32
    %scan3A_65 = arith.constant 1 : i32
    %scan3A_66:2 = scf.for %scan3A_176 = %scan3A_62 to %scan3A_64 step %scan3A_65 iter_args(%scan3A_177 = %scan3A_60, %scan3A_178 = %scan3A_61) -> (i32, i32)  : i32 {
      %add3A_179 = arith.addi %scan3A_177, %scan3A_178 : i32
      %jit3A_180 = arith.constant 2 : i32
      %div3A_181 = arith.divsi %add3A_179, %jit3A_180 : i32
      %sign3A_182 = arith.constant 0 : i32
      %sign3A_183 = arith.cmpi sgt, %add3A_179, %sign3A_182 : i32
      %sign3A_184 = arith.extui %sign3A_183 : i1 to i32
      %sign3A_185 = arith.constant 0 : i32
      %sign3A_186 = arith.cmpi slt, %add3A_179, %sign3A_185 : i32
      %sign3A_187 = arith.extui %sign3A_186 : i1 to i32
      %sign3A_188 = arith.subi %sign3A_184, %sign3A_187 : i32
      %sign3A_189 = arith.constant 0 : i32
      %sign3A_190 = arith.cmpi sgt, %jit3A_180, %sign3A_189 : i32
      %sign3A_191 = arith.extui %sign3A_190 : i1 to i32
      %sign3A_192 = arith.constant 0 : i32
      %sign3A_193 = arith.cmpi slt, %jit3A_180, %sign3A_192 : i32
      %sign3A_194 = arith.extui %sign3A_193 : i1 to i32
      %sign3A_195 = arith.subi %sign3A_191, %sign3A_194 : i32
      %ne3A_196 = arith.cmpi ne, %sign3A_188, %sign3A_195 : i32
      %rem3A_197 = arith.remsi %add3A_179, %jit3A_180 : i32
      %ne3A_198 = arith.constant 0 : i32
      %ne3A_199 = arith.cmpi ne, %rem3A_197, %ne3A_198 : i32
      %and3A_200 = arith.andi %ne3A_196, %ne3A_199 : i1
      %sub3A_201 = arith.constant 1 : i32
      %sub3A_202 = arith.subi %div3A_181, %sub3A_201 : i32
      %select_n3A_203 = arith.select %and3A_200, %sub3A_202, %div3A_181 : i32
      %get3A_204 = arith.index_cast %select_n3A_203 : i32 to index
      %get3A_205 = tpu.vector_load %arg5[%get3A_204] {strides = array<i32>} : memref<50016xi32, #tpu.memory_space<vmem>>, vector<16xi32>,
      %get3A_206 = vector.shape_cast %get3A_205 : vector<16xi32> to vector<16xi32>
      %slice3A = vector.extract_strided_slice %get3A_206 {offsets = [0], sizes = [1], strides = [1]} : vector<16xi32> to vector<1xi32>
      %squeeze3A = vector.extract %slice3A[0] : i32 from vector<1xi32>
      %lt3A = arith.cmpi slt, %squeeze3A, %add3A_59 : i32
      %add3A_207 = arith.constant 1 : i32
      %add3A_208 = arith.addi %select_n3A_203, %add3A_207 : i32
      %select_n3A_209 = arith.select %lt3A, %add3A_208, %scan3A_177 : i32
      %select_n3A_210 = arith.select %lt3A, %scan3A_178, %select_n3A_203 : i32
      scf.yield %select_n3A_209, %select_n3A_210 : i32, i32
    }
    %scan3A_67 = arith.constant 16 : i32
    %swap3A_68 = arith.constant 4 : i32
    %swap3A_69 = arith.index_cast %swap3A_68 : i32 to index
    %swap3A_70 = memref.load %arg9[%swap3A_69] : memref<5xi32, #tpu.memory_space<smem>>
    memref.store %scan3A_66#0, %arg9[%swap3A_69] : memref<5xi32, #tpu.memory_space<smem>>
    %scan3A_71 = arith.constant 0 : i32
    %scan3A_72 = arith.constant 0 : i32
    %scan3A_73 = arith.constant 4 : i32
    %scan3A_74 = arith.addi %scan3A_72, %scan3A_73 : i32
    %scan3A_75 = arith.constant 1 : i32
    %scan3A_76 = scf.for %scan3A_176 = %scan3A_72 to %scan3A_74 step %scan3A_75 iter_args(%scan3A_177 = %scan3A_71) -> (i32)  : i32 {
      %mul3A_178 = arith.constant 3 : i32
      %mul3A_179 = arith.muli %scan3A_176, %mul3A_178 : i32
      %mul3A_180 = arith.constant 256 : i32
      %mul3A_181 = arith.muli %mul3A_179, %mul3A_180 : i32
      %broadcast_in_dim3A_182 = arith.constant 0xFF800000 : f32
      %broadcast_in_dim3A_183 = vector.broadcast %broadcast_in_dim3A_182 : f32 to vector<16xf32>
      %add3A_184 = arith.constant 0 : i32
      %add3A_185 = arith.addi %mul3A_181, %add3A_184 : i32
      %swap3A_186 = arith.index_cast %add3A_185 : i32 to index
      %swap3A_187 = tpu.vector_load %arg8[%swap3A_186] {strides = array<i32>} : memref<3072xf32, #tpu.memory_space<vmem>>, vector<16xf32>,
      %swap3A_188 = vector.shape_cast %swap3A_187 : vector<16xf32> to vector<16xf32>
      %swap3A_189 = vector.shape_cast %broadcast_in_dim3A_183 : vector<16xf32> to vector<16xf32>
      tpu.vector_store %arg8[%swap3A_186], %swap3A_189 {strides = array<i32>} : memref<3072xf32, #tpu.memory_space<vmem>>, vector<16xf32>,
      %broadcast_in_dim3A_190 = arith.constant 0x7F800000 : f32
      %broadcast_in_dim3A_191 = vector.broadcast %broadcast_in_dim3A_190 : f32 to vector<16xf32>
      %add3A_192 = arith.constant 256 : i32
      %add3A_193 = arith.addi %mul3A_181, %add3A_192 : i32
      %add3A_194 = arith.constant 0 : i32
      %add3A_195 = arith.addi %add3A_193, %add3A_194 : i32
      %swap3A_196 = arith.index_cast %add3A_195 : i32 to index
      %swap3A_197 = tpu.vector_load %arg8[%swap3A_196] {strides = array<i32>} : memref<3072xf32, #tpu.memory_space<vmem>>, vector<16xf32>,
      %swap3A_198 = vector.shape_cast %swap3A_197 : vector<16xf32> to vector<16xf32>
      %swap3A_199 = vector.shape_cast %broadcast_in_dim3A_191 : vector<16xf32> to vector<16xf32>
      tpu.vector_store %arg8[%swap3A_196], %swap3A_199 {strides = array<i32>} : memref<3072xf32, #tpu.memory_space<vmem>>, vector<16xf32>,
      %broadcast_in_dim3A_200 = arith.constant 0.000000e+00 : f32
      %broadcast_in_dim3A_201 = vector.broadcast %broadcast_in_dim3A_200 : f32 to vector<16xf32>
      %add3A_202 = arith.constant 512 : i32
      %add3A_203 = arith.addi %mul3A_181, %add3A_202 : i32
      %add3A_204 = arith.constant 0 : i32
      %add3A_205 = arith.addi %add3A_203, %add3A_204 : i32
      %swap3A_206 = arith.index_cast %add3A_205 : i32 to index
      %swap3A_207 = tpu.vector_load %arg8[%swap3A_206] {strides = array<i32>} : memref<3072xf32, #tpu.memory_space<vmem>>, vector<16xf32>,
      %swap3A_208 = vector.shape_cast %swap3A_207 : vector<16xf32> to vector<16xf32>
      %swap3A_209 = vector.shape_cast %broadcast_in_dim3A_201 : vector<16xf32> to vector<16xf32>
      tpu.vector_store %arg8[%swap3A_206], %swap3A_209 {strides = array<i32>} : memref<3072xf32, #tpu.memory_space<vmem>>, vector<16xf32>,
      %broadcast_in_dim3A_210 = arith.constant 0xFF800000 : f32
      %broadcast_in_dim3A_211 = vector.broadcast %broadcast_in_dim3A_210 : f32 to vector<16xf32>
      %add3A_212 = arith.constant 16 : i32
      %add3A_213 = arith.addi %mul3A_181, %add3A_212 : i32
      %swap3A_214 = arith.index_cast %add3A_213 : i32 to index
      %swap3A_215 = tpu.vector_load %arg8[%swap3A_214] {strides = array<i32>} : memref<3072xf32, #tpu.memory_space<vmem>>, vector<16xf32>,
      %swap3A_216 = vector.shape_cast %swap3A_215 : vector<16xf32> to vector<16xf32>
      %swap3A_217 = vector.shape_cast %broadcast_in_dim3A_211 : vector<16xf32> to vector<16xf32>
      tpu.vector_store %arg8[%swap3A_214], %swap3A_217 {strides = array<i32>} : memref<3072xf32, #tpu.memory_space<vmem>>, vector<16xf32>,
      %broadcast_in_dim3A_218 = arith.constant 0x7F800000 : f32
      %broadcast_in_dim3A_219 = vector.broadcast %broadcast_in_dim3A_218 : f32 to vector<16xf32>
      %add3A_220 = arith.constant 256 : i32
      %add3A_221 = arith.addi %mul3A_181, %add3A_220 : i32
      %add3A_222 = arith.constant 16 : i32
      %add3A_223 = arith.addi %add3A_221, %add3A_222 : i32
      %swap3A_224 = arith.index_cast %add3A_223 : i32 to index
      %swap3A_225 = tpu.vector_load %arg8[%swap3A_224] {strides = array<i32>} : memref<3072xf32, #tpu.memory_space<vmem>>, vector<16xf32>,
      %swap3A_226 = vector.shape_cast %swap3A_225 : vector<16xf32> to vector<16xf32>
      %swap3A_227 = vector.shape_cast %broadcast_in_dim3A_219 : vector<16xf32> to vector<16xf32>
      tpu.vector_store %arg8[%swap3A_224], %swap3A_227 {strides = array<i32>} : memref<3072xf32, #tpu.memory_space<vmem>>, vector<16xf32>,
      %broadcast_in_dim3A_228 = arith.constant 0.000000e+00 : f32
      %broadcast_in_dim3A_229 = vector.broadcast %broadcast_in_dim3A_228 : f32 to vector<16xf32>
      %add3A_230 = arith.constant 512 : i32
      %add3A_231 = arith.addi %mul3A_181, %add3A_230 : i32
      %add3A_232 = arith.constant 16 : i32
      %add3A_233 = arith.addi %add3A_231, %add3A_232 : i32
      %swap3A_234 = arith.index_cast %add3A_233 : i32 to index
      %swap3A_235 = tpu.vector_load %arg8[%swap3A_234] {strides = array<i32>} : memref<3072xf32, #tpu.memory_space<vmem>>, vector<16xf32>,
      %swap3A_236 = vector.shape_cast %swap3A_235 : vector<16xf32> to vector<16xf32>
      %swap3A_237 = vector.shape_cast %broadcast_in_dim3A_229 : vector<16xf32> to vector<16xf32>
      tpu.vector_store %arg8[%swap3A_234], %swap3A_237 {strides = array<i32>} : memref<3072xf32, #tpu.memory_space<vmem>>, vector<16xf32>,
      %broadcast_in_dim3A_238 = arith.constant 0xFF800000 : f32
      %broadcast_in_dim3A_239 = vector.broadcast %broadcast_in_dim3A_238 : f32 to vector<16xf32>
      %add3A_240 = arith.constant 32 : i32
      %add3A_241 = arith.addi %mul3A_181, %add3A_240 : i32
      %swap3A_242 = arith.index_cast %add3A_241 : i32 to index
      %swap3A_243 = tpu.vector_load %arg8[%swap3A_242] {strides = array<i32>} : memref<3072xf32, #tpu.memory_space<vmem>>, vector<16xf32>,
      %swap3A_244 = vector.shape_cast %swap3A_243 : vector<16xf32> to vector<16xf32>
      %swap3A_245 = vector.shape_cast %broadcast_in_dim3A_239 : vector<16xf32> to vector<16xf32>
      tpu.vector_store %arg8[%swap3A_242], %swap3A_245 {strides = array<i32>} : memref<3072xf32, #tpu.memory_space<vmem>>, vector<16xf32>,
      %broadcast_in_dim3A_246 = arith.constant 0x7F800000 : f32
      %broadcast_in_dim3A_247 = vector.broadcast %broadcast_in_dim3A_246 : f32 to vector<16xf32>
      %add3A_248 = arith.constant 256 : i32
      %add3A_249 = arith.addi %mul3A_181, %add3A_248 : i32
      %add3A_250 = arith.constant 32 : i32
      %add3A_251 = arith.addi %add3A_249, %add3A_250 : i32
      %swap3A_252 = arith.index_cast %add3A_251 : i32 to index
      %swap3A_253 = tpu.vector_load %arg8[%swap3A_252] {strides = array<i32>} : memref<3072xf32, #tpu.memory_space<vmem>>, vector<16xf32>,
      %swap3A_254 = vector.shape_cast %swap3A_253 : vector<16xf32> to vector<16xf32>
      %swap3A_255 = vector.shape_cast %broadcast_in_dim3A_247 : vector<16xf32> to vector<16xf32>
      tpu.vector_store %arg8[%swap3A_252], %swap3A_255 {strides = array<i32>} : memref<3072xf32, #tpu.memory_space<vmem>>, vector<16xf32>,
      %broadcast_in_dim3A_256 = arith.constant 0.000000e+00 : f32
      %broadcast_in_dim3A_257 = vector.broadcast %broadcast_in_dim3A_256 : f32 to vector<16xf32>
      %add3A_258 = arith.constant 512 : i32
      %add3A_259 = arith.addi %mul3A_181, %add3A_258 : i32
      %add3A_260 = arith.constant 32 : i32
      %add3A_261 = arith.addi %add3A_259, %add3A_260 : i32
      %swap3A_262 = arith.index_cast %add3A_261 : i32 to index
      %swap3A_263 = tpu.vector_load %arg8[%swap3A_262] {strides = array<i32>} : memref<3072xf32, #tpu.memory_space<vmem>>, vector<16xf32>,
      %swap3A_264 = vector.shape_cast %swap3A_263 : vector<16xf32> to vector<16xf32>
      %swap3A_265 = vector.shape_cast %broadcast_in_dim3A_257 : vector<16xf32> to vector<16xf32>
      tpu.vector_store %arg8[%swap3A_262], %swap3A_265 {strides = array<i32>} : memref<3072xf32, #tpu.memory_space<vmem>>, vector<16xf32>,
      %broadcast_in_dim3A_266 = arith.constant 0xFF800000 : f32
      %broadcast_in_dim3A_267 = vector.broadcast %broadcast_in_dim3A_266 : f32 to vector<16xf32>
      %add3A_268 = arith.constant 48 : i32
      %add3A_269 = arith.addi %mul3A_181, %add3A_268 : i32
      %swap3A_270 = arith.index_cast %add3A_269 : i32 to index
      %swap3A_271 = tpu.vector_load %arg8[%swap3A_270] {strides = array<i32>} : memref<3072xf32, #tpu.memory_space<vmem>>, vector<16xf32>,
      %swap3A_272 = vector.shape_cast %swap3A_271 : vector<16xf32> to vector<16xf32>
      %swap3A_273 = vector.shape_cast %broadcast_in_dim3A_267 : vector<16xf32> to vector<16xf32>
      tpu.vector_store %arg8[%swap3A_270], %swap3A_273 {strides = array<i32>} : memref<3072xf32, #tpu.memory_space<vmem>>, vector<16xf32>,
      %broadcast_in_dim3A_274 = arith.constant 0x7F800000 : f32
      %broadcast_in_dim3A_275 = vector.broadcast %broadcast_in_dim3A_274 : f32 to vector<16xf32>
      %add3A_276 = arith.constant 256 : i32
      %add3A_277 = arith.addi %mul3A_181, %add3A_276 : i32
      %add3A_278 = arith.constant 48 : i32
      %add3A_279 = arith.addi %add3A_277, %add3A_278 : i32
      %swap3A_280 = arith.index_cast %add3A_279 : i32 to index
      %swap3A_281 = tpu.vector_load %arg8[%swap3A_280] {strides = array<i32>} : memref<3072xf32, #tpu.memory_space<vmem>>, vector<16xf32>,
      %swap3A_282 = vector.shape_cast %swap3A_281 : vector<16xf32> to vector<16xf32>
      %swap3A_283 = vector.shape_cast %broadcast_in_dim3A_275 : vector<16xf32> to vector<16xf32>
      tpu.vector_store %arg8[%swap3A_280], %swap3A_283 {strides = array<i32>} : memref<3072xf32, #tpu.memory_space<vmem>>, vector<16xf32>,
      %broadcast_in_dim3A_284 = arith.constant 0.000000e+00 : f32
      %broadcast_in_dim3A_285 = vector.broadcast %broadcast_in_dim3A_284 : f32 to vector<16xf32>
      %add3A_286 = arith.constant 512 : i32
      %add3A_287 = arith.addi %mul3A_181, %add3A_286 : i32
      %add3A_288 = arith.constant 48 : i32
      %add3A_289 = arith.addi %add3A_287, %add3A_288 : i32
      %swap3A_290 = arith.index_cast %add3A_289 : i32 to index
      %swap3A_291 = tpu.vector_load %arg8[%swap3A_290] {strides = array<i32>} : memref<3072xf32, #tpu.memory_space<vmem>>, vector<16xf32>,
      %swap3A_292 = vector.shape_cast %swap3A_291 : vector<16xf32> to vector<16xf32>
      %swap3A_293 = vector.shape_cast %broadcast_in_dim3A_285 : vector<16xf32> to vector<16xf32>
      tpu.vector_store %arg8[%swap3A_290], %swap3A_293 {strides = array<i32>} : memref<3072xf32, #tpu.memory_space<vmem>>, vector<16xf32>,
      %broadcast_in_dim3A_294 = arith.constant 0xFF800000 : f32
      %broadcast_in_dim3A_295 = vector.broadcast %broadcast_in_dim3A_294 : f32 to vector<16xf32>
      %add3A_296 = arith.constant 64 : i32
      %add3A_297 = arith.addi %mul3A_181, %add3A_296 : i32
      %swap3A_298 = arith.index_cast %add3A_297 : i32 to index
      %swap3A_299 = tpu.vector_load %arg8[%swap3A_298] {strides = array<i32>} : memref<3072xf32, #tpu.memory_space<vmem>>, vector<16xf32>,
      %swap3A_300 = vector.shape_cast %swap3A_299 : vector<16xf32> to vector<16xf32>
      %swap3A_301 = vector.shape_cast %broadcast_in_dim3A_295 : vector<16xf32> to vector<16xf32>
      tpu.vector_store %arg8[%swap3A_298], %swap3A_301 {strides = array<i32>} : memref<3072xf32, #tpu.memory_space<vmem>>, vector<16xf32>,
      %broadcast_in_dim3A_302 = arith.constant 0x7F800000 : f32
      %broadcast_in_dim3A_303 = vector.broadcast %broadcast_in_dim3A_302 : f32 to vector<16xf32>
      %add3A_304 = arith.constant 256 : i32
      %add3A_305 = arith.addi %mul3A_181, %add3A_304 : i32
      %add3A_306 = arith.constant 64 : i32
      %add3A_307 = arith.addi %add3A_305, %add3A_306 : i32
      %swap3A_308 = arith.index_cast %add3A_307 : i32 to index
      %swap3A_309 = tpu.vector_load %arg8[%swap3A_308] {strides = array<i32>} : memref<3072xf32, #tpu.memory_space<vmem>>, vector<16xf32>,
      %swap3A_310 = vector.shape_cast %swap3A_309 : vector<16xf32> to vector<16xf32>
      %swap3A_311 = vector.shape_cast %broadcast_in_dim3A_303 : vector<16xf32> to vector<16xf32>
      tpu.vector_store %arg8[%swap3A_308], %swap3A_311 {strides = array<i32>} : memref<3072xf32, #tpu.memory_space<vmem>>, vector<16xf32>,
      %broadcast_in_dim3A_312 = arith.constant 0.000000e+00 : f32
      %broadcast_in_dim3A_313 = vector.broadcast %broadcast_in_dim3A_312 : f32 to vector<16xf32>
      %add3A_314 = arith.constant 512 : i32
      %add3A_315 = arith.addi %mul3A_181, %add3A_314 : i32
      %add3A_316 = arith.constant 64 : i32
      %add3A_317 = arith.addi %add3A_315, %add3A_316 : i32
      %swap3A_318 = arith.index_cast %add3A_317 : i32 to index
      %swap3A_319 = tpu.vector_load %arg8[%swap3A_318] {strides = array<i32>} : memref<3072xf32, #tpu.memory_space<vmem>>, vector<16xf32>,
      %swap3A_320 = vector.shape_cast %swap3A_319 : vector<16xf32> to vector<16xf32>
      %swap3A_321 = vector.shape_cast %broadcast_in_dim3A_313 : vector<16xf32> to vector<16xf32>
      tpu.vector_store %arg8[%swap3A_318], %swap3A_321 {strides = array<i32>} : memref<3072xf32, #tpu.memory_space<vmem>>, vector<16xf32>,
      %broadcast_in_dim3A_322 = arith.constant 0xFF800000 : f32
      %broadcast_in_dim3A_323 = vector.broadcast %broadcast_in_dim3A_322 : f32 to vector<16xf32>
      %add3A_324 = arith.constant 80 : i32
      %add3A_325 = arith.addi %mul3A_181, %add3A_324 : i32
      %swap3A_326 = arith.index_cast %add3A_325 : i32 to index
      %swap3A_327 = tpu.vector_load %arg8[%swap3A_326] {strides = array<i32>} : memref<3072xf32, #tpu.memory_space<vmem>>, vector<16xf32>,
      %swap3A_328 = vector.shape_cast %swap3A_327 : vector<16xf32> to vector<16xf32>
      %swap3A_329 = vector.shape_cast %broadcast_in_dim3A_323 : vector<16xf32> to vector<16xf32>
      tpu.vector_store %arg8[%swap3A_326], %swap3A_329 {strides = array<i32>} : memref<3072xf32, #tpu.memory_space<vmem>>, vector<16xf32>,
      %broadcast_in_dim3A_330 = arith.constant 0x7F800000 : f32
      %broadcast_in_dim3A_331 = vector.broadcast %broadcast_in_dim3A_330 : f32 to vector<16xf32>
      %add3A_332 = arith.constant 256 : i32
      %add3A_333 = arith.addi %mul3A_181, %add3A_332 : i32
      %add3A_334 = arith.constant 80 : i32
      %add3A_335 = arith.addi %add3A_333, %add3A_334 : i32
      %swap3A_336 = arith.index_cast %add3A_335 : i32 to index
      %swap3A_337 = tpu.vector_load %arg8[%swap3A_336] {strides = array<i32>} : memref<3072xf32, #tpu.memory_space<vmem>>, vector<16xf32>,
      %swap3A_338 = vector.shape_cast %swap3A_337 : vector<16xf32> to vector<16xf32>
      %swap3A_339 = vector.shape_cast %broadcast_in_dim3A_331 : vector<16xf32> to vector<16xf32>
      tpu.vector_store %arg8[%swap3A_336], %swap3A_339 {strides = array<i32>} : memref<3072xf32, #tpu.memory_space<vmem>>, vector<16xf32>,
      %broadcast_in_dim3A_340 = arith.constant 0.000000e+00 : f32
      %broadcast_in_dim3A_341 = vector.broadcast %broadcast_in_dim3A_340 : f32 to vector<16xf32>
      %add3A_342 = arith.constant 512 : i32
      %add3A_343 = arith.addi %mul3A_181, %add3A_342 : i32
      %add3A_344 = arith.constant 80 : i32
      %add3A_345 = arith.addi %add3A_343, %add3A_344 : i32
      %swap3A_346 = arith.index_cast %add3A_345 : i32 to index
      %swap3A_347 = tpu.vector_load %arg8[%swap3A_346] {strides = array<i32>} : memref<3072xf32, #tpu.memory_space<vmem>>, vector<16xf32>,
      %swap3A_348 = vector.shape_cast %swap3A_347 : vector<16xf32> to vector<16xf32>
      %swap3A_349 = vector.shape_cast %broadcast_in_dim3A_341 : vector<16xf32> to vector<16xf32>
      tpu.vector_store %arg8[%swap3A_346], %swap3A_349 {strides = array<i32>} : memref<3072xf32, #tpu.memory_space<vmem>>, vector<16xf32>,
      %broadcast_in_dim3A_350 = arith.constant 0xFF800000 : f32
      %broadcast_in_dim3A_351 = vector.broadcast %broadcast_in_dim3A_350 : f32 to vector<16xf32>
      %add3A_352 = arith.constant 96 : i32
      %add3A_353 = arith.addi %mul3A_181, %add3A_352 : i32
      %swap3A_354 = arith.index_cast %add3A_353 : i32 to index
      %swap3A_355 = tpu.vector_load %arg8[%swap3A_354] {strides = array<i32>} : memref<3072xf32, #tpu.memory_space<vmem>>, vector<16xf32>,
      %swap3A_356 = vector.shape_cast %swap3A_355 : vector<16xf32> to vector<16xf32>
      %swap3A_357 = vector.shape_cast %broadcast_in_dim3A_351 : vector<16xf32> to vector<16xf32>
      tpu.vector_store %arg8[%swap3A_354], %swap3A_357 {strides = array<i32>} : memref<3072xf32, #tpu.memory_space<vmem>>, vector<16xf32>,
      %broadcast_in_dim3A_358 = arith.constant 0x7F800000 : f32
      %broadcast_in_dim3A_359 = vector.broadcast %broadcast_in_dim3A_358 : f32 to vector<16xf32>
      %add3A_360 = arith.constant 256 : i32
      %add3A_361 = arith.addi %mul3A_181, %add3A_360 : i32
      %add3A_362 = arith.constant 96 : i32
      %add3A_363 = arith.addi %add3A_361, %add3A_362 : i32
      %swap3A_364 = arith.index_cast %add3A_363 : i32 to index
      %swap3A_365 = tpu.vector_load %arg8[%swap3A_364] {strides = array<i32>} : memref<3072xf32, #tpu.memory_space<vmem>>, vector<16xf32>,
      %swap3A_366 = vector.shape_cast %swap3A_365 : vector<16xf32> to vector<16xf32>
      %swap3A_367 = vector.shape_cast %broadcast_in_dim3A_359 : vector<16xf32> to vector<16xf32>
      tpu.vector_store %arg8[%swap3A_364], %swap3A_367 {strides = array<i32>} : memref<3072xf32, #tpu.memory_space<vmem>>, vector<16xf32>,
      %broadcast_in_dim3A_368 = arith.constant 0.000000e+00 : f32
      %broadcast_in_dim3A_369 = vector.broadcast %broadcast_in_dim3A_368 : f32 to vector<16xf32>
      %add3A_370 = arith.constant 512 : i32
      %add3A_371 = arith.addi %mul3A_181, %add3A_370 : i32
      %add3A_372 = arith.constant 96 : i32
      %add3A_373 = arith.addi %add3A_371, %add3A_372 : i32
      %swap3A_374 = arith.index_cast %add3A_373 : i32 to index
      %swap3A_375 = tpu.vector_load %arg8[%swap3A_374] {strides = array<i32>} : memref<3072xf32, #tpu.memory_space<vmem>>, vector<16xf32>,
      %swap3A_376 = vector.shape_cast %swap3A_375 : vector<16xf32> to vector<16xf32>
      %swap3A_377 = vector.shape_cast %broadcast_in_dim3A_369 : vector<16xf32> to vector<16xf32>
      tpu.vector_store %arg8[%swap3A_374], %swap3A_377 {strides = array<i32>} : memref<3072xf32, #tpu.memory_space<vmem>>, vector<16xf32>,
      %broadcast_in_dim3A_378 = arith.constant 0xFF800000 : f32
      %broadcast_in_dim3A_379 = vector.broadcast %broadcast_in_dim3A_378 : f32 to vector<16xf32>
      %add3A_380 = arith.constant 112 : i32
      %add3A_381 = arith.addi %mul3A_181, %add3A_380 : i32
      %swap3A_382 = arith.index_cast %add3A_381 : i32 to index
      %swap3A_383 = tpu.vector_load %arg8[%swap3A_382] {strides = array<i32>} : memref<3072xf32, #tpu.memory_space<vmem>>, vector<16xf32>,
      %swap3A_384 = vector.shape_cast %swap3A_383 : vector<16xf32> to vector<16xf32>
      %swap3A_385 = vector.shape_cast %broadcast_in_dim3A_379 : vector<16xf32> to vector<16xf32>
      tpu.vector_store %arg8[%swap3A_382], %swap3A_385 {strides = array<i32>} : memref<3072xf32, #tpu.memory_space<vmem>>, vector<16xf32>,
      %broadcast_in_dim3A_386 = arith.constant 0x7F800000 : f32
      %broadcast_in_dim3A_387 = vector.broadcast %broadcast_in_dim3A_386 : f32 to vector<16xf32>
      %add3A_388 = arith.constant 256 : i32
      %add3A_389 = arith.addi %mul3A_181, %add3A_388 : i32
      %add3A_390 = arith.constant 112 : i32
      %add3A_391 = arith.addi %add3A_389, %add3A_390 : i32
      %swap3A_392 = arith.index_cast %add3A_391 : i32 to index
      %swap3A_393 = tpu.vector_load %arg8[%swap3A_392] {strides = array<i32>} : memref<3072xf32, #tpu.memory_space<vmem>>, vector<16xf32>,
      %swap3A_394 = vector.shape_cast %swap3A_393 : vector<16xf32> to vector<16xf32>
      %swap3A_395 = vector.shape_cast %broadcast_in_dim3A_387 : vector<16xf32> to vector<16xf32>
      tpu.vector_store %arg8[%swap3A_392], %swap3A_395 {strides = array<i32>} : memref<3072xf32, #tpu.memory_space<vmem>>, vector<16xf32>,
      %broadcast_in_dim3A_396 = arith.constant 0.000000e+00 : f32
      %broadcast_in_dim3A_397 = vector.broadcast %broadcast_in_dim3A_396 : f32 to vector<16xf32>
      %add3A_398 = arith.constant 512 : i32
      %add3A_399 = arith.addi %mul3A_181, %add3A_398 : i32
      %add3A_400 = arith.constant 112 : i32
      %add3A_401 = arith.addi %add3A_399, %add3A_400 : i32
      %swap3A_402 = arith.index_cast %add3A_401 : i32 to index
      %swap3A_403 = tpu.vector_load %arg8[%swap3A_402] {strides = array<i32>} : memref<3072xf32, #tpu.memory_space<vmem>>, vector<16xf32>,
      %swap3A_404 = vector.shape_cast %swap3A_403 : vector<16xf32> to vector<16xf32>
      %swap3A_405 = vector.shape_cast %broadcast_in_dim3A_397 : vector<16xf32> to vector<16xf32>
      tpu.vector_store %arg8[%swap3A_402], %swap3A_405 {strides = array<i32>} : memref<3072xf32, #tpu.memory_space<vmem>>, vector<16xf32>,
      %broadcast_in_dim3A_406 = arith.constant 0xFF800000 : f32
      %broadcast_in_dim3A_407 = vector.broadcast %broadcast_in_dim3A_406 : f32 to vector<16xf32>
      %add3A_408 = arith.constant 128 : i32
      %add3A_409 = arith.addi %mul3A_181, %add3A_408 : i32
      %swap3A_410 = arith.index_cast %add3A_409 : i32 to index
      %swap3A_411 = tpu.vector_load %arg8[%swap3A_410] {strides = array<i32>} : memref<3072xf32, #tpu.memory_space<vmem>>, vector<16xf32>,
      %swap3A_412 = vector.shape_cast %swap3A_411 : vector<16xf32> to vector<16xf32>
      %swap3A_413 = vector.shape_cast %broadcast_in_dim3A_407 : vector<16xf32> to vector<16xf32>
      tpu.vector_store %arg8[%swap3A_410], %swap3A_413 {strides = array<i32>} : memref<3072xf32, #tpu.memory_space<vmem>>, vector<16xf32>,
      %broadcast_in_dim3A_414 = arith.constant 0x7F800000 : f32
      %broadcast_in_dim3A_415 = vector.broadcast %broadcast_in_dim3A_414 : f32 to vector<16xf32>
      %add3A_416 = arith.constant 256 : i32
      %add3A_417 = arith.addi %mul3A_181, %add3A_416 : i32
      %add3A_418 = arith.constant 128 : i32
      %add3A_419 = arith.addi %add3A_417, %add3A_418 : i32
      %swap3A_420 = arith.index_cast %add3A_419 : i32 to index
      %swap3A_421 = tpu.vector_load %arg8[%swap3A_420] {strides = array<i32>} : memref<3072xf32, #tpu.memory_space<vmem>>, vector<16xf32>,
      %swap3A_422 = vector.shape_cast %swap3A_421 : vector<16xf32> to vector<16xf32>
      %swap3A_423 = vector.shape_cast %broadcast_in_dim3A_415 : vector<16xf32> to vector<16xf32>
      tpu.vector_store %arg8[%swap3A_420], %swap3A_423 {strides = array<i32>} : memref<3072xf32, #tpu.memory_space<vmem>>, vector<16xf32>,
      %broadcast_in_dim3A_424 = arith.constant 0.000000e+00 : f32
      %broadcast_in_dim3A_425 = vector.broadcast %broadcast_in_dim3A_424 : f32 to vector<16xf32>
      %add3A_426 = arith.constant 512 : i32
      %add3A_427 = arith.addi %mul3A_181, %add3A_426 : i32
      %add3A_428 = arith.constant 128 : i32
      %add3A_429 = arith.addi %add3A_427, %add3A_428 : i32
      %swap3A_430 = arith.index_cast %add3A_429 : i32 to index
      %swap3A_431 = tpu.vector_load %arg8[%swap3A_430] {strides = array<i32>} : memref<3072xf32, #tpu.memory_space<vmem>>, vector<16xf32>,
      %swap3A_432 = vector.shape_cast %swap3A_431 : vector<16xf32> to vector<16xf32>
      %swap3A_433 = vector.shape_cast %broadcast_in_dim3A_425 : vector<16xf32> to vector<16xf32>
      tpu.vector_store %arg8[%swap3A_430], %swap3A_433 {strides = array<i32>} : memref<3072xf32, #tpu.memory_space<vmem>>, vector<16xf32>,
      %broadcast_in_dim3A_434 = arith.constant 0xFF800000 : f32
      %broadcast_in_dim3A_435 = vector.broadcast %broadcast_in_dim3A_434 : f32 to vector<16xf32>
      %add3A_436 = arith.constant 144 : i32
      %add3A_437 = arith.addi %mul3A_181, %add3A_436 : i32
      %swap3A_438 = arith.index_cast %add3A_437 : i32 to index
      %swap3A_439 = tpu.vector_load %arg8[%swap3A_438] {strides = array<i32>} : memref<3072xf32, #tpu.memory_space<vmem>>, vector<16xf32>,
      %swap3A_440 = vector.shape_cast %swap3A_439 : vector<16xf32> to vector<16xf32>
      %swap3A_441 = vector.shape_cast %broadcast_in_dim3A_435 : vector<16xf32> to vector<16xf32>
      tpu.vector_store %arg8[%swap3A_438], %swap3A_441 {strides = array<i32>} : memref<3072xf32, #tpu.memory_space<vmem>>, vector<16xf32>,
      %broadcast_in_dim3A_442 = arith.constant 0x7F800000 : f32
      %broadcast_in_dim3A_443 = vector.broadcast %broadcast_in_dim3A_442 : f32 to vector<16xf32>
      %add3A_444 = arith.constant 256 : i32
      %add3A_445 = arith.addi %mul3A_181, %add3A_444 : i32
      %add3A_446 = arith.constant 144 : i32
      %add3A_447 = arith.addi %add3A_445, %add3A_446 : i32
      %swap3A_448 = arith.index_cast %add3A_447 : i32 to index
      %swap3A_449 = tpu.vector_load %arg8[%swap3A_448] {strides = array<i32>} : memref<3072xf32, #tpu.memory_space<vmem>>, vector<16xf32>,
      %swap3A_450 = vector.shape_cast %swap3A_449 : vector<16xf32> to vector<16xf32>
      %swap3A_451 = vector.shape_cast %broadcast_in_dim3A_443 : vector<16xf32> to vector<16xf32>
      tpu.vector_store %arg8[%swap3A_448], %swap3A_451 {strides = array<i32>} : memref<3072xf32, #tpu.memory_space<vmem>>, vector<16xf32>,
      %broadcast_in_dim3A_452 = arith.constant 0.000000e+00 : f32
      %broadcast_in_dim3A_453 = vector.broadcast %broadcast_in_dim3A_452 : f32 to vector<16xf32>
      %add3A_454 = arith.constant 512 : i32
      %add3A_455 = arith.addi %mul3A_181, %add3A_454 : i32
      %add3A_456 = arith.constant 144 : i32
      %add3A_457 = arith.addi %add3A_455, %add3A_456 : i32
      %swap3A_458 = arith.index_cast %add3A_457 : i32 to index
      %swap3A_459 = tpu.vector_load %arg8[%swap3A_458] {strides = array<i32>} : memref<3072xf32, #tpu.memory_space<vmem>>, vector<16xf32>,
      %swap3A_460 = vector.shape_cast %swap3A_459 : vector<16xf32> to vector<16xf32>
      %swap3A_461 = vector.shape_cast %broadcast_in_dim3A_453 : vector<16xf32> to vector<16xf32>
      tpu.vector_store %arg8[%swap3A_458], %swap3A_461 {strides = array<i32>} : memref<3072xf32, #tpu.memory_space<vmem>>, vector<16xf32>,
      %broadcast_in_dim3A_462 = arith.constant 0xFF800000 : f32
      %broadcast_in_dim3A_463 = vector.broadcast %broadcast_in_dim3A_462 : f32 to vector<16xf32>
      %add3A_464 = arith.constant 160 : i32
      %add3A_465 = arith.addi %mul3A_181, %add3A_464 : i32
      %swap3A_466 = arith.index_cast %add3A_465 : i32 to index
      %swap3A_467 = tpu.vector_load %arg8[%swap3A_466] {strides = array<i32>} : memref<3072xf32, #tpu.memory_space<vmem>>, vector<16xf32>,
      %swap3A_468 = vector.shape_cast %swap3A_467 : vector<16xf32> to vector<16xf32>
      %swap3A_469 = vector.shape_cast %broadcast_in_dim3A_463 : vector<16xf32> to vector<16xf32>
      tpu.vector_store %arg8[%swap3A_466], %swap3A_469 {strides = array<i32>} : memref<3072xf32, #tpu.memory_space<vmem>>, vector<16xf32>,
      %broadcast_in_dim3A_470 = arith.constant 0x7F800000 : f32
      %broadcast_in_dim3A_471 = vector.broadcast %broadcast_in_dim3A_470 : f32 to vector<16xf32>
      %add3A_472 = arith.constant 256 : i32
      %add3A_473 = arith.addi %mul3A_181, %add3A_472 : i32
      %add3A_474 = arith.constant 160 : i32
      %add3A_475 = arith.addi %add3A_473, %add3A_474 : i32
      %swap3A_476 = arith.index_cast %add3A_475 : i32 to index
      %swap3A_477 = tpu.vector_load %arg8[%swap3A_476] {strides = array<i32>} : memref<3072xf32, #tpu.memory_space<vmem>>, vector<16xf32>,
      %swap3A_478 = vector.shape_cast %swap3A_477 : vector<16xf32> to vector<16xf32>
      %swap3A_479 = vector.shape_cast %broadcast_in_dim3A_471 : vector<16xf32> to vector<16xf32>
      tpu.vector_store %arg8[%swap3A_476], %swap3A_479 {strides = array<i32>} : memref<3072xf32, #tpu.memory_space<vmem>>, vector<16xf32>,
      %broadcast_in_dim3A_480 = arith.constant 0.000000e+00 : f32
      %broadcast_in_dim3A_481 = vector.broadcast %broadcast_in_dim3A_480 : f32 to vector<16xf32>
      %add3A_482 = arith.constant 512 : i32
      %add3A_483 = arith.addi %mul3A_181, %add3A_482 : i32
      %add3A_484 = arith.constant 160 : i32
      %add3A_485 = arith.addi %add3A_483, %add3A_484 : i32
      %swap3A_486 = arith.index_cast %add3A_485 : i32 to index
      %swap3A_487 = tpu.vector_load %arg8[%swap3A_486] {strides = array<i32>} : memref<3072xf32, #tpu.memory_space<vmem>>, vector<16xf32>,
      %swap3A_488 = vector.shape_cast %swap3A_487 : vector<16xf32> to vector<16xf32>
      %swap3A_489 = vector.shape_cast %broadcast_in_dim3A_481 : vector<16xf32> to vector<16xf32>
      tpu.vector_store %arg8[%swap3A_486], %swap3A_489 {strides = array<i32>} : memref<3072xf32, #tpu.memory_space<vmem>>, vector<16xf32>,
      %broadcast_in_dim3A_490 = arith.constant 0xFF800000 : f32
      %broadcast_in_dim3A_491 = vector.broadcast %broadcast_in_dim3A_490 : f32 to vector<16xf32>
      %add3A_492 = arith.constant 176 : i32
      %add3A_493 = arith.addi %mul3A_181, %add3A_492 : i32
      %swap3A_494 = arith.index_cast %add3A_493 : i32 to index
      %swap3A_495 = tpu.vector_load %arg8[%swap3A_494] {strides = array<i32>} : memref<3072xf32, #tpu.memory_space<vmem>>, vector<16xf32>,
      %swap3A_496 = vector.shape_cast %swap3A_495 : vector<16xf32> to vector<16xf32>
      %swap3A_497 = vector.shape_cast %broadcast_in_dim3A_491 : vector<16xf32> to vector<16xf32>
      tpu.vector_store %arg8[%swap3A_494], %swap3A_497 {strides = array<i32>} : memref<3072xf32, #tpu.memory_space<vmem>>, vector<16xf32>,
      %broadcast_in_dim3A_498 = arith.constant 0x7F800000 : f32
      %broadcast_in_dim3A_499 = vector.broadcast %broadcast_in_dim3A_498 : f32 to vector<16xf32>
      %add3A_500 = arith.constant 256 : i32
      %add3A_501 = arith.addi %mul3A_181, %add3A_500 : i32
      %add3A_502 = arith.constant 176 : i32
      %add3A_503 = arith.addi %add3A_501, %add3A_502 : i32
      %swap3A_504 = arith.index_cast %add3A_503 : i32 to index
      %swap3A_505 = tpu.vector_load %arg8[%swap3A_504] {strides = array<i32>} : memref<3072xf32, #tpu.memory_space<vmem>>, vector<16xf32>,
      %swap3A_506 = vector.shape_cast %swap3A_505 : vector<16xf32> to vector<16xf32>
      %swap3A_507 = vector.shape_cast %broadcast_in_dim3A_499 : vector<16xf32> to vector<16xf32>
      tpu.vector_store %arg8[%swap3A_504], %swap3A_507 {strides = array<i32>} : memref<3072xf32, #tpu.memory_space<vmem>>, vector<16xf32>,
      %broadcast_in_dim3A_508 = arith.constant 0.000000e+00 : f32
      %broadcast_in_dim3A_509 = vector.broadcast %broadcast_in_dim3A_508 : f32 to vector<16xf32>
      %add3A_510 = arith.constant 512 : i32
      %add3A_511 = arith.addi %mul3A_181, %add3A_510 : i32
      %add3A_512 = arith.constant 176 : i32
      %add3A_513 = arith.addi %add3A_511, %add3A_512 : i32
      %swap3A_514 = arith.index_cast %add3A_513 : i32 to index
      %swap3A_515 = tpu.vector_load %arg8[%swap3A_514] {strides = array<i32>} : memref<3072xf32, #tpu.memory_space<vmem>>, vector<16xf32>,
      %swap3A_516 = vector.shape_cast %swap3A_515 : vector<16xf32> to vector<16xf32>
      %swap3A_517 = vector.shape_cast %broadcast_in_dim3A_509 : vector<16xf32> to vector<16xf32>
      tpu.vector_store %arg8[%swap3A_514], %swap3A_517 {strides = array<i32>} : memref<3072xf32, #tpu.memory_space<vmem>>, vector<16xf32>,
      %broadcast_in_dim3A_518 = arith.constant 0xFF800000 : f32
      %broadcast_in_dim3A_519 = vector.broadcast %broadcast_in_dim3A_518 : f32 to vector<16xf32>
      %add3A_520 = arith.constant 192 : i32
      %add3A_521 = arith.addi %mul3A_181, %add3A_520 : i32
      %swap3A_522 = arith.index_cast %add3A_521 : i32 to index
      %swap3A_523 = tpu.vector_load %arg8[%swap3A_522] {strides = array<i32>} : memref<3072xf32, #tpu.memory_space<vmem>>, vector<16xf32>,
      %swap3A_524 = vector.shape_cast %swap3A_523 : vector<16xf32> to vector<16xf32>
      %swap3A_525 = vector.shape_cast %broadcast_in_dim3A_519 : vector<16xf32> to vector<16xf32>
      tpu.vector_store %arg8[%swap3A_522], %swap3A_525 {strides = array<i32>} : memref<3072xf32, #tpu.memory_space<vmem>>, vector<16xf32>,
      %broadcast_in_dim3A_526 = arith.constant 0x7F800000 : f32
      %broadcast_in_dim3A_527 = vector.broadcast %broadcast_in_dim3A_526 : f32 to vector<16xf32>
      %add3A_528 = arith.constant 256 : i32
      %add3A_529 = arith.addi %mul3A_181, %add3A_528 : i32
      %add3A_530 = arith.constant 192 : i32
      %add3A_531 = arith.addi %add3A_529, %add3A_530 : i32
      %swap3A_532 = arith.index_cast %add3A_531 : i32 to index
      %swap3A_533 = tpu.vector_load %arg8[%swap3A_532] {strides = array<i32>} : memref<3072xf32, #tpu.memory_space<vmem>>, vector<16xf32>,
      %swap3A_534 = vector.shape_cast %swap3A_533 : vector<16xf32> to vector<16xf32>
      %swap3A_535 = vector.shape_cast %broadcast_in_dim3A_527 : vector<16xf32> to vector<16xf32>
      tpu.vector_store %arg8[%swap3A_532], %swap3A_535 {strides = array<i32>} : memref<3072xf32, #tpu.memory_space<vmem>>, vector<16xf32>,
      %broadcast_in_dim3A_536 = arith.constant 0.000000e+00 : f32
      %broadcast_in_dim3A_537 = vector.broadcast %broadcast_in_dim3A_536 : f32 to vector<16xf32>
      %add3A_538 = arith.constant 512 : i32
      %add3A_539 = arith.addi %mul3A_181, %add3A_538 : i32
      %add3A_540 = arith.constant 192 : i32
      %add3A_541 = arith.addi %add3A_539, %add3A_540 : i32
      %swap3A_542 = arith.index_cast %add3A_541 : i32 to index
      %swap3A_543 = tpu.vector_load %arg8[%swap3A_542] {strides = array<i32>} : memref<3072xf32, #tpu.memory_space<vmem>>, vector<16xf32>,
      %swap3A_544 = vector.shape_cast %swap3A_543 : vector<16xf32> to vector<16xf32>
      %swap3A_545 = vector.shape_cast %broadcast_in_dim3A_537 : vector<16xf32> to vector<16xf32>
      tpu.vector_store %arg8[%swap3A_542], %swap3A_545 {strides = array<i32>} : memref<3072xf32, #tpu.memory_space<vmem>>, vector<16xf32>,
      %broadcast_in_dim3A_546 = arith.constant 0xFF800000 : f32
      %broadcast_in_dim3A_547 = vector.broadcast %broadcast_in_dim3A_546 : f32 to vector<16xf32>
      %add3A_548 = arith.constant 208 : i32
      %add3A_549 = arith.addi %mul3A_181, %add3A_548 : i32
      %swap3A_550 = arith.index_cast %add3A_549 : i32 to index
      %swap3A_551 = tpu.vector_load %arg8[%swap3A_550] {strides = array<i32>} : memref<3072xf32, #tpu.memory_space<vmem>>, vector<16xf32>,
      %swap3A_552 = vector.shape_cast %swap3A_551 : vector<16xf32> to vector<16xf32>
      %swap3A_553 = vector.shape_cast %broadcast_in_dim3A_547 : vector<16xf32> to vector<16xf32>
      tpu.vector_store %arg8[%swap3A_550], %swap3A_553 {strides = array<i32>} : memref<3072xf32, #tpu.memory_space<vmem>>, vector<16xf32>,
      %broadcast_in_dim3A_554 = arith.constant 0x7F800000 : f32
      %broadcast_in_dim3A_555 = vector.broadcast %broadcast_in_dim3A_554 : f32 to vector<16xf32>
      %add3A_556 = arith.constant 256 : i32
      %add3A_557 = arith.addi %mul3A_181, %add3A_556 : i32
      %add3A_558 = arith.constant 208 : i32
      %add3A_559 = arith.addi %add3A_557, %add3A_558 : i32
      %swap3A_560 = arith.index_cast %add3A_559 : i32 to index
      %swap3A_561 = tpu.vector_load %arg8[%swap3A_560] {strides = array<i32>} : memref<3072xf32, #tpu.memory_space<vmem>>, vector<16xf32>,
      %swap3A_562 = vector.shape_cast %swap3A_561 : vector<16xf32> to vector<16xf32>
      %swap3A_563 = vector.shape_cast %broadcast_in_dim3A_555 : vector<16xf32> to vector<16xf32>
      tpu.vector_store %arg8[%swap3A_560], %swap3A_563 {strides = array<i32>} : memref<3072xf32, #tpu.memory_space<vmem>>, vector<16xf32>,
      %broadcast_in_dim3A_564 = arith.constant 0.000000e+00 : f32
      %broadcast_in_dim3A_565 = vector.broadcast %broadcast_in_dim3A_564 : f32 to vector<16xf32>
      %add3A_566 = arith.constant 512 : i32
      %add3A_567 = arith.addi %mul3A_181, %add3A_566 : i32
      %add3A_568 = arith.constant 208 : i32
      %add3A_569 = arith.addi %add3A_567, %add3A_568 : i32
      %swap3A_570 = arith.index_cast %add3A_569 : i32 to index
      %swap3A_571 = tpu.vector_load %arg8[%swap3A_570] {strides = array<i32>} : memref<3072xf32, #tpu.memory_space<vmem>>, vector<16xf32>,
      %swap3A_572 = vector.shape_cast %swap3A_571 : vector<16xf32> to vector<16xf32>
      %swap3A_573 = vector.shape_cast %broadcast_in_dim3A_565 : vector<16xf32> to vector<16xf32>
      tpu.vector_store %arg8[%swap3A_570], %swap3A_573 {strides = array<i32>} : memref<3072xf32, #tpu.memory_space<vmem>>, vector<16xf32>,
      %broadcast_in_dim3A_574 = arith.constant 0xFF800000 : f32
      %broadcast_in_dim3A_575 = vector.broadcast %broadcast_in_dim3A_574 : f32 to vector<16xf32>
      %add3A_576 = arith.constant 224 : i32
      %add3A_577 = arith.addi %mul3A_181, %add3A_576 : i32
      %swap3A_578 = arith.index_cast %add3A_577 : i32 to index
      %swap3A_579 = tpu.vector_load %arg8[%swap3A_578] {strides = array<i32>} : memref<3072xf32, #tpu.memory_space<vmem>>, vector<16xf32>,
      %swap3A_580 = vector.shape_cast %swap3A_579 : vector<16xf32> to vector<16xf32>
      %swap3A_581 = vector.shape_cast %broadcast_in_dim3A_575 : vector<16xf32> to vector<16xf32>
      tpu.vector_store %arg8[%swap3A_578], %swap3A_581 {strides = array<i32>} : memref<3072xf32, #tpu.memory_space<vmem>>, vector<16xf32>,
      %broadcast_in_dim3A_582 = arith.constant 0x7F800000 : f32
      %broadcast_in_dim3A_583 = vector.broadcast %broadcast_in_dim3A_582 : f32 to vector<16xf32>
      %add3A_584 = arith.constant 256 : i32
      %add3A_585 = arith.addi %mul3A_181, %add3A_584 : i32
      %add3A_586 = arith.constant 224 : i32
      %add3A_587 = arith.addi %add3A_585, %add3A_586 : i32
      %swap3A_588 = arith.index_cast %add3A_587 : i32 to index
      %swap3A_589 = tpu.vector_load %arg8[%swap3A_588] {strides = array<i32>} : memref<3072xf32, #tpu.memory_space<vmem>>, vector<16xf32>,
      %swap3A_590 = vector.shape_cast %swap3A_589 : vector<16xf32> to vector<16xf32>
      %swap3A_591 = vector.shape_cast %broadcast_in_dim3A_583 : vector<16xf32> to vector<16xf32>
      tpu.vector_store %arg8[%swap3A_588], %swap3A_591 {strides = array<i32>} : memref<3072xf32, #tpu.memory_space<vmem>>, vector<16xf32>,
      %broadcast_in_dim3A_592 = arith.constant 0.000000e+00 : f32
      %broadcast_in_dim3A_593 = vector.broadcast %broadcast_in_dim3A_592 : f32 to vector<16xf32>
      %add3A_594 = arith.constant 512 : i32
      %add3A_595 = arith.addi %mul3A_181, %add3A_594 : i32
      %add3A_596 = arith.constant 224 : i32
      %add3A_597 = arith.addi %add3A_595, %add3A_596 : i32
      %swap3A_598 = arith.index_cast %add3A_597 : i32 to index
      %swap3A_599 = tpu.vector_load %arg8[%swap3A_598] {strides = array<i32>} : memref<3072xf32, #tpu.memory_space<vmem>>, vector<16xf32>,
      %swap3A_600 = vector.shape_cast %swap3A_599 : vector<16xf32> to vector<16xf32>
      %swap3A_601 = vector.shape_cast %broadcast_in_dim3A_593 : vector<16xf32> to vector<16xf32>
      tpu.vector_store %arg8[%swap3A_598], %swap3A_601 {strides = array<i32>} : memref<3072xf32, #tpu.memory_space<vmem>>, vector<16xf32>,
      %broadcast_in_dim3A_602 = arith.constant 0xFF800000 : f32
      %broadcast_in_dim3A_603 = vector.broadcast %broadcast_in_dim3A_602 : f32 to vector<16xf32>
      %add3A_604 = arith.constant 240 : i32
      %add3A_605 = arith.addi %mul3A_181, %add3A_604 : i32
      %swap3A_606 = arith.index_cast %add3A_605 : i32 to index
      %swap3A_607 = tpu.vector_load %arg8[%swap3A_606] {strides = array<i32>} : memref<3072xf32, #tpu.memory_space<vmem>>, vector<16xf32>,
      %swap3A_608 = vector.shape_cast %swap3A_607 : vector<16xf32> to vector<16xf32>
      %swap3A_609 = vector.shape_cast %broadcast_in_dim3A_603 : vector<16xf32> to vector<16xf32>
      tpu.vector_store %arg8[%swap3A_606], %swap3A_609 {strides = array<i32>} : memref<3072xf32, #tpu.memory_space<vmem>>, vector<16xf32>,
      %broadcast_in_dim3A_610 = arith.constant 0x7F800000 : f32
      %broadcast_in_dim3A_611 = vector.broadcast %broadcast_in_dim3A_610 : f32 to vector<16xf32>
      %add3A_612 = arith.constant 256 : i32
      %add3A_613 = arith.addi %mul3A_181, %add3A_612 : i32
      %add3A_614 = arith.constant 240 : i32
      %add3A_615 = arith.addi %add3A_613, %add3A_614 : i32
      %swap3A_616 = arith.index_cast %add3A_615 : i32 to index
      %swap3A_617 = tpu.vector_load %arg8[%swap3A_616] {strides = array<i32>} : memref<3072xf32, #tpu.memory_space<vmem>>, vector<16xf32>,
      %swap3A_618 = vector.shape_cast %swap3A_617 : vector<16xf32> to vector<16xf32>
      %swap3A_619 = vector.shape_cast %broadcast_in_dim3A_611 : vector<16xf32> to vector<16xf32>
      tpu.vector_store %arg8[%swap3A_616], %swap3A_619 {strides = array<i32>} : memref<3072xf32, #tpu.memory_space<vmem>>, vector<16xf32>,
      %broadcast_in_dim3A_620 = arith.constant 0.000000e+00 : f32
      %broadcast_in_dim3A_621 = vector.broadcast %broadcast_in_dim3A_620 : f32 to vector<16xf32>
      %add3A_622 = arith.constant 512 : i32
      %add3A_623 = arith.addi %mul3A_181, %add3A_622 : i32
      %add3A_624 = arith.constant 240 : i32
      %add3A_625 = arith.addi %add3A_623, %add3A_624 : i32
      %swap3A_626 = arith.index_cast %add3A_625 : i32 to index
      %swap3A_627 = tpu.vector_load %arg8[%swap3A_626] {strides = array<i32>} : memref<3072xf32, #tpu.memory_space<vmem>>, vector<16xf32>,
      %swap3A_628 = vector.shape_cast %swap3A_627 : vector<16xf32> to vector<16xf32>
      %swap3A_629 = vector.shape_cast %broadcast_in_dim3A_621 : vector<16xf32> to vector<16xf32>
      tpu.vector_store %arg8[%swap3A_626], %swap3A_629 {strides = array<i32>} : memref<3072xf32, #tpu.memory_space<vmem>>, vector<16xf32>,
      %scan3A_630 = arith.constant 0 : i32
      scf.yield %scan3A_630 : i32
    }
    %scan3A_77 = arith.constant 4 : i32
    %get3A = arith.constant 0 : i32
    %get3A_78 = arith.index_cast %get3A : i32 to index
    %get3A_79 = memref.load %arg9[%get3A_78] : memref<5xi32, #tpu.memory_space<smem>>
    %get3A_80 = arith.constant 4 : i32
    %get3A_81 = arith.index_cast %get3A_80 : i32 to index
    %get3A_82 = memref.load %arg9[%get3A_81] : memref<5xi32, #tpu.memory_space<smem>>
    %jit3A = arith.constant 8 : i32
    %div3A = arith.divsi %get3A_79, %jit3A : i32
    %sign3A = arith.constant 0 : i32
    %sign3A_83 = arith.cmpi sgt, %get3A_79, %sign3A : i32
    %sign3A_84 = arith.extui %sign3A_83 : i1 to i32
    %sign3A_85 = arith.constant 0 : i32
    %sign3A_86 = arith.cmpi slt, %get3A_79, %sign3A_85 : i32
    %sign3A_87 = arith.extui %sign3A_86 : i1 to i32
    %sign3A_88 = arith.subi %sign3A_84, %sign3A_87 : i32
    %sign3A_89 = arith.constant 0 : i32
    %sign3A_90 = arith.cmpi sgt, %jit3A, %sign3A_89 : i32
    %sign3A_91 = arith.extui %sign3A_90 : i1 to i32
    %sign3A_92 = arith.constant 0 : i32
    %sign3A_93 = arith.cmpi slt, %jit3A, %sign3A_92 : i32
    %sign3A_94 = arith.extui %sign3A_93 : i1 to i32
    %sign3A_95 = arith.subi %sign3A_91, %sign3A_94 : i32
    %ne3A = arith.cmpi ne, %sign3A_88, %sign3A_95 : i32
    %rem3A = arith.remsi %get3A_79, %jit3A : i32
    %ne3A_96 = arith.constant 0 : i32
    %ne3A_97 = arith.cmpi ne, %rem3A, %ne3A_96 : i32
    %and3A = arith.andi %ne3A, %ne3A_97 : i1
    %sub3A = arith.constant 1 : i32
    %sub3A_98 = arith.subi %div3A, %sub3A : i32
    %select_n3A = arith.select %and3A, %sub3A_98, %div3A : i32
    %mul3A_99 = arith.constant 8 : i32
    %mul3A_100 = arith.muli %select_n3A, %mul3A_99 : i32
    %sub3A_101 = arith.subi %get3A_82, %mul3A_100 : i32
    %add3A_102 = arith.constant 144 : i32
    %add3A_103 = arith.addi %sub3A_101, %add3A_102 : i32
    %sub3A_104 = arith.constant 1 : i32
    %sub3A_105 = arith.subi %add3A_103, %sub3A_104 : i32
    %jit3A_106 = arith.constant 144 : i32
    %div3A_107 = arith.divsi %sub3A_105, %jit3A_106 : i32
    %sign3A_108 = arith.constant 0 : i32
    %sign3A_109 = arith.cmpi sgt, %sub3A_105, %sign3A_108 : i32
    %sign3A_110 = arith.extui %sign3A_109 : i1 to i32
    %sign3A_111 = arith.constant 0 : i32
    %sign3A_112 = arith.cmpi slt, %sub3A_105, %sign3A_111 : i32
    %sign3A_113 = arith.extui %sign3A_112 : i1 to i32
    %sign3A_114 = arith.subi %sign3A_110, %sign3A_113 : i32
    %sign3A_115 = arith.constant 0 : i32
    %sign3A_116 = arith.cmpi sgt, %jit3A_106, %sign3A_115 : i32
    %sign3A_117 = arith.extui %sign3A_116 : i1 to i32
    %sign3A_118 = arith.constant 0 : i32
    %sign3A_119 = arith.cmpi slt, %jit3A_106, %sign3A_118 : i32
    %sign3A_120 = arith.extui %sign3A_119 : i1 to i32
    %sign3A_121 = arith.subi %sign3A_117, %sign3A_120 : i32
    %ne3A_122 = arith.cmpi ne, %sign3A_114, %sign3A_121 : i32
    %rem3A_123 = arith.remsi %sub3A_105, %jit3A_106 : i32
    %ne3A_124 = arith.constant 0 : i32
    %ne3A_125 = arith.cmpi ne, %rem3A_123, %ne3A_124 : i32
    %and3A_126 = arith.andi %ne3A_122, %ne3A_125 : i1
    %sub3A_127 = arith.constant 1 : i32
    %sub3A_128 = arith.subi %div3A_107, %sub3A_127 : i32
    %select_n3A_129 = arith.select %and3A_126, %sub3A_128, %div3A_107 : i32
    %gt3A = arith.constant 0 : i32
    %gt3A_130 = arith.cmpi sgt, %select_n3A_129, %gt3A : i32
    %convert_element_type3A = arith.extui %gt3A_130 : i1 to i32
    %cond3A = arith.constant 0 : i32
    %cond3A_131 = arith.cmpi ne, %convert_element_type3A, %cond3A : i32
    scf.if %cond3A_131 {
      %add3A_176 = arith.constant 0 : i32
      %add3A_177 = arith.addi %mul3A_100, %add3A_176 : i32
      %min3A = arith.constant 49856 : i32
      %min3A_178 = arith.minsi %add3A_177, %min3A : i32
      %multiple_of3A = tpu.assume_multiple %min3A_178, 8 : i32
      %dma_start3A = arith.constant 0 : i32
      %dma_start3A_179 = tpu.memref_slice %arg2[%multiple_of3A, %dma_start3A] : memref<50000x256xf32, #tpu.memory_space<hbm>> -> memref<144x256xf32, #tpu.memory_space<hbm>>
      %dma_start3A_180 = arith.constant 0 : i32
      %dma_start3A_181 = tpu.memref_slice %arg2[%multiple_of3A, %dma_start3A_180] : memref<50000x256xf32, #tpu.memory_space<hbm>> -> memref<144x256xf32, #tpu.memory_space<hbm>>
      tpu.enqueue_dma source(%dma_start3A_181 : memref<144x256xf32, #tpu.memory_space<hbm>>) target(%arg6 : memref<144x256xf32, #tpu.memory_space<vmem>>) target_semaphore(%arg10 : memref<!tpu.dma_semaphore, #tpu.memory_space<semaphore_mem>>)
    } else {
    }
    %add3A_132 = arith.constant 1 : i32
    %add3A_133 = arith.addi %select_n3A_129, %add3A_132 : i32
    %jit3A_134 = arith.constant 2 : i32
    %div3A_135 = arith.divsi %add3A_133, %jit3A_134 : i32
    %sign3A_136 = arith.constant 0 : i32
    %sign3A_137 = arith.cmpi sgt, %add3A_133, %sign3A_136 : i32
    %sign3A_138 = arith.extui %sign3A_137 : i1 to i32
    %sign3A_139 = arith.constant 0 : i32
    %sign3A_140 = arith.cmpi slt, %add3A_133, %sign3A_139 : i32
    %sign3A_141 = arith.extui %sign3A_140 : i1 to i32
    %sign3A_142 = arith.subi %sign3A_138, %sign3A_141 : i32
    %sign3A_143 = arith.constant 0 : i32
    %sign3A_144 = arith.cmpi sgt, %jit3A_134, %sign3A_143 : i32
    %sign3A_145 = arith.extui %sign3A_144 : i1 to i32
    %sign3A_146 = arith.constant 0 : i32
    %sign3A_147 = arith.cmpi slt, %jit3A_134, %sign3A_146 : i32
    %sign3A_148 = arith.extui %sign3A_147 : i1 to i32
    %sign3A_149 = arith.subi %sign3A_145, %sign3A_148 : i32
    %ne3A_150 = arith.cmpi ne, %sign3A_142, %sign3A_149 : i32
    %rem3A_151 = arith.remsi %add3A_133, %jit3A_134 : i32
    %ne3A_152 = arith.constant 0 : i32
    %ne3A_153 = arith.cmpi ne, %rem3A_151, %ne3A_152 : i32
    %and3A_154 = arith.andi %ne3A_150, %ne3A_153 : i1
    %sub3A_155 = arith.constant 1 : i32
    %sub3A_156 = arith.subi %div3A_135, %sub3A_155 : i32
    %select_n3A_157 = arith.select %and3A_154, %sub3A_156, %div3A_135 : i32
    %while3A = arith.constant 0 : i32
    %while3A_158 = arith.constant 0 : i32
    %while3A_159 = arith.subi %select_n3A_157, %while3A : i32
    %while3A_160 = arith.addi %while3A, %while3A_159 : i32
    %while3A_161 = arith.constant 1 : i32
    %while3A_162 = arith.divsi %while3A_159, %while3A_161 : i32
    %while3A_163 = arith.muli %while3A_162, %while3A_161 : i32
    %while3A_164 = arith.addi %while3A, %while3A_163 : i32
    %while3A_165 = arith.constant 1 : i32
    %while3A_166 = scf.for %while3A_176 = %while3A to %while3A_164 step %while3A_165 iter_args(%while3A_177 = %while3A_158) -> (i32)  : i32 {
      %mul3A_178 = arith.constant 2 : i32
      %mul3A_179 = arith.muli %mul3A_178, %while3A_176 : i32
      %add3A_180 = arith.constant 1 : i32
      %add3A_181 = arith.addi %mul3A_179, %add3A_180 : i32
      %lt3A = arith.cmpi slt, %add3A_181, %select_n3A_129 : i32
      %convert_element_type3A_182 = arith.extui %lt3A : i1 to i32
      %cond3A_183 = arith.constant 0 : i32
      %cond3A_184 = arith.cmpi ne, %convert_element_type3A_182, %cond3A_183 : i32
      scf.if %cond3A_184 {
        %mul3A_219 = arith.constant 144 : i32
        %mul3A_220 = arith.muli %add3A_181, %mul3A_219 : i32
        %add3A_221 = arith.addi %mul3A_100, %mul3A_220 : i32
        %min3A_222 = arith.constant 49856 : i32
        %min3A_223 = arith.minsi %add3A_221, %min3A_222 : i32
        %multiple_of3A_224 = tpu.assume_multiple %min3A_223, 8 : i32
        %dma_start3A = arith.constant 0 : i32
        %dma_start3A_225 = tpu.memref_slice %arg2[%multiple_of3A_224, %dma_start3A] : memref<50000x256xf32, #tpu.memory_space<hbm>> -> memref<144x256xf32, #tpu.memory_space<hbm>>
        %dma_start3A_226 = arith.constant 0 : i32
        %dma_start3A_227 = tpu.memref_slice %arg2[%multiple_of3A_224, %dma_start3A_226] : memref<50000x256xf32, #tpu.memory_space<hbm>> -> memref<144x256xf32, #tpu.memory_space<hbm>>
        tpu.enqueue_dma source(%dma_start3A_227 : memref<144x256xf32, #tpu.memory_space<hbm>>) target(%arg7 : memref<144x256xf32, #tpu.memory_space<vmem>>) target_semaphore(%arg11 : memref<!tpu.dma_semaphore, #tpu.memory_space<semaphore_mem>>)
      } else {
      }
      %mul3A_185 = arith.constant 144 : i32
      %mul3A_186 = arith.muli %mul3A_179, %mul3A_185 : i32
      %add3A_187 = arith.addi %mul3A_100, %mul3A_186 : i32
      %min3A = arith.constant 49856 : i32
      %min3A_188 = arith.minsi %add3A_187, %min3A : i32
      %multiple_of3A = tpu.assume_multiple %min3A_188, 8 : i32
      %dma_wait3A = arith.constant 0 : i32
      %dma_wait3A_189 = tpu.memref_slice %arg2[%multiple_of3A, %dma_wait3A] : memref<50000x256xf32, #tpu.memory_space<hbm>> -> memref<144x256xf32, #tpu.memory_space<hbm>>
      %dma_wait3A_190 = arith.constant 0 : i32
      %dma_wait3A_191 = tpu.memref_slice %arg2[%multiple_of3A, %dma_wait3A_190] : memref<50000x256xf32, #tpu.memory_space<hbm>> -> memref<144x256xf32, #tpu.memory_space<hbm>>
      tpu.wait_dma2 semaphore(%arg10 : memref<!tpu.dma_semaphore, #tpu.memory_space<semaphore_mem>>) src(%dma_wait3A_191 : memref<144x256xf32, #tpu.memory_space<hbm>>) dst(%arg6 : memref<144x256xf32, #tpu.memory_space<vmem>>)
      %mul3A_192 = arith.constant 144 : i32
      %mul3A_193 = arith.muli %mul3A_179, %mul3A_192 : i32
      %add3A_194 = arith.addi %mul3A_100, %mul3A_193 : i32
      %mul3A_195 = arith.constant 144 : i32
      %mul3A_196 = arith.muli %mul3A_179, %mul3A_195 : i32
      %add3A_197 = arith.addi %mul3A_100, %mul3A_196 : i32
      %min3A_198 = arith.constant 49856 : i32
      %min3A_199 = arith.minsi %add3A_197, %min3A_198 : i32
      %multiple_of3A_200 = tpu.assume_multiple %min3A_199, 8 : i32
      %scan3A_201 = arith.constant 0 : i32
      %scan3A_202 = arith.constant 0 : i32
      %scan3A_203 = arith.constant 4 : i32
      %scan3A_204 = arith.addi %scan3A_202, %scan3A_203 : i32
      %scan3A_205 = arith.constant 1 : i32
      %scan3A_206 = scf.for %scan3A_219 = %scan3A_202 to %scan3A_204 step %scan3A_205 iter_args(%scan3A_220 = %scan3A_201) -> (i32)  : i32 {
        %get3A_221 = arith.index_cast %scan3A_219 : i32 to index
        %get3A_222 = memref.load %arg9[%get3A_221] : memref<5xi32, #tpu.memory_space<smem>>
        %max3A = arith.maxsi %get3A_222, %add3A_194 : i32
        %add3A_223 = arith.constant 1 : i32
        %add3A_224 = arith.addi %scan3A_219, %add3A_223 : i32
        %get3A_225 = arith.index_cast %add3A_224 : i32 to index
        %get3A_226 = memref.load %arg9[%get3A_225] : memref<5xi32, #tpu.memory_space<smem>>
        %add3A_227 = arith.constant 144 : i32
        %add3A_228 = arith.addi %add3A_194, %add3A_227 : i32
        %min3A_229 = arith.minsi %get3A_226, %add3A_228 : i32
        %gt3A_230 = arith.cmpi sgt, %min3A_229, %max3A : i32
        %convert_element_type3A_231 = arith.extui %gt3A_230 : i1 to i32
        %cond3A_232 = arith.constant 0 : i32
        %cond3A_233 = arith.cmpi ne, %convert_element_type3A_231, %cond3A_232 : i32
        scf.if %cond3A_233 {
          %mul3A_235 = arith.constant 3 : i32
          %mul3A_236 = arith.muli %scan3A_219, %mul3A_235 : i32
          %mul3A_237 = arith.constant 256 : i32
          %mul3A_238 = arith.muli %mul3A_236, %mul3A_237 : i32
          %sub3A_239 = arith.subi %max3A, %multiple_of3A_200 : i32
          %sub3A_240 = arith.subi %min3A_229, %max3A : i32
          %max3A_241 = arith.constant 0 : i32
          %max3A_242 = arith.maxsi %sub3A_240, %max3A_241 : i32
          %add3A_243 = arith.constant 0 : i32
          %add3A_244 = arith.addi %mul3A_238, %add3A_243 : i32
          %get3A_245 = arith.index_cast %add3A_244 : i32 to index
          %get3A_246 = tpu.vector_load %arg8[%get3A_245] {strides = array<i32>} : memref<3072xf32, #tpu.memory_space<vmem>>, vector<16xf32>,
          %get3A_247 = vector.shape_cast %get3A_246 : vector<16xf32> to vector<16xf32>
          %add3A_248 = arith.constant 16 : i32
          %add3A_249 = arith.addi %mul3A_238, %add3A_248 : i32
          %get3A_250 = arith.index_cast %add3A_249 : i32 to index
          %get3A_251 = tpu.vector_load %arg8[%get3A_250] {strides = array<i32>} : memref<3072xf32, #tpu.memory_space<vmem>>, vector<16xf32>,
          %get3A_252 = vector.shape_cast %get3A_251 : vector<16xf32> to vector<16xf32>
          %add3A_253 = arith.constant 32 : i32
          %add3A_254 = arith.addi %mul3A_238, %add3A_253 : i32
          %get3A_255 = arith.index_cast %add3A_254 : i32 to index
          %get3A_256 = tpu.vector_load %arg8[%get3A_255] {strides = array<i32>} : memref<3072xf32, #tpu.memory_space<vmem>>, vector<16xf32>,
          %get3A_257 = vector.shape_cast %get3A_256 : vector<16xf32> to vector<16xf32>
          %add3A_258 = arith.constant 48 : i32
          %add3A_259 = arith.addi %mul3A_238, %add3A_258 : i32
          %get3A_260 = arith.index_cast %add3A_259 : i32 to index
          %get3A_261 = tpu.vector_load %arg8[%get3A_260] {strides = array<i32>} : memref<3072xf32, #tpu.memory_space<vmem>>, vector<16xf32>,
          %get3A_262 = vector.shape_cast %get3A_261 : vector<16xf32> to vector<16xf32>
          %add3A_263 = arith.constant 64 : i32
          %add3A_264 = arith.addi %mul3A_238, %add3A_263 : i32
          %get3A_265 = arith.index_cast %add3A_264 : i32 to index
          %get3A_266 = tpu.vector_load %arg8[%get3A_265] {strides = array<i32>} : memref<3072xf32, #tpu.memory_space<vmem>>, vector<16xf32>,
          %get3A_267 = vector.shape_cast %get3A_266 : vector<16xf32> to vector<16xf32>
          %add3A_268 = arith.constant 80 : i32
          %add3A_269 = arith.addi %mul3A_238, %add3A_268 : i32
          %get3A_270 = arith.index_cast %add3A_269 : i32 to index
          %get3A_271 = tpu.vector_load %arg8[%get3A_270] {strides = array<i32>} : memref<3072xf32, #tpu.memory_space<vmem>>, vector<16xf32>,
          %get3A_272 = vector.shape_cast %get3A_271 : vector<16xf32> to vector<16xf32>
          %add3A_273 = arith.constant 96 : i32
          %add3A_274 = arith.addi %mul3A_238, %add3A_273 : i32
          %get3A_275 = arith.index_cast %add3A_274 : i32 to index
          %get3A_276 = tpu.vector_load %arg8[%get3A_275] {strides = array<i32>} : memref<3072xf32, #tpu.memory_space<vmem>>, vector<16xf32>,
          %get3A_277 = vector.shape_cast %get3A_276 : vector<16xf32> to vector<16xf32>
          %add3A_278 = arith.constant 112 : i32
          %add3A_279 = arith.addi %mul3A_238, %add3A_278 : i32
          %get3A_280 = arith.index_cast %add3A_279 : i32 to index
          %get3A_281 = tpu.vector_load %arg8[%get3A_280] {strides = array<i32>} : memref<3072xf32, #tpu.memory_space<vmem>>, vector<16xf32>,
          %get3A_282 = vector.shape_cast %get3A_281 : vector<16xf32> to vector<16xf32>
          %add3A_283 = arith.constant 256 : i32
          %add3A_284 = arith.addi %mul3A_238, %add3A_283 : i32
          %add3A_285 = arith.constant 0 : i32
          %add3A_286 = arith.addi %add3A_284, %add3A_285 : i32
          %get3A_287 = arith.index_cast %add3A_286 : i32 to index
          %get3A_288 = tpu.vector_load %arg8[%get3A_287] {strides = array<i32>} : memref<3072xf32, #tpu.memory_space<vmem>>, vector<16xf32>,
          %get3A_289 = vector.shape_cast %get3A_288 : vector<16xf32> to vector<16xf32>
          %add3A_290 = arith.constant 256 : i32
          %add3A_291 = arith.addi %mul3A_238, %add3A_290 : i32
          %add3A_292 = arith.constant 16 : i32
          %add3A_293 = arith.addi %add3A_291, %add3A_292 : i32
          %get3A_294 = arith.index_cast %add3A_293 : i32 to index
          %get3A_295 = tpu.vector_load %arg8[%get3A_294] {strides = array<i32>} : memref<3072xf32, #tpu.memory_space<vmem>>, vector<16xf32>,
          %get3A_296 = vector.shape_cast %get3A_295 : vector<16xf32> to vector<16xf32>
          %add3A_297 = arith.constant 256 : i32
          %add3A_298 = arith.addi %mul3A_238, %add3A_297 : i32
          %add3A_299 = arith.constant 32 : i32
          %add3A_300 = arith.addi %add3A_298, %add3A_299 : i32
          %get3A_301 = arith.index_cast %add3A_300 : i32 to index
          %get3A_302 = tpu.vector_load %arg8[%get3A_301] {strides = array<i32>} : memref<3072xf32, #tpu.memory_space<vmem>>, vector<16xf32>,
          %get3A_303 = vector.shape_cast %get3A_302 : vector<16xf32> to vector<16xf32>
          %add3A_304 = arith.constant 256 : i32
          %add3A_305 = arith.addi %mul3A_238, %add3A_304 : i32
          %add3A_306 = arith.constant 48 : i32
          %add3A_307 = arith.addi %add3A_305, %add3A_306 : i32
          %get3A_308 = arith.index_cast %add3A_307 : i32 to index
          %get3A_309 = tpu.vector_load %arg8[%get3A_308] {strides = array<i32>} : memref<3072xf32, #tpu.memory_space<vmem>>, vector<16xf32>,
          %get3A_310 = vector.shape_cast %get3A_309 : vector<16xf32> to vector<16xf32>
          %add3A_311 = arith.constant 256 : i32
          %add3A_312 = arith.addi %mul3A_238, %add3A_311 : i32
          %add3A_313 = arith.constant 64 : i32
          %add3A_314 = arith.addi %add3A_312, %add3A_313 : i32
          %get3A_315 = arith.index_cast %add3A_314 : i32 to index
          %get3A_316 = tpu.vector_load %arg8[%get3A_315] {strides = array<i32>} : memref<3072xf32, #tpu.memory_space<vmem>>, vector<16xf32>,
          %get3A_317 = vector.shape_cast %get3A_316 : vector<16xf32> to vector<16xf32>
          %add3A_318 = arith.constant 256 : i32
          %add3A_319 = arith.addi %mul3A_238, %add3A_318 : i32
          %add3A_320 = arith.constant 80 : i32
          %add3A_321 = arith.addi %add3A_319, %add3A_320 : i32
          %get3A_322 = arith.index_cast %add3A_321 : i32 to index
          %get3A_323 = tpu.vector_load %arg8[%get3A_322] {strides = array<i32>} : memref<3072xf32, #tpu.memory_space<vmem>>, vector<16xf32>,
          %get3A_324 = vector.shape_cast %get3A_323 : vector<16xf32> to vector<16xf32>
          %add3A_325 = arith.constant 256 : i32
          %add3A_326 = arith.addi %mul3A_238, %add3A_325 : i32
          %add3A_327 = arith.constant 96 : i32
          %add3A_328 = arith.addi %add3A_326, %add3A_327 : i32
          %get3A_329 = arith.index_cast %add3A_328 : i32 to index
          %get3A_330 = tpu.vector_load %arg8[%get3A_329] {strides = array<i32>} : memref<3072xf32, #tpu.memory_space<vmem>>, vector<16xf32>,
          %get3A_331 = vector.shape_cast %get3A_330 : vector<16xf32> to vector<16xf32>
          %add3A_332 = arith.constant 256 : i32
          %add3A_333 = arith.addi %mul3A_238, %add3A_332 : i32
          %add3A_334 = arith.constant 112 : i32
          %add3A_335 = arith.addi %add3A_333, %add3A_334 : i32
          %get3A_336 = arith.index_cast %add3A_335 : i32 to index
          %get3A_337 = tpu.vector_load %arg8[%get3A_336] {strides = array<i32>} : memref<3072xf32, #tpu.memory_space<vmem>>, vector<16xf32>,
          %get3A_338 = vector.shape_cast %get3A_337 : vector<16xf32> to vector<16xf32>
          %add3A_339 = arith.constant 512 : i32
          %add3A_340 = arith.addi %mul3A_238, %add3A_339 : i32
          %add3A_341 = arith.constant 0 : i32
          %add3A_342 = arith.addi %add3A_340, %add3A_341 : i32
          %get3A_343 = arith.index_cast %add3A_342 : i32 to index
          %get3A_344 = tpu.vector_load %arg8[%get3A_343] {strides = array<i32>} : memref<3072xf32, #tpu.memory_space<vmem>>, vector<16xf32>,
          %get3A_345 = vector.shape_cast %get3A_344 : vector<16xf32> to vector<16xf32>
          %add3A_346 = arith.constant 512 : i32
          %add3A_347 = arith.addi %mul3A_238, %add3A_346 : i32
          %add3A_348 = arith.constant 16 : i32
          %add3A_349 = arith.addi %add3A_347, %add3A_348 : i32
          %get3A_350 = arith.index_cast %add3A_349 : i32 to index
          %get3A_351 = tpu.vector_load %arg8[%get3A_350] {strides = array<i32>} : memref<3072xf32, #tpu.memory_space<vmem>>, vector<16xf32>,
          %get3A_352 = vector.shape_cast %get3A_351 : vector<16xf32> to vector<16xf32>
          %add3A_353 = arith.constant 512 : i32
          %add3A_354 = arith.addi %mul3A_238, %add3A_353 : i32
          %add3A_355 = arith.constant 32 : i32
          %add3A_356 = arith.addi %add3A_354, %add3A_355 : i32
          %get3A_357 = arith.index_cast %add3A_356 : i32 to index
          %get3A_358 = tpu.vector_load %arg8[%get3A_357] {strides = array<i32>} : memref<3072xf32, #tpu.memory_space<vmem>>, vector<16xf32>,
          %get3A_359 = vector.shape_cast %get3A_358 : vector<16xf32> to vector<16xf32>
          %add3A_360 = arith.constant 512 : i32
          %add3A_361 = arith.addi %mul3A_238, %add3A_360 : i32
          %add3A_362 = arith.constant 48 : i32
          %add3A_363 = arith.addi %add3A_361, %add3A_362 : i32
          %get3A_364 = arith.index_cast %add3A_363 : i32 to index
          %get3A_365 = tpu.vector_load %arg8[%get3A_364] {strides = array<i32>} : memref<3072xf32, #tpu.memory_space<vmem>>, vector<16xf32>,
          %get3A_366 = vector.shape_cast %get3A_365 : vector<16xf32> to vector<16xf32>
          %add3A_367 = arith.constant 512 : i32
          %add3A_368 = arith.addi %mul3A_238, %add3A_367 : i32
          %add3A_369 = arith.constant 64 : i32
          %add3A_370 = arith.addi %add3A_368, %add3A_369 : i32
          %get3A_371 = arith.index_cast %add3A_370 : i32 to index
          %get3A_372 = tpu.vector_load %arg8[%get3A_371] {strides = array<i32>} : memref<3072xf32, #tpu.memory_space<vmem>>, vector<16xf32>,
          %get3A_373 = vector.shape_cast %get3A_372 : vector<16xf32> to vector<16xf32>
          %add3A_374 = arith.constant 512 : i32
          %add3A_375 = arith.addi %mul3A_238, %add3A_374 : i32
          %add3A_376 = arith.constant 80 : i32
          %add3A_377 = arith.addi %add3A_375, %add3A_376 : i32
          %get3A_378 = arith.index_cast %add3A_377 : i32 to index
          %get3A_379 = tpu.vector_load %arg8[%get3A_378] {strides = array<i32>} : memref<3072xf32, #tpu.memory_space<vmem>>, vector<16xf32>,
          %get3A_380 = vector.shape_cast %get3A_379 : vector<16xf32> to vector<16xf32>
          %add3A_381 = arith.constant 512 : i32
          %add3A_382 = arith.addi %mul3A_238, %add3A_381 : i32
          %add3A_383 = arith.constant 96 : i32
          %add3A_384 = arith.addi %add3A_382, %add3A_383 : i32
          %get3A_385 = arith.index_cast %add3A_384 : i32 to index
          %get3A_386 = tpu.vector_load %arg8[%get3A_385] {strides = array<i32>} : memref<3072xf32, #tpu.memory_space<vmem>>, vector<16xf32>,
          %get3A_387 = vector.shape_cast %get3A_386 : vector<16xf32> to vector<16xf32>
          %add3A_388 = arith.constant 512 : i32
          %add3A_389 = arith.addi %mul3A_238, %add3A_388 : i32
          %add3A_390 = arith.constant 112 : i32
          %add3A_391 = arith.addi %add3A_389, %add3A_390 : i32
          %get3A_392 = arith.index_cast %add3A_391 : i32 to index
          %get3A_393 = tpu.vector_load %arg8[%get3A_392] {strides = array<i32>} : memref<3072xf32, #tpu.memory_space<vmem>>, vector<16xf32>,
          %get3A_394 = vector.shape_cast %get3A_393 : vector<16xf32> to vector<16xf32>
          %while3A_395 = arith.constant 0 : i32
          %while3A_396 = arith.subi %max3A_242, %while3A_395 : i32
          %while3A_397 = arith.addi %while3A_395, %while3A_396 : i32
          %while3A_398 = arith.constant 1 : i32
          %while3A_399 = arith.divsi %while3A_396, %while3A_398 : i32
          %while3A_400 = arith.muli %while3A_399, %while3A_398 : i32
          %while3A_401 = arith.addi %while3A_395, %while3A_400 : i32
          %while3A_402 = arith.constant 1 : i32
          %while3A_403:25 = scf.for %while3A_921 = %while3A_395 to %while3A_401 step %while3A_402 iter_args(%while3A_922 = %sub3A_239, %while3A_923 = %get3A_247, %while3A_924 = %get3A_252, %while3A_925 = %get3A_257, %while3A_926 = %get3A_262, %while3A_927 = %get3A_267, %while3A_928 = %get3A_272, %while3A_929 = %get3A_277, %while3A_930 = %get3A_282, %while3A_931 = %get3A_289, %while3A_932 = %get3A_296, %while3A_933 = %get3A_303, %while3A_934 = %get3A_310, %while3A_935 = %get3A_317, %while3A_936 = %get3A_324, %while3A_937 = %get3A_331, %while3A_938 = %get3A_338, %while3A_939 = %get3A_345, %while3A_940 = %get3A_352, %while3A_941 = %get3A_359, %while3A_942 = %get3A_366, %while3A_943 = %get3A_373, %while3A_944 = %get3A_380, %while3A_945 = %get3A_387, %while3A_946 = %get3A_394) -> (i32, vector<16xf32>, vector<16xf32>, vector<16xf32>, vector<16xf32>, vector<16xf32>, vector<16xf32>, vector<16xf32>, vector<16xf32>, vector<16xf32>, vector<16xf32>, vector<16xf32>, vector<16xf32>, vector<16xf32>, vector<16xf32>, vector<16xf32>, vector<16xf32>, vector<16xf32>, vector<16xf32>, vector<16xf32>, vector<16xf32>, vector<16xf32>, vector<16xf32>, vector<16xf32>, vector<16xf32>)  : i32 {
            %get3A_947 = arith.index_cast %while3A_922 : i32 to index
            %get3A_948 = arith.constant 0 : index
            %get3A_949 = tpu.vector_load %arg6[%get3A_947, %get3A_948] {strides = array<i32>} : memref<144x256xf32, #tpu.memory_space<vmem>>, vector<1x16xf32>,
            %get3A_950 = vector.shape_cast %get3A_949 : vector<1x16xf32> to vector<16xf32>
            %get3A_951 = arith.index_cast %while3A_922 : i32 to index
            %get3A_952 = arith.constant 16 : index
            %get3A_953 = tpu.vector_load %arg6[%get3A_951, %get3A_952] {strides = array<i32>} : memref<144x256xf32, #tpu.memory_space<vmem>>, vector<1x16xf32>,
            %get3A_954 = vector.shape_cast %get3A_953 : vector<1x16xf32> to vector<16xf32>
            %get3A_955 = arith.index_cast %while3A_922 : i32 to index
            %get3A_956 = arith.constant 32 : index
            %get3A_957 = tpu.vector_load %arg6[%get3A_955, %get3A_956] {strides = array<i32>} : memref<144x256xf32, #tpu.memory_space<vmem>>, vector<1x16xf32>,
            %get3A_958 = vector.shape_cast %get3A_957 : vector<1x16xf32> to vector<16xf32>
            %get3A_959 = arith.index_cast %while3A_922 : i32 to index
            %get3A_960 = arith.constant 48 : index
            %get3A_961 = tpu.vector_load %arg6[%get3A_959, %get3A_960] {strides = array<i32>} : memref<144x256xf32, #tpu.memory_space<vmem>>, vector<1x16xf32>,
            %get3A_962 = vector.shape_cast %get3A_961 : vector<1x16xf32> to vector<16xf32>
            %get3A_963 = arith.index_cast %while3A_922 : i32 to index
            %get3A_964 = arith.constant 64 : index
            %get3A_965 = tpu.vector_load %arg6[%get3A_963, %get3A_964] {strides = array<i32>} : memref<144x256xf32, #tpu.memory_space<vmem>>, vector<1x16xf32>,
            %get3A_966 = vector.shape_cast %get3A_965 : vector<1x16xf32> to vector<16xf32>
            %get3A_967 = arith.index_cast %while3A_922 : i32 to index
            %get3A_968 = arith.constant 80 : index
            %get3A_969 = tpu.vector_load %arg6[%get3A_967, %get3A_968] {strides = array<i32>} : memref<144x256xf32, #tpu.memory_space<vmem>>, vector<1x16xf32>,
            %get3A_970 = vector.shape_cast %get3A_969 : vector<1x16xf32> to vector<16xf32>
            %get3A_971 = arith.index_cast %while3A_922 : i32 to index
            %get3A_972 = arith.constant 96 : index
            %get3A_973 = tpu.vector_load %arg6[%get3A_971, %get3A_972] {strides = array<i32>} : memref<144x256xf32, #tpu.memory_space<vmem>>, vector<1x16xf32>,
            %get3A_974 = vector.shape_cast %get3A_973 : vector<1x16xf32> to vector<16xf32>
            %get3A_975 = arith.index_cast %while3A_922 : i32 to index
            %get3A_976 = arith.constant 112 : index
            %get3A_977 = tpu.vector_load %arg6[%get3A_975, %get3A_976] {strides = array<i32>} : memref<144x256xf32, #tpu.memory_space<vmem>>, vector<1x16xf32>,
            %get3A_978 = vector.shape_cast %get3A_977 : vector<1x16xf32> to vector<16xf32>
            %max3A_979 = arith.maximumf %while3A_923, %get3A_950 : vector<16xf32>
            %max3A_980 = arith.maximumf %while3A_924, %get3A_954 : vector<16xf32>
            %max3A_981 = arith.maximumf %while3A_925, %get3A_958 : vector<16xf32>
            %max3A_982 = arith.maximumf %while3A_926, %get3A_962 : vector<16xf32>
            %max3A_983 = arith.maximumf %while3A_927, %get3A_966 : vector<16xf32>
            %max3A_984 = arith.maximumf %while3A_928, %get3A_970 : vector<16xf32>
            %max3A_985 = arith.maximumf %while3A_929, %get3A_974 : vector<16xf32>
            %max3A_986 = arith.maximumf %while3A_930, %get3A_978 : vector<16xf32>
            %min3A_987 = arith.minimumf %while3A_931, %get3A_950 : vector<16xf32>
            %min3A_988 = arith.minimumf %while3A_932, %get3A_954 : vector<16xf32>
            %min3A_989 = arith.minimumf %while3A_933, %get3A_958 : vector<16xf32>
            %min3A_990 = arith.minimumf %while3A_934, %get3A_962 : vector<16xf32>
            %min3A_991 = arith.minimumf %while3A_935, %get3A_966 : vector<16xf32>
            %min3A_992 = arith.minimumf %while3A_936, %get3A_970 : vector<16xf32>
            %min3A_993 = arith.minimumf %while3A_937, %get3A_974 : vector<16xf32>
            %min3A_994 = arith.minimumf %while3A_938, %get3A_978 : vector<16xf32>
            %add3A_995 = arith.addf %while3A_939, %get3A_950 : vector<16xf32>
            %add3A_996 = arith.addf %while3A_940, %get3A_954 : vector<16xf32>
            %add3A_997 = arith.addf %while3A_941, %get3A_958 : vector<16xf32>
            %add3A_998 = arith.addf %while3A_942, %get3A_962 : vector<16xf32>
            %add3A_999 = arith.addf %while3A_943, %get3A_966 : vector<16xf32>
            %add3A_1000 = arith.addf %while3A_944, %get3A_970 : vector<16xf32>
            %add3A_1001 = arith.addf %while3A_945, %get3A_974 : vector<16xf32>
            %add3A_1002 = arith.addf %while3A_946, %get3A_978 : vector<16xf32>
            %add3A_1003 = arith.constant 1 : i32
            %add3A_1004 = arith.addi %while3A_922, %add3A_1003 : i32
            scf.yield %add3A_1004, %max3A_979, %max3A_980, %max3A_981, %max3A_982, %max3A_983, %max3A_984, %max3A_985, %max3A_986, %min3A_987, %min3A_988, %min3A_989, %min3A_990, %min3A_991, %min3A_992, %min3A_993, %min3A_994, %add3A_995, %add3A_996, %add3A_997, %add3A_998, %add3A_999, %add3A_1000, %add3A_1001, %add3A_1002 : i32, vector<16xf32>, vector<16xf32>, vector<16xf32>, vector<16xf32>, vector<16xf32>, vector<16xf32>, vector<16xf32>, vector<16xf32>, vector<16xf32>, vector<16xf32>, vector<16xf32>, vector<16xf32>, vector<16xf32>, vector<16xf32>, vector<16xf32>, vector<16xf32>, vector<16xf32>, vector<16xf32>, vector<16xf32>, vector<16xf32>, vector<16xf32>, vector<16xf32>, vector<16xf32>, vector<16xf32>
          }
          %while3A_404 = arith.constant 1 : i32
          %while3A_405:25 = scf.for %while3A_921 = %while3A_401 to %while3A_397 step %while3A_404 iter_args(%while3A_922 = %while3A_403#0, %while3A_923 = %while3A_403#1, %while3A_924 = %while3A_403#2, %while3A_925 = %while3A_403#3, %while3A_926 = %while3A_403#4, %while3A_927 = %while3A_403#5, %while3A_928 = %while3A_403#6, %while3A_929 = %while3A_403#7, %while3A_930 = %while3A_403#8, %while3A_931 = %while3A_403#9, %while3A_932 = %while3A_403#10, %while3A_933 = %while3A_403#11, %while3A_934 = %while3A_403#12, %while3A_935 = %while3A_403#13, %while3A_936 = %while3A_403#14, %while3A_937 = %while3A_403#15, %while3A_938 = %while3A_403#16, %while3A_939 = %while3A_403#17, %while3A_940 = %while3A_403#18, %while3A_941 = %while3A_403#19, %while3A_942 = %while3A_403#20, %while3A_943 = %while3A_403#21, %while3A_944 = %while3A_403#22, %while3A_945 = %while3A_403#23, %while3A_946 = %while3A_403#24) -> (i32, vector<16xf32>, vector<16xf32>, vector<16xf32>, vector<16xf32>, vector<16xf32>, vector<16xf32>, vector<16xf32>, vector<16xf32>, vector<16xf32>, vector<16xf32>, vector<16xf32>, vector<16xf32>, vector<16xf32>, vector<16xf32>, vector<16xf32>, vector<16xf32>, vector<16xf32>, vector<16xf32>, vector<16xf32>, vector<16xf32>, vector<16xf32>, vector<16xf32>, vector<16xf32>, vector<16xf32>)  : i32 {
            %get3A_947 = arith.index_cast %while3A_922 : i32 to index
            %get3A_948 = arith.constant 0 : index
            %get3A_949 = tpu.vector_load %arg6[%get3A_947, %get3A_948] {strides = array<i32>} : memref<144x256xf32, #tpu.memory_space<vmem>>, vector<1x16xf32>,
            %get3A_950 = vector.shape_cast %get3A_949 : vector<1x16xf32> to vector<16xf32>
            %get3A_951 = arith.index_cast %while3A_922 : i32 to index
            %get3A_952 = arith.constant 16 : index
            %get3A_953 = tpu.vector_load %arg6[%get3A_951, %get3A_952] {strides = array<i32>} : memref<144x256xf32, #tpu.memory_space<vmem>>, vector<1x16xf32>,
            %get3A_954 = vector.shape_cast %get3A_953 : vector<1x16xf32> to vector<16xf32>
            %get3A_955 = arith.index_cast %while3A_922 : i32 to index
            %get3A_956 = arith.constant 32 : index
            %get3A_957 = tpu.vector_load %arg6[%get3A_955, %get3A_956] {strides = array<i32>} : memref<144x256xf32, #tpu.memory_space<vmem>>, vector<1x16xf32>,
            %get3A_958 = vector.shape_cast %get3A_957 : vector<1x16xf32> to vector<16xf32>
            %get3A_959 = arith.index_cast %while3A_922 : i32 to index
            %get3A_960 = arith.constant 48 : index
            %get3A_961 = tpu.vector_load %arg6[%get3A_959, %get3A_960] {strides = array<i32>} : memref<144x256xf32, #tpu.memory_space<vmem>>, vector<1x16xf32>,
            %get3A_962 = vector.shape_cast %get3A_961 : vector<1x16xf32> to vector<16xf32>
            %get3A_963 = arith.index_cast %while3A_922 : i32 to index
            %get3A_964 = arith.constant 64 : index
            %get3A_965 = tpu.vector_load %arg6[%get3A_963, %get3A_964] {strides = array<i32>} : memref<144x256xf32, #tpu.memory_space<vmem>>, vector<1x16xf32>,
            %get3A_966 = vector.shape_cast %get3A_965 : vector<1x16xf32> to vector<16xf32>
            %get3A_967 = arith.index_cast %while3A_922 : i32 to index
            %get3A_968 = arith.constant 80 : index
            %get3A_969 = tpu.vector_load %arg6[%get3A_967, %get3A_968] {strides = array<i32>} : memref<144x256xf32, #tpu.memory_space<vmem>>, vector<1x16xf32>,
            %get3A_970 = vector.shape_cast %get3A_969 : vector<1x16xf32> to vector<16xf32>
            %get3A_971 = arith.index_cast %while3A_922 : i32 to index
            %get3A_972 = arith.constant 96 : index
            %get3A_973 = tpu.vector_load %arg6[%get3A_971, %get3A_972] {strides = array<i32>} : memref<144x256xf32, #tpu.memory_space<vmem>>, vector<1x16xf32>,
            %get3A_974 = vector.shape_cast %get3A_973 : vector<1x16xf32> to vector<16xf32>
            %get3A_975 = arith.index_cast %while3A_922 : i32 to index
            %get3A_976 = arith.constant 112 : index
            %get3A_977 = tpu.vector_load %arg6[%get3A_975, %get3A_976] {strides = array<i32>} : memref<144x256xf32, #tpu.memory_space<vmem>>, vector<1x16xf32>,
            %get3A_978 = vector.shape_cast %get3A_977 : vector<1x16xf32> to vector<16xf32>
            %max3A_979 = arith.maximumf %while3A_923, %get3A_950 : vector<16xf32>
            %max3A_980 = arith.maximumf %while3A_924, %get3A_954 : vector<16xf32>
            %max3A_981 = arith.maximumf %while3A_925, %get3A_958 : vector<16xf32>
            %max3A_982 = arith.maximumf %while3A_926, %get3A_962 : vector<16xf32>
            %max3A_983 = arith.maximumf %while3A_927, %get3A_966 : vector<16xf32>
            %max3A_984 = arith.maximumf %while3A_928, %get3A_970 : vector<16xf32>
            %max3A_985 = arith.maximumf %while3A_929, %get3A_974 : vector<16xf32>
            %max3A_986 = arith.maximumf %while3A_930, %get3A_978 : vector<16xf32>
            %min3A_987 = arith.minimumf %while3A_931, %get3A_950 : vector<16xf32>
            %min3A_988 = arith.minimumf %while3A_932, %get3A_954 : vector<16xf32>
            %min3A_989 = arith.minimumf %while3A_933, %get3A_958 : vector<16xf32>
            %min3A_990 = arith.minimumf %while3A_934, %get3A_962 : vector<16xf32>
            %min3A_991 = arith.minimumf %while3A_935, %get3A_966 : vector<16xf32>
            %min3A_992 = arith.minimumf %while3A_936, %get3A_970 : vector<16xf32>
            %min3A_993 = arith.minimumf %while3A_937, %get3A_974 : vector<16xf32>
            %min3A_994 = arith.minimumf %while3A_938, %get3A_978 : vector<16xf32>
            %add3A_995 = arith.addf %while3A_939, %get3A_950 : vector<16xf32>
            %add3A_996 = arith.addf %while3A_940, %get3A_954 : vector<16xf32>
            %add3A_997 = arith.addf %while3A_941, %get3A_958 : vector<16xf32>
            %add3A_998 = arith.addf %while3A_942, %get3A_962 : vector<16xf32>
            %add3A_999 = arith.addf %while3A_943, %get3A_966 : vector<16xf32>
            %add3A_1000 = arith.addf %while3A_944, %get3A_970 : vector<16xf32>
            %add3A_1001 = arith.addf %while3A_945, %get3A_974 : vector<16xf32>
            %add3A_1002 = arith.addf %while3A_946, %get3A_978 : vector<16xf32>
            %add3A_1003 = arith.constant 1 : i32
            %add3A_1004 = arith.addi %while3A_922, %add3A_1003 : i32
            scf.yield %add3A_1004, %max3A_979, %max3A_980, %max3A_981, %max3A_982, %max3A_983, %max3A_984, %max3A_985, %max3A_986, %min3A_987, %min3A_988, %min3A_989, %min3A_990, %min3A_991, %min3A_992, %min3A_993, %min3A_994, %add3A_995, %add3A_996, %add3A_997, %add3A_998, %add3A_999, %add3A_1000, %add3A_1001, %add3A_1002 : i32, vector<16xf32>, vector<16xf32>, vector<16xf32>, vector<16xf32>, vector<16xf32>, vector<16xf32>, vector<16xf32>, vector<16xf32>, vector<16xf32>, vector<16xf32>, vector<16xf32>, vector<16xf32>, vector<16xf32>, vector<16xf32>, vector<16xf32>, vector<16xf32>, vector<16xf32>, vector<16xf32>, vector<16xf32>, vector<16xf32>, vector<16xf32>, vector<16xf32>, vector<16xf32>, vector<16xf32>
          }
          %add3A_406 = arith.constant 0 : i32
          %add3A_407 = arith.addi %mul3A_238, %add3A_406 : i32
          %swap3A_408 = arith.index_cast %add3A_407 : i32 to index
          %swap3A_409 = tpu.vector_load %arg8[%swap3A_408] {strides = array<i32>} : memref<3072xf32, #tpu.memory_space<vmem>>, vector<16xf32>,
          %swap3A_410 = vector.shape_cast %swap3A_409 : vector<16xf32> to vector<16xf32>
          %swap3A_411 = vector.shape_cast %while3A_405#1 : vector<16xf32> to vector<16xf32>
          tpu.vector_store %arg8[%swap3A_408], %swap3A_411 {strides = array<i32>} : memref<3072xf32, #tpu.memory_space<vmem>>, vector<16xf32>,
          %add3A_412 = arith.constant 256 : i32
          %add3A_413 = arith.addi %mul3A_238, %add3A_412 : i32
          %add3A_414 = arith.constant 0 : i32
          %add3A_415 = arith.addi %add3A_413, %add3A_414 : i32
          %swap3A_416 = arith.index_cast %add3A_415 : i32 to index
          %swap3A_417 = tpu.vector_load %arg8[%swap3A_416] {strides = array<i32>} : memref<3072xf32, #tpu.memory_space<vmem>>, vector<16xf32>,
          %swap3A_418 = vector.shape_cast %swap3A_417 : vector<16xf32> to vector<16xf32>
          %swap3A_419 = vector.shape_cast %while3A_405#9 : vector<16xf32> to vector<16xf32>
          tpu.vector_store %arg8[%swap3A_416], %swap3A_419 {strides = array<i32>} : memref<3072xf32, #tpu.memory_space<vmem>>, vector<16xf32>,
          %add3A_420 = arith.constant 512 : i32
          %add3A_421 = arith.addi %mul3A_238, %add3A_420 : i32
          %add3A_422 = arith.constant 0 : i32
          %add3A_423 = arith.addi %add3A_421, %add3A_422 : i32
          %swap3A_424 = arith.index_cast %add3A_423 : i32 to index
          %swap3A_425 = tpu.vector_load %arg8[%swap3A_424] {strides = array<i32>} : memref<3072xf32, #tpu.memory_space<vmem>>, vector<16xf32>,
          %swap3A_426 = vector.shape_cast %swap3A_425 : vector<16xf32> to vector<16xf32>
          %swap3A_427 = vector.shape_cast %while3A_405#17 : vector<16xf32> to vector<16xf32>
          tpu.vector_store %arg8[%swap3A_424], %swap3A_427 {strides = array<i32>} : memref<3072xf32, #tpu.memory_space<vmem>>, vector<16xf32>,
          %add3A_428 = arith.constant 16 : i32
          %add3A_429 = arith.addi %mul3A_238, %add3A_428 : i32
          %swap3A_430 = arith.index_cast %add3A_429 : i32 to index
          %swap3A_431 = tpu.vector_load %arg8[%swap3A_430] {strides = array<i32>} : memref<3072xf32, #tpu.memory_space<vmem>>, vector<16xf32>,
          %swap3A_432 = vector.shape_cast %swap3A_431 : vector<16xf32> to vector<16xf32>
          %swap3A_433 = vector.shape_cast %while3A_405#2 : vector<16xf32> to vector<16xf32>
          tpu.vector_store %arg8[%swap3A_430], %swap3A_433 {strides = array<i32>} : memref<3072xf32, #tpu.memory_space<vmem>>, vector<16xf32>,
          %add3A_434 = arith.constant 256 : i32
          %add3A_435 = arith.addi %mul3A_238, %add3A_434 : i32
          %add3A_436 = arith.constant 16 : i32
          %add3A_437 = arith.addi %add3A_435, %add3A_436 : i32
          %swap3A_438 = arith.index_cast %add3A_437 : i32 to index
          %swap3A_439 = tpu.vector_load %arg8[%swap3A_438] {strides = array<i32>} : memref<3072xf32, #tpu.memory_space<vmem>>, vector<16xf32>,
          %swap3A_440 = vector.shape_cast %swap3A_439 : vector<16xf32> to vector<16xf32>
          %swap3A_441 = vector.shape_cast %while3A_405#10 : vector<16xf32> to vector<16xf32>
          tpu.vector_store %arg8[%swap3A_438], %swap3A_441 {strides = array<i32>} : memref<3072xf32, #tpu.memory_space<vmem>>, vector<16xf32>,
          %add3A_442 = arith.constant 512 : i32
          %add3A_443 = arith.addi %mul3A_238, %add3A_442 : i32
          %add3A_444 = arith.constant 16 : i32
          %add3A_445 = arith.addi %add3A_443, %add3A_444 : i32
          %swap3A_446 = arith.index_cast %add3A_445 : i32 to index
          %swap3A_447 = tpu.vector_load %arg8[%swap3A_446] {strides = array<i32>} : memref<3072xf32, #tpu.memory_space<vmem>>, vector<16xf32>,
          %swap3A_448 = vector.shape_cast %swap3A_447 : vector<16xf32> to vector<16xf32>
          %swap3A_449 = vector.shape_cast %while3A_405#18 : vector<16xf32> to vector<16xf32>
          tpu.vector_store %arg8[%swap3A_446], %swap3A_449 {strides = array<i32>} : memref<3072xf32, #tpu.memory_space<vmem>>, vector<16xf32>,
          %add3A_450 = arith.constant 32 : i32
          %add3A_451 = arith.addi %mul3A_238, %add3A_450 : i32
          %swap3A_452 = arith.index_cast %add3A_451 : i32 to index
          %swap3A_453 = tpu.vector_load %arg8[%swap3A_452] {strides = array<i32>} : memref<3072xf32, #tpu.memory_space<vmem>>, vector<16xf32>,
          %swap3A_454 = vector.shape_cast %swap3A_453 : vector<16xf32> to vector<16xf32>
          %swap3A_455 = vector.shape_cast %while3A_405#3 : vector<16xf32> to vector<16xf32>
          tpu.vector_store %arg8[%swap3A_452], %swap3A_455 {strides = array<i32>} : memref<3072xf32, #tpu.memory_space<vmem>>, vector<16xf32>,
          %add3A_456 = arith.constant 256 : i32
          %add3A_457 = arith.addi %mul3A_238, %add3A_456 : i32
          %add3A_458 = arith.constant 32 : i32
          %add3A_459 = arith.addi %add3A_457, %add3A_458 : i32
          %swap3A_460 = arith.index_cast %add3A_459 : i32 to index
          %swap3A_461 = tpu.vector_load %arg8[%swap3A_460] {strides = array<i32>} : memref<3072xf32, #tpu.memory_space<vmem>>, vector<16xf32>,
          %swap3A_462 = vector.shape_cast %swap3A_461 : vector<16xf32> to vector<16xf32>
          %swap3A_463 = vector.shape_cast %while3A_405#11 : vector<16xf32> to vector<16xf32>
          tpu.vector_store %arg8[%swap3A_460], %swap3A_463 {strides = array<i32>} : memref<3072xf32, #tpu.memory_space<vmem>>, vector<16xf32>,
          %add3A_464 = arith.constant 512 : i32
          %add3A_465 = arith.addi %mul3A_238, %add3A_464 : i32
          %add3A_466 = arith.constant 32 : i32
          %add3A_467 = arith.addi %add3A_465, %add3A_466 : i32
          %swap3A_468 = arith.index_cast %add3A_467 : i32 to index
          %swap3A_469 = tpu.vector_load %arg8[%swap3A_468] {strides = array<i32>} : memref<3072xf32, #tpu.memory_space<vmem>>, vector<16xf32>,
          %swap3A_470 = vector.shape_cast %swap3A_469 : vector<16xf32> to vector<16xf32>
          %swap3A_471 = vector.shape_cast %while3A_405#19 : vector<16xf32> to vector<16xf32>
          tpu.vector_store %arg8[%swap3A_468], %swap3A_471 {strides = array<i32>} : memref<3072xf32, #tpu.memory_space<vmem>>, vector<16xf32>,
          %add3A_472 = arith.constant 48 : i32
          %add3A_473 = arith.addi %mul3A_238, %add3A_472 : i32
          %swap3A_474 = arith.index_cast %add3A_473 : i32 to index
          %swap3A_475 = tpu.vector_load %arg8[%swap3A_474] {strides = array<i32>} : memref<3072xf32, #tpu.memory_space<vmem>>, vector<16xf32>,
          %swap3A_476 = vector.shape_cast %swap3A_475 : vector<16xf32> to vector<16xf32>
          %swap3A_477 = vector.shape_cast %while3A_405#4 : vector<16xf32> to vector<16xf32>
          tpu.vector_store %arg8[%swap3A_474], %swap3A_477 {strides = array<i32>} : memref<3072xf32, #tpu.memory_space<vmem>>, vector<16xf32>,
          %add3A_478 = arith.constant 256 : i32
          %add3A_479 = arith.addi %mul3A_238, %add3A_478 : i32
          %add3A_480 = arith.constant 48 : i32
          %add3A_481 = arith.addi %add3A_479, %add3A_480 : i32
          %swap3A_482 = arith.index_cast %add3A_481 : i32 to index
          %swap3A_483 = tpu.vector_load %arg8[%swap3A_482] {strides = array<i32>} : memref<3072xf32, #tpu.memory_space<vmem>>, vector<16xf32>,
          %swap3A_484 = vector.shape_cast %swap3A_483 : vector<16xf32> to vector<16xf32>
          %swap3A_485 = vector.shape_cast %while3A_405#12 : vector<16xf32> to vector<16xf32>
          tpu.vector_store %arg8[%swap3A_482], %swap3A_485 {strides = array<i32>} : memref<3072xf32, #tpu.memory_space<vmem>>, vector<16xf32>,
          %add3A_486 = arith.constant 512 : i32
          %add3A_487 = arith.addi %mul3A_238, %add3A_486 : i32
          %add3A_488 = arith.constant 48 : i32
          %add3A_489 = arith.addi %add3A_487, %add3A_488 : i32
          %swap3A_490 = arith.index_cast %add3A_489 : i32 to index
          %swap3A_491 = tpu.vector_load %arg8[%swap3A_490] {strides = array<i32>} : memref<3072xf32, #tpu.memory_space<vmem>>, vector<16xf32>,
          %swap3A_492 = vector.shape_cast %swap3A_491 : vector<16xf32> to vector<16xf32>
          %swap3A_493 = vector.shape_cast %while3A_405#20 : vector<16xf32> to vector<16xf32>
          tpu.vector_store %arg8[%swap3A_490], %swap3A_493 {strides = array<i32>} : memref<3072xf32, #tpu.memory_space<vmem>>, vector<16xf32>,
          %add3A_494 = arith.constant 64 : i32
          %add3A_495 = arith.addi %mul3A_238, %add3A_494 : i32
          %swap3A_496 = arith.index_cast %add3A_495 : i32 to index
          %swap3A_497 = tpu.vector_load %arg8[%swap3A_496] {strides = array<i32>} : memref<3072xf32, #tpu.memory_space<vmem>>, vector<16xf32>,
          %swap3A_498 = vector.shape_cast %swap3A_497 : vector<16xf32> to vector<16xf32>
          %swap3A_499 = vector.shape_cast %while3A_405#5 : vector<16xf32> to vector<16xf32>
          tpu.vector_store %arg8[%swap3A_496], %swap3A_499 {strides = array<i32>} : memref<3072xf32, #tpu.memory_space<vmem>>, vector<16xf32>,
          %add3A_500 = arith.constant 256 : i32
          %add3A_501 = arith.addi %mul3A_238, %add3A_500 : i32
          %add3A_502 = arith.constant 64 : i32
          %add3A_503 = arith.addi %add3A_501, %add3A_502 : i32
          %swap3A_504 = arith.index_cast %add3A_503 : i32 to index
          %swap3A_505 = tpu.vector_load %arg8[%swap3A_504] {strides = array<i32>} : memref<3072xf32, #tpu.memory_space<vmem>>, vector<16xf32>,
          %swap3A_506 = vector.shape_cast %swap3A_505 : vector<16xf32> to vector<16xf32>
          %swap3A_507 = vector.shape_cast %while3A_405#13 : vector<16xf32> to vector<16xf32>
          tpu.vector_store %arg8[%swap3A_504], %swap3A_507 {strides = array<i32>} : memref<3072xf32, #tpu.memory_space<vmem>>, vector<16xf32>,
          %add3A_508 = arith.constant 512 : i32
          %add3A_509 = arith.addi %mul3A_238, %add3A_508 : i32
          %add3A_510 = arith.constant 64 : i32
          %add3A_511 = arith.addi %add3A_509, %add3A_510 : i32
          %swap3A_512 = arith.index_cast %add3A_511 : i32 to index
          %swap3A_513 = tpu.vector_load %arg8[%swap3A_512] {strides = array<i32>} : memref<3072xf32, #tpu.memory_space<vmem>>, vector<16xf32>,
          %swap3A_514 = vector.shape_cast %swap3A_513 : vector<16xf32> to vector<16xf32>
          %swap3A_515 = vector.shape_cast %while3A_405#21 : vector<16xf32> to vector<16xf32>
          tpu.vector_store %arg8[%swap3A_512], %swap3A_515 {strides = array<i32>} : memref<3072xf32, #tpu.memory_space<vmem>>, vector<16xf32>,
          %add3A_516 = arith.constant 80 : i32
          %add3A_517 = arith.addi %mul3A_238, %add3A_516 : i32
          %swap3A_518 = arith.index_cast %add3A_517 : i32 to index
          %swap3A_519 = tpu.vector_load %arg8[%swap3A_518] {strides = array<i32>} : memref<3072xf32, #tpu.memory_space<vmem>>, vector<16xf32>,
          %swap3A_520 = vector.shape_cast %swap3A_519 : vector<16xf32> to vector<16xf32>
          %swap3A_521 = vector.shape_cast %while3A_405#6 : vector<16xf32> to vector<16xf32>
          tpu.vector_store %arg8[%swap3A_518], %swap3A_521 {strides = array<i32>} : memref<3072xf32, #tpu.memory_space<vmem>>, vector<16xf32>,
          %add3A_522 = arith.constant 256 : i32
          %add3A_523 = arith.addi %mul3A_238, %add3A_522 : i32
          %add3A_524 = arith.constant 80 : i32
          %add3A_525 = arith.addi %add3A_523, %add3A_524 : i32
          %swap3A_526 = arith.index_cast %add3A_525 : i32 to index
          %swap3A_527 = tpu.vector_load %arg8[%swap3A_526] {strides = array<i32>} : memref<3072xf32, #tpu.memory_space<vmem>>, vector<16xf32>,
          %swap3A_528 = vector.shape_cast %swap3A_527 : vector<16xf32> to vector<16xf32>
          %swap3A_529 = vector.shape_cast %while3A_405#14 : vector<16xf32> to vector<16xf32>
          tpu.vector_store %arg8[%swap3A_526], %swap3A_529 {strides = array<i32>} : memref<3072xf32, #tpu.memory_space<vmem>>, vector<16xf32>,
          %add3A_530 = arith.constant 512 : i32
          %add3A_531 = arith.addi %mul3A_238, %add3A_530 : i32
          %add3A_532 = arith.constant 80 : i32
          %add3A_533 = arith.addi %add3A_531, %add3A_532 : i32
          %swap3A_534 = arith.index_cast %add3A_533 : i32 to index
          %swap3A_535 = tpu.vector_load %arg8[%swap3A_534] {strides = array<i32>} : memref<3072xf32, #tpu.memory_space<vmem>>, vector<16xf32>,
          %swap3A_536 = vector.shape_cast %swap3A_535 : vector<16xf32> to vector<16xf32>
          %swap3A_537 = vector.shape_cast %while3A_405#22 : vector<16xf32> to vector<16xf32>
          tpu.vector_store %arg8[%swap3A_534], %swap3A_537 {strides = array<i32>} : memref<3072xf32, #tpu.memory_space<vmem>>, vector<16xf32>,
          %add3A_538 = arith.constant 96 : i32
          %add3A_539 = arith.addi %mul3A_238, %add3A_538 : i32
          %swap3A_540 = arith.index_cast %add3A_539 : i32 to index
          %swap3A_541 = tpu.vector_load %arg8[%swap3A_540] {strides = array<i32>} : memref<3072xf32, #tpu.memory_space<vmem>>, vector<16xf32>,
          %swap3A_542 = vector.shape_cast %swap3A_541 : vector<16xf32> to vector<16xf32>
          %swap3A_543 = vector.shape_cast %while3A_405#7 : vector<16xf32> to vector<16xf32>
          tpu.vector_store %arg8[%swap3A_540], %swap3A_543 {strides = array<i32>} : memref<3072xf32, #tpu.memory_space<vmem>>, vector<16xf32>,
          %add3A_544 = arith.constant 256 : i32
          %add3A_545 = arith.addi %mul3A_238, %add3A_544 : i32
          %add3A_546 = arith.constant 96 : i32
          %add3A_547 = arith.addi %add3A_545, %add3A_546 : i32
          %swap3A_548 = arith.index_cast %add3A_547 : i32 to index
          %swap3A_549 = tpu.vector_load %arg8[%swap3A_548] {strides = array<i32>} : memref<3072xf32, #tpu.memory_space<vmem>>, vector<16xf32>,
          %swap3A_550 = vector.shape_cast %swap3A_549 : vector<16xf32> to vector<16xf32>
          %swap3A_551 = vector.shape_cast %while3A_405#15 : vector<16xf32> to vector<16xf32>
          tpu.vector_store %arg8[%swap3A_548], %swap3A_551 {strides = array<i32>} : memref<3072xf32, #tpu.memory_space<vmem>>, vector<16xf32>,
          %add3A_552 = arith.constant 512 : i32
          %add3A_553 = arith.addi %mul3A_238, %add3A_552 : i32
          %add3A_554 = arith.constant 96 : i32
          %add3A_555 = arith.addi %add3A_553, %add3A_554 : i32
          %swap3A_556 = arith.index_cast %add3A_555 : i32 to index
          %swap3A_557 = tpu.vector_load %arg8[%swap3A_556] {strides = array<i32>} : memref<3072xf32, #tpu.memory_space<vmem>>, vector<16xf32>,
          %swap3A_558 = vector.shape_cast %swap3A_557 : vector<16xf32> to vector<16xf32>
          %swap3A_559 = vector.shape_cast %while3A_405#23 : vector<16xf32> to vector<16xf32>
          tpu.vector_store %arg8[%swap3A_556], %swap3A_559 {strides = array<i32>} : memref<3072xf32, #tpu.memory_space<vmem>>, vector<16xf32>,
          %add3A_560 = arith.constant 112 : i32
          %add3A_561 = arith.addi %mul3A_238, %add3A_560 : i32
          %swap3A_562 = arith.index_cast %add3A_561 : i32 to index
          %swap3A_563 = tpu.vector_load %arg8[%swap3A_562] {strides = array<i32>} : memref<3072xf32, #tpu.memory_space<vmem>>, vector<16xf32>,
          %swap3A_564 = vector.shape_cast %swap3A_563 : vector<16xf32> to vector<16xf32>
          %swap3A_565 = vector.shape_cast %while3A_405#8 : vector<16xf32> to vector<16xf32>
          tpu.vector_store %arg8[%swap3A_562], %swap3A_565 {strides = array<i32>} : memref<3072xf32, #tpu.memory_space<vmem>>, vector<16xf32>,
          %add3A_566 = arith.constant 256 : i32
          %add3A_567 = arith.addi %mul3A_238, %add3A_566 : i32
          %add3A_568 = arith.constant 112 : i32
          %add3A_569 = arith.addi %add3A_567, %add3A_568 : i32
          %swap3A_570 = arith.index_cast %add3A_569 : i32 to index
          %swap3A_571 = tpu.vector_load %arg8[%swap3A_570] {strides = array<i32>} : memref<3072xf32, #tpu.memory_space<vmem>>, vector<16xf32>,
          %swap3A_572 = vector.shape_cast %swap3A_571 : vector<16xf32> to vector<16xf32>
          %swap3A_573 = vector.shape_cast %while3A_405#16 : vector<16xf32> to vector<16xf32>
          tpu.vector_store %arg8[%swap3A_570], %swap3A_573 {strides = array<i32>} : memref<3072xf32, #tpu.memory_space<vmem>>, vector<16xf32>,
          %add3A_574 = arith.constant 512 : i32
          %add3A_575 = arith.addi %mul3A_238, %add3A_574 : i32
          %add3A_576 = arith.constant 112 : i32
          %add3A_577 = arith.addi %add3A_575, %add3A_576 : i32
          %swap3A_578 = arith.index_cast %add3A_577 : i32 to index
          %swap3A_579 = tpu.vector_load %arg8[%swap3A_578] {strides = array<i32>} : memref<3072xf32, #tpu.memory_space<vmem>>, vector<16xf32>,
          %swap3A_580 = vector.shape_cast %swap3A_579 : vector<16xf32> to vector<16xf32>
          %swap3A_581 = vector.shape_cast %while3A_405#24 : vector<16xf32> to vector<16xf32>
          tpu.vector_store %arg8[%swap3A_578], %swap3A_581 {strides = array<i32>} : memref<3072xf32, #tpu.memory_space<vmem>>, vector<16xf32>,
          %add3A_582 = arith.constant 128 : i32
          %add3A_583 = arith.addi %mul3A_238, %add3A_582 : i32
          %get3A_584 = arith.index_cast %add3A_583 : i32 to index
          %get3A_585 = tpu.vector_load %arg8[%get3A_584] {strides = array<i32>} : memref<3072xf32, #tpu.memory_space<vmem>>, vector<16xf32>,
          %get3A_586 = vector.shape_cast %get3A_585 : vector<16xf32> to vector<16xf32>
          %add3A_587 = arith.constant 144 : i32
          %add3A_588 = arith.addi %mul3A_238, %add3A_587 : i32
          %get3A_589 = arith.index_cast %add3A_588 : i32 to index
          %get3A_590 = tpu.vector_load %arg8[%get3A_589] {strides = array<i32>} : memref<3072xf32, #tpu.memory_space<vmem>>, vector<16xf32>,
          %get3A_591 = vector.shape_cast %get3A_590 : vector<16xf32> to vector<16xf32>
          %add3A_592 = arith.constant 160 : i32
          %add3A_593 = arith.addi %mul3A_238, %add3A_592 : i32
          %get3A_594 = arith.index_cast %add3A_593 : i32 to index
          %get3A_595 = tpu.vector_load %arg8[%get3A_594] {strides = array<i32>} : memref<3072xf32, #tpu.memory_space<vmem>>, vector<16xf32>,
          %get3A_596 = vector.shape_cast %get3A_595 : vector<16xf32> to vector<16xf32>
          %add3A_597 = arith.constant 176 : i32
          %add3A_598 = arith.addi %mul3A_238, %add3A_597 : i32
          %get3A_599 = arith.index_cast %add3A_598 : i32 to index
          %get3A_600 = tpu.vector_load %arg8[%get3A_599] {strides = array<i32>} : memref<3072xf32, #tpu.memory_space<vmem>>, vector<16xf32>,
          %get3A_601 = vector.shape_cast %get3A_600 : vector<16xf32> to vector<16xf32>
          %add3A_602 = arith.constant 192 : i32
          %add3A_603 = arith.addi %mul3A_238, %add3A_602 : i32
          %get3A_604 = arith.index_cast %add3A_603 : i32 to index
          %get3A_605 = tpu.vector_load %arg8[%get3A_604] {strides = array<i32>} : memref<3072xf32, #tpu.memory_space<vmem>>, vector<16xf32>,
          %get3A_606 = vector.shape_cast %get3A_605 : vector<16xf32> to vector<16xf32>
          %add3A_607 = arith.constant 208 : i32
          %add3A_608 = arith.addi %mul3A_238, %add3A_607 : i32
          %get3A_609 = arith.index_cast %add3A_608 : i32 to index
          %get3A_610 = tpu.vector_load %arg8[%get3A_609] {strides = array<i32>} : memref<3072xf32, #tpu.memory_space<vmem>>, vector<16xf32>,
          %get3A_611 = vector.shape_cast %get3A_610 : vector<16xf32> to vector<16xf32>
          %add3A_612 = arith.constant 224 : i32
          %add3A_613 = arith.addi %mul3A_238, %add3A_612 : i32
          %get3A_614 = arith.index_cast %add3A_613 : i32 to index
          %get3A_615 = tpu.vector_load %arg8[%get3A_614] {strides = array<i32>} : memref<3072xf32, #tpu.memory_space<vmem>>, vector<16xf32>,
          %get3A_616 = vector.shape_cast %get3A_615 : vector<16xf32> to vector<16xf32>
          %add3A_617 = arith.constant 240 : i32
          %add3A_618 = arith.addi %mul3A_238, %add3A_617 : i32
          %get3A_619 = arith.index_cast %add3A_618 : i32 to index
          %get3A_620 = tpu.vector_load %arg8[%get3A_619] {strides = array<i32>} : memref<3072xf32, #tpu.memory_space<vmem>>, vector<16xf32>,
          %get3A_621 = vector.shape_cast %get3A_620 : vector<16xf32> to vector<16xf32>
          %add3A_622 = arith.constant 256 : i32
          %add3A_623 = arith.addi %mul3A_238, %add3A_622 : i32
          %add3A_624 = arith.constant 128 : i32
          %add3A_625 = arith.addi %add3A_623, %add3A_624 : i32
          %get3A_626 = arith.index_cast %add3A_625 : i32 to index
          %get3A_627 = tpu.vector_load %arg8[%get3A_626] {strides = array<i32>} : memref<3072xf32, #tpu.memory_space<vmem>>, vector<16xf32>,
          %get3A_628 = vector.shape_cast %get3A_627 : vector<16xf32> to vector<16xf32>
          %add3A_629 = arith.constant 256 : i32
          %add3A_630 = arith.addi %mul3A_238, %add3A_629 : i32
          %add3A_631 = arith.constant 144 : i32
          %add3A_632 = arith.addi %add3A_630, %add3A_631 : i32
          %get3A_633 = arith.index_cast %add3A_632 : i32 to index
          %get3A_634 = tpu.vector_load %arg8[%get3A_633] {strides = array<i32>} : memref<3072xf32, #tpu.memory_space<vmem>>, vector<16xf32>,
          %get3A_635 = vector.shape_cast %get3A_634 : vector<16xf32> to vector<16xf32>
          %add3A_636 = arith.constant 256 : i32
          %add3A_637 = arith.addi %mul3A_238, %add3A_636 : i32
          %add3A_638 = arith.constant 160 : i32
          %add3A_639 = arith.addi %add3A_637, %add3A_638 : i32
          %get3A_640 = arith.index_cast %add3A_639 : i32 to index
          %get3A_641 = tpu.vector_load %arg8[%get3A_640] {strides = array<i32>} : memref<3072xf32, #tpu.memory_space<vmem>>, vector<16xf32>,
          %get3A_642 = vector.shape_cast %get3A_641 : vector<16xf32> to vector<16xf32>
          %add3A_643 = arith.constant 256 : i32
          %add3A_644 = arith.addi %mul3A_238, %add3A_643 : i32
          %add3A_645 = arith.constant 176 : i32
          %add3A_646 = arith.addi %add3A_644, %add3A_645 : i32
          %get3A_647 = arith.index_cast %add3A_646 : i32 to index
          %get3A_648 = tpu.vector_load %arg8[%get3A_647] {strides = array<i32>} : memref<3072xf32, #tpu.memory_space<vmem>>, vector<16xf32>,
          %get3A_649 = vector.shape_cast %get3A_648 : vector<16xf32> to vector<16xf32>
          %add3A_650 = arith.constant 256 : i32
          %add3A_651 = arith.addi %mul3A_238, %add3A_650 : i32
          %add3A_652 = arith.constant 192 : i32
          %add3A_653 = arith.addi %add3A_651, %add3A_652 : i32
          %get3A_654 = arith.index_cast %add3A_653 : i32 to index
          %get3A_655 = tpu.vector_load %arg8[%get3A_654] {strides = array<i32>} : memref<3072xf32, #tpu.memory_space<vmem>>, vector<16xf32>,
          %get3A_656 = vector.shape_cast %get3A_655 : vector<16xf32> to vector<16xf32>
          %add3A_657 = arith.constant 256 : i32
          %add3A_658 = arith.addi %mul3A_238, %add3A_657 : i32
          %add3A_659 = arith.constant 208 : i32
          %add3A_660 = arith.addi %add3A_658, %add3A_659 : i32
          %get3A_661 = arith.index_cast %add3A_660 : i32 to index
          %get3A_662 = tpu.vector_load %arg8[%get3A_661] {strides = array<i32>} : memref<3072xf32, #tpu.memory_space<vmem>>, vector<16xf32>,
          %get3A_663 = vector.shape_cast %get3A_662 : vector<16xf32> to vector<16xf32>
          %add3A_664 = arith.constant 256 : i32
          %add3A_665 = arith.addi %mul3A_238, %add3A_664 : i32
          %add3A_666 = arith.constant 224 : i32
          %add3A_667 = arith.addi %add3A_665, %add3A_666 : i32
          %get3A_668 = arith.index_cast %add3A_667 : i32 to index
          %get3A_669 = tpu.vector_load %arg8[%get3A_668] {strides = array<i32>} : memref<3072xf32, #tpu.memory_space<vmem>>, vector<16xf32>,
          %get3A_670 = vector.shape_cast %get3A_669 : vector<16xf32> to vector<16xf32>
          %add3A_671 = arith.constant 256 : i32
          %add3A_672 = arith.addi %mul3A_238, %add3A_671 : i32
          %add3A_673 = arith.constant 240 : i32
          %add3A_674 = arith.addi %add3A_672, %add3A_673 : i32
          %get3A_675 = arith.index_cast %add3A_674 : i32 to index
          %get3A_676 = tpu.vector_load %arg8[%get3A_675] {strides = array<i32>} : memref<3072xf32, #tpu.memory_space<vmem>>, vector<16xf32>,
          %get3A_677 = vector.shape_cast %get3A_676 : vector<16xf32> to vector<16xf32>
          %add3A_678 = arith.constant 512 : i32
          %add3A_679 = arith.addi %mul3A_238, %add3A_678 : i32
          %add3A_680 = arith.constant 128 : i32
          %add3A_681 = arith.addi %add3A_679, %add3A_680 : i32
          %get3A_682 = arith.index_cast %add3A_681 : i32 to index
          %get3A_683 = tpu.vector_load %arg8[%get3A_682] {strides = array<i32>} : memref<3072xf32, #tpu.memory_space<vmem>>, vector<16xf32>,
          %get3A_684 = vector.shape_cast %get3A_683 : vector<16xf32> to vector<16xf32>
          %add3A_685 = arith.constant 512 : i32
          %add3A_686 = arith.addi %mul3A_238, %add3A_685 : i32
          %add3A_687 = arith.constant 144 : i32
          %add3A_688 = arith.addi %add3A_686, %add3A_687 : i32
          %get3A_689 = arith.index_cast %add3A_688 : i32 to index
          %get3A_690 = tpu.vector_load %arg8[%get3A_689] {strides = array<i32>} : memref<3072xf32, #tpu.memory_space<vmem>>, vector<16xf32>,
          %get3A_691 = vector.shape_cast %get3A_690 : vector<16xf32> to vector<16xf32>
          %add3A_692 = arith.constant 512 : i32
          %add3A_693 = arith.addi %mul3A_238, %add3A_692 : i32
          %add3A_694 = arith.constant 160 : i32
          %add3A_695 = arith.addi %add3A_693, %add3A_694 : i32
          %get3A_696 = arith.index_cast %add3A_695 : i32 to index
          %get3A_697 = tpu.vector_load %arg8[%get3A_696] {strides = array<i32>} : memref<3072xf32, #tpu.memory_space<vmem>>, vector<16xf32>,
          %get3A_698 = vector.shape_cast %get3A_697 : vector<16xf32> to vector<16xf32>
          %add3A_699 = arith.constant 512 : i32
          %add3A_700 = arith.addi %mul3A_238, %add3A_699 : i32
          %add3A_701 = arith.constant 176 : i32
          %add3A_702 = arith.addi %add3A_700, %add3A_701 : i32
          %get3A_703 = arith.index_cast %add3A_702 : i32 to index
          %get3A_704 = tpu.vector_load %arg8[%get3A_703] {strides = array<i32>} : memref<3072xf32, #tpu.memory_space<vmem>>, vector<16xf32>,
          %get3A_705 = vector.shape_cast %get3A_704 : vector<16xf32> to vector<16xf32>
          %add3A_706 = arith.constant 512 : i32
          %add3A_707 = arith.addi %mul3A_238, %add3A_706 : i32
          %add3A_708 = arith.constant 192 : i32
          %add3A_709 = arith.addi %add3A_707, %add3A_708 : i32
          %get3A_710 = arith.index_cast %add3A_709 : i32 to index
          %get3A_711 = tpu.vector_load %arg8[%get3A_710] {strides = array<i32>} : memref<3072xf32, #tpu.memory_space<vmem>>, vector<16xf32>,
          %get3A_712 = vector.shape_cast %get3A_711 : vector<16xf32> to vector<16xf32>
          %add3A_713 = arith.constant 512 : i32
          %add3A_714 = arith.addi %mul3A_238, %add3A_713 : i32
          %add3A_715 = arith.constant 208 : i32
          %add3A_716 = arith.addi %add3A_714, %add3A_715 : i32
          %get3A_717 = arith.index_cast %add3A_716 : i32 to index
          %get3A_718 = tpu.vector_load %arg8[%get3A_717] {strides = array<i32>} : memref<3072xf32, #tpu.memory_space<vmem>>, vector<16xf32>,
          %get3A_719 = vector.shape_cast %get3A_718 : vector<16xf32> to vector<16xf32>
          %add3A_720 = arith.constant 512 : i32
          %add3A_721 = arith.addi %mul3A_238, %add3A_720 : i32
          %add3A_722 = arith.constant 224 : i32
          %add3A_723 = arith.addi %add3A_721, %add3A_722 : i32
          %get3A_724 = arith.index_cast %add3A_723 : i32 to index
          %get3A_725 = tpu.vector_load %arg8[%get3A_724] {strides = array<i32>} : memref<3072xf32, #tpu.memory_space<vmem>>, vector<16xf32>,
          %get3A_726 = vector.shape_cast %get3A_725 : vector<16xf32> to vector<16xf32>
          %add3A_727 = arith.constant 512 : i32
          %add3A_728 = arith.addi %mul3A_238, %add3A_727 : i32
          %add3A_729 = arith.constant 240 : i32
          %add3A_730 = arith.addi %add3A_728, %add3A_729 : i32
          %get3A_731 = arith.index_cast %add3A_730 : i32 to index
          %get3A_732 = tpu.vector_load %arg8[%get3A_731] {strides = array<i32>} : memref<3072xf32, #tpu.memory_space<vmem>>, vector<16xf32>,
          %get3A_733 = vector.shape_cast %get3A_732 : vector<16xf32> to vector<16xf32>
          %while3A_734 = arith.constant 0 : i32
          %while3A_735 = arith.subi %max3A_242, %while3A_734 : i32
          %while3A_736 = arith.addi %while3A_734, %while3A_735 : i32
          %while3A_737 = arith.constant 1 : i32
          %while3A_738 = arith.divsi %while3A_735, %while3A_737 : i32
          %while3A_739 = arith.muli %while3A_738, %while3A_737 : i32
          %while3A_740 = arith.addi %while3A_734, %while3A_739 : i32
          %while3A_741 = arith.constant 1 : i32
          %while3A_742:25 = scf.for %while3A_921 = %while3A_734 to %while3A_740 step %while3A_741 iter_args(%while3A_922 = %sub3A_239, %while3A_923 = %get3A_586, %while3A_924 = %get3A_591, %while3A_925 = %get3A_596, %while3A_926 = %get3A_601, %while3A_927 = %get3A_606, %while3A_928 = %get3A_611, %while3A_929 = %get3A_616, %while3A_930 = %get3A_621, %while3A_931 = %get3A_628, %while3A_932 = %get3A_635, %while3A_933 = %get3A_642, %while3A_934 = %get3A_649, %while3A_935 = %get3A_656, %while3A_936 = %get3A_663, %while3A_937 = %get3A_670, %while3A_938 = %get3A_677, %while3A_939 = %get3A_684, %while3A_940 = %get3A_691, %while3A_941 = %get3A_698, %while3A_942 = %get3A_705, %while3A_943 = %get3A_712, %while3A_944 = %get3A_719, %while3A_945 = %get3A_726, %while3A_946 = %get3A_733) -> (i32, vector<16xf32>, vector<16xf32>, vector<16xf32>, vector<16xf32>, vector<16xf32>, vector<16xf32>, vector<16xf32>, vector<16xf32>, vector<16xf32>, vector<16xf32>, vector<16xf32>, vector<16xf32>, vector<16xf32>, vector<16xf32>, vector<16xf32>, vector<16xf32>, vector<16xf32>, vector<16xf32>, vector<16xf32>, vector<16xf32>, vector<16xf32>, vector<16xf32>, vector<16xf32>, vector<16xf32>)  : i32 {
            %get3A_947 = arith.index_cast %while3A_922 : i32 to index
            %get3A_948 = arith.constant 128 : index
            %get3A_949 = tpu.vector_load %arg6[%get3A_947, %get3A_948] {strides = array<i32>} : memref<144x256xf32, #tpu.memory_space<vmem>>, vector<1x16xf32>,
            %get3A_950 = vector.shape_cast %get3A_949 : vector<1x16xf32> to vector<16xf32>
            %get3A_951 = arith.index_cast %while3A_922 : i32 to index
            %get3A_952 = arith.constant 144 : index
            %get3A_953 = tpu.vector_load %arg6[%get3A_951, %get3A_952] {strides = array<i32>} : memref<144x256xf32, #tpu.memory_space<vmem>>, vector<1x16xf32>,
            %get3A_954 = vector.shape_cast %get3A_953 : vector<1x16xf32> to vector<16xf32>
            %get3A_955 = arith.index_cast %while3A_922 : i32 to index
            %get3A_956 = arith.constant 160 : index
            %get3A_957 = tpu.vector_load %arg6[%get3A_955, %get3A_956] {strides = array<i32>} : memref<144x256xf32, #tpu.memory_space<vmem>>, vector<1x16xf32>,
            %get3A_958 = vector.shape_cast %get3A_957 : vector<1x16xf32> to vector<16xf32>
            %get3A_959 = arith.index_cast %while3A_922 : i32 to index
            %get3A_960 = arith.constant 176 : index
            %get3A_961 = tpu.vector_load %arg6[%get3A_959, %get3A_960] {strides = array<i32>} : memref<144x256xf32, #tpu.memory_space<vmem>>, vector<1x16xf32>,
            %get3A_962 = vector.shape_cast %get3A_961 : vector<1x16xf32> to vector<16xf32>
            %get3A_963 = arith.index_cast %while3A_922 : i32 to index
            %get3A_964 = arith.constant 192 : index
            %get3A_965 = tpu.vector_load %arg6[%get3A_963, %get3A_964] {strides = array<i32>} : memref<144x256xf32, #tpu.memory_space<vmem>>, vector<1x16xf32>,
            %get3A_966 = vector.shape_cast %get3A_965 : vector<1x16xf32> to vector<16xf32>
            %get3A_967 = arith.index_cast %while3A_922 : i32 to index
            %get3A_968 = arith.constant 208 : index
            %get3A_969 = tpu.vector_load %arg6[%get3A_967, %get3A_968] {strides = array<i32>} : memref<144x256xf32, #tpu.memory_space<vmem>>, vector<1x16xf32>,
            %get3A_970 = vector.shape_cast %get3A_969 : vector<1x16xf32> to vector<16xf32>
            %get3A_971 = arith.index_cast %while3A_922 : i32 to index
            %get3A_972 = arith.constant 224 : index
            %get3A_973 = tpu.vector_load %arg6[%get3A_971, %get3A_972] {strides = array<i32>} : memref<144x256xf32, #tpu.memory_space<vmem>>, vector<1x16xf32>,
            %get3A_974 = vector.shape_cast %get3A_973 : vector<1x16xf32> to vector<16xf32>
            %get3A_975 = arith.index_cast %while3A_922 : i32 to index
            %get3A_976 = arith.constant 240 : index
            %get3A_977 = tpu.vector_load %arg6[%get3A_975, %get3A_976] {strides = array<i32>} : memref<144x256xf32, #tpu.memory_space<vmem>>, vector<1x16xf32>,
            %get3A_978 = vector.shape_cast %get3A_977 : vector<1x16xf32> to vector<16xf32>
            %max3A_979 = arith.maximumf %while3A_923, %get3A_950 : vector<16xf32>
            %max3A_980 = arith.maximumf %while3A_924, %get3A_954 : vector<16xf32>
            %max3A_981 = arith.maximumf %while3A_925, %get3A_958 : vector<16xf32>
            %max3A_982 = arith.maximumf %while3A_926, %get3A_962 : vector<16xf32>
            %max3A_983 = arith.maximumf %while3A_927, %get3A_966 : vector<16xf32>
            %max3A_984 = arith.maximumf %while3A_928, %get3A_970 : vector<16xf32>
            %max3A_985 = arith.maximumf %while3A_929, %get3A_974 : vector<16xf32>
            %max3A_986 = arith.maximumf %while3A_930, %get3A_978 : vector<16xf32>
            %min3A_987 = arith.minimumf %while3A_931, %get3A_950 : vector<16xf32>
            %min3A_988 = arith.minimumf %while3A_932, %get3A_954 : vector<16xf32>
            %min3A_989 = arith.minimumf %while3A_933, %get3A_958 : vector<16xf32>
            %min3A_990 = arith.minimumf %while3A_934, %get3A_962 : vector<16xf32>
            %min3A_991 = arith.minimumf %while3A_935, %get3A_966 : vector<16xf32>
            %min3A_992 = arith.minimumf %while3A_936, %get3A_970 : vector<16xf32>
            %min3A_993 = arith.minimumf %while3A_937, %get3A_974 : vector<16xf32>
            %min3A_994 = arith.minimumf %while3A_938, %get3A_978 : vector<16xf32>
            %add3A_995 = arith.addf %while3A_939, %get3A_950 : vector<16xf32>
            %add3A_996 = arith.addf %while3A_940, %get3A_954 : vector<16xf32>
            %add3A_997 = arith.addf %while3A_941, %get3A_958 : vector<16xf32>
            %add3A_998 = arith.addf %while3A_942, %get3A_962 : vector<16xf32>
            %add3A_999 = arith.addf %while3A_943, %get3A_966 : vector<16xf32>
            %add3A_1000 = arith.addf %while3A_944, %get3A_970 : vector<16xf32>
            %add3A_1001 = arith.addf %while3A_945, %get3A_974 : vector<16xf32>
            %add3A_1002 = arith.addf %while3A_946, %get3A_978 : vector<16xf32>
            %add3A_1003 = arith.constant 1 : i32
            %add3A_1004 = arith.addi %while3A_922, %add3A_1003 : i32
            scf.yield %add3A_1004, %max3A_979, %max3A_980, %max3A_981, %max3A_982, %max3A_983, %max3A_984, %max3A_985, %max3A_986, %min3A_987, %min3A_988, %min3A_989, %min3A_990, %min3A_991, %min3A_992, %min3A_993, %min3A_994, %add3A_995, %add3A_996, %add3A_997, %add3A_998, %add3A_999, %add3A_1000, %add3A_1001, %add3A_1002 : i32, vector<16xf32>, vector<16xf32>, vector<16xf32>, vector<16xf32>, vector<16xf32>, vector<16xf32>, vector<16xf32>, vector<16xf32>, vector<16xf32>, vector<16xf32>, vector<16xf32>, vector<16xf32>, vector<16xf32>, vector<16xf32>, vector<16xf32>, vector<16xf32>, vector<16xf32>, vector<16xf32>, vector<16xf32>, vector<16xf32>, vector<16xf32>, vector<16xf32>, vector<16xf32>, vector<16xf32>
          }
          %while3A_743 = arith.constant 1 : i32
          %while3A_744:25 = scf.for %while3A_921 = %while3A_740 to %while3A_736 step %while3A_743 iter_args(%while3A_922 = %while3A_742#0, %while3A_923 = %while3A_742#1, %while3A_924 = %while3A_742#2, %while3A_925 = %while3A_742#3, %while3A_926 = %while3A_742#4, %while3A_927 = %while3A_742#5, %while3A_928 = %while3A_742#6, %while3A_929 = %while3A_742#7, %while3A_930 = %while3A_742#8, %while3A_931 = %while3A_742#9, %while3A_932 = %while3A_742#10, %while3A_933 = %while3A_742#11, %while3A_934 = %while3A_742#12, %while3A_935 = %while3A_742#13, %while3A_936 = %while3A_742#14, %while3A_937 = %while3A_742#15, %while3A_938 = %while3A_742#16, %while3A_939 = %while3A_742#17, %while3A_940 = %while3A_742#18, %while3A_941 = %while3A_742#19, %while3A_942 = %while3A_742#20, %while3A_943 = %while3A_742#21, %while3A_944 = %while3A_742#22, %while3A_945 = %while3A_742#23, %while3A_946 = %while3A_742#24) -> (i32, vector<16xf32>, vector<16xf32>, vector<16xf32>, vector<16xf32>, vector<16xf32>, vector<16xf32>, vector<16xf32>, vector<16xf32>, vector<16xf32>, vector<16xf32>, vector<16xf32>, vector<16xf32>, vector<16xf32>, vector<16xf32>, vector<16xf32>, vector<16xf32>, vector<16xf32>, vector<16xf32>, vector<16xf32>, vector<16xf32>, vector<16xf32>, vector<16xf32>, vector<16xf32>, vector<16xf32>)  : i32 {
            %get3A_947 = arith.index_cast %while3A_922 : i32 to index
            %get3A_948 = arith.constant 128 : index
            %get3A_949 = tpu.vector_load %arg6[%get3A_947, %get3A_948] {strides = array<i32>} : memref<144x256xf32, #tpu.memory_space<vmem>>, vector<1x16xf32>,
            %get3A_950 = vector.shape_cast %get3A_949 : vector<1x16xf32> to vector<16xf32>
            %get3A_951 = arith.index_cast %while3A_922 : i32 to index
            %get3A_952 = arith.constant 144 : index
            %get3A_953 = tpu.vector_load %arg6[%get3A_951, %get3A_952] {strides = array<i32>} : memref<144x256xf32, #tpu.memory_space<vmem>>, vector<1x16xf32>,
            %get3A_954 = vector.shape_cast %get3A_953 : vector<1x16xf32> to vector<16xf32>
            %get3A_955 = arith.index_cast %while3A_922 : i32 to index
            %get3A_956 = arith.constant 160 : index
            %get3A_957 = tpu.vector_load %arg6[%get3A_955, %get3A_956] {strides = array<i32>} : memref<144x256xf32, #tpu.memory_space<vmem>>, vector<1x16xf32>,
            %get3A_958 = vector.shape_cast %get3A_957 : vector<1x16xf32> to vector<16xf32>
            %get3A_959 = arith.index_cast %while3A_922 : i32 to index
            %get3A_960 = arith.constant 176 : index
            %get3A_961 = tpu.vector_load %arg6[%get3A_959, %get3A_960] {strides = array<i32>} : memref<144x256xf32, #tpu.memory_space<vmem>>, vector<1x16xf32>,
            %get3A_962 = vector.shape_cast %get3A_961 : vector<1x16xf32> to vector<16xf32>
            %get3A_963 = arith.index_cast %while3A_922 : i32 to index
            %get3A_964 = arith.constant 192 : index
            %get3A_965 = tpu.vector_load %arg6[%get3A_963, %get3A_964] {strides = array<i32>} : memref<144x256xf32, #tpu.memory_space<vmem>>, vector<1x16xf32>,
            %get3A_966 = vector.shape_cast %get3A_965 : vector<1x16xf32> to vector<16xf32>
            %get3A_967 = arith.index_cast %while3A_922 : i32 to index
            %get3A_968 = arith.constant 208 : index
            %get3A_969 = tpu.vector_load %arg6[%get3A_967, %get3A_968] {strides = array<i32>} : memref<144x256xf32, #tpu.memory_space<vmem>>, vector<1x16xf32>,
            %get3A_970 = vector.shape_cast %get3A_969 : vector<1x16xf32> to vector<16xf32>
            %get3A_971 = arith.index_cast %while3A_922 : i32 to index
            %get3A_972 = arith.constant 224 : index
            %get3A_973 = tpu.vector_load %arg6[%get3A_971, %get3A_972] {strides = array<i32>} : memref<144x256xf32, #tpu.memory_space<vmem>>, vector<1x16xf32>,
            %get3A_974 = vector.shape_cast %get3A_973 : vector<1x16xf32> to vector<16xf32>
            %get3A_975 = arith.index_cast %while3A_922 : i32 to index
            %get3A_976 = arith.constant 240 : index
            %get3A_977 = tpu.vector_load %arg6[%get3A_975, %get3A_976] {strides = array<i32>} : memref<144x256xf32, #tpu.memory_space<vmem>>, vector<1x16xf32>,
            %get3A_978 = vector.shape_cast %get3A_977 : vector<1x16xf32> to vector<16xf32>
            %max3A_979 = arith.maximumf %while3A_923, %get3A_950 : vector<16xf32>
            %max3A_980 = arith.maximumf %while3A_924, %get3A_954 : vector<16xf32>
            %max3A_981 = arith.maximumf %while3A_925, %get3A_958 : vector<16xf32>
            %max3A_982 = arith.maximumf %while3A_926, %get3A_962 : vector<16xf32>
            %max3A_983 = arith.maximumf %while3A_927, %get3A_966 : vector<16xf32>
            %max3A_984 = arith.maximumf %while3A_928, %get3A_970 : vector<16xf32>
            %max3A_985 = arith.maximumf %while3A_929, %get3A_974 : vector<16xf32>
            %max3A_986 = arith.maximumf %while3A_930, %get3A_978 : vector<16xf32>
            %min3A_987 = arith.minimumf %while3A_931, %get3A_950 : vector<16xf32>
            %min3A_988 = arith.minimumf %while3A_932, %get3A_954 : vector<16xf32>
            %min3A_989 = arith.minimumf %while3A_933, %get3A_958 : vector<16xf32>
            %min3A_990 = arith.minimumf %while3A_934, %get3A_962 : vector<16xf32>
            %min3A_991 = arith.minimumf %while3A_935, %get3A_966 : vector<16xf32>
            %min3A_992 = arith.minimumf %while3A_936, %get3A_970 : vector<16xf32>
            %min3A_993 = arith.minimumf %while3A_937, %get3A_974 : vector<16xf32>
            %min3A_994 = arith.minimumf %while3A_938, %get3A_978 : vector<16xf32>
            %add3A_995 = arith.addf %while3A_939, %get3A_950 : vector<16xf32>
            %add3A_996 = arith.addf %while3A_940, %get3A_954 : vector<16xf32>
            %add3A_997 = arith.addf %while3A_941, %get3A_958 : vector<16xf32>
            %add3A_998 = arith.addf %while3A_942, %get3A_962 : vector<16xf32>
            %add3A_999 = arith.addf %while3A_943, %get3A_966 : vector<16xf32>
            %add3A_1000 = arith.addf %while3A_944, %get3A_970 : vector<16xf32>
            %add3A_1001 = arith.addf %while3A_945, %get3A_974 : vector<16xf32>
            %add3A_1002 = arith.addf %while3A_946, %get3A_978 : vector<16xf32>
            %add3A_1003 = arith.constant 1 : i32
            %add3A_1004 = arith.addi %while3A_922, %add3A_1003 : i32
            scf.yield %add3A_1004, %max3A_979, %max3A_980, %max3A_981, %max3A_982, %max3A_983, %max3A_984, %max3A_985, %max3A_986, %min3A_987, %min3A_988, %min3A_989, %min3A_990, %min3A_991, %min3A_992, %min3A_993, %min3A_994, %add3A_995, %add3A_996, %add3A_997, %add3A_998, %add3A_999, %add3A_1000, %add3A_1001, %add3A_1002 : i32, vector<16xf32>, vector<16xf32>, vector<16xf32>, vector<16xf32>, vector<16xf32>, vector<16xf32>, vector<16xf32>, vector<16xf32>, vector<16xf32>, vector<16xf32>, vector<16xf32>, vector<16xf32>, vector<16xf32>, vector<16xf32>, vector<16xf32>, vector<16xf32>, vector<16xf32>, vector<16xf32>, vector<16xf32>, vector<16xf32>, vector<16xf32>, vector<16xf32>, vector<16xf32>, vector<16xf32>
          }
          %add3A_745 = arith.constant 128 : i32
          %add3A_746 = arith.addi %mul3A_238, %add3A_745 : i32
          %swap3A_747 = arith.index_cast %add3A_746 : i32 to index
          %swap3A_748 = tpu.vector_load %arg8[%swap3A_747] {strides = array<i32>} : memref<3072xf32, #tpu.memory_space<vmem>>, vector<16xf32>,
          %swap3A_749 = vector.shape_cast %swap3A_748 : vector<16xf32> to vector<16xf32>
          %swap3A_750 = vector.shape_cast %while3A_744#1 : vector<16xf32> to vector<16xf32>
          tpu.vector_store %arg8[%swap3A_747], %swap3A_750 {strides = array<i32>} : memref<3072xf32, #tpu.memory_space<vmem>>, vector<16xf32>,
          %add3A_751 = arith.constant 256 : i32
          %add3A_752 = arith.addi %mul3A_238, %add3A_751 : i32
          %add3A_753 = arith.constant 128 : i32
          %add3A_754 = arith.addi %add3A_752, %add3A_753 : i32
          %swap3A_755 = arith.index_cast %add3A_754 : i32 to index
          %swap3A_756 = tpu.vector_load %arg8[%swap3A_755] {strides = array<i32>} : memref<3072xf32, #tpu.memory_space<vmem>>, vector<16xf32>,
          %swap3A_757 = vector.shape_cast %swap3A_756 : vector<16xf32> to vector<16xf32>
          %swap3A_758 = vector.shape_cast %while3A_744#9 : vector<16xf32> to vector<16xf32>
          tpu.vector_store %arg8[%swap3A_755], %swap3A_758 {strides = array<i32>} : memref<3072xf32, #tpu.memory_space<vmem>>, vector<16xf32>,
          %add3A_759 = arith.constant 512 : i32
          %add3A_760 = arith.addi %mul3A_238, %add3A_759 : i32
          %add3A_761 = arith.constant 128 : i32
          %add3A_762 = arith.addi %add3A_760, %add3A_761 : i32
          %swap3A_763 = arith.index_cast %add3A_762 : i32 to index
          %swap3A_764 = tpu.vector_load %arg8[%swap3A_763] {strides = array<i32>} : memref<3072xf32, #tpu.memory_space<vmem>>, vector<16xf32>,
          %swap3A_765 = vector.shape_cast %swap3A_764 : vector<16xf32> to vector<16xf32>
          %swap3A_766 = vector.shape_cast %while3A_744#17 : vector<16xf32> to vector<16xf32>
          tpu.vector_store %arg8[%swap3A_763], %swap3A_766 {strides = array<i32>} : memref<3072xf32, #tpu.memory_space<vmem>>, vector<16xf32>,
          %add3A_767 = arith.constant 144 : i32
          %add3A_768 = arith.addi %mul3A_238, %add3A_767 : i32
          %swap3A_769 = arith.index_cast %add3A_768 : i32 to index
          %swap3A_770 = tpu.vector_load %arg8[%swap3A_769] {strides = array<i32>} : memref<3072xf32, #tpu.memory_space<vmem>>, vector<16xf32>,
          %swap3A_771 = vector.shape_cast %swap3A_770 : vector<16xf32> to vector<16xf32>
          %swap3A_772 = vector.shape_cast %while3A_744#2 : vector<16xf32> to vector<16xf32>
          tpu.vector_store %arg8[%swap3A_769], %swap3A_772 {strides = array<i32>} : memref<3072xf32, #tpu.memory_space<vmem>>, vector<16xf32>,
          %add3A_773 = arith.constant 256 : i32
          %add3A_774 = arith.addi %mul3A_238, %add3A_773 : i32
          %add3A_775 = arith.constant 144 : i32
          %add3A_776 = arith.addi %add3A_774, %add3A_775 : i32
          %swap3A_777 = arith.index_cast %add3A_776 : i32 to index
          %swap3A_778 = tpu.vector_load %arg8[%swap3A_777] {strides = array<i32>} : memref<3072xf32, #tpu.memory_space<vmem>>, vector<16xf32>,
          %swap3A_779 = vector.shape_cast %swap3A_778 : vector<16xf32> to vector<16xf32>
          %swap3A_780 = vector.shape_cast %while3A_744#10 : vector<16xf32> to vector<16xf32>
          tpu.vector_store %arg8[%swap3A_777], %swap3A_780 {strides = array<i32>} : memref<3072xf32, #tpu.memory_space<vmem>>, vector<16xf32>,
          %add3A_781 = arith.constant 512 : i32
          %add3A_782 = arith.addi %mul3A_238, %add3A_781 : i32
          %add3A_783 = arith.constant 144 : i32
          %add3A_784 = arith.addi %add3A_782, %add3A_783 : i32
          %swap3A_785 = arith.index_cast %add3A_784 : i32 to index
          %swap3A_786 = tpu.vector_load %arg8[%swap3A_785] {strides = array<i32>} : memref<3072xf32, #tpu.memory_space<vmem>>, vector<16xf32>,
          %swap3A_787 = vector.shape_cast %swap3A_786 : vector<16xf32> to vector<16xf32>
          %swap3A_788 = vector.shape_cast %while3A_744#18 : vector<16xf32> to vector<16xf32>
          tpu.vector_store %arg8[%swap3A_785], %swap3A_788 {strides = array<i32>} : memref<3072xf32, #tpu.memory_space<vmem>>, vector<16xf32>,
          %add3A_789 = arith.constant 160 : i32
          %add3A_790 = arith.addi %mul3A_238, %add3A_789 : i32
          %swap3A_791 = arith.index_cast %add3A_790 : i32 to index
          %swap3A_792 = tpu.vector_load %arg8[%swap3A_791] {strides = array<i32>} : memref<3072xf32, #tpu.memory_space<vmem>>, vector<16xf32>,
          %swap3A_793 = vector.shape_cast %swap3A_792 : vector<16xf32> to vector<16xf32>
          %swap3A_794 = vector.shape_cast %while3A_744#3 : vector<16xf32> to vector<16xf32>
          tpu.vector_store %arg8[%swap3A_791], %swap3A_794 {strides = array<i32>} : memref<3072xf32, #tpu.memory_space<vmem>>, vector<16xf32>,
          %add3A_795 = arith.constant 256 : i32
          %add3A_796 = arith.addi %mul3A_238, %add3A_795 : i32
          %add3A_797 = arith.constant 160 : i32
          %add3A_798 = arith.addi %add3A_796, %add3A_797 : i32
          %swap3A_799 = arith.index_cast %add3A_798 : i32 to index
          %swap3A_800 = tpu.vector_load %arg8[%swap3A_799] {strides = array<i32>} : memref<3072xf32, #tpu.memory_space<vmem>>, vector<16xf32>,
          %swap3A_801 = vector.shape_cast %swap3A_800 : vector<16xf32> to vector<16xf32>
          %swap3A_802 = vector.shape_cast %while3A_744#11 : vector<16xf32> to vector<16xf32>
          tpu.vector_store %arg8[%swap3A_799], %swap3A_802 {strides = array<i32>} : memref<3072xf32, #tpu.memory_space<vmem>>, vector<16xf32>,
          %add3A_803 = arith.constant 512 : i32
          %add3A_804 = arith.addi %mul3A_238, %add3A_803 : i32
          %add3A_805 = arith.constant 160 : i32
          %add3A_806 = arith.addi %add3A_804, %add3A_805 : i32
          %swap3A_807 = arith.index_cast %add3A_806 : i32 to index
          %swap3A_808 = tpu.vector_load %arg8[%swap3A_807] {strides = array<i32>} : memref<3072xf32, #tpu.memory_space<vmem>>, vector<16xf32>,
          %swap3A_809 = vector.shape_cast %swap3A_808 : vector<16xf32> to vector<16xf32>
          %swap3A_810 = vector.shape_cast %while3A_744#19 : vector<16xf32> to vector<16xf32>
          tpu.vector_store %arg8[%swap3A_807], %swap3A_810 {strides = array<i32>} : memref<3072xf32, #tpu.memory_space<vmem>>, vector<16xf32>,
          %add3A_811 = arith.constant 176 : i32
          %add3A_812 = arith.addi %mul3A_238, %add3A_811 : i32
          %swap3A_813 = arith.index_cast %add3A_812 : i32 to index
          %swap3A_814 = tpu.vector_load %arg8[%swap3A_813] {strides = array<i32>} : memref<3072xf32, #tpu.memory_space<vmem>>, vector<16xf32>,
          %swap3A_815 = vector.shape_cast %swap3A_814 : vector<16xf32> to vector<16xf32>
          %swap3A_816 = vector.shape_cast %while3A_744#4 : vector<16xf32> to vector<16xf32>
          tpu.vector_store %arg8[%swap3A_813], %swap3A_816 {strides = array<i32>} : memref<3072xf32, #tpu.memory_space<vmem>>, vector<16xf32>,
          %add3A_817 = arith.constant 256 : i32
          %add3A_818 = arith.addi %mul3A_238, %add3A_817 : i32
          %add3A_819 = arith.constant 176 : i32
          %add3A_820 = arith.addi %add3A_818, %add3A_819 : i32
          %swap3A_821 = arith.index_cast %add3A_820 : i32 to index
          %swap3A_822 = tpu.vector_load %arg8[%swap3A_821] {strides = array<i32>} : memref<3072xf32, #tpu.memory_space<vmem>>, vector<16xf32>,
          %swap3A_823 = vector.shape_cast %swap3A_822 : vector<16xf32> to vector<16xf32>
          %swap3A_824 = vector.shape_cast %while3A_744#12 : vector<16xf32> to vector<16xf32>
          tpu.vector_store %arg8[%swap3A_821], %swap3A_824 {strides = array<i32>} : memref<3072xf32, #tpu.memory_space<vmem>>, vector<16xf32>,
          %add3A_825 = arith.constant 512 : i32
          %add3A_826 = arith.addi %mul3A_238, %add3A_825 : i32
          %add3A_827 = arith.constant 176 : i32
          %add3A_828 = arith.addi %add3A_826, %add3A_827 : i32
          %swap3A_829 = arith.index_cast %add3A_828 : i32 to index
          %swap3A_830 = tpu.vector_load %arg8[%swap3A_829] {strides = array<i32>} : memref<3072xf32, #tpu.memory_space<vmem>>, vector<16xf32>,
          %swap3A_831 = vector.shape_cast %swap3A_830 : vector<16xf32> to vector<16xf32>
          %swap3A_832 = vector.shape_cast %while3A_744#20 : vector<16xf32> to vector<16xf32>
          tpu.vector_store %arg8[%swap3A_829], %swap3A_832 {strides = array<i32>} : memref<3072xf32, #tpu.memory_space<vmem>>, vector<16xf32>,
          %add3A_833 = arith.constant 192 : i32
          %add3A_834 = arith.addi %mul3A_238, %add3A_833 : i32
          %swap3A_835 = arith.index_cast %add3A_834 : i32 to index
          %swap3A_836 = tpu.vector_load %arg8[%swap3A_835] {strides = array<i32>} : memref<3072xf32, #tpu.memory_space<vmem>>, vector<16xf32>,
          %swap3A_837 = vector.shape_cast %swap3A_836 : vector<16xf32> to vector<16xf32>
          %swap3A_838 = vector.shape_cast %while3A_744#5 : vector<16xf32> to vector<16xf32>
          tpu.vector_store %arg8[%swap3A_835], %swap3A_838 {strides = array<i32>} : memref<3072xf32, #tpu.memory_space<vmem>>, vector<16xf32>,
          %add3A_839 = arith.constant 256 : i32
          %add3A_840 = arith.addi %mul3A_238, %add3A_839 : i32
          %add3A_841 = arith.constant 192 : i32
          %add3A_842 = arith.addi %add3A_840, %add3A_841 : i32
          %swap3A_843 = arith.index_cast %add3A_842 : i32 to index
          %swap3A_844 = tpu.vector_load %arg8[%swap3A_843] {strides = array<i32>} : memref<3072xf32, #tpu.memory_space<vmem>>, vector<16xf32>,
          %swap3A_845 = vector.shape_cast %swap3A_844 : vector<16xf32> to vector<16xf32>
          %swap3A_846 = vector.shape_cast %while3A_744#13 : vector<16xf32> to vector<16xf32>
          tpu.vector_store %arg8[%swap3A_843], %swap3A_846 {strides = array<i32>} : memref<3072xf32, #tpu.memory_space<vmem>>, vector<16xf32>,
          %add3A_847 = arith.constant 512 : i32
          %add3A_848 = arith.addi %mul3A_238, %add3A_847 : i32
          %add3A_849 = arith.constant 192 : i32
          %add3A_850 = arith.addi %add3A_848, %add3A_849 : i32
          %swap3A_851 = arith.index_cast %add3A_850 : i32 to index
          %swap3A_852 = tpu.vector_load %arg8[%swap3A_851] {strides = array<i32>} : memref<3072xf32, #tpu.memory_space<vmem>>, vector<16xf32>,
          %swap3A_853 = vector.shape_cast %swap3A_852 : vector<16xf32> to vector<16xf32>
          %swap3A_854 = vector.shape_cast %while3A_744#21 : vector<16xf32> to vector<16xf32>
          tpu.vector_store %arg8[%swap3A_851], %swap3A_854 {strides = array<i32>} : memref<3072xf32, #tpu.memory_space<vmem>>, vector<16xf32>,
          %add3A_855 = arith.constant 208 : i32
          %add3A_856 = arith.addi %mul3A_238, %add3A_855 : i32
          %swap3A_857 = arith.index_cast %add3A_856 : i32 to index
          %swap3A_858 = tpu.vector_load %arg8[%swap3A_857] {strides = array<i32>} : memref<3072xf32, #tpu.memory_space<vmem>>, vector<16xf32>,
          %swap3A_859 = vector.shape_cast %swap3A_858 : vector<16xf32> to vector<16xf32>
          %swap3A_860 = vector.shape_cast %while3A_744#6 : vector<16xf32> to vector<16xf32>
          tpu.vector_store %arg8[%swap3A_857], %swap3A_860 {strides = array<i32>} : memref<3072xf32, #tpu.memory_space<vmem>>, vector<16xf32>,
          %add3A_861 = arith.constant 256 : i32
          %add3A_862 = arith.addi %mul3A_238, %add3A_861 : i32
          %add3A_863 = arith.constant 208 : i32
          %add3A_864 = arith.addi %add3A_862, %add3A_863 : i32
          %swap3A_865 = arith.index_cast %add3A_864 : i32 to index
          %swap3A_866 = tpu.vector_load %arg8[%swap3A_865] {strides = array<i32>} : memref<3072xf32, #tpu.memory_space<vmem>>, vector<16xf32>,
          %swap3A_867 = vector.shape_cast %swap3A_866 : vector<16xf32> to vector<16xf32>
          %swap3A_868 = vector.shape_cast %while3A_744#14 : vector<16xf32> to vector<16xf32>
          tpu.vector_store %arg8[%swap3A_865], %swap3A_868 {strides = array<i32>} : memref<3072xf32, #tpu.memory_space<vmem>>, vector<16xf32>,
          %add3A_869 = arith.constant 512 : i32
          %add3A_870 = arith.addi %mul3A_238, %add3A_869 : i32
          %add3A_871 = arith.constant 208 : i32
          %add3A_872 = arith.addi %add3A_870, %add3A_871 : i32
          %swap3A_873 = arith.index_cast %add3A_872 : i32 to index
          %swap3A_874 = tpu.vector_load %arg8[%swap3A_873] {strides = array<i32>} : memref<3072xf32, #tpu.memory_space<vmem>>, vector<16xf32>,
          %swap3A_875 = vector.shape_cast %swap3A_874 : vector<16xf32> to vector<16xf32>
          %swap3A_876 = vector.shape_cast %while3A_744#22 : vector<16xf32> to vector<16xf32>
          tpu.vector_store %arg8[%swap3A_873], %swap3A_876 {strides = array<i32>} : memref<3072xf32, #tpu.memory_space<vmem>>, vector<16xf32>,
          %add3A_877 = arith.constant 224 : i32
          %add3A_878 = arith.addi %mul3A_238, %add3A_877 : i32
          %swap3A_879 = arith.index_cast %add3A_878 : i32 to index
          %swap3A_880 = tpu.vector_load %arg8[%swap3A_879] {strides = array<i32>} : memref<3072xf32, #tpu.memory_space<vmem>>, vector<16xf32>,
          %swap3A_881 = vector.shape_cast %swap3A_880 : vector<16xf32> to vector<16xf32>
          %swap3A_882 = vector.shape_cast %while3A_744#7 : vector<16xf32> to vector<16xf32>
          tpu.vector_store %arg8[%swap3A_879], %swap3A_882 {strides = array<i32>} : memref<3072xf32, #tpu.memory_space<vmem>>, vector<16xf32>,
          %add3A_883 = arith.constant 256 : i32
          %add3A_884 = arith.addi %mul3A_238, %add3A_883 : i32
          %add3A_885 = arith.constant 224 : i32
          %add3A_886 = arith.addi %add3A_884, %add3A_885 : i32
          %swap3A_887 = arith.index_cast %add3A_886 : i32 to index
          %swap3A_888 = tpu.vector_load %arg8[%swap3A_887] {strides = array<i32>} : memref<3072xf32, #tpu.memory_space<vmem>>, vector<16xf32>,
          %swap3A_889 = vector.shape_cast %swap3A_888 : vector<16xf32> to vector<16xf32>
          %swap3A_890 = vector.shape_cast %while3A_744#15 : vector<16xf32> to vector<16xf32>
          tpu.vector_store %arg8[%swap3A_887], %swap3A_890 {strides = array<i32>} : memref<3072xf32, #tpu.memory_space<vmem>>, vector<16xf32>,
          %add3A_891 = arith.constant 512 : i32
          %add3A_892 = arith.addi %mul3A_238, %add3A_891 : i32
          %add3A_893 = arith.constant 224 : i32
          %add3A_894 = arith.addi %add3A_892, %add3A_893 : i32
          %swap3A_895 = arith.index_cast %add3A_894 : i32 to index
          %swap3A_896 = tpu.vector_load %arg8[%swap3A_895] {strides = array<i32>} : memref<3072xf32, #tpu.memory_space<vmem>>, vector<16xf32>,
          %swap3A_897 = vector.shape_cast %swap3A_896 : vector<16xf32> to vector<16xf32>
          %swap3A_898 = vector.shape_cast %while3A_744#23 : vector<16xf32> to vector<16xf32>
          tpu.vector_store %arg8[%swap3A_895], %swap3A_898 {strides = array<i32>} : memref<3072xf32, #tpu.memory_space<vmem>>, vector<16xf32>,
          %add3A_899 = arith.constant 240 : i32
          %add3A_900 = arith.addi %mul3A_238, %add3A_899 : i32
          %swap3A_901 = arith.index_cast %add3A_900 : i32 to index
          %swap3A_902 = tpu.vector_load %arg8[%swap3A_901] {strides = array<i32>} : memref<3072xf32, #tpu.memory_space<vmem>>, vector<16xf32>,
          %swap3A_903 = vector.shape_cast %swap3A_902 : vector<16xf32> to vector<16xf32>
          %swap3A_904 = vector.shape_cast %while3A_744#8 : vector<16xf32> to vector<16xf32>
          tpu.vector_store %arg8[%swap3A_901], %swap3A_904 {strides = array<i32>} : memref<3072xf32, #tpu.memory_space<vmem>>, vector<16xf32>,
          %add3A_905 = arith.constant 256 : i32
          %add3A_906 = arith.addi %mul3A_238, %add3A_905 : i32
          %add3A_907 = arith.constant 240 : i32
          %add3A_908 = arith.addi %add3A_906, %add3A_907 : i32
          %swap3A_909 = arith.index_cast %add3A_908 : i32 to index
          %swap3A_910 = tpu.vector_load %arg8[%swap3A_909] {strides = array<i32>} : memref<3072xf32, #tpu.memory_space<vmem>>, vector<16xf32>,
          %swap3A_911 = vector.shape_cast %swap3A_910 : vector<16xf32> to vector<16xf32>
          %swap3A_912 = vector.shape_cast %while3A_744#16 : vector<16xf32> to vector<16xf32>
          tpu.vector_store %arg8[%swap3A_909], %swap3A_912 {strides = array<i32>} : memref<3072xf32, #tpu.memory_space<vmem>>, vector<16xf32>,
          %add3A_913 = arith.constant 512 : i32
          %add3A_914 = arith.addi %mul3A_238, %add3A_913 : i32
          %add3A_915 = arith.constant 240 : i32
          %add3A_916 = arith.addi %add3A_914, %add3A_915 : i32
          %swap3A_917 = arith.index_cast %add3A_916 : i32 to index
          %swap3A_918 = tpu.vector_load %arg8[%swap3A_917] {strides = array<i32>} : memref<3072xf32, #tpu.memory_space<vmem>>, vector<16xf32>,
          %swap3A_919 = vector.shape_cast %swap3A_918 : vector<16xf32> to vector<16xf32>
          %swap3A_920 = vector.shape_cast %while3A_744#24 : vector<16xf32> to vector<16xf32>
          tpu.vector_store %arg8[%swap3A_917], %swap3A_920 {strides = array<i32>} : memref<3072xf32, #tpu.memory_space<vmem>>, vector<16xf32>,
        } else {
        }
        %scan3A_234 = arith.constant 0 : i32
        scf.yield %scan3A_234 : i32
      }
      %scan3A_207 = arith.constant 4 : i32
      %add3A_208 = arith.constant 2 : i32
      %add3A_209 = arith.addi %mul3A_179, %add3A_208 : i32
      %lt3A_210 = arith.cmpi slt, %add3A_209, %select_n3A_129 : i32
      %convert_element_type3A_211 = arith.extui %lt3A_210 : i1 to i32
      %cond3A_212 = arith.constant 0 : i32
      %cond3A_213 = arith.cmpi ne, %convert_element_type3A_211, %cond3A_212 : i32
      scf.if %cond3A_213 {
        %add3A_219 = arith.constant 2 : i32
        %add3A_220 = arith.addi %mul3A_179, %add3A_219 : i32
        %mul3A_221 = arith.constant 144 : i32
        %mul3A_222 = arith.muli %add3A_220, %mul3A_221 : i32
        %add3A_223 = arith.addi %mul3A_100, %mul3A_222 : i32
        %min3A_224 = arith.constant 49856 : i32
        %min3A_225 = arith.minsi %add3A_223, %min3A_224 : i32
        %multiple_of3A_226 = tpu.assume_multiple %min3A_225, 8 : i32
        %dma_start3A = arith.constant 0 : i32
        %dma_start3A_227 = tpu.memref_slice %arg2[%multiple_of3A_226, %dma_start3A] : memref<50000x256xf32, #tpu.memory_space<hbm>> -> memref<144x256xf32, #tpu.memory_space<hbm>>
        %dma_start3A_228 = arith.constant 0 : i32
        %dma_start3A_229 = tpu.memref_slice %arg2[%multiple_of3A_226, %dma_start3A_228] : memref<50000x256xf32, #tpu.memory_space<hbm>> -> memref<144x256xf32, #tpu.memory_space<hbm>>
        tpu.enqueue_dma source(%dma_start3A_229 : memref<144x256xf32, #tpu.memory_space<hbm>>) target(%arg6 : memref<144x256xf32, #tpu.memory_space<vmem>>) target_semaphore(%arg10 : memref<!tpu.dma_semaphore, #tpu.memory_space<semaphore_mem>>)
      } else {
      }
      %lt3A_214 = arith.cmpi slt, %add3A_181, %select_n3A_129 : i32
      %convert_element_type3A_215 = arith.extui %lt3A_214 : i1 to i32
      %cond3A_216 = arith.constant 0 : i32
      %cond3A_217 = arith.cmpi ne, %convert_element_type3A_215, %cond3A_216 : i32
      scf.if %cond3A_217 {
        %mul3A_219 = arith.constant 144 : i32
        %mul3A_220 = arith.muli %add3A_181, %mul3A_219 : i32
        %add3A_221 = arith.addi %mul3A_100, %mul3A_220 : i32
        %min3A_222 = arith.constant 49856 : i32
        %min3A_223 = arith.minsi %add3A_221, %min3A_222 : i32
        %multiple_of3A_224 = tpu.assume_multiple %min3A_223, 8 : i32
        %dma_wait3A_225 = arith.constant 0 : i32
        %dma_wait3A_226 = tpu.memref_slice %arg2[%multiple_of3A_224, %dma_wait3A_225] : memref<50000x256xf32, #tpu.memory_space<hbm>> -> memref<144x256xf32, #tpu.memory_space<hbm>>
        %dma_wait3A_227 = arith.constant 0 : i32
        %dma_wait3A_228 = tpu.memref_slice %arg2[%multiple_of3A_224, %dma_wait3A_227] : memref<50000x256xf32, #tpu.memory_space<hbm>> -> memref<144x256xf32, #tpu.memory_space<hbm>>
        tpu.wait_dma2 semaphore(%arg11 : memref<!tpu.dma_semaphore, #tpu.memory_space<semaphore_mem>>) src(%dma_wait3A_228 : memref<144x256xf32, #tpu.memory_space<hbm>>) dst(%arg7 : memref<144x256xf32, #tpu.memory_space<vmem>>)
        %mul3A_229 = arith.constant 144 : i32
        %mul3A_230 = arith.muli %add3A_181, %mul3A_229 : i32
        %add3A_231 = arith.addi %mul3A_100, %mul3A_230 : i32
        %mul3A_232 = arith.constant 144 : i32
        %mul3A_233 = arith.muli %add3A_181, %mul3A_232 : i32
        %add3A_234 = arith.addi %mul3A_100, %mul3A_233 : i32
        %min3A_235 = arith.constant 49856 : i32
        %min3A_236 = arith.minsi %add3A_234, %min3A_235 : i32
        %multiple_of3A_237 = tpu.assume_multiple %min3A_236, 8 : i32
        %scan3A_238 = arith.constant 0 : i32
        %scan3A_239 = arith.constant 0 : i32
        %scan3A_240 = arith.constant 4 : i32
        %scan3A_241 = arith.addi %scan3A_239, %scan3A_240 : i32
        %scan3A_242 = arith.constant 1 : i32
        %scan3A_243 = scf.for %scan3A_245 = %scan3A_239 to %scan3A_241 step %scan3A_242 iter_args(%scan3A_246 = %scan3A_238) -> (i32)  : i32 {
          %get3A_247 = arith.index_cast %scan3A_245 : i32 to index
          %get3A_248 = memref.load %arg9[%get3A_247] : memref<5xi32, #tpu.memory_space<smem>>
          %max3A = arith.maxsi %get3A_248, %add3A_231 : i32
          %add3A_249 = arith.constant 1 : i32
          %add3A_250 = arith.addi %scan3A_245, %add3A_249 : i32
          %get3A_251 = arith.index_cast %add3A_250 : i32 to index
          %get3A_252 = memref.load %arg9[%get3A_251] : memref<5xi32, #tpu.memory_space<smem>>
          %add3A_253 = arith.constant 144 : i32
          %add3A_254 = arith.addi %add3A_231, %add3A_253 : i32
          %min3A_255 = arith.minsi %get3A_252, %add3A_254 : i32
          %gt3A_256 = arith.cmpi sgt, %min3A_255, %max3A : i32
          %convert_element_type3A_257 = arith.extui %gt3A_256 : i1 to i32
          %cond3A_258 = arith.constant 0 : i32
          %cond3A_259 = arith.cmpi ne, %convert_element_type3A_257, %cond3A_258 : i32
          scf.if %cond3A_259 {
            %mul3A_261 = arith.constant 3 : i32
            %mul3A_262 = arith.muli %scan3A_245, %mul3A_261 : i32
            %mul3A_263 = arith.constant 256 : i32
            %mul3A_264 = arith.muli %mul3A_262, %mul3A_263 : i32
            %sub3A_265 = arith.subi %max3A, %multiple_of3A_237 : i32
            %sub3A_266 = arith.subi %min3A_255, %max3A : i32
            %max3A_267 = arith.constant 0 : i32
            %max3A_268 = arith.maxsi %sub3A_266, %max3A_267 : i32
            %add3A_269 = arith.constant 0 : i32
            %add3A_270 = arith.addi %mul3A_264, %add3A_269 : i32
            %get3A_271 = arith.index_cast %add3A_270 : i32 to index
            %get3A_272 = tpu.vector_load %arg8[%get3A_271] {strides = array<i32>} : memref<3072xf32, #tpu.memory_space<vmem>>, vector<16xf32>,
            %get3A_273 = vector.shape_cast %get3A_272 : vector<16xf32> to vector<16xf32>
            %add3A_274 = arith.constant 16 : i32
            %add3A_275 = arith.addi %mul3A_264, %add3A_274 : i32
            %get3A_276 = arith.index_cast %add3A_275 : i32 to index
            %get3A_277 = tpu.vector_load %arg8[%get3A_276] {strides = array<i32>} : memref<3072xf32, #tpu.memory_space<vmem>>, vector<16xf32>,
            %get3A_278 = vector.shape_cast %get3A_277 : vector<16xf32> to vector<16xf32>
            %add3A_279 = arith.constant 32 : i32
            %add3A_280 = arith.addi %mul3A_264, %add3A_279 : i32
            %get3A_281 = arith.index_cast %add3A_280 : i32 to index
            %get3A_282 = tpu.vector_load %arg8[%get3A_281] {strides = array<i32>} : memref<3072xf32, #tpu.memory_space<vmem>>, vector<16xf32>,
            %get3A_283 = vector.shape_cast %get3A_282 : vector<16xf32> to vector<16xf32>
            %add3A_284 = arith.constant 48 : i32
            %add3A_285 = arith.addi %mul3A_264, %add3A_284 : i32
            %get3A_286 = arith.index_cast %add3A_285 : i32 to index
            %get3A_287 = tpu.vector_load %arg8[%get3A_286] {strides = array<i32>} : memref<3072xf32, #tpu.memory_space<vmem>>, vector<16xf32>,
            %get3A_288 = vector.shape_cast %get3A_287 : vector<16xf32> to vector<16xf32>
            %add3A_289 = arith.constant 64 : i32
            %add3A_290 = arith.addi %mul3A_264, %add3A_289 : i32
            %get3A_291 = arith.index_cast %add3A_290 : i32 to index
            %get3A_292 = tpu.vector_load %arg8[%get3A_291] {strides = array<i32>} : memref<3072xf32, #tpu.memory_space<vmem>>, vector<16xf32>,
            %get3A_293 = vector.shape_cast %get3A_292 : vector<16xf32> to vector<16xf32>
            %add3A_294 = arith.constant 80 : i32
            %add3A_295 = arith.addi %mul3A_264, %add3A_294 : i32
            %get3A_296 = arith.index_cast %add3A_295 : i32 to index
            %get3A_297 = tpu.vector_load %arg8[%get3A_296] {strides = array<i32>} : memref<3072xf32, #tpu.memory_space<vmem>>, vector<16xf32>,
            %get3A_298 = vector.shape_cast %get3A_297 : vector<16xf32> to vector<16xf32>
            %add3A_299 = arith.constant 96 : i32
            %add3A_300 = arith.addi %mul3A_264, %add3A_299 : i32
            %get3A_301 = arith.index_cast %add3A_300 : i32 to index
            %get3A_302 = tpu.vector_load %arg8[%get3A_301] {strides = array<i32>} : memref<3072xf32, #tpu.memory_space<vmem>>, vector<16xf32>,
            %get3A_303 = vector.shape_cast %get3A_302 : vector<16xf32> to vector<16xf32>
            %add3A_304 = arith.constant 112 : i32
            %add3A_305 = arith.addi %mul3A_264, %add3A_304 : i32
            %get3A_306 = arith.index_cast %add3A_305 : i32 to index
            %get3A_307 = tpu.vector_load %arg8[%get3A_306] {strides = array<i32>} : memref<3072xf32, #tpu.memory_space<vmem>>, vector<16xf32>,
            %get3A_308 = vector.shape_cast %get3A_307 : vector<16xf32> to vector<16xf32>
            %add3A_309 = arith.constant 256 : i32
            %add3A_310 = arith.addi %mul3A_264, %add3A_309 : i32
            %add3A_311 = arith.constant 0 : i32
            %add3A_312 = arith.addi %add3A_310, %add3A_311 : i32
            %get3A_313 = arith.index_cast %add3A_312 : i32 to index
            %get3A_314 = tpu.vector_load %arg8[%get3A_313] {strides = array<i32>} : memref<3072xf32, #tpu.memory_space<vmem>>, vector<16xf32>,
            %get3A_315 = vector.shape_cast %get3A_314 : vector<16xf32> to vector<16xf32>
            %add3A_316 = arith.constant 256 : i32
            %add3A_317 = arith.addi %mul3A_264, %add3A_316 : i32
            %add3A_318 = arith.constant 16 : i32
            %add3A_319 = arith.addi %add3A_317, %add3A_318 : i32
            %get3A_320 = arith.index_cast %add3A_319 : i32 to index
            %get3A_321 = tpu.vector_load %arg8[%get3A_320] {strides = array<i32>} : memref<3072xf32, #tpu.memory_space<vmem>>, vector<16xf32>,
            %get3A_322 = vector.shape_cast %get3A_321 : vector<16xf32> to vector<16xf32>
            %add3A_323 = arith.constant 256 : i32
            %add3A_324 = arith.addi %mul3A_264, %add3A_323 : i32
            %add3A_325 = arith.constant 32 : i32
            %add3A_326 = arith.addi %add3A_324, %add3A_325 : i32
            %get3A_327 = arith.index_cast %add3A_326 : i32 to index
            %get3A_328 = tpu.vector_load %arg8[%get3A_327] {strides = array<i32>} : memref<3072xf32, #tpu.memory_space<vmem>>, vector<16xf32>,
            %get3A_329 = vector.shape_cast %get3A_328 : vector<16xf32> to vector<16xf32>
            %add3A_330 = arith.constant 256 : i32
            %add3A_331 = arith.addi %mul3A_264, %add3A_330 : i32
            %add3A_332 = arith.constant 48 : i32
            %add3A_333 = arith.addi %add3A_331, %add3A_332 : i32
            %get3A_334 = arith.index_cast %add3A_333 : i32 to index
            %get3A_335 = tpu.vector_load %arg8[%get3A_334] {strides = array<i32>} : memref<3072xf32, #tpu.memory_space<vmem>>, vector<16xf32>,
            %get3A_336 = vector.shape_cast %get3A_335 : vector<16xf32> to vector<16xf32>
            %add3A_337 = arith.constant 256 : i32
            %add3A_338 = arith.addi %mul3A_264, %add3A_337 : i32
            %add3A_339 = arith.constant 64 : i32
            %add3A_340 = arith.addi %add3A_338, %add3A_339 : i32
            %get3A_341 = arith.index_cast %add3A_340 : i32 to index
            %get3A_342 = tpu.vector_load %arg8[%get3A_341] {strides = array<i32>} : memref<3072xf32, #tpu.memory_space<vmem>>, vector<16xf32>,
            %get3A_343 = vector.shape_cast %get3A_342 : vector<16xf32> to vector<16xf32>
            %add3A_344 = arith.constant 256 : i32
            %add3A_345 = arith.addi %mul3A_264, %add3A_344 : i32
            %add3A_346 = arith.constant 80 : i32
            %add3A_347 = arith.addi %add3A_345, %add3A_346 : i32
            %get3A_348 = arith.index_cast %add3A_347 : i32 to index
            %get3A_349 = tpu.vector_load %arg8[%get3A_348] {strides = array<i32>} : memref<3072xf32, #tpu.memory_space<vmem>>, vector<16xf32>,
            %get3A_350 = vector.shape_cast %get3A_349 : vector<16xf32> to vector<16xf32>
            %add3A_351 = arith.constant 256 : i32
            %add3A_352 = arith.addi %mul3A_264, %add3A_351 : i32
            %add3A_353 = arith.constant 96 : i32
            %add3A_354 = arith.addi %add3A_352, %add3A_353 : i32
            %get3A_355 = arith.index_cast %add3A_354 : i32 to index
            %get3A_356 = tpu.vector_load %arg8[%get3A_355] {strides = array<i32>} : memref<3072xf32, #tpu.memory_space<vmem>>, vector<16xf32>,
            %get3A_357 = vector.shape_cast %get3A_356 : vector<16xf32> to vector<16xf32>
            %add3A_358 = arith.constant 256 : i32
            %add3A_359 = arith.addi %mul3A_264, %add3A_358 : i32
            %add3A_360 = arith.constant 112 : i32
            %add3A_361 = arith.addi %add3A_359, %add3A_360 : i32
            %get3A_362 = arith.index_cast %add3A_361 : i32 to index
            %get3A_363 = tpu.vector_load %arg8[%get3A_362] {strides = array<i32>} : memref<3072xf32, #tpu.memory_space<vmem>>, vector<16xf32>,
            %get3A_364 = vector.shape_cast %get3A_363 : vector<16xf32> to vector<16xf32>
            %add3A_365 = arith.constant 512 : i32
            %add3A_366 = arith.addi %mul3A_264, %add3A_365 : i32
            %add3A_367 = arith.constant 0 : i32
            %add3A_368 = arith.addi %add3A_366, %add3A_367 : i32
            %get3A_369 = arith.index_cast %add3A_368 : i32 to index
            %get3A_370 = tpu.vector_load %arg8[%get3A_369] {strides = array<i32>} : memref<3072xf32, #tpu.memory_space<vmem>>, vector<16xf32>,
            %get3A_371 = vector.shape_cast %get3A_370 : vector<16xf32> to vector<16xf32>
            %add3A_372 = arith.constant 512 : i32
            %add3A_373 = arith.addi %mul3A_264, %add3A_372 : i32
            %add3A_374 = arith.constant 16 : i32
            %add3A_375 = arith.addi %add3A_373, %add3A_374 : i32
            %get3A_376 = arith.index_cast %add3A_375 : i32 to index
            %get3A_377 = tpu.vector_load %arg8[%get3A_376] {strides = array<i32>} : memref<3072xf32, #tpu.memory_space<vmem>>, vector<16xf32>,
            %get3A_378 = vector.shape_cast %get3A_377 : vector<16xf32> to vector<16xf32>
            %add3A_379 = arith.constant 512 : i32
            %add3A_380 = arith.addi %mul3A_264, %add3A_379 : i32
            %add3A_381 = arith.constant 32 : i32
            %add3A_382 = arith.addi %add3A_380, %add3A_381 : i32
            %get3A_383 = arith.index_cast %add3A_382 : i32 to index
            %get3A_384 = tpu.vector_load %arg8[%get3A_383] {strides = array<i32>} : memref<3072xf32, #tpu.memory_space<vmem>>, vector<16xf32>,
            %get3A_385 = vector.shape_cast %get3A_384 : vector<16xf32> to vector<16xf32>
            %add3A_386 = arith.constant 512 : i32
            %add3A_387 = arith.addi %mul3A_264, %add3A_386 : i32
            %add3A_388 = arith.constant 48 : i32
            %add3A_389 = arith.addi %add3A_387, %add3A_388 : i32
            %get3A_390 = arith.index_cast %add3A_389 : i32 to index
            %get3A_391 = tpu.vector_load %arg8[%get3A_390] {strides = array<i32>} : memref<3072xf32, #tpu.memory_space<vmem>>, vector<16xf32>,
            %get3A_392 = vector.shape_cast %get3A_391 : vector<16xf32> to vector<16xf32>
            %add3A_393 = arith.constant 512 : i32
            %add3A_394 = arith.addi %mul3A_264, %add3A_393 : i32
            %add3A_395 = arith.constant 64 : i32
            %add3A_396 = arith.addi %add3A_394, %add3A_395 : i32
            %get3A_397 = arith.index_cast %add3A_396 : i32 to index
            %get3A_398 = tpu.vector_load %arg8[%get3A_397] {strides = array<i32>} : memref<3072xf32, #tpu.memory_space<vmem>>, vector<16xf32>,
            %get3A_399 = vector.shape_cast %get3A_398 : vector<16xf32> to vector<16xf32>
            %add3A_400 = arith.constant 512 : i32
            %add3A_401 = arith.addi %mul3A_264, %add3A_400 : i32
            %add3A_402 = arith.constant 80 : i32
            %add3A_403 = arith.addi %add3A_401, %add3A_402 : i32
            %get3A_404 = arith.index_cast %add3A_403 : i32 to index
            %get3A_405 = tpu.vector_load %arg8[%get3A_404] {strides = array<i32>} : memref<3072xf32, #tpu.memory_space<vmem>>, vector<16xf32>,
            %get3A_406 = vector.shape_cast %get3A_405 : vector<16xf32> to vector<16xf32>
            %add3A_407 = arith.constant 512 : i32
            %add3A_408 = arith.addi %mul3A_264, %add3A_407 : i32
            %add3A_409 = arith.constant 96 : i32
            %add3A_410 = arith.addi %add3A_408, %add3A_409 : i32
            %get3A_411 = arith.index_cast %add3A_410 : i32 to index
            %get3A_412 = tpu.vector_load %arg8[%get3A_411] {strides = array<i32>} : memref<3072xf32, #tpu.memory_space<vmem>>, vector<16xf32>,
            %get3A_413 = vector.shape_cast %get3A_412 : vector<16xf32> to vector<16xf32>
            %add3A_414 = arith.constant 512 : i32
            %add3A_415 = arith.addi %mul3A_264, %add3A_414 : i32
            %add3A_416 = arith.constant 112 : i32
            %add3A_417 = arith.addi %add3A_415, %add3A_416 : i32
            %get3A_418 = arith.index_cast %add3A_417 : i32 to index
            %get3A_419 = tpu.vector_load %arg8[%get3A_418] {strides = array<i32>} : memref<3072xf32, #tpu.memory_space<vmem>>, vector<16xf32>,
            %get3A_420 = vector.shape_cast %get3A_419 : vector<16xf32> to vector<16xf32>
            %while3A_421 = arith.constant 0 : i32
            %while3A_422 = arith.subi %max3A_268, %while3A_421 : i32
            %while3A_423 = arith.addi %while3A_421, %while3A_422 : i32
            %while3A_424 = arith.constant 1 : i32
            %while3A_425 = arith.divsi %while3A_422, %while3A_424 : i32
            %while3A_426 = arith.muli %while3A_425, %while3A_424 : i32
            %while3A_427 = arith.addi %while3A_421, %while3A_426 : i32
            %while3A_428 = arith.constant 1 : i32
            %while3A_429:25 = scf.for %while3A_947 = %while3A_421 to %while3A_427 step %while3A_428 iter_args(%while3A_948 = %sub3A_265, %while3A_949 = %get3A_273, %while3A_950 = %get3A_278, %while3A_951 = %get3A_283, %while3A_952 = %get3A_288, %while3A_953 = %get3A_293, %while3A_954 = %get3A_298, %while3A_955 = %get3A_303, %while3A_956 = %get3A_308, %while3A_957 = %get3A_315, %while3A_958 = %get3A_322, %while3A_959 = %get3A_329, %while3A_960 = %get3A_336, %while3A_961 = %get3A_343, %while3A_962 = %get3A_350, %while3A_963 = %get3A_357, %while3A_964 = %get3A_364, %while3A_965 = %get3A_371, %while3A_966 = %get3A_378, %while3A_967 = %get3A_385, %while3A_968 = %get3A_392, %while3A_969 = %get3A_399, %while3A_970 = %get3A_406, %while3A_971 = %get3A_413, %while3A_972 = %get3A_420) -> (i32, vector<16xf32>, vector<16xf32>, vector<16xf32>, vector<16xf32>, vector<16xf32>, vector<16xf32>, vector<16xf32>, vector<16xf32>, vector<16xf32>, vector<16xf32>, vector<16xf32>, vector<16xf32>, vector<16xf32>, vector<16xf32>, vector<16xf32>, vector<16xf32>, vector<16xf32>, vector<16xf32>, vector<16xf32>, vector<16xf32>, vector<16xf32>, vector<16xf32>, vector<16xf32>, vector<16xf32>)  : i32 {
              %get3A_973 = arith.index_cast %while3A_948 : i32 to index
              %get3A_974 = arith.constant 0 : index
              %get3A_975 = tpu.vector_load %arg7[%get3A_973, %get3A_974] {strides = array<i32>} : memref<144x256xf32, #tpu.memory_space<vmem>>, vector<1x16xf32>,
              %get3A_976 = vector.shape_cast %get3A_975 : vector<1x16xf32> to vector<16xf32>
              %get3A_977 = arith.index_cast %while3A_948 : i32 to index
              %get3A_978 = arith.constant 16 : index
              %get3A_979 = tpu.vector_load %arg7[%get3A_977, %get3A_978] {strides = array<i32>} : memref<144x256xf32, #tpu.memory_space<vmem>>, vector<1x16xf32>,
              %get3A_980 = vector.shape_cast %get3A_979 : vector<1x16xf32> to vector<16xf32>
              %get3A_981 = arith.index_cast %while3A_948 : i32 to index
              %get3A_982 = arith.constant 32 : index
              %get3A_983 = tpu.vector_load %arg7[%get3A_981, %get3A_982] {strides = array<i32>} : memref<144x256xf32, #tpu.memory_space<vmem>>, vector<1x16xf32>,
              %get3A_984 = vector.shape_cast %get3A_983 : vector<1x16xf32> to vector<16xf32>
              %get3A_985 = arith.index_cast %while3A_948 : i32 to index
              %get3A_986 = arith.constant 48 : index
              %get3A_987 = tpu.vector_load %arg7[%get3A_985, %get3A_986] {strides = array<i32>} : memref<144x256xf32, #tpu.memory_space<vmem>>, vector<1x16xf32>,
              %get3A_988 = vector.shape_cast %get3A_987 : vector<1x16xf32> to vector<16xf32>
              %get3A_989 = arith.index_cast %while3A_948 : i32 to index
              %get3A_990 = arith.constant 64 : index
              %get3A_991 = tpu.vector_load %arg7[%get3A_989, %get3A_990] {strides = array<i32>} : memref<144x256xf32, #tpu.memory_space<vmem>>, vector<1x16xf32>,
              %get3A_992 = vector.shape_cast %get3A_991 : vector<1x16xf32> to vector<16xf32>
              %get3A_993 = arith.index_cast %while3A_948 : i32 to index
              %get3A_994 = arith.constant 80 : index
              %get3A_995 = tpu.vector_load %arg7[%get3A_993, %get3A_994] {strides = array<i32>} : memref<144x256xf32, #tpu.memory_space<vmem>>, vector<1x16xf32>,
              %get3A_996 = vector.shape_cast %get3A_995 : vector<1x16xf32> to vector<16xf32>
              %get3A_997 = arith.index_cast %while3A_948 : i32 to index
              %get3A_998 = arith.constant 96 : index
              %get3A_999 = tpu.vector_load %arg7[%get3A_997, %get3A_998] {strides = array<i32>} : memref<144x256xf32, #tpu.memory_space<vmem>>, vector<1x16xf32>,
              %get3A_1000 = vector.shape_cast %get3A_999 : vector<1x16xf32> to vector<16xf32>
              %get3A_1001 = arith.index_cast %while3A_948 : i32 to index
              %get3A_1002 = arith.constant 112 : index
              %get3A_1003 = tpu.vector_load %arg7[%get3A_1001, %get3A_1002] {strides = array<i32>} : memref<144x256xf32, #tpu.memory_space<vmem>>, vector<1x16xf32>,
              %get3A_1004 = vector.shape_cast %get3A_1003 : vector<1x16xf32> to vector<16xf32>
              %max3A_1005 = arith.maximumf %while3A_949, %get3A_976 : vector<16xf32>
              %max3A_1006 = arith.maximumf %while3A_950, %get3A_980 : vector<16xf32>
              %max3A_1007 = arith.maximumf %while3A_951, %get3A_984 : vector<16xf32>
              %max3A_1008 = arith.maximumf %while3A_952, %get3A_988 : vector<16xf32>
              %max3A_1009 = arith.maximumf %while3A_953, %get3A_992 : vector<16xf32>
              %max3A_1010 = arith.maximumf %while3A_954, %get3A_996 : vector<16xf32>
              %max3A_1011 = arith.maximumf %while3A_955, %get3A_1000 : vector<16xf32>
              %max3A_1012 = arith.maximumf %while3A_956, %get3A_1004 : vector<16xf32>
              %min3A_1013 = arith.minimumf %while3A_957, %get3A_976 : vector<16xf32>
              %min3A_1014 = arith.minimumf %while3A_958, %get3A_980 : vector<16xf32>
              %min3A_1015 = arith.minimumf %while3A_959, %get3A_984 : vector<16xf32>
              %min3A_1016 = arith.minimumf %while3A_960, %get3A_988 : vector<16xf32>
              %min3A_1017 = arith.minimumf %while3A_961, %get3A_992 : vector<16xf32>
              %min3A_1018 = arith.minimumf %while3A_962, %get3A_996 : vector<16xf32>
              %min3A_1019 = arith.minimumf %while3A_963, %get3A_1000 : vector<16xf32>
              %min3A_1020 = arith.minimumf %while3A_964, %get3A_1004 : vector<16xf32>
              %add3A_1021 = arith.addf %while3A_965, %get3A_976 : vector<16xf32>
              %add3A_1022 = arith.addf %while3A_966, %get3A_980 : vector<16xf32>
              %add3A_1023 = arith.addf %while3A_967, %get3A_984 : vector<16xf32>
              %add3A_1024 = arith.addf %while3A_968, %get3A_988 : vector<16xf32>
              %add3A_1025 = arith.addf %while3A_969, %get3A_992 : vector<16xf32>
              %add3A_1026 = arith.addf %while3A_970, %get3A_996 : vector<16xf32>
              %add3A_1027 = arith.addf %while3A_971, %get3A_1000 : vector<16xf32>
              %add3A_1028 = arith.addf %while3A_972, %get3A_1004 : vector<16xf32>
              %add3A_1029 = arith.constant 1 : i32
              %add3A_1030 = arith.addi %while3A_948, %add3A_1029 : i32
              scf.yield %add3A_1030, %max3A_1005, %max3A_1006, %max3A_1007, %max3A_1008, %max3A_1009, %max3A_1010, %max3A_1011, %max3A_1012, %min3A_1013, %min3A_1014, %min3A_1015, %min3A_1016, %min3A_1017, %min3A_1018, %min3A_1019, %min3A_1020, %add3A_1021, %add3A_1022, %add3A_1023, %add3A_1024, %add3A_1025, %add3A_1026, %add3A_1027, %add3A_1028 : i32, vector<16xf32>, vector<16xf32>, vector<16xf32>, vector<16xf32>, vector<16xf32>, vector<16xf32>, vector<16xf32>, vector<16xf32>, vector<16xf32>, vector<16xf32>, vector<16xf32>, vector<16xf32>, vector<16xf32>, vector<16xf32>, vector<16xf32>, vector<16xf32>, vector<16xf32>, vector<16xf32>, vector<16xf32>, vector<16xf32>, vector<16xf32>, vector<16xf32>, vector<16xf32>, vector<16xf32>
            }
            %while3A_430 = arith.constant 1 : i32
            %while3A_431:25 = scf.for %while3A_947 = %while3A_427 to %while3A_423 step %while3A_430 iter_args(%while3A_948 = %while3A_429#0, %while3A_949 = %while3A_429#1, %while3A_950 = %while3A_429#2, %while3A_951 = %while3A_429#3, %while3A_952 = %while3A_429#4, %while3A_953 = %while3A_429#5, %while3A_954 = %while3A_429#6, %while3A_955 = %while3A_429#7, %while3A_956 = %while3A_429#8, %while3A_957 = %while3A_429#9, %while3A_958 = %while3A_429#10, %while3A_959 = %while3A_429#11, %while3A_960 = %while3A_429#12, %while3A_961 = %while3A_429#13, %while3A_962 = %while3A_429#14, %while3A_963 = %while3A_429#15, %while3A_964 = %while3A_429#16, %while3A_965 = %while3A_429#17, %while3A_966 = %while3A_429#18, %while3A_967 = %while3A_429#19, %while3A_968 = %while3A_429#20, %while3A_969 = %while3A_429#21, %while3A_970 = %while3A_429#22, %while3A_971 = %while3A_429#23, %while3A_972 = %while3A_429#24) -> (i32, vector<16xf32>, vector<16xf32>, vector<16xf32>, vector<16xf32>, vector<16xf32>, vector<16xf32>, vector<16xf32>, vector<16xf32>, vector<16xf32>, vector<16xf32>, vector<16xf32>, vector<16xf32>, vector<16xf32>, vector<16xf32>, vector<16xf32>, vector<16xf32>, vector<16xf32>, vector<16xf32>, vector<16xf32>, vector<16xf32>, vector<16xf32>, vector<16xf32>, vector<16xf32>, vector<16xf32>)  : i32 {
              %get3A_973 = arith.index_cast %while3A_948 : i32 to index
              %get3A_974 = arith.constant 0 : index
              %get3A_975 = tpu.vector_load %arg7[%get3A_973, %get3A_974] {strides = array<i32>} : memref<144x256xf32, #tpu.memory_space<vmem>>, vector<1x16xf32>,
              %get3A_976 = vector.shape_cast %get3A_975 : vector<1x16xf32> to vector<16xf32>
              %get3A_977 = arith.index_cast %while3A_948 : i32 to index
              %get3A_978 = arith.constant 16 : index
              %get3A_979 = tpu.vector_load %arg7[%get3A_977, %get3A_978] {strides = array<i32>} : memref<144x256xf32, #tpu.memory_space<vmem>>, vector<1x16xf32>,
              %get3A_980 = vector.shape_cast %get3A_979 : vector<1x16xf32> to vector<16xf32>
              %get3A_981 = arith.index_cast %while3A_948 : i32 to index
              %get3A_982 = arith.constant 32 : index
              %get3A_983 = tpu.vector_load %arg7[%get3A_981, %get3A_982] {strides = array<i32>} : memref<144x256xf32, #tpu.memory_space<vmem>>, vector<1x16xf32>,
              %get3A_984 = vector.shape_cast %get3A_983 : vector<1x16xf32> to vector<16xf32>
              %get3A_985 = arith.index_cast %while3A_948 : i32 to index
              %get3A_986 = arith.constant 48 : index
              %get3A_987 = tpu.vector_load %arg7[%get3A_985, %get3A_986] {strides = array<i32>} : memref<144x256xf32, #tpu.memory_space<vmem>>, vector<1x16xf32>,
              %get3A_988 = vector.shape_cast %get3A_987 : vector<1x16xf32> to vector<16xf32>
              %get3A_989 = arith.index_cast %while3A_948 : i32 to index
              %get3A_990 = arith.constant 64 : index
              %get3A_991 = tpu.vector_load %arg7[%get3A_989, %get3A_990] {strides = array<i32>} : memref<144x256xf32, #tpu.memory_space<vmem>>, vector<1x16xf32>,
              %get3A_992 = vector.shape_cast %get3A_991 : vector<1x16xf32> to vector<16xf32>
              %get3A_993 = arith.index_cast %while3A_948 : i32 to index
              %get3A_994 = arith.constant 80 : index
              %get3A_995 = tpu.vector_load %arg7[%get3A_993, %get3A_994] {strides = array<i32>} : memref<144x256xf32, #tpu.memory_space<vmem>>, vector<1x16xf32>,
              %get3A_996 = vector.shape_cast %get3A_995 : vector<1x16xf32> to vector<16xf32>
              %get3A_997 = arith.index_cast %while3A_948 : i32 to index
              %get3A_998 = arith.constant 96 : index
              %get3A_999 = tpu.vector_load %arg7[%get3A_997, %get3A_998] {strides = array<i32>} : memref<144x256xf32, #tpu.memory_space<vmem>>, vector<1x16xf32>,
              %get3A_1000 = vector.shape_cast %get3A_999 : vector<1x16xf32> to vector<16xf32>
              %get3A_1001 = arith.index_cast %while3A_948 : i32 to index
              %get3A_1002 = arith.constant 112 : index
              %get3A_1003 = tpu.vector_load %arg7[%get3A_1001, %get3A_1002] {strides = array<i32>} : memref<144x256xf32, #tpu.memory_space<vmem>>, vector<1x16xf32>,
              %get3A_1004 = vector.shape_cast %get3A_1003 : vector<1x16xf32> to vector<16xf32>
              %max3A_1005 = arith.maximumf %while3A_949, %get3A_976 : vector<16xf32>
              %max3A_1006 = arith.maximumf %while3A_950, %get3A_980 : vector<16xf32>
              %max3A_1007 = arith.maximumf %while3A_951, %get3A_984 : vector<16xf32>
              %max3A_1008 = arith.maximumf %while3A_952, %get3A_988 : vector<16xf32>
              %max3A_1009 = arith.maximumf %while3A_953, %get3A_992 : vector<16xf32>
              %max3A_1010 = arith.maximumf %while3A_954, %get3A_996 : vector<16xf32>
              %max3A_1011 = arith.maximumf %while3A_955, %get3A_1000 : vector<16xf32>
              %max3A_1012 = arith.maximumf %while3A_956, %get3A_1004 : vector<16xf32>
              %min3A_1013 = arith.minimumf %while3A_957, %get3A_976 : vector<16xf32>
              %min3A_1014 = arith.minimumf %while3A_958, %get3A_980 : vector<16xf32>
              %min3A_1015 = arith.minimumf %while3A_959, %get3A_984 : vector<16xf32>
              %min3A_1016 = arith.minimumf %while3A_960, %get3A_988 : vector<16xf32>
              %min3A_1017 = arith.minimumf %while3A_961, %get3A_992 : vector<16xf32>
              %min3A_1018 = arith.minimumf %while3A_962, %get3A_996 : vector<16xf32>
              %min3A_1019 = arith.minimumf %while3A_963, %get3A_1000 : vector<16xf32>
              %min3A_1020 = arith.minimumf %while3A_964, %get3A_1004 : vector<16xf32>
              %add3A_1021 = arith.addf %while3A_965, %get3A_976 : vector<16xf32>
              %add3A_1022 = arith.addf %while3A_966, %get3A_980 : vector<16xf32>
              %add3A_1023 = arith.addf %while3A_967, %get3A_984 : vector<16xf32>
              %add3A_1024 = arith.addf %while3A_968, %get3A_988 : vector<16xf32>
              %add3A_1025 = arith.addf %while3A_969, %get3A_992 : vector<16xf32>
              %add3A_1026 = arith.addf %while3A_970, %get3A_996 : vector<16xf32>
              %add3A_1027 = arith.addf %while3A_971, %get3A_1000 : vector<16xf32>
              %add3A_1028 = arith.addf %while3A_972, %get3A_1004 : vector<16xf32>
              %add3A_1029 = arith.constant 1 : i32
              %add3A_1030 = arith.addi %while3A_948, %add3A_1029 : i32
              scf.yield %add3A_1030, %max3A_1005, %max3A_1006, %max3A_1007, %max3A_1008, %max3A_1009, %max3A_1010, %max3A_1011, %max3A_1012, %min3A_1013, %min3A_1014, %min3A_1015, %min3A_1016, %min3A_1017, %min3A_1018, %min3A_1019, %min3A_1020, %add3A_1021, %add3A_1022, %add3A_1023, %add3A_1024, %add3A_1025, %add3A_1026, %add3A_1027, %add3A_1028 : i32, vector<16xf32>, vector<16xf32>, vector<16xf32>, vector<16xf32>, vector<16xf32>, vector<16xf32>, vector<16xf32>, vector<16xf32>, vector<16xf32>, vector<16xf32>, vector<16xf32>, vector<16xf32>, vector<16xf32>, vector<16xf32>, vector<16xf32>, vector<16xf32>, vector<16xf32>, vector<16xf32>, vector<16xf32>, vector<16xf32>, vector<16xf32>, vector<16xf32>, vector<16xf32>, vector<16xf32>
            }
            %add3A_432 = arith.constant 0 : i32
            %add3A_433 = arith.addi %mul3A_264, %add3A_432 : i32
            %swap3A_434 = arith.index_cast %add3A_433 : i32 to index
            %swap3A_435 = tpu.vector_load %arg8[%swap3A_434] {strides = array<i32>} : memref<3072xf32, #tpu.memory_space<vmem>>, vector<16xf32>,
            %swap3A_436 = vector.shape_cast %swap3A_435 : vector<16xf32> to vector<16xf32>
            %swap3A_437 = vector.shape_cast %while3A_431#1 : vector<16xf32> to vector<16xf32>
            tpu.vector_store %arg8[%swap3A_434], %swap3A_437 {strides = array<i32>} : memref<3072xf32, #tpu.memory_space<vmem>>, vector<16xf32>,
            %add3A_438 = arith.constant 256 : i32
            %add3A_439 = arith.addi %mul3A_264, %add3A_438 : i32
            %add3A_440 = arith.constant 0 : i32
            %add3A_441 = arith.addi %add3A_439, %add3A_440 : i32
            %swap3A_442 = arith.index_cast %add3A_441 : i32 to index
            %swap3A_443 = tpu.vector_load %arg8[%swap3A_442] {strides = array<i32>} : memref<3072xf32, #tpu.memory_space<vmem>>, vector<16xf32>,
            %swap3A_444 = vector.shape_cast %swap3A_443 : vector<16xf32> to vector<16xf32>
            %swap3A_445 = vector.shape_cast %while3A_431#9 : vector<16xf32> to vector<16xf32>
            tpu.vector_store %arg8[%swap3A_442], %swap3A_445 {strides = array<i32>} : memref<3072xf32, #tpu.memory_space<vmem>>, vector<16xf32>,
            %add3A_446 = arith.constant 512 : i32
            %add3A_447 = arith.addi %mul3A_264, %add3A_446 : i32
            %add3A_448 = arith.constant 0 : i32
            %add3A_449 = arith.addi %add3A_447, %add3A_448 : i32
            %swap3A_450 = arith.index_cast %add3A_449 : i32 to index
            %swap3A_451 = tpu.vector_load %arg8[%swap3A_450] {strides = array<i32>} : memref<3072xf32, #tpu.memory_space<vmem>>, vector<16xf32>,
            %swap3A_452 = vector.shape_cast %swap3A_451 : vector<16xf32> to vector<16xf32>
            %swap3A_453 = vector.shape_cast %while3A_431#17 : vector<16xf32> to vector<16xf32>
            tpu.vector_store %arg8[%swap3A_450], %swap3A_453 {strides = array<i32>} : memref<3072xf32, #tpu.memory_space<vmem>>, vector<16xf32>,
            %add3A_454 = arith.constant 16 : i32
            %add3A_455 = arith.addi %mul3A_264, %add3A_454 : i32
            %swap3A_456 = arith.index_cast %add3A_455 : i32 to index
            %swap3A_457 = tpu.vector_load %arg8[%swap3A_456] {strides = array<i32>} : memref<3072xf32, #tpu.memory_space<vmem>>, vector<16xf32>,
            %swap3A_458 = vector.shape_cast %swap3A_457 : vector<16xf32> to vector<16xf32>
            %swap3A_459 = vector.shape_cast %while3A_431#2 : vector<16xf32> to vector<16xf32>
            tpu.vector_store %arg8[%swap3A_456], %swap3A_459 {strides = array<i32>} : memref<3072xf32, #tpu.memory_space<vmem>>, vector<16xf32>,
            %add3A_460 = arith.constant 256 : i32
            %add3A_461 = arith.addi %mul3A_264, %add3A_460 : i32
            %add3A_462 = arith.constant 16 : i32
            %add3A_463 = arith.addi %add3A_461, %add3A_462 : i32
            %swap3A_464 = arith.index_cast %add3A_463 : i32 to index
            %swap3A_465 = tpu.vector_load %arg8[%swap3A_464] {strides = array<i32>} : memref<3072xf32, #tpu.memory_space<vmem>>, vector<16xf32>,
            %swap3A_466 = vector.shape_cast %swap3A_465 : vector<16xf32> to vector<16xf32>
            %swap3A_467 = vector.shape_cast %while3A_431#10 : vector<16xf32> to vector<16xf32>
            tpu.vector_store %arg8[%swap3A_464], %swap3A_467 {strides = array<i32>} : memref<3072xf32, #tpu.memory_space<vmem>>, vector<16xf32>,
            %add3A_468 = arith.constant 512 : i32
            %add3A_469 = arith.addi %mul3A_264, %add3A_468 : i32
            %add3A_470 = arith.constant 16 : i32
            %add3A_471 = arith.addi %add3A_469, %add3A_470 : i32
            %swap3A_472 = arith.index_cast %add3A_471 : i32 to index
            %swap3A_473 = tpu.vector_load %arg8[%swap3A_472] {strides = array<i32>} : memref<3072xf32, #tpu.memory_space<vmem>>, vector<16xf32>,
            %swap3A_474 = vector.shape_cast %swap3A_473 : vector<16xf32> to vector<16xf32>
            %swap3A_475 = vector.shape_cast %while3A_431#18 : vector<16xf32> to vector<16xf32>
            tpu.vector_store %arg8[%swap3A_472], %swap3A_475 {strides = array<i32>} : memref<3072xf32, #tpu.memory_space<vmem>>, vector<16xf32>,
            %add3A_476 = arith.constant 32 : i32
            %add3A_477 = arith.addi %mul3A_264, %add3A_476 : i32
            %swap3A_478 = arith.index_cast %add3A_477 : i32 to index
            %swap3A_479 = tpu.vector_load %arg8[%swap3A_478] {strides = array<i32>} : memref<3072xf32, #tpu.memory_space<vmem>>, vector<16xf32>,
            %swap3A_480 = vector.shape_cast %swap3A_479 : vector<16xf32> to vector<16xf32>
            %swap3A_481 = vector.shape_cast %while3A_431#3 : vector<16xf32> to vector<16xf32>
            tpu.vector_store %arg8[%swap3A_478], %swap3A_481 {strides = array<i32>} : memref<3072xf32, #tpu.memory_space<vmem>>, vector<16xf32>,
            %add3A_482 = arith.constant 256 : i32
            %add3A_483 = arith.addi %mul3A_264, %add3A_482 : i32
            %add3A_484 = arith.constant 32 : i32
            %add3A_485 = arith.addi %add3A_483, %add3A_484 : i32
            %swap3A_486 = arith.index_cast %add3A_485 : i32 to index
            %swap3A_487 = tpu.vector_load %arg8[%swap3A_486] {strides = array<i32>} : memref<3072xf32, #tpu.memory_space<vmem>>, vector<16xf32>,
            %swap3A_488 = vector.shape_cast %swap3A_487 : vector<16xf32> to vector<16xf32>
            %swap3A_489 = vector.shape_cast %while3A_431#11 : vector<16xf32> to vector<16xf32>
            tpu.vector_store %arg8[%swap3A_486], %swap3A_489 {strides = array<i32>} : memref<3072xf32, #tpu.memory_space<vmem>>, vector<16xf32>,
            %add3A_490 = arith.constant 512 : i32
            %add3A_491 = arith.addi %mul3A_264, %add3A_490 : i32
            %add3A_492 = arith.constant 32 : i32
            %add3A_493 = arith.addi %add3A_491, %add3A_492 : i32
            %swap3A_494 = arith.index_cast %add3A_493 : i32 to index
            %swap3A_495 = tpu.vector_load %arg8[%swap3A_494] {strides = array<i32>} : memref<3072xf32, #tpu.memory_space<vmem>>, vector<16xf32>,
            %swap3A_496 = vector.shape_cast %swap3A_495 : vector<16xf32> to vector<16xf32>
            %swap3A_497 = vector.shape_cast %while3A_431#19 : vector<16xf32> to vector<16xf32>
            tpu.vector_store %arg8[%swap3A_494], %swap3A_497 {strides = array<i32>} : memref<3072xf32, #tpu.memory_space<vmem>>, vector<16xf32>,
            %add3A_498 = arith.constant 48 : i32
            %add3A_499 = arith.addi %mul3A_264, %add3A_498 : i32
            %swap3A_500 = arith.index_cast %add3A_499 : i32 to index
            %swap3A_501 = tpu.vector_load %arg8[%swap3A_500] {strides = array<i32>} : memref<3072xf32, #tpu.memory_space<vmem>>, vector<16xf32>,
            %swap3A_502 = vector.shape_cast %swap3A_501 : vector<16xf32> to vector<16xf32>
            %swap3A_503 = vector.shape_cast %while3A_431#4 : vector<16xf32> to vector<16xf32>
            tpu.vector_store %arg8[%swap3A_500], %swap3A_503 {strides = array<i32>} : memref<3072xf32, #tpu.memory_space<vmem>>, vector<16xf32>,
            %add3A_504 = arith.constant 256 : i32
            %add3A_505 = arith.addi %mul3A_264, %add3A_504 : i32
            %add3A_506 = arith.constant 48 : i32
            %add3A_507 = arith.addi %add3A_505, %add3A_506 : i32
            %swap3A_508 = arith.index_cast %add3A_507 : i32 to index
            %swap3A_509 = tpu.vector_load %arg8[%swap3A_508] {strides = array<i32>} : memref<3072xf32, #tpu.memory_space<vmem>>, vector<16xf32>,
            %swap3A_510 = vector.shape_cast %swap3A_509 : vector<16xf32> to vector<16xf32>
            %swap3A_511 = vector.shape_cast %while3A_431#12 : vector<16xf32> to vector<16xf32>
            tpu.vector_store %arg8[%swap3A_508], %swap3A_511 {strides = array<i32>} : memref<3072xf32, #tpu.memory_space<vmem>>, vector<16xf32>,
            %add3A_512 = arith.constant 512 : i32
            %add3A_513 = arith.addi %mul3A_264, %add3A_512 : i32
            %add3A_514 = arith.constant 48 : i32
            %add3A_515 = arith.addi %add3A_513, %add3A_514 : i32
            %swap3A_516 = arith.index_cast %add3A_515 : i32 to index
            %swap3A_517 = tpu.vector_load %arg8[%swap3A_516] {strides = array<i32>} : memref<3072xf32, #tpu.memory_space<vmem>>, vector<16xf32>,
            %swap3A_518 = vector.shape_cast %swap3A_517 : vector<16xf32> to vector<16xf32>
            %swap3A_519 = vector.shape_cast %while3A_431#20 : vector<16xf32> to vector<16xf32>
            tpu.vector_store %arg8[%swap3A_516], %swap3A_519 {strides = array<i32>} : memref<3072xf32, #tpu.memory_space<vmem>>, vector<16xf32>,
            %add3A_520 = arith.constant 64 : i32
            %add3A_521 = arith.addi %mul3A_264, %add3A_520 : i32
            %swap3A_522 = arith.index_cast %add3A_521 : i32 to index
            %swap3A_523 = tpu.vector_load %arg8[%swap3A_522] {strides = array<i32>} : memref<3072xf32, #tpu.memory_space<vmem>>, vector<16xf32>,
            %swap3A_524 = vector.shape_cast %swap3A_523 : vector<16xf32> to vector<16xf32>
            %swap3A_525 = vector.shape_cast %while3A_431#5 : vector<16xf32> to vector<16xf32>
            tpu.vector_store %arg8[%swap3A_522], %swap3A_525 {strides = array<i32>} : memref<3072xf32, #tpu.memory_space<vmem>>, vector<16xf32>,
            %add3A_526 = arith.constant 256 : i32
            %add3A_527 = arith.addi %mul3A_264, %add3A_526 : i32
            %add3A_528 = arith.constant 64 : i32
            %add3A_529 = arith.addi %add3A_527, %add3A_528 : i32
            %swap3A_530 = arith.index_cast %add3A_529 : i32 to index
            %swap3A_531 = tpu.vector_load %arg8[%swap3A_530] {strides = array<i32>} : memref<3072xf32, #tpu.memory_space<vmem>>, vector<16xf32>,
            %swap3A_532 = vector.shape_cast %swap3A_531 : vector<16xf32> to vector<16xf32>
            %swap3A_533 = vector.shape_cast %while3A_431#13 : vector<16xf32> to vector<16xf32>
            tpu.vector_store %arg8[%swap3A_530], %swap3A_533 {strides = array<i32>} : memref<3072xf32, #tpu.memory_space<vmem>>, vector<16xf32>,
            %add3A_534 = arith.constant 512 : i32
            %add3A_535 = arith.addi %mul3A_264, %add3A_534 : i32
            %add3A_536 = arith.constant 64 : i32
            %add3A_537 = arith.addi %add3A_535, %add3A_536 : i32
            %swap3A_538 = arith.index_cast %add3A_537 : i32 to index
            %swap3A_539 = tpu.vector_load %arg8[%swap3A_538] {strides = array<i32>} : memref<3072xf32, #tpu.memory_space<vmem>>, vector<16xf32>,
            %swap3A_540 = vector.shape_cast %swap3A_539 : vector<16xf32> to vector<16xf32>
            %swap3A_541 = vector.shape_cast %while3A_431#21 : vector<16xf32> to vector<16xf32>
            tpu.vector_store %arg8[%swap3A_538], %swap3A_541 {strides = array<i32>} : memref<3072xf32, #tpu.memory_space<vmem>>, vector<16xf32>,
            %add3A_542 = arith.constant 80 : i32
            %add3A_543 = arith.addi %mul3A_264, %add3A_542 : i32
            %swap3A_544 = arith.index_cast %add3A_543 : i32 to index
            %swap3A_545 = tpu.vector_load %arg8[%swap3A_544] {strides = array<i32>} : memref<3072xf32, #tpu.memory_space<vmem>>, vector<16xf32>,
            %swap3A_546 = vector.shape_cast %swap3A_545 : vector<16xf32> to vector<16xf32>
            %swap3A_547 = vector.shape_cast %while3A_431#6 : vector<16xf32> to vector<16xf32>
            tpu.vector_store %arg8[%swap3A_544], %swap3A_547 {strides = array<i32>} : memref<3072xf32, #tpu.memory_space<vmem>>, vector<16xf32>,
            %add3A_548 = arith.constant 256 : i32
            %add3A_549 = arith.addi %mul3A_264, %add3A_548 : i32
            %add3A_550 = arith.constant 80 : i32
            %add3A_551 = arith.addi %add3A_549, %add3A_550 : i32
            %swap3A_552 = arith.index_cast %add3A_551 : i32 to index
            %swap3A_553 = tpu.vector_load %arg8[%swap3A_552] {strides = array<i32>} : memref<3072xf32, #tpu.memory_space<vmem>>, vector<16xf32>,
            %swap3A_554 = vector.shape_cast %swap3A_553 : vector<16xf32> to vector<16xf32>
            %swap3A_555 = vector.shape_cast %while3A_431#14 : vector<16xf32> to vector<16xf32>
            tpu.vector_store %arg8[%swap3A_552], %swap3A_555 {strides = array<i32>} : memref<3072xf32, #tpu.memory_space<vmem>>, vector<16xf32>,
            %add3A_556 = arith.constant 512 : i32
            %add3A_557 = arith.addi %mul3A_264, %add3A_556 : i32
            %add3A_558 = arith.constant 80 : i32
            %add3A_559 = arith.addi %add3A_557, %add3A_558 : i32
            %swap3A_560 = arith.index_cast %add3A_559 : i32 to index
            %swap3A_561 = tpu.vector_load %arg8[%swap3A_560] {strides = array<i32>} : memref<3072xf32, #tpu.memory_space<vmem>>, vector<16xf32>,
            %swap3A_562 = vector.shape_cast %swap3A_561 : vector<16xf32> to vector<16xf32>
            %swap3A_563 = vector.shape_cast %while3A_431#22 : vector<16xf32> to vector<16xf32>
            tpu.vector_store %arg8[%swap3A_560], %swap3A_563 {strides = array<i32>} : memref<3072xf32, #tpu.memory_space<vmem>>, vector<16xf32>,
            %add3A_564 = arith.constant 96 : i32
            %add3A_565 = arith.addi %mul3A_264, %add3A_564 : i32
            %swap3A_566 = arith.index_cast %add3A_565 : i32 to index
            %swap3A_567 = tpu.vector_load %arg8[%swap3A_566] {strides = array<i32>} : memref<3072xf32, #tpu.memory_space<vmem>>, vector<16xf32>,
            %swap3A_568 = vector.shape_cast %swap3A_567 : vector<16xf32> to vector<16xf32>
            %swap3A_569 = vector.shape_cast %while3A_431#7 : vector<16xf32> to vector<16xf32>
            tpu.vector_store %arg8[%swap3A_566], %swap3A_569 {strides = array<i32>} : memref<3072xf32, #tpu.memory_space<vmem>>, vector<16xf32>,
            %add3A_570 = arith.constant 256 : i32
            %add3A_571 = arith.addi %mul3A_264, %add3A_570 : i32
            %add3A_572 = arith.constant 96 : i32
            %add3A_573 = arith.addi %add3A_571, %add3A_572 : i32
            %swap3A_574 = arith.index_cast %add3A_573 : i32 to index
            %swap3A_575 = tpu.vector_load %arg8[%swap3A_574] {strides = array<i32>} : memref<3072xf32, #tpu.memory_space<vmem>>, vector<16xf32>,
            %swap3A_576 = vector.shape_cast %swap3A_575 : vector<16xf32> to vector<16xf32>
            %swap3A_577 = vector.shape_cast %while3A_431#15 : vector<16xf32> to vector<16xf32>
            tpu.vector_store %arg8[%swap3A_574], %swap3A_577 {strides = array<i32>} : memref<3072xf32, #tpu.memory_space<vmem>>, vector<16xf32>,
            %add3A_578 = arith.constant 512 : i32
            %add3A_579 = arith.addi %mul3A_264, %add3A_578 : i32
            %add3A_580 = arith.constant 96 : i32
            %add3A_581 = arith.addi %add3A_579, %add3A_580 : i32
            %swap3A_582 = arith.index_cast %add3A_581 : i32 to index
            %swap3A_583 = tpu.vector_load %arg8[%swap3A_582] {strides = array<i32>} : memref<3072xf32, #tpu.memory_space<vmem>>, vector<16xf32>,
            %swap3A_584 = vector.shape_cast %swap3A_583 : vector<16xf32> to vector<16xf32>
            %swap3A_585 = vector.shape_cast %while3A_431#23 : vector<16xf32> to vector<16xf32>
            tpu.vector_store %arg8[%swap3A_582], %swap3A_585 {strides = array<i32>} : memref<3072xf32, #tpu.memory_space<vmem>>, vector<16xf32>,
            %add3A_586 = arith.constant 112 : i32
            %add3A_587 = arith.addi %mul3A_264, %add3A_586 : i32
            %swap3A_588 = arith.index_cast %add3A_587 : i32 to index
            %swap3A_589 = tpu.vector_load %arg8[%swap3A_588] {strides = array<i32>} : memref<3072xf32, #tpu.memory_space<vmem>>, vector<16xf32>,
            %swap3A_590 = vector.shape_cast %swap3A_589 : vector<16xf32> to vector<16xf32>
            %swap3A_591 = vector.shape_cast %while3A_431#8 : vector<16xf32> to vector<16xf32>
            tpu.vector_store %arg8[%swap3A_588], %swap3A_591 {strides = array<i32>} : memref<3072xf32, #tpu.memory_space<vmem>>, vector<16xf32>,
            %add3A_592 = arith.constant 256 : i32
            %add3A_593 = arith.addi %mul3A_264, %add3A_592 : i32
            %add3A_594 = arith.constant 112 : i32
            %add3A_595 = arith.addi %add3A_593, %add3A_594 : i32
            %swap3A_596 = arith.index_cast %add3A_595 : i32 to index
            %swap3A_597 = tpu.vector_load %arg8[%swap3A_596] {strides = array<i32>} : memref<3072xf32, #tpu.memory_space<vmem>>, vector<16xf32>,
            %swap3A_598 = vector.shape_cast %swap3A_597 : vector<16xf32> to vector<16xf32>
            %swap3A_599 = vector.shape_cast %while3A_431#16 : vector<16xf32> to vector<16xf32>
            tpu.vector_store %arg8[%swap3A_596], %swap3A_599 {strides = array<i32>} : memref<3072xf32, #tpu.memory_space<vmem>>, vector<16xf32>,
            %add3A_600 = arith.constant 512 : i32
            %add3A_601 = arith.addi %mul3A_264, %add3A_600 : i32
            %add3A_602 = arith.constant 112 : i32
            %add3A_603 = arith.addi %add3A_601, %add3A_602 : i32
            %swap3A_604 = arith.index_cast %add3A_603 : i32 to index
            %swap3A_605 = tpu.vector_load %arg8[%swap3A_604] {strides = array<i32>} : memref<3072xf32, #tpu.memory_space<vmem>>, vector<16xf32>,
            %swap3A_606 = vector.shape_cast %swap3A_605 : vector<16xf32> to vector<16xf32>
            %swap3A_607 = vector.shape_cast %while3A_431#24 : vector<16xf32> to vector<16xf32>
            tpu.vector_store %arg8[%swap3A_604], %swap3A_607 {strides = array<i32>} : memref<3072xf32, #tpu.memory_space<vmem>>, vector<16xf32>,
            %add3A_608 = arith.constant 128 : i32
            %add3A_609 = arith.addi %mul3A_264, %add3A_608 : i32
            %get3A_610 = arith.index_cast %add3A_609 : i32 to index
            %get3A_611 = tpu.vector_load %arg8[%get3A_610] {strides = array<i32>} : memref<3072xf32, #tpu.memory_space<vmem>>, vector<16xf32>,
            %get3A_612 = vector.shape_cast %get3A_611 : vector<16xf32> to vector<16xf32>
            %add3A_613 = arith.constant 144 : i32
            %add3A_614 = arith.addi %mul3A_264, %add3A_613 : i32
            %get3A_615 = arith.index_cast %add3A_614 : i32 to index
            %get3A_616 = tpu.vector_load %arg8[%get3A_615] {strides = array<i32>} : memref<3072xf32, #tpu.memory_space<vmem>>, vector<16xf32>,
            %get3A_617 = vector.shape_cast %get3A_616 : vector<16xf32> to vector<16xf32>
            %add3A_618 = arith.constant 160 : i32
            %add3A_619 = arith.addi %mul3A_264, %add3A_618 : i32
            %get3A_620 = arith.index_cast %add3A_619 : i32 to index
            %get3A_621 = tpu.vector_load %arg8[%get3A_620] {strides = array<i32>} : memref<3072xf32, #tpu.memory_space<vmem>>, vector<16xf32>,
            %get3A_622 = vector.shape_cast %get3A_621 : vector<16xf32> to vector<16xf32>
            %add3A_623 = arith.constant 176 : i32
            %add3A_624 = arith.addi %mul3A_264, %add3A_623 : i32
            %get3A_625 = arith.index_cast %add3A_624 : i32 to index
            %get3A_626 = tpu.vector_load %arg8[%get3A_625] {strides = array<i32>} : memref<3072xf32, #tpu.memory_space<vmem>>, vector<16xf32>,
            %get3A_627 = vector.shape_cast %get3A_626 : vector<16xf32> to vector<16xf32>
            %add3A_628 = arith.constant 192 : i32
            %add3A_629 = arith.addi %mul3A_264, %add3A_628 : i32
            %get3A_630 = arith.index_cast %add3A_629 : i32 to index
            %get3A_631 = tpu.vector_load %arg8[%get3A_630] {strides = array<i32>} : memref<3072xf32, #tpu.memory_space<vmem>>, vector<16xf32>,
            %get3A_632 = vector.shape_cast %get3A_631 : vector<16xf32> to vector<16xf32>
            %add3A_633 = arith.constant 208 : i32
            %add3A_634 = arith.addi %mul3A_264, %add3A_633 : i32
            %get3A_635 = arith.index_cast %add3A_634 : i32 to index
            %get3A_636 = tpu.vector_load %arg8[%get3A_635] {strides = array<i32>} : memref<3072xf32, #tpu.memory_space<vmem>>, vector<16xf32>,
            %get3A_637 = vector.shape_cast %get3A_636 : vector<16xf32> to vector<16xf32>
            %add3A_638 = arith.constant 224 : i32
            %add3A_639 = arith.addi %mul3A_264, %add3A_638 : i32
            %get3A_640 = arith.index_cast %add3A_639 : i32 to index
            %get3A_641 = tpu.vector_load %arg8[%get3A_640] {strides = array<i32>} : memref<3072xf32, #tpu.memory_space<vmem>>, vector<16xf32>,
            %get3A_642 = vector.shape_cast %get3A_641 : vector<16xf32> to vector<16xf32>
            %add3A_643 = arith.constant 240 : i32
            %add3A_644 = arith.addi %mul3A_264, %add3A_643 : i32
            %get3A_645 = arith.index_cast %add3A_644 : i32 to index
            %get3A_646 = tpu.vector_load %arg8[%get3A_645] {strides = array<i32>} : memref<3072xf32, #tpu.memory_space<vmem>>, vector<16xf32>,
            %get3A_647 = vector.shape_cast %get3A_646 : vector<16xf32> to vector<16xf32>
            %add3A_648 = arith.constant 256 : i32
            %add3A_649 = arith.addi %mul3A_264, %add3A_648 : i32
            %add3A_650 = arith.constant 128 : i32
            %add3A_651 = arith.addi %add3A_649, %add3A_650 : i32
            %get3A_652 = arith.index_cast %add3A_651 : i32 to index
            %get3A_653 = tpu.vector_load %arg8[%get3A_652] {strides = array<i32>} : memref<3072xf32, #tpu.memory_space<vmem>>, vector<16xf32>,
            %get3A_654 = vector.shape_cast %get3A_653 : vector<16xf32> to vector<16xf32>
            %add3A_655 = arith.constant 256 : i32
            %add3A_656 = arith.addi %mul3A_264, %add3A_655 : i32
            %add3A_657 = arith.constant 144 : i32
            %add3A_658 = arith.addi %add3A_656, %add3A_657 : i32
            %get3A_659 = arith.index_cast %add3A_658 : i32 to index
            %get3A_660 = tpu.vector_load %arg8[%get3A_659] {strides = array<i32>} : memref<3072xf32, #tpu.memory_space<vmem>>, vector<16xf32>,
            %get3A_661 = vector.shape_cast %get3A_660 : vector<16xf32> to vector<16xf32>
            %add3A_662 = arith.constant 256 : i32
            %add3A_663 = arith.addi %mul3A_264, %add3A_662 : i32
            %add3A_664 = arith.constant 160 : i32
            %add3A_665 = arith.addi %add3A_663, %add3A_664 : i32
            %get3A_666 = arith.index_cast %add3A_665 : i32 to index
            %get3A_667 = tpu.vector_load %arg8[%get3A_666] {strides = array<i32>} : memref<3072xf32, #tpu.memory_space<vmem>>, vector<16xf32>,
            %get3A_668 = vector.shape_cast %get3A_667 : vector<16xf32> to vector<16xf32>
            %add3A_669 = arith.constant 256 : i32
            %add3A_670 = arith.addi %mul3A_264, %add3A_669 : i32
            %add3A_671 = arith.constant 176 : i32
            %add3A_672 = arith.addi %add3A_670, %add3A_671 : i32
            %get3A_673 = arith.index_cast %add3A_672 : i32 to index
            %get3A_674 = tpu.vector_load %arg8[%get3A_673] {strides = array<i32>} : memref<3072xf32, #tpu.memory_space<vmem>>, vector<16xf32>,
            %get3A_675 = vector.shape_cast %get3A_674 : vector<16xf32> to vector<16xf32>
            %add3A_676 = arith.constant 256 : i32
            %add3A_677 = arith.addi %mul3A_264, %add3A_676 : i32
            %add3A_678 = arith.constant 192 : i32
            %add3A_679 = arith.addi %add3A_677, %add3A_678 : i32
            %get3A_680 = arith.index_cast %add3A_679 : i32 to index
            %get3A_681 = tpu.vector_load %arg8[%get3A_680] {strides = array<i32>} : memref<3072xf32, #tpu.memory_space<vmem>>, vector<16xf32>,
            %get3A_682 = vector.shape_cast %get3A_681 : vector<16xf32> to vector<16xf32>
            %add3A_683 = arith.constant 256 : i32
            %add3A_684 = arith.addi %mul3A_264, %add3A_683 : i32
            %add3A_685 = arith.constant 208 : i32
            %add3A_686 = arith.addi %add3A_684, %add3A_685 : i32
            %get3A_687 = arith.index_cast %add3A_686 : i32 to index
            %get3A_688 = tpu.vector_load %arg8[%get3A_687] {strides = array<i32>} : memref<3072xf32, #tpu.memory_space<vmem>>, vector<16xf32>,
            %get3A_689 = vector.shape_cast %get3A_688 : vector<16xf32> to vector<16xf32>
            %add3A_690 = arith.constant 256 : i32
            %add3A_691 = arith.addi %mul3A_264, %add3A_690 : i32
            %add3A_692 = arith.constant 224 : i32
            %add3A_693 = arith.addi %add3A_691, %add3A_692 : i32
            %get3A_694 = arith.index_cast %add3A_693 : i32 to index
            %get3A_695 = tpu.vector_load %arg8[%get3A_694] {strides = array<i32>} : memref<3072xf32, #tpu.memory_space<vmem>>, vector<16xf32>,
            %get3A_696 = vector.shape_cast %get3A_695 : vector<16xf32> to vector<16xf32>
            %add3A_697 = arith.constant 256 : i32
            %add3A_698 = arith.addi %mul3A_264, %add3A_697 : i32
            %add3A_699 = arith.constant 240 : i32
            %add3A_700 = arith.addi %add3A_698, %add3A_699 : i32
            %get3A_701 = arith.index_cast %add3A_700 : i32 to index
            %get3A_702 = tpu.vector_load %arg8[%get3A_701] {strides = array<i32>} : memref<3072xf32, #tpu.memory_space<vmem>>, vector<16xf32>,
            %get3A_703 = vector.shape_cast %get3A_702 : vector<16xf32> to vector<16xf32>
            %add3A_704 = arith.constant 512 : i32
            %add3A_705 = arith.addi %mul3A_264, %add3A_704 : i32
            %add3A_706 = arith.constant 128 : i32
            %add3A_707 = arith.addi %add3A_705, %add3A_706 : i32
            %get3A_708 = arith.index_cast %add3A_707 : i32 to index
            %get3A_709 = tpu.vector_load %arg8[%get3A_708] {strides = array<i32>} : memref<3072xf32, #tpu.memory_space<vmem>>, vector<16xf32>,
            %get3A_710 = vector.shape_cast %get3A_709 : vector<16xf32> to vector<16xf32>
            %add3A_711 = arith.constant 512 : i32
            %add3A_712 = arith.addi %mul3A_264, %add3A_711 : i32
            %add3A_713 = arith.constant 144 : i32
            %add3A_714 = arith.addi %add3A_712, %add3A_713 : i32
            %get3A_715 = arith.index_cast %add3A_714 : i32 to index
            %get3A_716 = tpu.vector_load %arg8[%get3A_715] {strides = array<i32>} : memref<3072xf32, #tpu.memory_space<vmem>>, vector<16xf32>,
            %get3A_717 = vector.shape_cast %get3A_716 : vector<16xf32> to vector<16xf32>
            %add3A_718 = arith.constant 512 : i32
            %add3A_719 = arith.addi %mul3A_264, %add3A_718 : i32
            %add3A_720 = arith.constant 160 : i32
            %add3A_721 = arith.addi %add3A_719, %add3A_720 : i32
            %get3A_722 = arith.index_cast %add3A_721 : i32 to index
            %get3A_723 = tpu.vector_load %arg8[%get3A_722] {strides = array<i32>} : memref<3072xf32, #tpu.memory_space<vmem>>, vector<16xf32>,
            %get3A_724 = vector.shape_cast %get3A_723 : vector<16xf32> to vector<16xf32>
            %add3A_725 = arith.constant 512 : i32
            %add3A_726 = arith.addi %mul3A_264, %add3A_725 : i32
            %add3A_727 = arith.constant 176 : i32
            %add3A_728 = arith.addi %add3A_726, %add3A_727 : i32
            %get3A_729 = arith.index_cast %add3A_728 : i32 to index
            %get3A_730 = tpu.vector_load %arg8[%get3A_729] {strides = array<i32>} : memref<3072xf32, #tpu.memory_space<vmem>>, vector<16xf32>,
            %get3A_731 = vector.shape_cast %get3A_730 : vector<16xf32> to vector<16xf32>
            %add3A_732 = arith.constant 512 : i32
            %add3A_733 = arith.addi %mul3A_264, %add3A_732 : i32
            %add3A_734 = arith.constant 192 : i32
            %add3A_735 = arith.addi %add3A_733, %add3A_734 : i32
            %get3A_736 = arith.index_cast %add3A_735 : i32 to index
            %get3A_737 = tpu.vector_load %arg8[%get3A_736] {strides = array<i32>} : memref<3072xf32, #tpu.memory_space<vmem>>, vector<16xf32>,
            %get3A_738 = vector.shape_cast %get3A_737 : vector<16xf32> to vector<16xf32>
            %add3A_739 = arith.constant 512 : i32
            %add3A_740 = arith.addi %mul3A_264, %add3A_739 : i32
            %add3A_741 = arith.constant 208 : i32
            %add3A_742 = arith.addi %add3A_740, %add3A_741 : i32
            %get3A_743 = arith.index_cast %add3A_742 : i32 to index
            %get3A_744 = tpu.vector_load %arg8[%get3A_743] {strides = array<i32>} : memref<3072xf32, #tpu.memory_space<vmem>>, vector<16xf32>,
            %get3A_745 = vector.shape_cast %get3A_744 : vector<16xf32> to vector<16xf32>
            %add3A_746 = arith.constant 512 : i32
            %add3A_747 = arith.addi %mul3A_264, %add3A_746 : i32
            %add3A_748 = arith.constant 224 : i32
            %add3A_749 = arith.addi %add3A_747, %add3A_748 : i32
            %get3A_750 = arith.index_cast %add3A_749 : i32 to index
            %get3A_751 = tpu.vector_load %arg8[%get3A_750] {strides = array<i32>} : memref<3072xf32, #tpu.memory_space<vmem>>, vector<16xf32>,
            %get3A_752 = vector.shape_cast %get3A_751 : vector<16xf32> to vector<16xf32>
            %add3A_753 = arith.constant 512 : i32
            %add3A_754 = arith.addi %mul3A_264, %add3A_753 : i32
            %add3A_755 = arith.constant 240 : i32
            %add3A_756 = arith.addi %add3A_754, %add3A_755 : i32
            %get3A_757 = arith.index_cast %add3A_756 : i32 to index
            %get3A_758 = tpu.vector_load %arg8[%get3A_757] {strides = array<i32>} : memref<3072xf32, #tpu.memory_space<vmem>>, vector<16xf32>,
            %get3A_759 = vector.shape_cast %get3A_758 : vector<16xf32> to vector<16xf32>
            %while3A_760 = arith.constant 0 : i32
            %while3A_761 = arith.subi %max3A_268, %while3A_760 : i32
            %while3A_762 = arith.addi %while3A_760, %while3A_761 : i32
            %while3A_763 = arith.constant 1 : i32
            %while3A_764 = arith.divsi %while3A_761, %while3A_763 : i32
            %while3A_765 = arith.muli %while3A_764, %while3A_763 : i32
            %while3A_766 = arith.addi %while3A_760, %while3A_765 : i32
            %while3A_767 = arith.constant 1 : i32
            %while3A_768:25 = scf.for %while3A_947 = %while3A_760 to %while3A_766 step %while3A_767 iter_args(%while3A_948 = %sub3A_265, %while3A_949 = %get3A_612, %while3A_950 = %get3A_617, %while3A_951 = %get3A_622, %while3A_952 = %get3A_627, %while3A_953 = %get3A_632, %while3A_954 = %get3A_637, %while3A_955 = %get3A_642, %while3A_956 = %get3A_647, %while3A_957 = %get3A_654, %while3A_958 = %get3A_661, %while3A_959 = %get3A_668, %while3A_960 = %get3A_675, %while3A_961 = %get3A_682, %while3A_962 = %get3A_689, %while3A_963 = %get3A_696, %while3A_964 = %get3A_703, %while3A_965 = %get3A_710, %while3A_966 = %get3A_717, %while3A_967 = %get3A_724, %while3A_968 = %get3A_731, %while3A_969 = %get3A_738, %while3A_970 = %get3A_745, %while3A_971 = %get3A_752, %while3A_972 = %get3A_759) -> (i32, vector<16xf32>, vector<16xf32>, vector<16xf32>, vector<16xf32>, vector<16xf32>, vector<16xf32>, vector<16xf32>, vector<16xf32>, vector<16xf32>, vector<16xf32>, vector<16xf32>, vector<16xf32>, vector<16xf32>, vector<16xf32>, vector<16xf32>, vector<16xf32>, vector<16xf32>, vector<16xf32>, vector<16xf32>, vector<16xf32>, vector<16xf32>, vector<16xf32>, vector<16xf32>, vector<16xf32>)  : i32 {
              %get3A_973 = arith.index_cast %while3A_948 : i32 to index
              %get3A_974 = arith.constant 128 : index
              %get3A_975 = tpu.vector_load %arg7[%get3A_973, %get3A_974] {strides = array<i32>} : memref<144x256xf32, #tpu.memory_space<vmem>>, vector<1x16xf32>,
              %get3A_976 = vector.shape_cast %get3A_975 : vector<1x16xf32> to vector<16xf32>
              %get3A_977 = arith.index_cast %while3A_948 : i32 to index
              %get3A_978 = arith.constant 144 : index
              %get3A_979 = tpu.vector_load %arg7[%get3A_977, %get3A_978] {strides = array<i32>} : memref<144x256xf32, #tpu.memory_space<vmem>>, vector<1x16xf32>,
              %get3A_980 = vector.shape_cast %get3A_979 : vector<1x16xf32> to vector<16xf32>
              %get3A_981 = arith.index_cast %while3A_948 : i32 to index
              %get3A_982 = arith.constant 160 : index
              %get3A_983 = tpu.vector_load %arg7[%get3A_981, %get3A_982] {strides = array<i32>} : memref<144x256xf32, #tpu.memory_space<vmem>>, vector<1x16xf32>,
              %get3A_984 = vector.shape_cast %get3A_983 : vector<1x16xf32> to vector<16xf32>
              %get3A_985 = arith.index_cast %while3A_948 : i32 to index
              %get3A_986 = arith.constant 176 : index
              %get3A_987 = tpu.vector_load %arg7[%get3A_985, %get3A_986] {strides = array<i32>} : memref<144x256xf32, #tpu.memory_space<vmem>>, vector<1x16xf32>,
              %get3A_988 = vector.shape_cast %get3A_987 : vector<1x16xf32> to vector<16xf32>
              %get3A_989 = arith.index_cast %while3A_948 : i32 to index
              %get3A_990 = arith.constant 192 : index
              %get3A_991 = tpu.vector_load %arg7[%get3A_989, %get3A_990] {strides = array<i32>} : memref<144x256xf32, #tpu.memory_space<vmem>>, vector<1x16xf32>,
              %get3A_992 = vector.shape_cast %get3A_991 : vector<1x16xf32> to vector<16xf32>
              %get3A_993 = arith.index_cast %while3A_948 : i32 to index
              %get3A_994 = arith.constant 208 : index
              %get3A_995 = tpu.vector_load %arg7[%get3A_993, %get3A_994] {strides = array<i32>} : memref<144x256xf32, #tpu.memory_space<vmem>>, vector<1x16xf32>,
              %get3A_996 = vector.shape_cast %get3A_995 : vector<1x16xf32> to vector<16xf32>
              %get3A_997 = arith.index_cast %while3A_948 : i32 to index
              %get3A_998 = arith.constant 224 : index
              %get3A_999 = tpu.vector_load %arg7[%get3A_997, %get3A_998] {strides = array<i32>} : memref<144x256xf32, #tpu.memory_space<vmem>>, vector<1x16xf32>,
              %get3A_1000 = vector.shape_cast %get3A_999 : vector<1x16xf32> to vector<16xf32>
              %get3A_1001 = arith.index_cast %while3A_948 : i32 to index
              %get3A_1002 = arith.constant 240 : index
              %get3A_1003 = tpu.vector_load %arg7[%get3A_1001, %get3A_1002] {strides = array<i32>} : memref<144x256xf32, #tpu.memory_space<vmem>>, vector<1x16xf32>,
              %get3A_1004 = vector.shape_cast %get3A_1003 : vector<1x16xf32> to vector<16xf32>
              %max3A_1005 = arith.maximumf %while3A_949, %get3A_976 : vector<16xf32>
              %max3A_1006 = arith.maximumf %while3A_950, %get3A_980 : vector<16xf32>
              %max3A_1007 = arith.maximumf %while3A_951, %get3A_984 : vector<16xf32>
              %max3A_1008 = arith.maximumf %while3A_952, %get3A_988 : vector<16xf32>
              %max3A_1009 = arith.maximumf %while3A_953, %get3A_992 : vector<16xf32>
              %max3A_1010 = arith.maximumf %while3A_954, %get3A_996 : vector<16xf32>
              %max3A_1011 = arith.maximumf %while3A_955, %get3A_1000 : vector<16xf32>
              %max3A_1012 = arith.maximumf %while3A_956, %get3A_1004 : vector<16xf32>
              %min3A_1013 = arith.minimumf %while3A_957, %get3A_976 : vector<16xf32>
              %min3A_1014 = arith.minimumf %while3A_958, %get3A_980 : vector<16xf32>
              %min3A_1015 = arith.minimumf %while3A_959, %get3A_984 : vector<16xf32>
              %min3A_1016 = arith.minimumf %while3A_960, %get3A_988 : vector<16xf32>
              %min3A_1017 = arith.minimumf %while3A_961, %get3A_992 : vector<16xf32>
              %min3A_1018 = arith.minimumf %while3A_962, %get3A_996 : vector<16xf32>
              %min3A_1019 = arith.minimumf %while3A_963, %get3A_1000 : vector<16xf32>
              %min3A_1020 = arith.minimumf %while3A_964, %get3A_1004 : vector<16xf32>
              %add3A_1021 = arith.addf %while3A_965, %get3A_976 : vector<16xf32>
              %add3A_1022 = arith.addf %while3A_966, %get3A_980 : vector<16xf32>
              %add3A_1023 = arith.addf %while3A_967, %get3A_984 : vector<16xf32>
              %add3A_1024 = arith.addf %while3A_968, %get3A_988 : vector<16xf32>
              %add3A_1025 = arith.addf %while3A_969, %get3A_992 : vector<16xf32>
              %add3A_1026 = arith.addf %while3A_970, %get3A_996 : vector<16xf32>
              %add3A_1027 = arith.addf %while3A_971, %get3A_1000 : vector<16xf32>
              %add3A_1028 = arith.addf %while3A_972, %get3A_1004 : vector<16xf32>
              %add3A_1029 = arith.constant 1 : i32
              %add3A_1030 = arith.addi %while3A_948, %add3A_1029 : i32
              scf.yield %add3A_1030, %max3A_1005, %max3A_1006, %max3A_1007, %max3A_1008, %max3A_1009, %max3A_1010, %max3A_1011, %max3A_1012, %min3A_1013, %min3A_1014, %min3A_1015, %min3A_1016, %min3A_1017, %min3A_1018, %min3A_1019, %min3A_1020, %add3A_1021, %add3A_1022, %add3A_1023, %add3A_1024, %add3A_1025, %add3A_1026, %add3A_1027, %add3A_1028 : i32, vector<16xf32>, vector<16xf32>, vector<16xf32>, vector<16xf32>, vector<16xf32>, vector<16xf32>, vector<16xf32>, vector<16xf32>, vector<16xf32>, vector<16xf32>, vector<16xf32>, vector<16xf32>, vector<16xf32>, vector<16xf32>, vector<16xf32>, vector<16xf32>, vector<16xf32>, vector<16xf32>, vector<16xf32>, vector<16xf32>, vector<16xf32>, vector<16xf32>, vector<16xf32>, vector<16xf32>
            }
            %while3A_769 = arith.constant 1 : i32
            %while3A_770:25 = scf.for %while3A_947 = %while3A_766 to %while3A_762 step %while3A_769 iter_args(%while3A_948 = %while3A_768#0, %while3A_949 = %while3A_768#1, %while3A_950 = %while3A_768#2, %while3A_951 = %while3A_768#3, %while3A_952 = %while3A_768#4, %while3A_953 = %while3A_768#5, %while3A_954 = %while3A_768#6, %while3A_955 = %while3A_768#7, %while3A_956 = %while3A_768#8, %while3A_957 = %while3A_768#9, %while3A_958 = %while3A_768#10, %while3A_959 = %while3A_768#11, %while3A_960 = %while3A_768#12, %while3A_961 = %while3A_768#13, %while3A_962 = %while3A_768#14, %while3A_963 = %while3A_768#15, %while3A_964 = %while3A_768#16, %while3A_965 = %while3A_768#17, %while3A_966 = %while3A_768#18, %while3A_967 = %while3A_768#19, %while3A_968 = %while3A_768#20, %while3A_969 = %while3A_768#21, %while3A_970 = %while3A_768#22, %while3A_971 = %while3A_768#23, %while3A_972 = %while3A_768#24) -> (i32, vector<16xf32>, vector<16xf32>, vector<16xf32>, vector<16xf32>, vector<16xf32>, vector<16xf32>, vector<16xf32>, vector<16xf32>, vector<16xf32>, vector<16xf32>, vector<16xf32>, vector<16xf32>, vector<16xf32>, vector<16xf32>, vector<16xf32>, vector<16xf32>, vector<16xf32>, vector<16xf32>, vector<16xf32>, vector<16xf32>, vector<16xf32>, vector<16xf32>, vector<16xf32>, vector<16xf32>)  : i32 {
              %get3A_973 = arith.index_cast %while3A_948 : i32 to index
              %get3A_974 = arith.constant 128 : index
              %get3A_975 = tpu.vector_load %arg7[%get3A_973, %get3A_974] {strides = array<i32>} : memref<144x256xf32, #tpu.memory_space<vmem>>, vector<1x16xf32>,
              %get3A_976 = vector.shape_cast %get3A_975 : vector<1x16xf32> to vector<16xf32>
              %get3A_977 = arith.index_cast %while3A_948 : i32 to index
              %get3A_978 = arith.constant 144 : index
              %get3A_979 = tpu.vector_load %arg7[%get3A_977, %get3A_978] {strides = array<i32>} : memref<144x256xf32, #tpu.memory_space<vmem>>, vector<1x16xf32>,
              %get3A_980 = vector.shape_cast %get3A_979 : vector<1x16xf32> to vector<16xf32>
              %get3A_981 = arith.index_cast %while3A_948 : i32 to index
              %get3A_982 = arith.constant 160 : index
              %get3A_983 = tpu.vector_load %arg7[%get3A_981, %get3A_982] {strides = array<i32>} : memref<144x256xf32, #tpu.memory_space<vmem>>, vector<1x16xf32>,
              %get3A_984 = vector.shape_cast %get3A_983 : vector<1x16xf32> to vector<16xf32>
              %get3A_985 = arith.index_cast %while3A_948 : i32 to index
              %get3A_986 = arith.constant 176 : index
              %get3A_987 = tpu.vector_load %arg7[%get3A_985, %get3A_986] {strides = array<i32>} : memref<144x256xf32, #tpu.memory_space<vmem>>, vector<1x16xf32>,
              %get3A_988 = vector.shape_cast %get3A_987 : vector<1x16xf32> to vector<16xf32>
              %get3A_989 = arith.index_cast %while3A_948 : i32 to index
              %get3A_990 = arith.constant 192 : index
              %get3A_991 = tpu.vector_load %arg7[%get3A_989, %get3A_990] {strides = array<i32>} : memref<144x256xf32, #tpu.memory_space<vmem>>, vector<1x16xf32>,
              %get3A_992 = vector.shape_cast %get3A_991 : vector<1x16xf32> to vector<16xf32>
              %get3A_993 = arith.index_cast %while3A_948 : i32 to index
              %get3A_994 = arith.constant 208 : index
              %get3A_995 = tpu.vector_load %arg7[%get3A_993, %get3A_994] {strides = array<i32>} : memref<144x256xf32, #tpu.memory_space<vmem>>, vector<1x16xf32>,
              %get3A_996 = vector.shape_cast %get3A_995 : vector<1x16xf32> to vector<16xf32>
              %get3A_997 = arith.index_cast %while3A_948 : i32 to index
              %get3A_998 = arith.constant 224 : index
              %get3A_999 = tpu.vector_load %arg7[%get3A_997, %get3A_998] {strides = array<i32>} : memref<144x256xf32, #tpu.memory_space<vmem>>, vector<1x16xf32>,
              %get3A_1000 = vector.shape_cast %get3A_999 : vector<1x16xf32> to vector<16xf32>
              %get3A_1001 = arith.index_cast %while3A_948 : i32 to index
              %get3A_1002 = arith.constant 240 : index
              %get3A_1003 = tpu.vector_load %arg7[%get3A_1001, %get3A_1002] {strides = array<i32>} : memref<144x256xf32, #tpu.memory_space<vmem>>, vector<1x16xf32>,
              %get3A_1004 = vector.shape_cast %get3A_1003 : vector<1x16xf32> to vector<16xf32>
              %max3A_1005 = arith.maximumf %while3A_949, %get3A_976 : vector<16xf32>
              %max3A_1006 = arith.maximumf %while3A_950, %get3A_980 : vector<16xf32>
              %max3A_1007 = arith.maximumf %while3A_951, %get3A_984 : vector<16xf32>
              %max3A_1008 = arith.maximumf %while3A_952, %get3A_988 : vector<16xf32>
              %max3A_1009 = arith.maximumf %while3A_953, %get3A_992 : vector<16xf32>
              %max3A_1010 = arith.maximumf %while3A_954, %get3A_996 : vector<16xf32>
              %max3A_1011 = arith.maximumf %while3A_955, %get3A_1000 : vector<16xf32>
              %max3A_1012 = arith.maximumf %while3A_956, %get3A_1004 : vector<16xf32>
              %min3A_1013 = arith.minimumf %while3A_957, %get3A_976 : vector<16xf32>
              %min3A_1014 = arith.minimumf %while3A_958, %get3A_980 : vector<16xf32>
              %min3A_1015 = arith.minimumf %while3A_959, %get3A_984 : vector<16xf32>
              %min3A_1016 = arith.minimumf %while3A_960, %get3A_988 : vector<16xf32>
              %min3A_1017 = arith.minimumf %while3A_961, %get3A_992 : vector<16xf32>
              %min3A_1018 = arith.minimumf %while3A_962, %get3A_996 : vector<16xf32>
              %min3A_1019 = arith.minimumf %while3A_963, %get3A_1000 : vector<16xf32>
              %min3A_1020 = arith.minimumf %while3A_964, %get3A_1004 : vector<16xf32>
              %add3A_1021 = arith.addf %while3A_965, %get3A_976 : vector<16xf32>
              %add3A_1022 = arith.addf %while3A_966, %get3A_980 : vector<16xf32>
              %add3A_1023 = arith.addf %while3A_967, %get3A_984 : vector<16xf32>
              %add3A_1024 = arith.addf %while3A_968, %get3A_988 : vector<16xf32>
              %add3A_1025 = arith.addf %while3A_969, %get3A_992 : vector<16xf32>
              %add3A_1026 = arith.addf %while3A_970, %get3A_996 : vector<16xf32>
              %add3A_1027 = arith.addf %while3A_971, %get3A_1000 : vector<16xf32>
              %add3A_1028 = arith.addf %while3A_972, %get3A_1004 : vector<16xf32>
              %add3A_1029 = arith.constant 1 : i32
              %add3A_1030 = arith.addi %while3A_948, %add3A_1029 : i32
              scf.yield %add3A_1030, %max3A_1005, %max3A_1006, %max3A_1007, %max3A_1008, %max3A_1009, %max3A_1010, %max3A_1011, %max3A_1012, %min3A_1013, %min3A_1014, %min3A_1015, %min3A_1016, %min3A_1017, %min3A_1018, %min3A_1019, %min3A_1020, %add3A_1021, %add3A_1022, %add3A_1023, %add3A_1024, %add3A_1025, %add3A_1026, %add3A_1027, %add3A_1028 : i32, vector<16xf32>, vector<16xf32>, vector<16xf32>, vector<16xf32>, vector<16xf32>, vector<16xf32>, vector<16xf32>, vector<16xf32>, vector<16xf32>, vector<16xf32>, vector<16xf32>, vector<16xf32>, vector<16xf32>, vector<16xf32>, vector<16xf32>, vector<16xf32>, vector<16xf32>, vector<16xf32>, vector<16xf32>, vector<16xf32>, vector<16xf32>, vector<16xf32>, vector<16xf32>, vector<16xf32>
            }
            %add3A_771 = arith.constant 128 : i32
            %add3A_772 = arith.addi %mul3A_264, %add3A_771 : i32
            %swap3A_773 = arith.index_cast %add3A_772 : i32 to index
            %swap3A_774 = tpu.vector_load %arg8[%swap3A_773] {strides = array<i32>} : memref<3072xf32, #tpu.memory_space<vmem>>, vector<16xf32>,
            %swap3A_775 = vector.shape_cast %swap3A_774 : vector<16xf32> to vector<16xf32>
            %swap3A_776 = vector.shape_cast %while3A_770#1 : vector<16xf32> to vector<16xf32>
            tpu.vector_store %arg8[%swap3A_773], %swap3A_776 {strides = array<i32>} : memref<3072xf32, #tpu.memory_space<vmem>>, vector<16xf32>,
            %add3A_777 = arith.constant 256 : i32
            %add3A_778 = arith.addi %mul3A_264, %add3A_777 : i32
            %add3A_779 = arith.constant 128 : i32
            %add3A_780 = arith.addi %add3A_778, %add3A_779 : i32
            %swap3A_781 = arith.index_cast %add3A_780 : i32 to index
            %swap3A_782 = tpu.vector_load %arg8[%swap3A_781] {strides = array<i32>} : memref<3072xf32, #tpu.memory_space<vmem>>, vector<16xf32>,
            %swap3A_783 = vector.shape_cast %swap3A_782 : vector<16xf32> to vector<16xf32>
            %swap3A_784 = vector.shape_cast %while3A_770#9 : vector<16xf32> to vector<16xf32>
            tpu.vector_store %arg8[%swap3A_781], %swap3A_784 {strides = array<i32>} : memref<3072xf32, #tpu.memory_space<vmem>>, vector<16xf32>,
            %add3A_785 = arith.constant 512 : i32
            %add3A_786 = arith.addi %mul3A_264, %add3A_785 : i32
            %add3A_787 = arith.constant 128 : i32
            %add3A_788 = arith.addi %add3A_786, %add3A_787 : i32
            %swap3A_789 = arith.index_cast %add3A_788 : i32 to index
            %swap3A_790 = tpu.vector_load %arg8[%swap3A_789] {strides = array<i32>} : memref<3072xf32, #tpu.memory_space<vmem>>, vector<16xf32>,
            %swap3A_791 = vector.shape_cast %swap3A_790 : vector<16xf32> to vector<16xf32>
            %swap3A_792 = vector.shape_cast %while3A_770#17 : vector<16xf32> to vector<16xf32>
            tpu.vector_store %arg8[%swap3A_789], %swap3A_792 {strides = array<i32>} : memref<3072xf32, #tpu.memory_space<vmem>>, vector<16xf32>,
            %add3A_793 = arith.constant 144 : i32
            %add3A_794 = arith.addi %mul3A_264, %add3A_793 : i32
            %swap3A_795 = arith.index_cast %add3A_794 : i32 to index
            %swap3A_796 = tpu.vector_load %arg8[%swap3A_795] {strides = array<i32>} : memref<3072xf32, #tpu.memory_space<vmem>>, vector<16xf32>,
            %swap3A_797 = vector.shape_cast %swap3A_796 : vector<16xf32> to vector<16xf32>
            %swap3A_798 = vector.shape_cast %while3A_770#2 : vector<16xf32> to vector<16xf32>
            tpu.vector_store %arg8[%swap3A_795], %swap3A_798 {strides = array<i32>} : memref<3072xf32, #tpu.memory_space<vmem>>, vector<16xf32>,
            %add3A_799 = arith.constant 256 : i32
            %add3A_800 = arith.addi %mul3A_264, %add3A_799 : i32
            %add3A_801 = arith.constant 144 : i32
            %add3A_802 = arith.addi %add3A_800, %add3A_801 : i32
            %swap3A_803 = arith.index_cast %add3A_802 : i32 to index
            %swap3A_804 = tpu.vector_load %arg8[%swap3A_803] {strides = array<i32>} : memref<3072xf32, #tpu.memory_space<vmem>>, vector<16xf32>,
            %swap3A_805 = vector.shape_cast %swap3A_804 : vector<16xf32> to vector<16xf32>
            %swap3A_806 = vector.shape_cast %while3A_770#10 : vector<16xf32> to vector<16xf32>
            tpu.vector_store %arg8[%swap3A_803], %swap3A_806 {strides = array<i32>} : memref<3072xf32, #tpu.memory_space<vmem>>, vector<16xf32>,
            %add3A_807 = arith.constant 512 : i32
            %add3A_808 = arith.addi %mul3A_264, %add3A_807 : i32
            %add3A_809 = arith.constant 144 : i32
            %add3A_810 = arith.addi %add3A_808, %add3A_809 : i32
            %swap3A_811 = arith.index_cast %add3A_810 : i32 to index
            %swap3A_812 = tpu.vector_load %arg8[%swap3A_811] {strides = array<i32>} : memref<3072xf32, #tpu.memory_space<vmem>>, vector<16xf32>,
            %swap3A_813 = vector.shape_cast %swap3A_812 : vector<16xf32> to vector<16xf32>
            %swap3A_814 = vector.shape_cast %while3A_770#18 : vector<16xf32> to vector<16xf32>
            tpu.vector_store %arg8[%swap3A_811], %swap3A_814 {strides = array<i32>} : memref<3072xf32, #tpu.memory_space<vmem>>, vector<16xf32>,
            %add3A_815 = arith.constant 160 : i32
            %add3A_816 = arith.addi %mul3A_264, %add3A_815 : i32
            %swap3A_817 = arith.index_cast %add3A_816 : i32 to index
            %swap3A_818 = tpu.vector_load %arg8[%swap3A_817] {strides = array<i32>} : memref<3072xf32, #tpu.memory_space<vmem>>, vector<16xf32>,
            %swap3A_819 = vector.shape_cast %swap3A_818 : vector<16xf32> to vector<16xf32>
            %swap3A_820 = vector.shape_cast %while3A_770#3 : vector<16xf32> to vector<16xf32>
            tpu.vector_store %arg8[%swap3A_817], %swap3A_820 {strides = array<i32>} : memref<3072xf32, #tpu.memory_space<vmem>>, vector<16xf32>,
            %add3A_821 = arith.constant 256 : i32
            %add3A_822 = arith.addi %mul3A_264, %add3A_821 : i32
            %add3A_823 = arith.constant 160 : i32
            %add3A_824 = arith.addi %add3A_822, %add3A_823 : i32
            %swap3A_825 = arith.index_cast %add3A_824 : i32 to index
            %swap3A_826 = tpu.vector_load %arg8[%swap3A_825] {strides = array<i32>} : memref<3072xf32, #tpu.memory_space<vmem>>, vector<16xf32>,
            %swap3A_827 = vector.shape_cast %swap3A_826 : vector<16xf32> to vector<16xf32>
            %swap3A_828 = vector.shape_cast %while3A_770#11 : vector<16xf32> to vector<16xf32>
            tpu.vector_store %arg8[%swap3A_825], %swap3A_828 {strides = array<i32>} : memref<3072xf32, #tpu.memory_space<vmem>>, vector<16xf32>,
            %add3A_829 = arith.constant 512 : i32
            %add3A_830 = arith.addi %mul3A_264, %add3A_829 : i32
            %add3A_831 = arith.constant 160 : i32
            %add3A_832 = arith.addi %add3A_830, %add3A_831 : i32
            %swap3A_833 = arith.index_cast %add3A_832 : i32 to index
            %swap3A_834 = tpu.vector_load %arg8[%swap3A_833] {strides = array<i32>} : memref<3072xf32, #tpu.memory_space<vmem>>, vector<16xf32>,
            %swap3A_835 = vector.shape_cast %swap3A_834 : vector<16xf32> to vector<16xf32>
            %swap3A_836 = vector.shape_cast %while3A_770#19 : vector<16xf32> to vector<16xf32>
            tpu.vector_store %arg8[%swap3A_833], %swap3A_836 {strides = array<i32>} : memref<3072xf32, #tpu.memory_space<vmem>>, vector<16xf32>,
            %add3A_837 = arith.constant 176 : i32
            %add3A_838 = arith.addi %mul3A_264, %add3A_837 : i32
            %swap3A_839 = arith.index_cast %add3A_838 : i32 to index
            %swap3A_840 = tpu.vector_load %arg8[%swap3A_839] {strides = array<i32>} : memref<3072xf32, #tpu.memory_space<vmem>>, vector<16xf32>,
            %swap3A_841 = vector.shape_cast %swap3A_840 : vector<16xf32> to vector<16xf32>
            %swap3A_842 = vector.shape_cast %while3A_770#4 : vector<16xf32> to vector<16xf32>
            tpu.vector_store %arg8[%swap3A_839], %swap3A_842 {strides = array<i32>} : memref<3072xf32, #tpu.memory_space<vmem>>, vector<16xf32>,
            %add3A_843 = arith.constant 256 : i32
            %add3A_844 = arith.addi %mul3A_264, %add3A_843 : i32
            %add3A_845 = arith.constant 176 : i32
            %add3A_846 = arith.addi %add3A_844, %add3A_845 : i32
            %swap3A_847 = arith.index_cast %add3A_846 : i32 to index
            %swap3A_848 = tpu.vector_load %arg8[%swap3A_847] {strides = array<i32>} : memref<3072xf32, #tpu.memory_space<vmem>>, vector<16xf32>,
            %swap3A_849 = vector.shape_cast %swap3A_848 : vector<16xf32> to vector<16xf32>
            %swap3A_850 = vector.shape_cast %while3A_770#12 : vector<16xf32> to vector<16xf32>
            tpu.vector_store %arg8[%swap3A_847], %swap3A_850 {strides = array<i32>} : memref<3072xf32, #tpu.memory_space<vmem>>, vector<16xf32>,
            %add3A_851 = arith.constant 512 : i32
            %add3A_852 = arith.addi %mul3A_264, %add3A_851 : i32
            %add3A_853 = arith.constant 176 : i32
            %add3A_854 = arith.addi %add3A_852, %add3A_853 : i32
            %swap3A_855 = arith.index_cast %add3A_854 : i32 to index
            %swap3A_856 = tpu.vector_load %arg8[%swap3A_855] {strides = array<i32>} : memref<3072xf32, #tpu.memory_space<vmem>>, vector<16xf32>,
            %swap3A_857 = vector.shape_cast %swap3A_856 : vector<16xf32> to vector<16xf32>
            %swap3A_858 = vector.shape_cast %while3A_770#20 : vector<16xf32> to vector<16xf32>
            tpu.vector_store %arg8[%swap3A_855], %swap3A_858 {strides = array<i32>} : memref<3072xf32, #tpu.memory_space<vmem>>, vector<16xf32>,
            %add3A_859 = arith.constant 192 : i32
            %add3A_860 = arith.addi %mul3A_264, %add3A_859 : i32
            %swap3A_861 = arith.index_cast %add3A_860 : i32 to index
            %swap3A_862 = tpu.vector_load %arg8[%swap3A_861] {strides = array<i32>} : memref<3072xf32, #tpu.memory_space<vmem>>, vector<16xf32>,
            %swap3A_863 = vector.shape_cast %swap3A_862 : vector<16xf32> to vector<16xf32>
            %swap3A_864 = vector.shape_cast %while3A_770#5 : vector<16xf32> to vector<16xf32>
            tpu.vector_store %arg8[%swap3A_861], %swap3A_864 {strides = array<i32>} : memref<3072xf32, #tpu.memory_space<vmem>>, vector<16xf32>,
            %add3A_865 = arith.constant 256 : i32
            %add3A_866 = arith.addi %mul3A_264, %add3A_865 : i32
            %add3A_867 = arith.constant 192 : i32
            %add3A_868 = arith.addi %add3A_866, %add3A_867 : i32
            %swap3A_869 = arith.index_cast %add3A_868 : i32 to index
            %swap3A_870 = tpu.vector_load %arg8[%swap3A_869] {strides = array<i32>} : memref<3072xf32, #tpu.memory_space<vmem>>, vector<16xf32>,
            %swap3A_871 = vector.shape_cast %swap3A_870 : vector<16xf32> to vector<16xf32>
            %swap3A_872 = vector.shape_cast %while3A_770#13 : vector<16xf32> to vector<16xf32>
            tpu.vector_store %arg8[%swap3A_869], %swap3A_872 {strides = array<i32>} : memref<3072xf32, #tpu.memory_space<vmem>>, vector<16xf32>,
            %add3A_873 = arith.constant 512 : i32
            %add3A_874 = arith.addi %mul3A_264, %add3A_873 : i32
            %add3A_875 = arith.constant 192 : i32
            %add3A_876 = arith.addi %add3A_874, %add3A_875 : i32
            %swap3A_877 = arith.index_cast %add3A_876 : i32 to index
            %swap3A_878 = tpu.vector_load %arg8[%swap3A_877] {strides = array<i32>} : memref<3072xf32, #tpu.memory_space<vmem>>, vector<16xf32>,
            %swap3A_879 = vector.shape_cast %swap3A_878 : vector<16xf32> to vector<16xf32>
            %swap3A_880 = vector.shape_cast %while3A_770#21 : vector<16xf32> to vector<16xf32>
            tpu.vector_store %arg8[%swap3A_877], %swap3A_880 {strides = array<i32>} : memref<3072xf32, #tpu.memory_space<vmem>>, vector<16xf32>,
            %add3A_881 = arith.constant 208 : i32
            %add3A_882 = arith.addi %mul3A_264, %add3A_881 : i32
            %swap3A_883 = arith.index_cast %add3A_882 : i32 to index
            %swap3A_884 = tpu.vector_load %arg8[%swap3A_883] {strides = array<i32>} : memref<3072xf32, #tpu.memory_space<vmem>>, vector<16xf32>,
            %swap3A_885 = vector.shape_cast %swap3A_884 : vector<16xf32> to vector<16xf32>
            %swap3A_886 = vector.shape_cast %while3A_770#6 : vector<16xf32> to vector<16xf32>
            tpu.vector_store %arg8[%swap3A_883], %swap3A_886 {strides = array<i32>} : memref<3072xf32, #tpu.memory_space<vmem>>, vector<16xf32>,
            %add3A_887 = arith.constant 256 : i32
            %add3A_888 = arith.addi %mul3A_264, %add3A_887 : i32
            %add3A_889 = arith.constant 208 : i32
            %add3A_890 = arith.addi %add3A_888, %add3A_889 : i32
            %swap3A_891 = arith.index_cast %add3A_890 : i32 to index
            %swap3A_892 = tpu.vector_load %arg8[%swap3A_891] {strides = array<i32>} : memref<3072xf32, #tpu.memory_space<vmem>>, vector<16xf32>,
            %swap3A_893 = vector.shape_cast %swap3A_892 : vector<16xf32> to vector<16xf32>
            %swap3A_894 = vector.shape_cast %while3A_770#14 : vector<16xf32> to vector<16xf32>
            tpu.vector_store %arg8[%swap3A_891], %swap3A_894 {strides = array<i32>} : memref<3072xf32, #tpu.memory_space<vmem>>, vector<16xf32>,
            %add3A_895 = arith.constant 512 : i32
            %add3A_896 = arith.addi %mul3A_264, %add3A_895 : i32
            %add3A_897 = arith.constant 208 : i32
            %add3A_898 = arith.addi %add3A_896, %add3A_897 : i32
            %swap3A_899 = arith.index_cast %add3A_898 : i32 to index
            %swap3A_900 = tpu.vector_load %arg8[%swap3A_899] {strides = array<i32>} : memref<3072xf32, #tpu.memory_space<vmem>>, vector<16xf32>,
            %swap3A_901 = vector.shape_cast %swap3A_900 : vector<16xf32> to vector<16xf32>
            %swap3A_902 = vector.shape_cast %while3A_770#22 : vector<16xf32> to vector<16xf32>
            tpu.vector_store %arg8[%swap3A_899], %swap3A_902 {strides = array<i32>} : memref<3072xf32, #tpu.memory_space<vmem>>, vector<16xf32>,
            %add3A_903 = arith.constant 224 : i32
            %add3A_904 = arith.addi %mul3A_264, %add3A_903 : i32
            %swap3A_905 = arith.index_cast %add3A_904 : i32 to index
            %swap3A_906 = tpu.vector_load %arg8[%swap3A_905] {strides = array<i32>} : memref<3072xf32, #tpu.memory_space<vmem>>, vector<16xf32>,
            %swap3A_907 = vector.shape_cast %swap3A_906 : vector<16xf32> to vector<16xf32>
            %swap3A_908 = vector.shape_cast %while3A_770#7 : vector<16xf32> to vector<16xf32>
            tpu.vector_store %arg8[%swap3A_905], %swap3A_908 {strides = array<i32>} : memref<3072xf32, #tpu.memory_space<vmem>>, vector<16xf32>,
            %add3A_909 = arith.constant 256 : i32
            %add3A_910 = arith.addi %mul3A_264, %add3A_909 : i32
            %add3A_911 = arith.constant 224 : i32
            %add3A_912 = arith.addi %add3A_910, %add3A_911 : i32
            %swap3A_913 = arith.index_cast %add3A_912 : i32 to index
            %swap3A_914 = tpu.vector_load %arg8[%swap3A_913] {strides = array<i32>} : memref<3072xf32, #tpu.memory_space<vmem>>, vector<16xf32>,
            %swap3A_915 = vector.shape_cast %swap3A_914 : vector<16xf32> to vector<16xf32>
            %swap3A_916 = vector.shape_cast %while3A_770#15 : vector<16xf32> to vector<16xf32>
            tpu.vector_store %arg8[%swap3A_913], %swap3A_916 {strides = array<i32>} : memref<3072xf32, #tpu.memory_space<vmem>>, vector<16xf32>,
            %add3A_917 = arith.constant 512 : i32
            %add3A_918 = arith.addi %mul3A_264, %add3A_917 : i32
            %add3A_919 = arith.constant 224 : i32
            %add3A_920 = arith.addi %add3A_918, %add3A_919 : i32
            %swap3A_921 = arith.index_cast %add3A_920 : i32 to index
            %swap3A_922 = tpu.vector_load %arg8[%swap3A_921] {strides = array<i32>} : memref<3072xf32, #tpu.memory_space<vmem>>, vector<16xf32>,
            %swap3A_923 = vector.shape_cast %swap3A_922 : vector<16xf32> to vector<16xf32>
            %swap3A_924 = vector.shape_cast %while3A_770#23 : vector<16xf32> to vector<16xf32>
            tpu.vector_store %arg8[%swap3A_921], %swap3A_924 {strides = array<i32>} : memref<3072xf32, #tpu.memory_space<vmem>>, vector<16xf32>,
            %add3A_925 = arith.constant 240 : i32
            %add3A_926 = arith.addi %mul3A_264, %add3A_925 : i32
            %swap3A_927 = arith.index_cast %add3A_926 : i32 to index
            %swap3A_928 = tpu.vector_load %arg8[%swap3A_927] {strides = array<i32>} : memref<3072xf32, #tpu.memory_space<vmem>>, vector<16xf32>,
            %swap3A_929 = vector.shape_cast %swap3A_928 : vector<16xf32> to vector<16xf32>
            %swap3A_930 = vector.shape_cast %while3A_770#8 : vector<16xf32> to vector<16xf32>
            tpu.vector_store %arg8[%swap3A_927], %swap3A_930 {strides = array<i32>} : memref<3072xf32, #tpu.memory_space<vmem>>, vector<16xf32>,
            %add3A_931 = arith.constant 256 : i32
            %add3A_932 = arith.addi %mul3A_264, %add3A_931 : i32
            %add3A_933 = arith.constant 240 : i32
            %add3A_934 = arith.addi %add3A_932, %add3A_933 : i32
            %swap3A_935 = arith.index_cast %add3A_934 : i32 to index
            %swap3A_936 = tpu.vector_load %arg8[%swap3A_935] {strides = array<i32>} : memref<3072xf32, #tpu.memory_space<vmem>>, vector<16xf32>,
            %swap3A_937 = vector.shape_cast %swap3A_936 : vector<16xf32> to vector<16xf32>
            %swap3A_938 = vector.shape_cast %while3A_770#16 : vector<16xf32> to vector<16xf32>
            tpu.vector_store %arg8[%swap3A_935], %swap3A_938 {strides = array<i32>} : memref<3072xf32, #tpu.memory_space<vmem>>, vector<16xf32>,
            %add3A_939 = arith.constant 512 : i32
            %add3A_940 = arith.addi %mul3A_264, %add3A_939 : i32
            %add3A_941 = arith.constant 240 : i32
            %add3A_942 = arith.addi %add3A_940, %add3A_941 : i32
            %swap3A_943 = arith.index_cast %add3A_942 : i32 to index
            %swap3A_944 = tpu.vector_load %arg8[%swap3A_943] {strides = array<i32>} : memref<3072xf32, #tpu.memory_space<vmem>>, vector<16xf32>,
            %swap3A_945 = vector.shape_cast %swap3A_944 : vector<16xf32> to vector<16xf32>
            %swap3A_946 = vector.shape_cast %while3A_770#24 : vector<16xf32> to vector<16xf32>
            tpu.vector_store %arg8[%swap3A_943], %swap3A_946 {strides = array<i32>} : memref<3072xf32, #tpu.memory_space<vmem>>, vector<16xf32>,
          } else {
          }
          %scan3A_260 = arith.constant 0 : i32
          scf.yield %scan3A_260 : i32
        }
        %scan3A_244 = arith.constant 4 : i32
      } else {
      }
      %while3A_218 = arith.constant 0 : i32
      scf.yield %while3A_218 : i32
    }
    %while3A_167 = arith.constant 1 : i32
    %while3A_168 = scf.for %while3A_176 = %while3A_164 to %while3A_160 step %while3A_167 iter_args(%while3A_177 = %while3A_166) -> (i32)  : i32 {
      %mul3A_178 = arith.constant 2 : i32
      %mul3A_179 = arith.muli %mul3A_178, %while3A_176 : i32
      %add3A_180 = arith.constant 1 : i32
      %add3A_181 = arith.addi %mul3A_179, %add3A_180 : i32
      %lt3A = arith.cmpi slt, %add3A_181, %select_n3A_129 : i32
      %convert_element_type3A_182 = arith.extui %lt3A : i1 to i32
      %cond3A_183 = arith.constant 0 : i32
      %cond3A_184 = arith.cmpi ne, %convert_element_type3A_182, %cond3A_183 : i32
      scf.if %cond3A_184 {
        %mul3A_219 = arith.constant 144 : i32
        %mul3A_220 = arith.muli %add3A_181, %mul3A_219 : i32
        %add3A_221 = arith.addi %mul3A_100, %mul3A_220 : i32
        %min3A_222 = arith.constant 49856 : i32
        %min3A_223 = arith.minsi %add3A_221, %min3A_222 : i32
        %multiple_of3A_224 = tpu.assume_multiple %min3A_223, 8 : i32
        %dma_start3A = arith.constant 0 : i32
        %dma_start3A_225 = tpu.memref_slice %arg2[%multiple_of3A_224, %dma_start3A] : memref<50000x256xf32, #tpu.memory_space<hbm>> -> memref<144x256xf32, #tpu.memory_space<hbm>>
        %dma_start3A_226 = arith.constant 0 : i32
        %dma_start3A_227 = tpu.memref_slice %arg2[%multiple_of3A_224, %dma_start3A_226] : memref<50000x256xf32, #tpu.memory_space<hbm>> -> memref<144x256xf32, #tpu.memory_space<hbm>>
        tpu.enqueue_dma source(%dma_start3A_227 : memref<144x256xf32, #tpu.memory_space<hbm>>) target(%arg7 : memref<144x256xf32, #tpu.memory_space<vmem>>) target_semaphore(%arg11 : memref<!tpu.dma_semaphore, #tpu.memory_space<semaphore_mem>>)
      } else {
      }
      %mul3A_185 = arith.constant 144 : i32
      %mul3A_186 = arith.muli %mul3A_179, %mul3A_185 : i32
      %add3A_187 = arith.addi %mul3A_100, %mul3A_186 : i32
      %min3A = arith.constant 49856 : i32
      %min3A_188 = arith.minsi %add3A_187, %min3A : i32
      %multiple_of3A = tpu.assume_multiple %min3A_188, 8 : i32
      %dma_wait3A = arith.constant 0 : i32
      %dma_wait3A_189 = tpu.memref_slice %arg2[%multiple_of3A, %dma_wait3A] : memref<50000x256xf32, #tpu.memory_space<hbm>> -> memref<144x256xf32, #tpu.memory_space<hbm>>
      %dma_wait3A_190 = arith.constant 0 : i32
      %dma_wait3A_191 = tpu.memref_slice %arg2[%multiple_of3A, %dma_wait3A_190] : memref<50000x256xf32, #tpu.memory_space<hbm>> -> memref<144x256xf32, #tpu.memory_space<hbm>>
      tpu.wait_dma2 semaphore(%arg10 : memref<!tpu.dma_semaphore, #tpu.memory_space<semaphore_mem>>) src(%dma_wait3A_191 : memref<144x256xf32, #tpu.memory_space<hbm>>) dst(%arg6 : memref<144x256xf32, #tpu.memory_space<vmem>>)
      %mul3A_192 = arith.constant 144 : i32
      %mul3A_193 = arith.muli %mul3A_179, %mul3A_192 : i32
      %add3A_194 = arith.addi %mul3A_100, %mul3A_193 : i32
      %mul3A_195 = arith.constant 144 : i32
      %mul3A_196 = arith.muli %mul3A_179, %mul3A_195 : i32
      %add3A_197 = arith.addi %mul3A_100, %mul3A_196 : i32
      %min3A_198 = arith.constant 49856 : i32
      %min3A_199 = arith.minsi %add3A_197, %min3A_198 : i32
      %multiple_of3A_200 = tpu.assume_multiple %min3A_199, 8 : i32
      %scan3A_201 = arith.constant 0 : i32
      %scan3A_202 = arith.constant 0 : i32
      %scan3A_203 = arith.constant 4 : i32
      %scan3A_204 = arith.addi %scan3A_202, %scan3A_203 : i32
      %scan3A_205 = arith.constant 1 : i32
      %scan3A_206 = scf.for %scan3A_219 = %scan3A_202 to %scan3A_204 step %scan3A_205 iter_args(%scan3A_220 = %scan3A_201) -> (i32)  : i32 {
        %get3A_221 = arith.index_cast %scan3A_219 : i32 to index
        %get3A_222 = memref.load %arg9[%get3A_221] : memref<5xi32, #tpu.memory_space<smem>>
        %max3A = arith.maxsi %get3A_222, %add3A_194 : i32
        %add3A_223 = arith.constant 1 : i32
        %add3A_224 = arith.addi %scan3A_219, %add3A_223 : i32
        %get3A_225 = arith.index_cast %add3A_224 : i32 to index
        %get3A_226 = memref.load %arg9[%get3A_225] : memref<5xi32, #tpu.memory_space<smem>>
        %add3A_227 = arith.constant 144 : i32
        %add3A_228 = arith.addi %add3A_194, %add3A_227 : i32
        %min3A_229 = arith.minsi %get3A_226, %add3A_228 : i32
        %gt3A_230 = arith.cmpi sgt, %min3A_229, %max3A : i32
        %convert_element_type3A_231 = arith.extui %gt3A_230 : i1 to i32
        %cond3A_232 = arith.constant 0 : i32
        %cond3A_233 = arith.cmpi ne, %convert_element_type3A_231, %cond3A_232 : i32
        scf.if %cond3A_233 {
          %mul3A_235 = arith.constant 3 : i32
          %mul3A_236 = arith.muli %scan3A_219, %mul3A_235 : i32
          %mul3A_237 = arith.constant 256 : i32
          %mul3A_238 = arith.muli %mul3A_236, %mul3A_237 : i32
          %sub3A_239 = arith.subi %max3A, %multiple_of3A_200 : i32
          %sub3A_240 = arith.subi %min3A_229, %max3A : i32
          %max3A_241 = arith.constant 0 : i32
          %max3A_242 = arith.maxsi %sub3A_240, %max3A_241 : i32
          %add3A_243 = arith.constant 0 : i32
          %add3A_244 = arith.addi %mul3A_238, %add3A_243 : i32
          %get3A_245 = arith.index_cast %add3A_244 : i32 to index
          %get3A_246 = tpu.vector_load %arg8[%get3A_245] {strides = array<i32>} : memref<3072xf32, #tpu.memory_space<vmem>>, vector<16xf32>,
          %get3A_247 = vector.shape_cast %get3A_246 : vector<16xf32> to vector<16xf32>
          %add3A_248 = arith.constant 16 : i32
          %add3A_249 = arith.addi %mul3A_238, %add3A_248 : i32
          %get3A_250 = arith.index_cast %add3A_249 : i32 to index
          %get3A_251 = tpu.vector_load %arg8[%get3A_250] {strides = array<i32>} : memref<3072xf32, #tpu.memory_space<vmem>>, vector<16xf32>,
          %get3A_252 = vector.shape_cast %get3A_251 : vector<16xf32> to vector<16xf32>
          %add3A_253 = arith.constant 32 : i32
          %add3A_254 = arith.addi %mul3A_238, %add3A_253 : i32
          %get3A_255 = arith.index_cast %add3A_254 : i32 to index
          %get3A_256 = tpu.vector_load %arg8[%get3A_255] {strides = array<i32>} : memref<3072xf32, #tpu.memory_space<vmem>>, vector<16xf32>,
          %get3A_257 = vector.shape_cast %get3A_256 : vector<16xf32> to vector<16xf32>
          %add3A_258 = arith.constant 48 : i32
          %add3A_259 = arith.addi %mul3A_238, %add3A_258 : i32
          %get3A_260 = arith.index_cast %add3A_259 : i32 to index
          %get3A_261 = tpu.vector_load %arg8[%get3A_260] {strides = array<i32>} : memref<3072xf32, #tpu.memory_space<vmem>>, vector<16xf32>,
          %get3A_262 = vector.shape_cast %get3A_261 : vector<16xf32> to vector<16xf32>
          %add3A_263 = arith.constant 64 : i32
          %add3A_264 = arith.addi %mul3A_238, %add3A_263 : i32
          %get3A_265 = arith.index_cast %add3A_264 : i32 to index
          %get3A_266 = tpu.vector_load %arg8[%get3A_265] {strides = array<i32>} : memref<3072xf32, #tpu.memory_space<vmem>>, vector<16xf32>,
          %get3A_267 = vector.shape_cast %get3A_266 : vector<16xf32> to vector<16xf32>
          %add3A_268 = arith.constant 80 : i32
          %add3A_269 = arith.addi %mul3A_238, %add3A_268 : i32
          %get3A_270 = arith.index_cast %add3A_269 : i32 to index
          %get3A_271 = tpu.vector_load %arg8[%get3A_270] {strides = array<i32>} : memref<3072xf32, #tpu.memory_space<vmem>>, vector<16xf32>,
          %get3A_272 = vector.shape_cast %get3A_271 : vector<16xf32> to vector<16xf32>
          %add3A_273 = arith.constant 96 : i32
          %add3A_274 = arith.addi %mul3A_238, %add3A_273 : i32
          %get3A_275 = arith.index_cast %add3A_274 : i32 to index
          %get3A_276 = tpu.vector_load %arg8[%get3A_275] {strides = array<i32>} : memref<3072xf32, #tpu.memory_space<vmem>>, vector<16xf32>,
          %get3A_277 = vector.shape_cast %get3A_276 : vector<16xf32> to vector<16xf32>
          %add3A_278 = arith.constant 112 : i32
          %add3A_279 = arith.addi %mul3A_238, %add3A_278 : i32
          %get3A_280 = arith.index_cast %add3A_279 : i32 to index
          %get3A_281 = tpu.vector_load %arg8[%get3A_280] {strides = array<i32>} : memref<3072xf32, #tpu.memory_space<vmem>>, vector<16xf32>,
          %get3A_282 = vector.shape_cast %get3A_281 : vector<16xf32> to vector<16xf32>
          %add3A_283 = arith.constant 256 : i32
          %add3A_284 = arith.addi %mul3A_238, %add3A_283 : i32
          %add3A_285 = arith.constant 0 : i32
          %add3A_286 = arith.addi %add3A_284, %add3A_285 : i32
          %get3A_287 = arith.index_cast %add3A_286 : i32 to index
          %get3A_288 = tpu.vector_load %arg8[%get3A_287] {strides = array<i32>} : memref<3072xf32, #tpu.memory_space<vmem>>, vector<16xf32>,
          %get3A_289 = vector.shape_cast %get3A_288 : vector<16xf32> to vector<16xf32>
          %add3A_290 = arith.constant 256 : i32
          %add3A_291 = arith.addi %mul3A_238, %add3A_290 : i32
          %add3A_292 = arith.constant 16 : i32
          %add3A_293 = arith.addi %add3A_291, %add3A_292 : i32
          %get3A_294 = arith.index_cast %add3A_293 : i32 to index
          %get3A_295 = tpu.vector_load %arg8[%get3A_294] {strides = array<i32>} : memref<3072xf32, #tpu.memory_space<vmem>>, vector<16xf32>,
          %get3A_296 = vector.shape_cast %get3A_295 : vector<16xf32> to vector<16xf32>
          %add3A_297 = arith.constant 256 : i32
          %add3A_298 = arith.addi %mul3A_238, %add3A_297 : i32
          %add3A_299 = arith.constant 32 : i32
          %add3A_300 = arith.addi %add3A_298, %add3A_299 : i32
          %get3A_301 = arith.index_cast %add3A_300 : i32 to index
          %get3A_302 = tpu.vector_load %arg8[%get3A_301] {strides = array<i32>} : memref<3072xf32, #tpu.memory_space<vmem>>, vector<16xf32>,
          %get3A_303 = vector.shape_cast %get3A_302 : vector<16xf32> to vector<16xf32>
          %add3A_304 = arith.constant 256 : i32
          %add3A_305 = arith.addi %mul3A_238, %add3A_304 : i32
          %add3A_306 = arith.constant 48 : i32
          %add3A_307 = arith.addi %add3A_305, %add3A_306 : i32
          %get3A_308 = arith.index_cast %add3A_307 : i32 to index
          %get3A_309 = tpu.vector_load %arg8[%get3A_308] {strides = array<i32>} : memref<3072xf32, #tpu.memory_space<vmem>>, vector<16xf32>,
          %get3A_310 = vector.shape_cast %get3A_309 : vector<16xf32> to vector<16xf32>
          %add3A_311 = arith.constant 256 : i32
          %add3A_312 = arith.addi %mul3A_238, %add3A_311 : i32
          %add3A_313 = arith.constant 64 : i32
          %add3A_314 = arith.addi %add3A_312, %add3A_313 : i32
          %get3A_315 = arith.index_cast %add3A_314 : i32 to index
          %get3A_316 = tpu.vector_load %arg8[%get3A_315] {strides = array<i32>} : memref<3072xf32, #tpu.memory_space<vmem>>, vector<16xf32>,
          %get3A_317 = vector.shape_cast %get3A_316 : vector<16xf32> to vector<16xf32>
          %add3A_318 = arith.constant 256 : i32
          %add3A_319 = arith.addi %mul3A_238, %add3A_318 : i32
          %add3A_320 = arith.constant 80 : i32
          %add3A_321 = arith.addi %add3A_319, %add3A_320 : i32
          %get3A_322 = arith.index_cast %add3A_321 : i32 to index
          %get3A_323 = tpu.vector_load %arg8[%get3A_322] {strides = array<i32>} : memref<3072xf32, #tpu.memory_space<vmem>>, vector<16xf32>,
          %get3A_324 = vector.shape_cast %get3A_323 : vector<16xf32> to vector<16xf32>
          %add3A_325 = arith.constant 256 : i32
          %add3A_326 = arith.addi %mul3A_238, %add3A_325 : i32
          %add3A_327 = arith.constant 96 : i32
          %add3A_328 = arith.addi %add3A_326, %add3A_327 : i32
          %get3A_329 = arith.index_cast %add3A_328 : i32 to index
          %get3A_330 = tpu.vector_load %arg8[%get3A_329] {strides = array<i32>} : memref<3072xf32, #tpu.memory_space<vmem>>, vector<16xf32>,
          %get3A_331 = vector.shape_cast %get3A_330 : vector<16xf32> to vector<16xf32>
          %add3A_332 = arith.constant 256 : i32
          %add3A_333 = arith.addi %mul3A_238, %add3A_332 : i32
          %add3A_334 = arith.constant 112 : i32
          %add3A_335 = arith.addi %add3A_333, %add3A_334 : i32
          %get3A_336 = arith.index_cast %add3A_335 : i32 to index
          %get3A_337 = tpu.vector_load %arg8[%get3A_336] {strides = array<i32>} : memref<3072xf32, #tpu.memory_space<vmem>>, vector<16xf32>,
          %get3A_338 = vector.shape_cast %get3A_337 : vector<16xf32> to vector<16xf32>
          %add3A_339 = arith.constant 512 : i32
          %add3A_340 = arith.addi %mul3A_238, %add3A_339 : i32
          %add3A_341 = arith.constant 0 : i32
          %add3A_342 = arith.addi %add3A_340, %add3A_341 : i32
          %get3A_343 = arith.index_cast %add3A_342 : i32 to index
          %get3A_344 = tpu.vector_load %arg8[%get3A_343] {strides = array<i32>} : memref<3072xf32, #tpu.memory_space<vmem>>, vector<16xf32>,
          %get3A_345 = vector.shape_cast %get3A_344 : vector<16xf32> to vector<16xf32>
          %add3A_346 = arith.constant 512 : i32
          %add3A_347 = arith.addi %mul3A_238, %add3A_346 : i32
          %add3A_348 = arith.constant 16 : i32
          %add3A_349 = arith.addi %add3A_347, %add3A_348 : i32
          %get3A_350 = arith.index_cast %add3A_349 : i32 to index
          %get3A_351 = tpu.vector_load %arg8[%get3A_350] {strides = array<i32>} : memref<3072xf32, #tpu.memory_space<vmem>>, vector<16xf32>,
          %get3A_352 = vector.shape_cast %get3A_351 : vector<16xf32> to vector<16xf32>
          %add3A_353 = arith.constant 512 : i32
          %add3A_354 = arith.addi %mul3A_238, %add3A_353 : i32
          %add3A_355 = arith.constant 32 : i32
          %add3A_356 = arith.addi %add3A_354, %add3A_355 : i32
          %get3A_357 = arith.index_cast %add3A_356 : i32 to index
          %get3A_358 = tpu.vector_load %arg8[%get3A_357] {strides = array<i32>} : memref<3072xf32, #tpu.memory_space<vmem>>, vector<16xf32>,
          %get3A_359 = vector.shape_cast %get3A_358 : vector<16xf32> to vector<16xf32>
          %add3A_360 = arith.constant 512 : i32
          %add3A_361 = arith.addi %mul3A_238, %add3A_360 : i32
          %add3A_362 = arith.constant 48 : i32
          %add3A_363 = arith.addi %add3A_361, %add3A_362 : i32
          %get3A_364 = arith.index_cast %add3A_363 : i32 to index
          %get3A_365 = tpu.vector_load %arg8[%get3A_364] {strides = array<i32>} : memref<3072xf32, #tpu.memory_space<vmem>>, vector<16xf32>,
          %get3A_366 = vector.shape_cast %get3A_365 : vector<16xf32> to vector<16xf32>
          %add3A_367 = arith.constant 512 : i32
          %add3A_368 = arith.addi %mul3A_238, %add3A_367 : i32
          %add3A_369 = arith.constant 64 : i32
          %add3A_370 = arith.addi %add3A_368, %add3A_369 : i32
          %get3A_371 = arith.index_cast %add3A_370 : i32 to index
          %get3A_372 = tpu.vector_load %arg8[%get3A_371] {strides = array<i32>} : memref<3072xf32, #tpu.memory_space<vmem>>, vector<16xf32>,
          %get3A_373 = vector.shape_cast %get3A_372 : vector<16xf32> to vector<16xf32>
          %add3A_374 = arith.constant 512 : i32
          %add3A_375 = arith.addi %mul3A_238, %add3A_374 : i32
          %add3A_376 = arith.constant 80 : i32
          %add3A_377 = arith.addi %add3A_375, %add3A_376 : i32
          %get3A_378 = arith.index_cast %add3A_377 : i32 to index
          %get3A_379 = tpu.vector_load %arg8[%get3A_378] {strides = array<i32>} : memref<3072xf32, #tpu.memory_space<vmem>>, vector<16xf32>,
          %get3A_380 = vector.shape_cast %get3A_379 : vector<16xf32> to vector<16xf32>
          %add3A_381 = arith.constant 512 : i32
          %add3A_382 = arith.addi %mul3A_238, %add3A_381 : i32
          %add3A_383 = arith.constant 96 : i32
          %add3A_384 = arith.addi %add3A_382, %add3A_383 : i32
          %get3A_385 = arith.index_cast %add3A_384 : i32 to index
          %get3A_386 = tpu.vector_load %arg8[%get3A_385] {strides = array<i32>} : memref<3072xf32, #tpu.memory_space<vmem>>, vector<16xf32>,
          %get3A_387 = vector.shape_cast %get3A_386 : vector<16xf32> to vector<16xf32>
          %add3A_388 = arith.constant 512 : i32
          %add3A_389 = arith.addi %mul3A_238, %add3A_388 : i32
          %add3A_390 = arith.constant 112 : i32
          %add3A_391 = arith.addi %add3A_389, %add3A_390 : i32
          %get3A_392 = arith.index_cast %add3A_391 : i32 to index
          %get3A_393 = tpu.vector_load %arg8[%get3A_392] {strides = array<i32>} : memref<3072xf32, #tpu.memory_space<vmem>>, vector<16xf32>,
          %get3A_394 = vector.shape_cast %get3A_393 : vector<16xf32> to vector<16xf32>
          %while3A_395 = arith.constant 0 : i32
          %while3A_396 = arith.subi %max3A_242, %while3A_395 : i32
          %while3A_397 = arith.addi %while3A_395, %while3A_396 : i32
          %while3A_398 = arith.constant 1 : i32
          %while3A_399 = arith.divsi %while3A_396, %while3A_398 : i32
          %while3A_400 = arith.muli %while3A_399, %while3A_398 : i32
          %while3A_401 = arith.addi %while3A_395, %while3A_400 : i32
          %while3A_402 = arith.constant 1 : i32
          %while3A_403:25 = scf.for %while3A_921 = %while3A_395 to %while3A_401 step %while3A_402 iter_args(%while3A_922 = %sub3A_239, %while3A_923 = %get3A_247, %while3A_924 = %get3A_252, %while3A_925 = %get3A_257, %while3A_926 = %get3A_262, %while3A_927 = %get3A_267, %while3A_928 = %get3A_272, %while3A_929 = %get3A_277, %while3A_930 = %get3A_282, %while3A_931 = %get3A_289, %while3A_932 = %get3A_296, %while3A_933 = %get3A_303, %while3A_934 = %get3A_310, %while3A_935 = %get3A_317, %while3A_936 = %get3A_324, %while3A_937 = %get3A_331, %while3A_938 = %get3A_338, %while3A_939 = %get3A_345, %while3A_940 = %get3A_352, %while3A_941 = %get3A_359, %while3A_942 = %get3A_366, %while3A_943 = %get3A_373, %while3A_944 = %get3A_380, %while3A_945 = %get3A_387, %while3A_946 = %get3A_394) -> (i32, vector<16xf32>, vector<16xf32>, vector<16xf32>, vector<16xf32>, vector<16xf32>, vector<16xf32>, vector<16xf32>, vector<16xf32>, vector<16xf32>, vector<16xf32>, vector<16xf32>, vector<16xf32>, vector<16xf32>, vector<16xf32>, vector<16xf32>, vector<16xf32>, vector<16xf32>, vector<16xf32>, vector<16xf32>, vector<16xf32>, vector<16xf32>, vector<16xf32>, vector<16xf32>, vector<16xf32>)  : i32 {
            %get3A_947 = arith.index_cast %while3A_922 : i32 to index
            %get3A_948 = arith.constant 0 : index
            %get3A_949 = tpu.vector_load %arg6[%get3A_947, %get3A_948] {strides = array<i32>} : memref<144x256xf32, #tpu.memory_space<vmem>>, vector<1x16xf32>,
            %get3A_950 = vector.shape_cast %get3A_949 : vector<1x16xf32> to vector<16xf32>
            %get3A_951 = arith.index_cast %while3A_922 : i32 to index
            %get3A_952 = arith.constant 16 : index
            %get3A_953 = tpu.vector_load %arg6[%get3A_951, %get3A_952] {strides = array<i32>} : memref<144x256xf32, #tpu.memory_space<vmem>>, vector<1x16xf32>,
            %get3A_954 = vector.shape_cast %get3A_953 : vector<1x16xf32> to vector<16xf32>
            %get3A_955 = arith.index_cast %while3A_922 : i32 to index
            %get3A_956 = arith.constant 32 : index
            %get3A_957 = tpu.vector_load %arg6[%get3A_955, %get3A_956] {strides = array<i32>} : memref<144x256xf32, #tpu.memory_space<vmem>>, vector<1x16xf32>,
            %get3A_958 = vector.shape_cast %get3A_957 : vector<1x16xf32> to vector<16xf32>
            %get3A_959 = arith.index_cast %while3A_922 : i32 to index
            %get3A_960 = arith.constant 48 : index
            %get3A_961 = tpu.vector_load %arg6[%get3A_959, %get3A_960] {strides = array<i32>} : memref<144x256xf32, #tpu.memory_space<vmem>>, vector<1x16xf32>,
            %get3A_962 = vector.shape_cast %get3A_961 : vector<1x16xf32> to vector<16xf32>
            %get3A_963 = arith.index_cast %while3A_922 : i32 to index
            %get3A_964 = arith.constant 64 : index
            %get3A_965 = tpu.vector_load %arg6[%get3A_963, %get3A_964] {strides = array<i32>} : memref<144x256xf32, #tpu.memory_space<vmem>>, vector<1x16xf32>,
            %get3A_966 = vector.shape_cast %get3A_965 : vector<1x16xf32> to vector<16xf32>
            %get3A_967 = arith.index_cast %while3A_922 : i32 to index
            %get3A_968 = arith.constant 80 : index
            %get3A_969 = tpu.vector_load %arg6[%get3A_967, %get3A_968] {strides = array<i32>} : memref<144x256xf32, #tpu.memory_space<vmem>>, vector<1x16xf32>,
            %get3A_970 = vector.shape_cast %get3A_969 : vector<1x16xf32> to vector<16xf32>
            %get3A_971 = arith.index_cast %while3A_922 : i32 to index
            %get3A_972 = arith.constant 96 : index
            %get3A_973 = tpu.vector_load %arg6[%get3A_971, %get3A_972] {strides = array<i32>} : memref<144x256xf32, #tpu.memory_space<vmem>>, vector<1x16xf32>,
            %get3A_974 = vector.shape_cast %get3A_973 : vector<1x16xf32> to vector<16xf32>
            %get3A_975 = arith.index_cast %while3A_922 : i32 to index
            %get3A_976 = arith.constant 112 : index
            %get3A_977 = tpu.vector_load %arg6[%get3A_975, %get3A_976] {strides = array<i32>} : memref<144x256xf32, #tpu.memory_space<vmem>>, vector<1x16xf32>,
            %get3A_978 = vector.shape_cast %get3A_977 : vector<1x16xf32> to vector<16xf32>
            %max3A_979 = arith.maximumf %while3A_923, %get3A_950 : vector<16xf32>
            %max3A_980 = arith.maximumf %while3A_924, %get3A_954 : vector<16xf32>
            %max3A_981 = arith.maximumf %while3A_925, %get3A_958 : vector<16xf32>
            %max3A_982 = arith.maximumf %while3A_926, %get3A_962 : vector<16xf32>
            %max3A_983 = arith.maximumf %while3A_927, %get3A_966 : vector<16xf32>
            %max3A_984 = arith.maximumf %while3A_928, %get3A_970 : vector<16xf32>
            %max3A_985 = arith.maximumf %while3A_929, %get3A_974 : vector<16xf32>
            %max3A_986 = arith.maximumf %while3A_930, %get3A_978 : vector<16xf32>
            %min3A_987 = arith.minimumf %while3A_931, %get3A_950 : vector<16xf32>
            %min3A_988 = arith.minimumf %while3A_932, %get3A_954 : vector<16xf32>
            %min3A_989 = arith.minimumf %while3A_933, %get3A_958 : vector<16xf32>
            %min3A_990 = arith.minimumf %while3A_934, %get3A_962 : vector<16xf32>
            %min3A_991 = arith.minimumf %while3A_935, %get3A_966 : vector<16xf32>
            %min3A_992 = arith.minimumf %while3A_936, %get3A_970 : vector<16xf32>
            %min3A_993 = arith.minimumf %while3A_937, %get3A_974 : vector<16xf32>
            %min3A_994 = arith.minimumf %while3A_938, %get3A_978 : vector<16xf32>
            %add3A_995 = arith.addf %while3A_939, %get3A_950 : vector<16xf32>
            %add3A_996 = arith.addf %while3A_940, %get3A_954 : vector<16xf32>
            %add3A_997 = arith.addf %while3A_941, %get3A_958 : vector<16xf32>
            %add3A_998 = arith.addf %while3A_942, %get3A_962 : vector<16xf32>
            %add3A_999 = arith.addf %while3A_943, %get3A_966 : vector<16xf32>
            %add3A_1000 = arith.addf %while3A_944, %get3A_970 : vector<16xf32>
            %add3A_1001 = arith.addf %while3A_945, %get3A_974 : vector<16xf32>
            %add3A_1002 = arith.addf %while3A_946, %get3A_978 : vector<16xf32>
            %add3A_1003 = arith.constant 1 : i32
            %add3A_1004 = arith.addi %while3A_922, %add3A_1003 : i32
            scf.yield %add3A_1004, %max3A_979, %max3A_980, %max3A_981, %max3A_982, %max3A_983, %max3A_984, %max3A_985, %max3A_986, %min3A_987, %min3A_988, %min3A_989, %min3A_990, %min3A_991, %min3A_992, %min3A_993, %min3A_994, %add3A_995, %add3A_996, %add3A_997, %add3A_998, %add3A_999, %add3A_1000, %add3A_1001, %add3A_1002 : i32, vector<16xf32>, vector<16xf32>, vector<16xf32>, vector<16xf32>, vector<16xf32>, vector<16xf32>, vector<16xf32>, vector<16xf32>, vector<16xf32>, vector<16xf32>, vector<16xf32>, vector<16xf32>, vector<16xf32>, vector<16xf32>, vector<16xf32>, vector<16xf32>, vector<16xf32>, vector<16xf32>, vector<16xf32>, vector<16xf32>, vector<16xf32>, vector<16xf32>, vector<16xf32>, vector<16xf32>
          }
          %while3A_404 = arith.constant 1 : i32
          %while3A_405:25 = scf.for %while3A_921 = %while3A_401 to %while3A_397 step %while3A_404 iter_args(%while3A_922 = %while3A_403#0, %while3A_923 = %while3A_403#1, %while3A_924 = %while3A_403#2, %while3A_925 = %while3A_403#3, %while3A_926 = %while3A_403#4, %while3A_927 = %while3A_403#5, %while3A_928 = %while3A_403#6, %while3A_929 = %while3A_403#7, %while3A_930 = %while3A_403#8, %while3A_931 = %while3A_403#9, %while3A_932 = %while3A_403#10, %while3A_933 = %while3A_403#11, %while3A_934 = %while3A_403#12, %while3A_935 = %while3A_403#13, %while3A_936 = %while3A_403#14, %while3A_937 = %while3A_403#15, %while3A_938 = %while3A_403#16, %while3A_939 = %while3A_403#17, %while3A_940 = %while3A_403#18, %while3A_941 = %while3A_403#19, %while3A_942 = %while3A_403#20, %while3A_943 = %while3A_403#21, %while3A_944 = %while3A_403#22, %while3A_945 = %while3A_403#23, %while3A_946 = %while3A_403#24) -> (i32, vector<16xf32>, vector<16xf32>, vector<16xf32>, vector<16xf32>, vector<16xf32>, vector<16xf32>, vector<16xf32>, vector<16xf32>, vector<16xf32>, vector<16xf32>, vector<16xf32>, vector<16xf32>, vector<16xf32>, vector<16xf32>, vector<16xf32>, vector<16xf32>, vector<16xf32>, vector<16xf32>, vector<16xf32>, vector<16xf32>, vector<16xf32>, vector<16xf32>, vector<16xf32>, vector<16xf32>)  : i32 {
            %get3A_947 = arith.index_cast %while3A_922 : i32 to index
            %get3A_948 = arith.constant 0 : index
            %get3A_949 = tpu.vector_load %arg6[%get3A_947, %get3A_948] {strides = array<i32>} : memref<144x256xf32, #tpu.memory_space<vmem>>, vector<1x16xf32>,
            %get3A_950 = vector.shape_cast %get3A_949 : vector<1x16xf32> to vector<16xf32>
            %get3A_951 = arith.index_cast %while3A_922 : i32 to index
            %get3A_952 = arith.constant 16 : index
            %get3A_953 = tpu.vector_load %arg6[%get3A_951, %get3A_952] {strides = array<i32>} : memref<144x256xf32, #tpu.memory_space<vmem>>, vector<1x16xf32>,
            %get3A_954 = vector.shape_cast %get3A_953 : vector<1x16xf32> to vector<16xf32>
            %get3A_955 = arith.index_cast %while3A_922 : i32 to index
            %get3A_956 = arith.constant 32 : index
            %get3A_957 = tpu.vector_load %arg6[%get3A_955, %get3A_956] {strides = array<i32>} : memref<144x256xf32, #tpu.memory_space<vmem>>, vector<1x16xf32>,
            %get3A_958 = vector.shape_cast %get3A_957 : vector<1x16xf32> to vector<16xf32>
            %get3A_959 = arith.index_cast %while3A_922 : i32 to index
            %get3A_960 = arith.constant 48 : index
            %get3A_961 = tpu.vector_load %arg6[%get3A_959, %get3A_960] {strides = array<i32>} : memref<144x256xf32, #tpu.memory_space<vmem>>, vector<1x16xf32>,
            %get3A_962 = vector.shape_cast %get3A_961 : vector<1x16xf32> to vector<16xf32>
            %get3A_963 = arith.index_cast %while3A_922 : i32 to index
            %get3A_964 = arith.constant 64 : index
            %get3A_965 = tpu.vector_load %arg6[%get3A_963, %get3A_964] {strides = array<i32>} : memref<144x256xf32, #tpu.memory_space<vmem>>, vector<1x16xf32>,
            %get3A_966 = vector.shape_cast %get3A_965 : vector<1x16xf32> to vector<16xf32>
            %get3A_967 = arith.index_cast %while3A_922 : i32 to index
            %get3A_968 = arith.constant 80 : index
            %get3A_969 = tpu.vector_load %arg6[%get3A_967, %get3A_968] {strides = array<i32>} : memref<144x256xf32, #tpu.memory_space<vmem>>, vector<1x16xf32>,
            %get3A_970 = vector.shape_cast %get3A_969 : vector<1x16xf32> to vector<16xf32>
            %get3A_971 = arith.index_cast %while3A_922 : i32 to index
            %get3A_972 = arith.constant 96 : index
            %get3A_973 = tpu.vector_load %arg6[%get3A_971, %get3A_972] {strides = array<i32>} : memref<144x256xf32, #tpu.memory_space<vmem>>, vector<1x16xf32>,
            %get3A_974 = vector.shape_cast %get3A_973 : vector<1x16xf32> to vector<16xf32>
            %get3A_975 = arith.index_cast %while3A_922 : i32 to index
            %get3A_976 = arith.constant 112 : index
            %get3A_977 = tpu.vector_load %arg6[%get3A_975, %get3A_976] {strides = array<i32>} : memref<144x256xf32, #tpu.memory_space<vmem>>, vector<1x16xf32>,
            %get3A_978 = vector.shape_cast %get3A_977 : vector<1x16xf32> to vector<16xf32>
            %max3A_979 = arith.maximumf %while3A_923, %get3A_950 : vector<16xf32>
            %max3A_980 = arith.maximumf %while3A_924, %get3A_954 : vector<16xf32>
            %max3A_981 = arith.maximumf %while3A_925, %get3A_958 : vector<16xf32>
            %max3A_982 = arith.maximumf %while3A_926, %get3A_962 : vector<16xf32>
            %max3A_983 = arith.maximumf %while3A_927, %get3A_966 : vector<16xf32>
            %max3A_984 = arith.maximumf %while3A_928, %get3A_970 : vector<16xf32>
            %max3A_985 = arith.maximumf %while3A_929, %get3A_974 : vector<16xf32>
            %max3A_986 = arith.maximumf %while3A_930, %get3A_978 : vector<16xf32>
            %min3A_987 = arith.minimumf %while3A_931, %get3A_950 : vector<16xf32>
            %min3A_988 = arith.minimumf %while3A_932, %get3A_954 : vector<16xf32>
            %min3A_989 = arith.minimumf %while3A_933, %get3A_958 : vector<16xf32>
            %min3A_990 = arith.minimumf %while3A_934, %get3A_962 : vector<16xf32>
            %min3A_991 = arith.minimumf %while3A_935, %get3A_966 : vector<16xf32>
            %min3A_992 = arith.minimumf %while3A_936, %get3A_970 : vector<16xf32>
            %min3A_993 = arith.minimumf %while3A_937, %get3A_974 : vector<16xf32>
            %min3A_994 = arith.minimumf %while3A_938, %get3A_978 : vector<16xf32>
            %add3A_995 = arith.addf %while3A_939, %get3A_950 : vector<16xf32>
            %add3A_996 = arith.addf %while3A_940, %get3A_954 : vector<16xf32>
            %add3A_997 = arith.addf %while3A_941, %get3A_958 : vector<16xf32>
            %add3A_998 = arith.addf %while3A_942, %get3A_962 : vector<16xf32>
            %add3A_999 = arith.addf %while3A_943, %get3A_966 : vector<16xf32>
            %add3A_1000 = arith.addf %while3A_944, %get3A_970 : vector<16xf32>
            %add3A_1001 = arith.addf %while3A_945, %get3A_974 : vector<16xf32>
            %add3A_1002 = arith.addf %while3A_946, %get3A_978 : vector<16xf32>
            %add3A_1003 = arith.constant 1 : i32
            %add3A_1004 = arith.addi %while3A_922, %add3A_1003 : i32
            scf.yield %add3A_1004, %max3A_979, %max3A_980, %max3A_981, %max3A_982, %max3A_983, %max3A_984, %max3A_985, %max3A_986, %min3A_987, %min3A_988, %min3A_989, %min3A_990, %min3A_991, %min3A_992, %min3A_993, %min3A_994, %add3A_995, %add3A_996, %add3A_997, %add3A_998, %add3A_999, %add3A_1000, %add3A_1001, %add3A_1002 : i32, vector<16xf32>, vector<16xf32>, vector<16xf32>, vector<16xf32>, vector<16xf32>, vector<16xf32>, vector<16xf32>, vector<16xf32>, vector<16xf32>, vector<16xf32>, vector<16xf32>, vector<16xf32>, vector<16xf32>, vector<16xf32>, vector<16xf32>, vector<16xf32>, vector<16xf32>, vector<16xf32>, vector<16xf32>, vector<16xf32>, vector<16xf32>, vector<16xf32>, vector<16xf32>, vector<16xf32>
          }
          %add3A_406 = arith.constant 0 : i32
          %add3A_407 = arith.addi %mul3A_238, %add3A_406 : i32
          %swap3A_408 = arith.index_cast %add3A_407 : i32 to index
          %swap3A_409 = tpu.vector_load %arg8[%swap3A_408] {strides = array<i32>} : memref<3072xf32, #tpu.memory_space<vmem>>, vector<16xf32>,
          %swap3A_410 = vector.shape_cast %swap3A_409 : vector<16xf32> to vector<16xf32>
          %swap3A_411 = vector.shape_cast %while3A_405#1 : vector<16xf32> to vector<16xf32>
          tpu.vector_store %arg8[%swap3A_408], %swap3A_411 {strides = array<i32>} : memref<3072xf32, #tpu.memory_space<vmem>>, vector<16xf32>,
          %add3A_412 = arith.constant 256 : i32
          %add3A_413 = arith.addi %mul3A_238, %add3A_412 : i32
          %add3A_414 = arith.constant 0 : i32
          %add3A_415 = arith.addi %add3A_413, %add3A_414 : i32
          %swap3A_416 = arith.index_cast %add3A_415 : i32 to index
          %swap3A_417 = tpu.vector_load %arg8[%swap3A_416] {strides = array<i32>} : memref<3072xf32, #tpu.memory_space<vmem>>, vector<16xf32>,
          %swap3A_418 = vector.shape_cast %swap3A_417 : vector<16xf32> to vector<16xf32>
          %swap3A_419 = vector.shape_cast %while3A_405#9 : vector<16xf32> to vector<16xf32>
          tpu.vector_store %arg8[%swap3A_416], %swap3A_419 {strides = array<i32>} : memref<3072xf32, #tpu.memory_space<vmem>>, vector<16xf32>,
          %add3A_420 = arith.constant 512 : i32
          %add3A_421 = arith.addi %mul3A_238, %add3A_420 : i32
          %add3A_422 = arith.constant 0 : i32
          %add3A_423 = arith.addi %add3A_421, %add3A_422 : i32
          %swap3A_424 = arith.index_cast %add3A_423 : i32 to index
          %swap3A_425 = tpu.vector_load %arg8[%swap3A_424] {strides = array<i32>} : memref<3072xf32, #tpu.memory_space<vmem>>, vector<16xf32>,
          %swap3A_426 = vector.shape_cast %swap3A_425 : vector<16xf32> to vector<16xf32>
          %swap3A_427 = vector.shape_cast %while3A_405#17 : vector<16xf32> to vector<16xf32>
          tpu.vector_store %arg8[%swap3A_424], %swap3A_427 {strides = array<i32>} : memref<3072xf32, #tpu.memory_space<vmem>>, vector<16xf32>,
          %add3A_428 = arith.constant 16 : i32
          %add3A_429 = arith.addi %mul3A_238, %add3A_428 : i32
          %swap3A_430 = arith.index_cast %add3A_429 : i32 to index
          %swap3A_431 = tpu.vector_load %arg8[%swap3A_430] {strides = array<i32>} : memref<3072xf32, #tpu.memory_space<vmem>>, vector<16xf32>,
          %swap3A_432 = vector.shape_cast %swap3A_431 : vector<16xf32> to vector<16xf32>
          %swap3A_433 = vector.shape_cast %while3A_405#2 : vector<16xf32> to vector<16xf32>
          tpu.vector_store %arg8[%swap3A_430], %swap3A_433 {strides = array<i32>} : memref<3072xf32, #tpu.memory_space<vmem>>, vector<16xf32>,
          %add3A_434 = arith.constant 256 : i32
          %add3A_435 = arith.addi %mul3A_238, %add3A_434 : i32
          %add3A_436 = arith.constant 16 : i32
          %add3A_437 = arith.addi %add3A_435, %add3A_436 : i32
          %swap3A_438 = arith.index_cast %add3A_437 : i32 to index
          %swap3A_439 = tpu.vector_load %arg8[%swap3A_438] {strides = array<i32>} : memref<3072xf32, #tpu.memory_space<vmem>>, vector<16xf32>,
          %swap3A_440 = vector.shape_cast %swap3A_439 : vector<16xf32> to vector<16xf32>
          %swap3A_441 = vector.shape_cast %while3A_405#10 : vector<16xf32> to vector<16xf32>
          tpu.vector_store %arg8[%swap3A_438], %swap3A_441 {strides = array<i32>} : memref<3072xf32, #tpu.memory_space<vmem>>, vector<16xf32>,
          %add3A_442 = arith.constant 512 : i32
          %add3A_443 = arith.addi %mul3A_238, %add3A_442 : i32
          %add3A_444 = arith.constant 16 : i32
          %add3A_445 = arith.addi %add3A_443, %add3A_444 : i32
          %swap3A_446 = arith.index_cast %add3A_445 : i32 to index
          %swap3A_447 = tpu.vector_load %arg8[%swap3A_446] {strides = array<i32>} : memref<3072xf32, #tpu.memory_space<vmem>>, vector<16xf32>,
          %swap3A_448 = vector.shape_cast %swap3A_447 : vector<16xf32> to vector<16xf32>
          %swap3A_449 = vector.shape_cast %while3A_405#18 : vector<16xf32> to vector<16xf32>
          tpu.vector_store %arg8[%swap3A_446], %swap3A_449 {strides = array<i32>} : memref<3072xf32, #tpu.memory_space<vmem>>, vector<16xf32>,
          %add3A_450 = arith.constant 32 : i32
          %add3A_451 = arith.addi %mul3A_238, %add3A_450 : i32
          %swap3A_452 = arith.index_cast %add3A_451 : i32 to index
          %swap3A_453 = tpu.vector_load %arg8[%swap3A_452] {strides = array<i32>} : memref<3072xf32, #tpu.memory_space<vmem>>, vector<16xf32>,
          %swap3A_454 = vector.shape_cast %swap3A_453 : vector<16xf32> to vector<16xf32>
          %swap3A_455 = vector.shape_cast %while3A_405#3 : vector<16xf32> to vector<16xf32>
          tpu.vector_store %arg8[%swap3A_452], %swap3A_455 {strides = array<i32>} : memref<3072xf32, #tpu.memory_space<vmem>>, vector<16xf32>,
          %add3A_456 = arith.constant 256 : i32
          %add3A_457 = arith.addi %mul3A_238, %add3A_456 : i32
          %add3A_458 = arith.constant 32 : i32
          %add3A_459 = arith.addi %add3A_457, %add3A_458 : i32
          %swap3A_460 = arith.index_cast %add3A_459 : i32 to index
          %swap3A_461 = tpu.vector_load %arg8[%swap3A_460] {strides = array<i32>} : memref<3072xf32, #tpu.memory_space<vmem>>, vector<16xf32>,
          %swap3A_462 = vector.shape_cast %swap3A_461 : vector<16xf32> to vector<16xf32>
          %swap3A_463 = vector.shape_cast %while3A_405#11 : vector<16xf32> to vector<16xf32>
          tpu.vector_store %arg8[%swap3A_460], %swap3A_463 {strides = array<i32>} : memref<3072xf32, #tpu.memory_space<vmem>>, vector<16xf32>,
          %add3A_464 = arith.constant 512 : i32
          %add3A_465 = arith.addi %mul3A_238, %add3A_464 : i32
          %add3A_466 = arith.constant 32 : i32
          %add3A_467 = arith.addi %add3A_465, %add3A_466 : i32
          %swap3A_468 = arith.index_cast %add3A_467 : i32 to index
          %swap3A_469 = tpu.vector_load %arg8[%swap3A_468] {strides = array<i32>} : memref<3072xf32, #tpu.memory_space<vmem>>, vector<16xf32>,
          %swap3A_470 = vector.shape_cast %swap3A_469 : vector<16xf32> to vector<16xf32>
          %swap3A_471 = vector.shape_cast %while3A_405#19 : vector<16xf32> to vector<16xf32>
          tpu.vector_store %arg8[%swap3A_468], %swap3A_471 {strides = array<i32>} : memref<3072xf32, #tpu.memory_space<vmem>>, vector<16xf32>,
          %add3A_472 = arith.constant 48 : i32
          %add3A_473 = arith.addi %mul3A_238, %add3A_472 : i32
          %swap3A_474 = arith.index_cast %add3A_473 : i32 to index
          %swap3A_475 = tpu.vector_load %arg8[%swap3A_474] {strides = array<i32>} : memref<3072xf32, #tpu.memory_space<vmem>>, vector<16xf32>,
          %swap3A_476 = vector.shape_cast %swap3A_475 : vector<16xf32> to vector<16xf32>
          %swap3A_477 = vector.shape_cast %while3A_405#4 : vector<16xf32> to vector<16xf32>
          tpu.vector_store %arg8[%swap3A_474], %swap3A_477 {strides = array<i32>} : memref<3072xf32, #tpu.memory_space<vmem>>, vector<16xf32>,
          %add3A_478 = arith.constant 256 : i32
          %add3A_479 = arith.addi %mul3A_238, %add3A_478 : i32
          %add3A_480 = arith.constant 48 : i32
          %add3A_481 = arith.addi %add3A_479, %add3A_480 : i32
          %swap3A_482 = arith.index_cast %add3A_481 : i32 to index
          %swap3A_483 = tpu.vector_load %arg8[%swap3A_482] {strides = array<i32>} : memref<3072xf32, #tpu.memory_space<vmem>>, vector<16xf32>,
          %swap3A_484 = vector.shape_cast %swap3A_483 : vector<16xf32> to vector<16xf32>
          %swap3A_485 = vector.shape_cast %while3A_405#12 : vector<16xf32> to vector<16xf32>
          tpu.vector_store %arg8[%swap3A_482], %swap3A_485 {strides = array<i32>} : memref<3072xf32, #tpu.memory_space<vmem>>, vector<16xf32>,
          %add3A_486 = arith.constant 512 : i32
          %add3A_487 = arith.addi %mul3A_238, %add3A_486 : i32
          %add3A_488 = arith.constant 48 : i32
          %add3A_489 = arith.addi %add3A_487, %add3A_488 : i32
          %swap3A_490 = arith.index_cast %add3A_489 : i32 to index
          %swap3A_491 = tpu.vector_load %arg8[%swap3A_490] {strides = array<i32>} : memref<3072xf32, #tpu.memory_space<vmem>>, vector<16xf32>,
          %swap3A_492 = vector.shape_cast %swap3A_491 : vector<16xf32> to vector<16xf32>
          %swap3A_493 = vector.shape_cast %while3A_405#20 : vector<16xf32> to vector<16xf32>
          tpu.vector_store %arg8[%swap3A_490], %swap3A_493 {strides = array<i32>} : memref<3072xf32, #tpu.memory_space<vmem>>, vector<16xf32>,
          %add3A_494 = arith.constant 64 : i32
          %add3A_495 = arith.addi %mul3A_238, %add3A_494 : i32
          %swap3A_496 = arith.index_cast %add3A_495 : i32 to index
          %swap3A_497 = tpu.vector_load %arg8[%swap3A_496] {strides = array<i32>} : memref<3072xf32, #tpu.memory_space<vmem>>, vector<16xf32>,
          %swap3A_498 = vector.shape_cast %swap3A_497 : vector<16xf32> to vector<16xf32>
          %swap3A_499 = vector.shape_cast %while3A_405#5 : vector<16xf32> to vector<16xf32>
          tpu.vector_store %arg8[%swap3A_496], %swap3A_499 {strides = array<i32>} : memref<3072xf32, #tpu.memory_space<vmem>>, vector<16xf32>,
          %add3A_500 = arith.constant 256 : i32
          %add3A_501 = arith.addi %mul3A_238, %add3A_500 : i32
          %add3A_502 = arith.constant 64 : i32
          %add3A_503 = arith.addi %add3A_501, %add3A_502 : i32
          %swap3A_504 = arith.index_cast %add3A_503 : i32 to index
          %swap3A_505 = tpu.vector_load %arg8[%swap3A_504] {strides = array<i32>} : memref<3072xf32, #tpu.memory_space<vmem>>, vector<16xf32>,
          %swap3A_506 = vector.shape_cast %swap3A_505 : vector<16xf32> to vector<16xf32>
          %swap3A_507 = vector.shape_cast %while3A_405#13 : vector<16xf32> to vector<16xf32>
          tpu.vector_store %arg8[%swap3A_504], %swap3A_507 {strides = array<i32>} : memref<3072xf32, #tpu.memory_space<vmem>>, vector<16xf32>,
          %add3A_508 = arith.constant 512 : i32
          %add3A_509 = arith.addi %mul3A_238, %add3A_508 : i32
          %add3A_510 = arith.constant 64 : i32
          %add3A_511 = arith.addi %add3A_509, %add3A_510 : i32
          %swap3A_512 = arith.index_cast %add3A_511 : i32 to index
          %swap3A_513 = tpu.vector_load %arg8[%swap3A_512] {strides = array<i32>} : memref<3072xf32, #tpu.memory_space<vmem>>, vector<16xf32>,
          %swap3A_514 = vector.shape_cast %swap3A_513 : vector<16xf32> to vector<16xf32>
          %swap3A_515 = vector.shape_cast %while3A_405#21 : vector<16xf32> to vector<16xf32>
          tpu.vector_store %arg8[%swap3A_512], %swap3A_515 {strides = array<i32>} : memref<3072xf32, #tpu.memory_space<vmem>>, vector<16xf32>,
          %add3A_516 = arith.constant 80 : i32
          %add3A_517 = arith.addi %mul3A_238, %add3A_516 : i32
          %swap3A_518 = arith.index_cast %add3A_517 : i32 to index
          %swap3A_519 = tpu.vector_load %arg8[%swap3A_518] {strides = array<i32>} : memref<3072xf32, #tpu.memory_space<vmem>>, vector<16xf32>,
          %swap3A_520 = vector.shape_cast %swap3A_519 : vector<16xf32> to vector<16xf32>
          %swap3A_521 = vector.shape_cast %while3A_405#6 : vector<16xf32> to vector<16xf32>
          tpu.vector_store %arg8[%swap3A_518], %swap3A_521 {strides = array<i32>} : memref<3072xf32, #tpu.memory_space<vmem>>, vector<16xf32>,
          %add3A_522 = arith.constant 256 : i32
          %add3A_523 = arith.addi %mul3A_238, %add3A_522 : i32
          %add3A_524 = arith.constant 80 : i32
          %add3A_525 = arith.addi %add3A_523, %add3A_524 : i32
          %swap3A_526 = arith.index_cast %add3A_525 : i32 to index
          %swap3A_527 = tpu.vector_load %arg8[%swap3A_526] {strides = array<i32>} : memref<3072xf32, #tpu.memory_space<vmem>>, vector<16xf32>,
          %swap3A_528 = vector.shape_cast %swap3A_527 : vector<16xf32> to vector<16xf32>
          %swap3A_529 = vector.shape_cast %while3A_405#14 : vector<16xf32> to vector<16xf32>
          tpu.vector_store %arg8[%swap3A_526], %swap3A_529 {strides = array<i32>} : memref<3072xf32, #tpu.memory_space<vmem>>, vector<16xf32>,
          %add3A_530 = arith.constant 512 : i32
          %add3A_531 = arith.addi %mul3A_238, %add3A_530 : i32
          %add3A_532 = arith.constant 80 : i32
          %add3A_533 = arith.addi %add3A_531, %add3A_532 : i32
          %swap3A_534 = arith.index_cast %add3A_533 : i32 to index
          %swap3A_535 = tpu.vector_load %arg8[%swap3A_534] {strides = array<i32>} : memref<3072xf32, #tpu.memory_space<vmem>>, vector<16xf32>,
          %swap3A_536 = vector.shape_cast %swap3A_535 : vector<16xf32> to vector<16xf32>
          %swap3A_537 = vector.shape_cast %while3A_405#22 : vector<16xf32> to vector<16xf32>
          tpu.vector_store %arg8[%swap3A_534], %swap3A_537 {strides = array<i32>} : memref<3072xf32, #tpu.memory_space<vmem>>, vector<16xf32>,
          %add3A_538 = arith.constant 96 : i32
          %add3A_539 = arith.addi %mul3A_238, %add3A_538 : i32
          %swap3A_540 = arith.index_cast %add3A_539 : i32 to index
          %swap3A_541 = tpu.vector_load %arg8[%swap3A_540] {strides = array<i32>} : memref<3072xf32, #tpu.memory_space<vmem>>, vector<16xf32>,
          %swap3A_542 = vector.shape_cast %swap3A_541 : vector<16xf32> to vector<16xf32>
          %swap3A_543 = vector.shape_cast %while3A_405#7 : vector<16xf32> to vector<16xf32>
          tpu.vector_store %arg8[%swap3A_540], %swap3A_543 {strides = array<i32>} : memref<3072xf32, #tpu.memory_space<vmem>>, vector<16xf32>,
          %add3A_544 = arith.constant 256 : i32
          %add3A_545 = arith.addi %mul3A_238, %add3A_544 : i32
          %add3A_546 = arith.constant 96 : i32
          %add3A_547 = arith.addi %add3A_545, %add3A_546 : i32
          %swap3A_548 = arith.index_cast %add3A_547 : i32 to index
          %swap3A_549 = tpu.vector_load %arg8[%swap3A_548] {strides = array<i32>} : memref<3072xf32, #tpu.memory_space<vmem>>, vector<16xf32>,
          %swap3A_550 = vector.shape_cast %swap3A_549 : vector<16xf32> to vector<16xf32>
          %swap3A_551 = vector.shape_cast %while3A_405#15 : vector<16xf32> to vector<16xf32>
          tpu.vector_store %arg8[%swap3A_548], %swap3A_551 {strides = array<i32>} : memref<3072xf32, #tpu.memory_space<vmem>>, vector<16xf32>,
          %add3A_552 = arith.constant 512 : i32
          %add3A_553 = arith.addi %mul3A_238, %add3A_552 : i32
          %add3A_554 = arith.constant 96 : i32
          %add3A_555 = arith.addi %add3A_553, %add3A_554 : i32
          %swap3A_556 = arith.index_cast %add3A_555 : i32 to index
          %swap3A_557 = tpu.vector_load %arg8[%swap3A_556] {strides = array<i32>} : memref<3072xf32, #tpu.memory_space<vmem>>, vector<16xf32>,
          %swap3A_558 = vector.shape_cast %swap3A_557 : vector<16xf32> to vector<16xf32>
          %swap3A_559 = vector.shape_cast %while3A_405#23 : vector<16xf32> to vector<16xf32>
          tpu.vector_store %arg8[%swap3A_556], %swap3A_559 {strides = array<i32>} : memref<3072xf32, #tpu.memory_space<vmem>>, vector<16xf32>,
          %add3A_560 = arith.constant 112 : i32
          %add3A_561 = arith.addi %mul3A_238, %add3A_560 : i32
          %swap3A_562 = arith.index_cast %add3A_561 : i32 to index
          %swap3A_563 = tpu.vector_load %arg8[%swap3A_562] {strides = array<i32>} : memref<3072xf32, #tpu.memory_space<vmem>>, vector<16xf32>,
          %swap3A_564 = vector.shape_cast %swap3A_563 : vector<16xf32> to vector<16xf32>
          %swap3A_565 = vector.shape_cast %while3A_405#8 : vector<16xf32> to vector<16xf32>
          tpu.vector_store %arg8[%swap3A_562], %swap3A_565 {strides = array<i32>} : memref<3072xf32, #tpu.memory_space<vmem>>, vector<16xf32>,
          %add3A_566 = arith.constant 256 : i32
          %add3A_567 = arith.addi %mul3A_238, %add3A_566 : i32
          %add3A_568 = arith.constant 112 : i32
          %add3A_569 = arith.addi %add3A_567, %add3A_568 : i32
          %swap3A_570 = arith.index_cast %add3A_569 : i32 to index
          %swap3A_571 = tpu.vector_load %arg8[%swap3A_570] {strides = array<i32>} : memref<3072xf32, #tpu.memory_space<vmem>>, vector<16xf32>,
          %swap3A_572 = vector.shape_cast %swap3A_571 : vector<16xf32> to vector<16xf32>
          %swap3A_573 = vector.shape_cast %while3A_405#16 : vector<16xf32> to vector<16xf32>
          tpu.vector_store %arg8[%swap3A_570], %swap3A_573 {strides = array<i32>} : memref<3072xf32, #tpu.memory_space<vmem>>, vector<16xf32>,
          %add3A_574 = arith.constant 512 : i32
          %add3A_575 = arith.addi %mul3A_238, %add3A_574 : i32
          %add3A_576 = arith.constant 112 : i32
          %add3A_577 = arith.addi %add3A_575, %add3A_576 : i32
          %swap3A_578 = arith.index_cast %add3A_577 : i32 to index
          %swap3A_579 = tpu.vector_load %arg8[%swap3A_578] {strides = array<i32>} : memref<3072xf32, #tpu.memory_space<vmem>>, vector<16xf32>,
          %swap3A_580 = vector.shape_cast %swap3A_579 : vector<16xf32> to vector<16xf32>
          %swap3A_581 = vector.shape_cast %while3A_405#24 : vector<16xf32> to vector<16xf32>
          tpu.vector_store %arg8[%swap3A_578], %swap3A_581 {strides = array<i32>} : memref<3072xf32, #tpu.memory_space<vmem>>, vector<16xf32>,
          %add3A_582 = arith.constant 128 : i32
          %add3A_583 = arith.addi %mul3A_238, %add3A_582 : i32
          %get3A_584 = arith.index_cast %add3A_583 : i32 to index
          %get3A_585 = tpu.vector_load %arg8[%get3A_584] {strides = array<i32>} : memref<3072xf32, #tpu.memory_space<vmem>>, vector<16xf32>,
          %get3A_586 = vector.shape_cast %get3A_585 : vector<16xf32> to vector<16xf32>
          %add3A_587 = arith.constant 144 : i32
          %add3A_588 = arith.addi %mul3A_238, %add3A_587 : i32
          %get3A_589 = arith.index_cast %add3A_588 : i32 to index
          %get3A_590 = tpu.vector_load %arg8[%get3A_589] {strides = array<i32>} : memref<3072xf32, #tpu.memory_space<vmem>>, vector<16xf32>,
          %get3A_591 = vector.shape_cast %get3A_590 : vector<16xf32> to vector<16xf32>
          %add3A_592 = arith.constant 160 : i32
          %add3A_593 = arith.addi %mul3A_238, %add3A_592 : i32
          %get3A_594 = arith.index_cast %add3A_593 : i32 to index
          %get3A_595 = tpu.vector_load %arg8[%get3A_594] {strides = array<i32>} : memref<3072xf32, #tpu.memory_space<vmem>>, vector<16xf32>,
          %get3A_596 = vector.shape_cast %get3A_595 : vector<16xf32> to vector<16xf32>
          %add3A_597 = arith.constant 176 : i32
          %add3A_598 = arith.addi %mul3A_238, %add3A_597 : i32
          %get3A_599 = arith.index_cast %add3A_598 : i32 to index
          %get3A_600 = tpu.vector_load %arg8[%get3A_599] {strides = array<i32>} : memref<3072xf32, #tpu.memory_space<vmem>>, vector<16xf32>,
          %get3A_601 = vector.shape_cast %get3A_600 : vector<16xf32> to vector<16xf32>
          %add3A_602 = arith.constant 192 : i32
          %add3A_603 = arith.addi %mul3A_238, %add3A_602 : i32
          %get3A_604 = arith.index_cast %add3A_603 : i32 to index
          %get3A_605 = tpu.vector_load %arg8[%get3A_604] {strides = array<i32>} : memref<3072xf32, #tpu.memory_space<vmem>>, vector<16xf32>,
          %get3A_606 = vector.shape_cast %get3A_605 : vector<16xf32> to vector<16xf32>
          %add3A_607 = arith.constant 208 : i32
          %add3A_608 = arith.addi %mul3A_238, %add3A_607 : i32
          %get3A_609 = arith.index_cast %add3A_608 : i32 to index
          %get3A_610 = tpu.vector_load %arg8[%get3A_609] {strides = array<i32>} : memref<3072xf32, #tpu.memory_space<vmem>>, vector<16xf32>,
          %get3A_611 = vector.shape_cast %get3A_610 : vector<16xf32> to vector<16xf32>
          %add3A_612 = arith.constant 224 : i32
          %add3A_613 = arith.addi %mul3A_238, %add3A_612 : i32
          %get3A_614 = arith.index_cast %add3A_613 : i32 to index
          %get3A_615 = tpu.vector_load %arg8[%get3A_614] {strides = array<i32>} : memref<3072xf32, #tpu.memory_space<vmem>>, vector<16xf32>,
          %get3A_616 = vector.shape_cast %get3A_615 : vector<16xf32> to vector<16xf32>
          %add3A_617 = arith.constant 240 : i32
          %add3A_618 = arith.addi %mul3A_238, %add3A_617 : i32
          %get3A_619 = arith.index_cast %add3A_618 : i32 to index
          %get3A_620 = tpu.vector_load %arg8[%get3A_619] {strides = array<i32>} : memref<3072xf32, #tpu.memory_space<vmem>>, vector<16xf32>,
          %get3A_621 = vector.shape_cast %get3A_620 : vector<16xf32> to vector<16xf32>
          %add3A_622 = arith.constant 256 : i32
          %add3A_623 = arith.addi %mul3A_238, %add3A_622 : i32
          %add3A_624 = arith.constant 128 : i32
          %add3A_625 = arith.addi %add3A_623, %add3A_624 : i32
          %get3A_626 = arith.index_cast %add3A_625 : i32 to index
          %get3A_627 = tpu.vector_load %arg8[%get3A_626] {strides = array<i32>} : memref<3072xf32, #tpu.memory_space<vmem>>, vector<16xf32>,
          %get3A_628 = vector.shape_cast %get3A_627 : vector<16xf32> to vector<16xf32>
          %add3A_629 = arith.constant 256 : i32
          %add3A_630 = arith.addi %mul3A_238, %add3A_629 : i32
          %add3A_631 = arith.constant 144 : i32
          %add3A_632 = arith.addi %add3A_630, %add3A_631 : i32
          %get3A_633 = arith.index_cast %add3A_632 : i32 to index
          %get3A_634 = tpu.vector_load %arg8[%get3A_633] {strides = array<i32>} : memref<3072xf32, #tpu.memory_space<vmem>>, vector<16xf32>,
          %get3A_635 = vector.shape_cast %get3A_634 : vector<16xf32> to vector<16xf32>
          %add3A_636 = arith.constant 256 : i32
          %add3A_637 = arith.addi %mul3A_238, %add3A_636 : i32
          %add3A_638 = arith.constant 160 : i32
          %add3A_639 = arith.addi %add3A_637, %add3A_638 : i32
          %get3A_640 = arith.index_cast %add3A_639 : i32 to index
          %get3A_641 = tpu.vector_load %arg8[%get3A_640] {strides = array<i32>} : memref<3072xf32, #tpu.memory_space<vmem>>, vector<16xf32>,
          %get3A_642 = vector.shape_cast %get3A_641 : vector<16xf32> to vector<16xf32>
          %add3A_643 = arith.constant 256 : i32
          %add3A_644 = arith.addi %mul3A_238, %add3A_643 : i32
          %add3A_645 = arith.constant 176 : i32
          %add3A_646 = arith.addi %add3A_644, %add3A_645 : i32
          %get3A_647 = arith.index_cast %add3A_646 : i32 to index
          %get3A_648 = tpu.vector_load %arg8[%get3A_647] {strides = array<i32>} : memref<3072xf32, #tpu.memory_space<vmem>>, vector<16xf32>,
          %get3A_649 = vector.shape_cast %get3A_648 : vector<16xf32> to vector<16xf32>
          %add3A_650 = arith.constant 256 : i32
          %add3A_651 = arith.addi %mul3A_238, %add3A_650 : i32
          %add3A_652 = arith.constant 192 : i32
          %add3A_653 = arith.addi %add3A_651, %add3A_652 : i32
          %get3A_654 = arith.index_cast %add3A_653 : i32 to index
          %get3A_655 = tpu.vector_load %arg8[%get3A_654] {strides = array<i32>} : memref<3072xf32, #tpu.memory_space<vmem>>, vector<16xf32>,
          %get3A_656 = vector.shape_cast %get3A_655 : vector<16xf32> to vector<16xf32>
          %add3A_657 = arith.constant 256 : i32
          %add3A_658 = arith.addi %mul3A_238, %add3A_657 : i32
          %add3A_659 = arith.constant 208 : i32
          %add3A_660 = arith.addi %add3A_658, %add3A_659 : i32
          %get3A_661 = arith.index_cast %add3A_660 : i32 to index
          %get3A_662 = tpu.vector_load %arg8[%get3A_661] {strides = array<i32>} : memref<3072xf32, #tpu.memory_space<vmem>>, vector<16xf32>,
          %get3A_663 = vector.shape_cast %get3A_662 : vector<16xf32> to vector<16xf32>
          %add3A_664 = arith.constant 256 : i32
          %add3A_665 = arith.addi %mul3A_238, %add3A_664 : i32
          %add3A_666 = arith.constant 224 : i32
          %add3A_667 = arith.addi %add3A_665, %add3A_666 : i32
          %get3A_668 = arith.index_cast %add3A_667 : i32 to index
          %get3A_669 = tpu.vector_load %arg8[%get3A_668] {strides = array<i32>} : memref<3072xf32, #tpu.memory_space<vmem>>, vector<16xf32>,
          %get3A_670 = vector.shape_cast %get3A_669 : vector<16xf32> to vector<16xf32>
          %add3A_671 = arith.constant 256 : i32
          %add3A_672 = arith.addi %mul3A_238, %add3A_671 : i32
          %add3A_673 = arith.constant 240 : i32
          %add3A_674 = arith.addi %add3A_672, %add3A_673 : i32
          %get3A_675 = arith.index_cast %add3A_674 : i32 to index
          %get3A_676 = tpu.vector_load %arg8[%get3A_675] {strides = array<i32>} : memref<3072xf32, #tpu.memory_space<vmem>>, vector<16xf32>,
          %get3A_677 = vector.shape_cast %get3A_676 : vector<16xf32> to vector<16xf32>
          %add3A_678 = arith.constant 512 : i32
          %add3A_679 = arith.addi %mul3A_238, %add3A_678 : i32
          %add3A_680 = arith.constant 128 : i32
          %add3A_681 = arith.addi %add3A_679, %add3A_680 : i32
          %get3A_682 = arith.index_cast %add3A_681 : i32 to index
          %get3A_683 = tpu.vector_load %arg8[%get3A_682] {strides = array<i32>} : memref<3072xf32, #tpu.memory_space<vmem>>, vector<16xf32>,
          %get3A_684 = vector.shape_cast %get3A_683 : vector<16xf32> to vector<16xf32>
          %add3A_685 = arith.constant 512 : i32
          %add3A_686 = arith.addi %mul3A_238, %add3A_685 : i32
          %add3A_687 = arith.constant 144 : i32
          %add3A_688 = arith.addi %add3A_686, %add3A_687 : i32
          %get3A_689 = arith.index_cast %add3A_688 : i32 to index
          %get3A_690 = tpu.vector_load %arg8[%get3A_689] {strides = array<i32>} : memref<3072xf32, #tpu.memory_space<vmem>>, vector<16xf32>,
          %get3A_691 = vector.shape_cast %get3A_690 : vector<16xf32> to vector<16xf32>
          %add3A_692 = arith.constant 512 : i32
          %add3A_693 = arith.addi %mul3A_238, %add3A_692 : i32
          %add3A_694 = arith.constant 160 : i32
          %add3A_695 = arith.addi %add3A_693, %add3A_694 : i32
          %get3A_696 = arith.index_cast %add3A_695 : i32 to index
          %get3A_697 = tpu.vector_load %arg8[%get3A_696] {strides = array<i32>} : memref<3072xf32, #tpu.memory_space<vmem>>, vector<16xf32>,
          %get3A_698 = vector.shape_cast %get3A_697 : vector<16xf32> to vector<16xf32>
          %add3A_699 = arith.constant 512 : i32
          %add3A_700 = arith.addi %mul3A_238, %add3A_699 : i32
          %add3A_701 = arith.constant 176 : i32
          %add3A_702 = arith.addi %add3A_700, %add3A_701 : i32
          %get3A_703 = arith.index_cast %add3A_702 : i32 to index
          %get3A_704 = tpu.vector_load %arg8[%get3A_703] {strides = array<i32>} : memref<3072xf32, #tpu.memory_space<vmem>>, vector<16xf32>,
          %get3A_705 = vector.shape_cast %get3A_704 : vector<16xf32> to vector<16xf32>
          %add3A_706 = arith.constant 512 : i32
          %add3A_707 = arith.addi %mul3A_238, %add3A_706 : i32
          %add3A_708 = arith.constant 192 : i32
          %add3A_709 = arith.addi %add3A_707, %add3A_708 : i32
          %get3A_710 = arith.index_cast %add3A_709 : i32 to index
          %get3A_711 = tpu.vector_load %arg8[%get3A_710] {strides = array<i32>} : memref<3072xf32, #tpu.memory_space<vmem>>, vector<16xf32>,
          %get3A_712 = vector.shape_cast %get3A_711 : vector<16xf32> to vector<16xf32>
          %add3A_713 = arith.constant 512 : i32
          %add3A_714 = arith.addi %mul3A_238, %add3A_713 : i32
          %add3A_715 = arith.constant 208 : i32
          %add3A_716 = arith.addi %add3A_714, %add3A_715 : i32
          %get3A_717 = arith.index_cast %add3A_716 : i32 to index
          %get3A_718 = tpu.vector_load %arg8[%get3A_717] {strides = array<i32>} : memref<3072xf32, #tpu.memory_space<vmem>>, vector<16xf32>,
          %get3A_719 = vector.shape_cast %get3A_718 : vector<16xf32> to vector<16xf32>
          %add3A_720 = arith.constant 512 : i32
          %add3A_721 = arith.addi %mul3A_238, %add3A_720 : i32
          %add3A_722 = arith.constant 224 : i32
          %add3A_723 = arith.addi %add3A_721, %add3A_722 : i32
          %get3A_724 = arith.index_cast %add3A_723 : i32 to index
          %get3A_725 = tpu.vector_load %arg8[%get3A_724] {strides = array<i32>} : memref<3072xf32, #tpu.memory_space<vmem>>, vector<16xf32>,
          %get3A_726 = vector.shape_cast %get3A_725 : vector<16xf32> to vector<16xf32>
          %add3A_727 = arith.constant 512 : i32
          %add3A_728 = arith.addi %mul3A_238, %add3A_727 : i32
          %add3A_729 = arith.constant 240 : i32
          %add3A_730 = arith.addi %add3A_728, %add3A_729 : i32
          %get3A_731 = arith.index_cast %add3A_730 : i32 to index
          %get3A_732 = tpu.vector_load %arg8[%get3A_731] {strides = array<i32>} : memref<3072xf32, #tpu.memory_space<vmem>>, vector<16xf32>,
          %get3A_733 = vector.shape_cast %get3A_732 : vector<16xf32> to vector<16xf32>
          %while3A_734 = arith.constant 0 : i32
          %while3A_735 = arith.subi %max3A_242, %while3A_734 : i32
          %while3A_736 = arith.addi %while3A_734, %while3A_735 : i32
          %while3A_737 = arith.constant 1 : i32
          %while3A_738 = arith.divsi %while3A_735, %while3A_737 : i32
          %while3A_739 = arith.muli %while3A_738, %while3A_737 : i32
          %while3A_740 = arith.addi %while3A_734, %while3A_739 : i32
          %while3A_741 = arith.constant 1 : i32
          %while3A_742:25 = scf.for %while3A_921 = %while3A_734 to %while3A_740 step %while3A_741 iter_args(%while3A_922 = %sub3A_239, %while3A_923 = %get3A_586, %while3A_924 = %get3A_591, %while3A_925 = %get3A_596, %while3A_926 = %get3A_601, %while3A_927 = %get3A_606, %while3A_928 = %get3A_611, %while3A_929 = %get3A_616, %while3A_930 = %get3A_621, %while3A_931 = %get3A_628, %while3A_932 = %get3A_635, %while3A_933 = %get3A_642, %while3A_934 = %get3A_649, %while3A_935 = %get3A_656, %while3A_936 = %get3A_663, %while3A_937 = %get3A_670, %while3A_938 = %get3A_677, %while3A_939 = %get3A_684, %while3A_940 = %get3A_691, %while3A_941 = %get3A_698, %while3A_942 = %get3A_705, %while3A_943 = %get3A_712, %while3A_944 = %get3A_719, %while3A_945 = %get3A_726, %while3A_946 = %get3A_733) -> (i32, vector<16xf32>, vector<16xf32>, vector<16xf32>, vector<16xf32>, vector<16xf32>, vector<16xf32>, vector<16xf32>, vector<16xf32>, vector<16xf32>, vector<16xf32>, vector<16xf32>, vector<16xf32>, vector<16xf32>, vector<16xf32>, vector<16xf32>, vector<16xf32>, vector<16xf32>, vector<16xf32>, vector<16xf32>, vector<16xf32>, vector<16xf32>, vector<16xf32>, vector<16xf32>, vector<16xf32>)  : i32 {
            %get3A_947 = arith.index_cast %while3A_922 : i32 to index
            %get3A_948 = arith.constant 128 : index
            %get3A_949 = tpu.vector_load %arg6[%get3A_947, %get3A_948] {strides = array<i32>} : memref<144x256xf32, #tpu.memory_space<vmem>>, vector<1x16xf32>,
            %get3A_950 = vector.shape_cast %get3A_949 : vector<1x16xf32> to vector<16xf32>
            %get3A_951 = arith.index_cast %while3A_922 : i32 to index
            %get3A_952 = arith.constant 144 : index
            %get3A_953 = tpu.vector_load %arg6[%get3A_951, %get3A_952] {strides = array<i32>} : memref<144x256xf32, #tpu.memory_space<vmem>>, vector<1x16xf32>,
            %get3A_954 = vector.shape_cast %get3A_953 : vector<1x16xf32> to vector<16xf32>
            %get3A_955 = arith.index_cast %while3A_922 : i32 to index
            %get3A_956 = arith.constant 160 : index
            %get3A_957 = tpu.vector_load %arg6[%get3A_955, %get3A_956] {strides = array<i32>} : memref<144x256xf32, #tpu.memory_space<vmem>>, vector<1x16xf32>,
            %get3A_958 = vector.shape_cast %get3A_957 : vector<1x16xf32> to vector<16xf32>
            %get3A_959 = arith.index_cast %while3A_922 : i32 to index
            %get3A_960 = arith.constant 176 : index
            %get3A_961 = tpu.vector_load %arg6[%get3A_959, %get3A_960] {strides = array<i32>} : memref<144x256xf32, #tpu.memory_space<vmem>>, vector<1x16xf32>,
            %get3A_962 = vector.shape_cast %get3A_961 : vector<1x16xf32> to vector<16xf32>
            %get3A_963 = arith.index_cast %while3A_922 : i32 to index
            %get3A_964 = arith.constant 192 : index
            %get3A_965 = tpu.vector_load %arg6[%get3A_963, %get3A_964] {strides = array<i32>} : memref<144x256xf32, #tpu.memory_space<vmem>>, vector<1x16xf32>,
            %get3A_966 = vector.shape_cast %get3A_965 : vector<1x16xf32> to vector<16xf32>
            %get3A_967 = arith.index_cast %while3A_922 : i32 to index
            %get3A_968 = arith.constant 208 : index
            %get3A_969 = tpu.vector_load %arg6[%get3A_967, %get3A_968] {strides = array<i32>} : memref<144x256xf32, #tpu.memory_space<vmem>>, vector<1x16xf32>,
            %get3A_970 = vector.shape_cast %get3A_969 : vector<1x16xf32> to vector<16xf32>
            %get3A_971 = arith.index_cast %while3A_922 : i32 to index
            %get3A_972 = arith.constant 224 : index
            %get3A_973 = tpu.vector_load %arg6[%get3A_971, %get3A_972] {strides = array<i32>} : memref<144x256xf32, #tpu.memory_space<vmem>>, vector<1x16xf32>,
            %get3A_974 = vector.shape_cast %get3A_973 : vector<1x16xf32> to vector<16xf32>
            %get3A_975 = arith.index_cast %while3A_922 : i32 to index
            %get3A_976 = arith.constant 240 : index
            %get3A_977 = tpu.vector_load %arg6[%get3A_975, %get3A_976] {strides = array<i32>} : memref<144x256xf32, #tpu.memory_space<vmem>>, vector<1x16xf32>,
            %get3A_978 = vector.shape_cast %get3A_977 : vector<1x16xf32> to vector<16xf32>
            %max3A_979 = arith.maximumf %while3A_923, %get3A_950 : vector<16xf32>
            %max3A_980 = arith.maximumf %while3A_924, %get3A_954 : vector<16xf32>
            %max3A_981 = arith.maximumf %while3A_925, %get3A_958 : vector<16xf32>
            %max3A_982 = arith.maximumf %while3A_926, %get3A_962 : vector<16xf32>
            %max3A_983 = arith.maximumf %while3A_927, %get3A_966 : vector<16xf32>
            %max3A_984 = arith.maximumf %while3A_928, %get3A_970 : vector<16xf32>
            %max3A_985 = arith.maximumf %while3A_929, %get3A_974 : vector<16xf32>
            %max3A_986 = arith.maximumf %while3A_930, %get3A_978 : vector<16xf32>
            %min3A_987 = arith.minimumf %while3A_931, %get3A_950 : vector<16xf32>
            %min3A_988 = arith.minimumf %while3A_932, %get3A_954 : vector<16xf32>
            %min3A_989 = arith.minimumf %while3A_933, %get3A_958 : vector<16xf32>
            %min3A_990 = arith.minimumf %while3A_934, %get3A_962 : vector<16xf32>
            %min3A_991 = arith.minimumf %while3A_935, %get3A_966 : vector<16xf32>
            %min3A_992 = arith.minimumf %while3A_936, %get3A_970 : vector<16xf32>
            %min3A_993 = arith.minimumf %while3A_937, %get3A_974 : vector<16xf32>
            %min3A_994 = arith.minimumf %while3A_938, %get3A_978 : vector<16xf32>
            %add3A_995 = arith.addf %while3A_939, %get3A_950 : vector<16xf32>
            %add3A_996 = arith.addf %while3A_940, %get3A_954 : vector<16xf32>
            %add3A_997 = arith.addf %while3A_941, %get3A_958 : vector<16xf32>
            %add3A_998 = arith.addf %while3A_942, %get3A_962 : vector<16xf32>
            %add3A_999 = arith.addf %while3A_943, %get3A_966 : vector<16xf32>
            %add3A_1000 = arith.addf %while3A_944, %get3A_970 : vector<16xf32>
            %add3A_1001 = arith.addf %while3A_945, %get3A_974 : vector<16xf32>
            %add3A_1002 = arith.addf %while3A_946, %get3A_978 : vector<16xf32>
            %add3A_1003 = arith.constant 1 : i32
            %add3A_1004 = arith.addi %while3A_922, %add3A_1003 : i32
            scf.yield %add3A_1004, %max3A_979, %max3A_980, %max3A_981, %max3A_982, %max3A_983, %max3A_984, %max3A_985, %max3A_986, %min3A_987, %min3A_988, %min3A_989, %min3A_990, %min3A_991, %min3A_992, %min3A_993, %min3A_994, %add3A_995, %add3A_996, %add3A_997, %add3A_998, %add3A_999, %add3A_1000, %add3A_1001, %add3A_1002 : i32, vector<16xf32>, vector<16xf32>, vector<16xf32>, vector<16xf32>, vector<16xf32>, vector<16xf32>, vector<16xf32>, vector<16xf32>, vector<16xf32>, vector<16xf32>, vector<16xf32>, vector<16xf32>, vector<16xf32>, vector<16xf32>, vector<16xf32>, vector<16xf32>, vector<16xf32>, vector<16xf32>, vector<16xf32>, vector<16xf32>, vector<16xf32>, vector<16xf32>, vector<16xf32>, vector<16xf32>
          }
          %while3A_743 = arith.constant 1 : i32
          %while3A_744:25 = scf.for %while3A_921 = %while3A_740 to %while3A_736 step %while3A_743 iter_args(%while3A_922 = %while3A_742#0, %while3A_923 = %while3A_742#1, %while3A_924 = %while3A_742#2, %while3A_925 = %while3A_742#3, %while3A_926 = %while3A_742#4, %while3A_927 = %while3A_742#5, %while3A_928 = %while3A_742#6, %while3A_929 = %while3A_742#7, %while3A_930 = %while3A_742#8, %while3A_931 = %while3A_742#9, %while3A_932 = %while3A_742#10, %while3A_933 = %while3A_742#11, %while3A_934 = %while3A_742#12, %while3A_935 = %while3A_742#13, %while3A_936 = %while3A_742#14, %while3A_937 = %while3A_742#15, %while3A_938 = %while3A_742#16, %while3A_939 = %while3A_742#17, %while3A_940 = %while3A_742#18, %while3A_941 = %while3A_742#19, %while3A_942 = %while3A_742#20, %while3A_943 = %while3A_742#21, %while3A_944 = %while3A_742#22, %while3A_945 = %while3A_742#23, %while3A_946 = %while3A_742#24) -> (i32, vector<16xf32>, vector<16xf32>, vector<16xf32>, vector<16xf32>, vector<16xf32>, vector<16xf32>, vector<16xf32>, vector<16xf32>, vector<16xf32>, vector<16xf32>, vector<16xf32>, vector<16xf32>, vector<16xf32>, vector<16xf32>, vector<16xf32>, vector<16xf32>, vector<16xf32>, vector<16xf32>, vector<16xf32>, vector<16xf32>, vector<16xf32>, vector<16xf32>, vector<16xf32>, vector<16xf32>)  : i32 {
            %get3A_947 = arith.index_cast %while3A_922 : i32 to index
            %get3A_948 = arith.constant 128 : index
            %get3A_949 = tpu.vector_load %arg6[%get3A_947, %get3A_948] {strides = array<i32>} : memref<144x256xf32, #tpu.memory_space<vmem>>, vector<1x16xf32>,
            %get3A_950 = vector.shape_cast %get3A_949 : vector<1x16xf32> to vector<16xf32>
            %get3A_951 = arith.index_cast %while3A_922 : i32 to index
            %get3A_952 = arith.constant 144 : index
            %get3A_953 = tpu.vector_load %arg6[%get3A_951, %get3A_952] {strides = array<i32>} : memref<144x256xf32, #tpu.memory_space<vmem>>, vector<1x16xf32>,
            %get3A_954 = vector.shape_cast %get3A_953 : vector<1x16xf32> to vector<16xf32>
            %get3A_955 = arith.index_cast %while3A_922 : i32 to index
            %get3A_956 = arith.constant 160 : index
            %get3A_957 = tpu.vector_load %arg6[%get3A_955, %get3A_956] {strides = array<i32>} : memref<144x256xf32, #tpu.memory_space<vmem>>, vector<1x16xf32>,
            %get3A_958 = vector.shape_cast %get3A_957 : vector<1x16xf32> to vector<16xf32>
            %get3A_959 = arith.index_cast %while3A_922 : i32 to index
            %get3A_960 = arith.constant 176 : index
            %get3A_961 = tpu.vector_load %arg6[%get3A_959, %get3A_960] {strides = array<i32>} : memref<144x256xf32, #tpu.memory_space<vmem>>, vector<1x16xf32>,
            %get3A_962 = vector.shape_cast %get3A_961 : vector<1x16xf32> to vector<16xf32>
            %get3A_963 = arith.index_cast %while3A_922 : i32 to index
            %get3A_964 = arith.constant 192 : index
            %get3A_965 = tpu.vector_load %arg6[%get3A_963, %get3A_964] {strides = array<i32>} : memref<144x256xf32, #tpu.memory_space<vmem>>, vector<1x16xf32>,
            %get3A_966 = vector.shape_cast %get3A_965 : vector<1x16xf32> to vector<16xf32>
            %get3A_967 = arith.index_cast %while3A_922 : i32 to index
            %get3A_968 = arith.constant 208 : index
            %get3A_969 = tpu.vector_load %arg6[%get3A_967, %get3A_968] {strides = array<i32>} : memref<144x256xf32, #tpu.memory_space<vmem>>, vector<1x16xf32>,
            %get3A_970 = vector.shape_cast %get3A_969 : vector<1x16xf32> to vector<16xf32>
            %get3A_971 = arith.index_cast %while3A_922 : i32 to index
            %get3A_972 = arith.constant 224 : index
            %get3A_973 = tpu.vector_load %arg6[%get3A_971, %get3A_972] {strides = array<i32>} : memref<144x256xf32, #tpu.memory_space<vmem>>, vector<1x16xf32>,
            %get3A_974 = vector.shape_cast %get3A_973 : vector<1x16xf32> to vector<16xf32>
            %get3A_975 = arith.index_cast %while3A_922 : i32 to index
            %get3A_976 = arith.constant 240 : index
            %get3A_977 = tpu.vector_load %arg6[%get3A_975, %get3A_976] {strides = array<i32>} : memref<144x256xf32, #tpu.memory_space<vmem>>, vector<1x16xf32>,
            %get3A_978 = vector.shape_cast %get3A_977 : vector<1x16xf32> to vector<16xf32>
            %max3A_979 = arith.maximumf %while3A_923, %get3A_950 : vector<16xf32>
            %max3A_980 = arith.maximumf %while3A_924, %get3A_954 : vector<16xf32>
            %max3A_981 = arith.maximumf %while3A_925, %get3A_958 : vector<16xf32>
            %max3A_982 = arith.maximumf %while3A_926, %get3A_962 : vector<16xf32>
            %max3A_983 = arith.maximumf %while3A_927, %get3A_966 : vector<16xf32>
            %max3A_984 = arith.maximumf %while3A_928, %get3A_970 : vector<16xf32>
            %max3A_985 = arith.maximumf %while3A_929, %get3A_974 : vector<16xf32>
            %max3A_986 = arith.maximumf %while3A_930, %get3A_978 : vector<16xf32>
            %min3A_987 = arith.minimumf %while3A_931, %get3A_950 : vector<16xf32>
            %min3A_988 = arith.minimumf %while3A_932, %get3A_954 : vector<16xf32>
            %min3A_989 = arith.minimumf %while3A_933, %get3A_958 : vector<16xf32>
            %min3A_990 = arith.minimumf %while3A_934, %get3A_962 : vector<16xf32>
            %min3A_991 = arith.minimumf %while3A_935, %get3A_966 : vector<16xf32>
            %min3A_992 = arith.minimumf %while3A_936, %get3A_970 : vector<16xf32>
            %min3A_993 = arith.minimumf %while3A_937, %get3A_974 : vector<16xf32>
            %min3A_994 = arith.minimumf %while3A_938, %get3A_978 : vector<16xf32>
            %add3A_995 = arith.addf %while3A_939, %get3A_950 : vector<16xf32>
            %add3A_996 = arith.addf %while3A_940, %get3A_954 : vector<16xf32>
            %add3A_997 = arith.addf %while3A_941, %get3A_958 : vector<16xf32>
            %add3A_998 = arith.addf %while3A_942, %get3A_962 : vector<16xf32>
            %add3A_999 = arith.addf %while3A_943, %get3A_966 : vector<16xf32>
            %add3A_1000 = arith.addf %while3A_944, %get3A_970 : vector<16xf32>
            %add3A_1001 = arith.addf %while3A_945, %get3A_974 : vector<16xf32>
            %add3A_1002 = arith.addf %while3A_946, %get3A_978 : vector<16xf32>
            %add3A_1003 = arith.constant 1 : i32
            %add3A_1004 = arith.addi %while3A_922, %add3A_1003 : i32
            scf.yield %add3A_1004, %max3A_979, %max3A_980, %max3A_981, %max3A_982, %max3A_983, %max3A_984, %max3A_985, %max3A_986, %min3A_987, %min3A_988, %min3A_989, %min3A_990, %min3A_991, %min3A_992, %min3A_993, %min3A_994, %add3A_995, %add3A_996, %add3A_997, %add3A_998, %add3A_999, %add3A_1000, %add3A_1001, %add3A_1002 : i32, vector<16xf32>, vector<16xf32>, vector<16xf32>, vector<16xf32>, vector<16xf32>, vector<16xf32>, vector<16xf32>, vector<16xf32>, vector<16xf32>, vector<16xf32>, vector<16xf32>, vector<16xf32>, vector<16xf32>, vector<16xf32>, vector<16xf32>, vector<16xf32>, vector<16xf32>, vector<16xf32>, vector<16xf32>, vector<16xf32>, vector<16xf32>, vector<16xf32>, vector<16xf32>, vector<16xf32>
          }
          %add3A_745 = arith.constant 128 : i32
          %add3A_746 = arith.addi %mul3A_238, %add3A_745 : i32
          %swap3A_747 = arith.index_cast %add3A_746 : i32 to index
          %swap3A_748 = tpu.vector_load %arg8[%swap3A_747] {strides = array<i32>} : memref<3072xf32, #tpu.memory_space<vmem>>, vector<16xf32>,
          %swap3A_749 = vector.shape_cast %swap3A_748 : vector<16xf32> to vector<16xf32>
          %swap3A_750 = vector.shape_cast %while3A_744#1 : vector<16xf32> to vector<16xf32>
          tpu.vector_store %arg8[%swap3A_747], %swap3A_750 {strides = array<i32>} : memref<3072xf32, #tpu.memory_space<vmem>>, vector<16xf32>,
          %add3A_751 = arith.constant 256 : i32
          %add3A_752 = arith.addi %mul3A_238, %add3A_751 : i32
          %add3A_753 = arith.constant 128 : i32
          %add3A_754 = arith.addi %add3A_752, %add3A_753 : i32
          %swap3A_755 = arith.index_cast %add3A_754 : i32 to index
          %swap3A_756 = tpu.vector_load %arg8[%swap3A_755] {strides = array<i32>} : memref<3072xf32, #tpu.memory_space<vmem>>, vector<16xf32>,
          %swap3A_757 = vector.shape_cast %swap3A_756 : vector<16xf32> to vector<16xf32>
          %swap3A_758 = vector.shape_cast %while3A_744#9 : vector<16xf32> to vector<16xf32>
          tpu.vector_store %arg8[%swap3A_755], %swap3A_758 {strides = array<i32>} : memref<3072xf32, #tpu.memory_space<vmem>>, vector<16xf32>,
          %add3A_759 = arith.constant 512 : i32
          %add3A_760 = arith.addi %mul3A_238, %add3A_759 : i32
          %add3A_761 = arith.constant 128 : i32
          %add3A_762 = arith.addi %add3A_760, %add3A_761 : i32
          %swap3A_763 = arith.index_cast %add3A_762 : i32 to index
          %swap3A_764 = tpu.vector_load %arg8[%swap3A_763] {strides = array<i32>} : memref<3072xf32, #tpu.memory_space<vmem>>, vector<16xf32>,
          %swap3A_765 = vector.shape_cast %swap3A_764 : vector<16xf32> to vector<16xf32>
          %swap3A_766 = vector.shape_cast %while3A_744#17 : vector<16xf32> to vector<16xf32>
          tpu.vector_store %arg8[%swap3A_763], %swap3A_766 {strides = array<i32>} : memref<3072xf32, #tpu.memory_space<vmem>>, vector<16xf32>,
          %add3A_767 = arith.constant 144 : i32
          %add3A_768 = arith.addi %mul3A_238, %add3A_767 : i32
          %swap3A_769 = arith.index_cast %add3A_768 : i32 to index
          %swap3A_770 = tpu.vector_load %arg8[%swap3A_769] {strides = array<i32>} : memref<3072xf32, #tpu.memory_space<vmem>>, vector<16xf32>,
          %swap3A_771 = vector.shape_cast %swap3A_770 : vector<16xf32> to vector<16xf32>
          %swap3A_772 = vector.shape_cast %while3A_744#2 : vector<16xf32> to vector<16xf32>
          tpu.vector_store %arg8[%swap3A_769], %swap3A_772 {strides = array<i32>} : memref<3072xf32, #tpu.memory_space<vmem>>, vector<16xf32>,
          %add3A_773 = arith.constant 256 : i32
          %add3A_774 = arith.addi %mul3A_238, %add3A_773 : i32
          %add3A_775 = arith.constant 144 : i32
          %add3A_776 = arith.addi %add3A_774, %add3A_775 : i32
          %swap3A_777 = arith.index_cast %add3A_776 : i32 to index
          %swap3A_778 = tpu.vector_load %arg8[%swap3A_777] {strides = array<i32>} : memref<3072xf32, #tpu.memory_space<vmem>>, vector<16xf32>,
          %swap3A_779 = vector.shape_cast %swap3A_778 : vector<16xf32> to vector<16xf32>
          %swap3A_780 = vector.shape_cast %while3A_744#10 : vector<16xf32> to vector<16xf32>
          tpu.vector_store %arg8[%swap3A_777], %swap3A_780 {strides = array<i32>} : memref<3072xf32, #tpu.memory_space<vmem>>, vector<16xf32>,
          %add3A_781 = arith.constant 512 : i32
          %add3A_782 = arith.addi %mul3A_238, %add3A_781 : i32
          %add3A_783 = arith.constant 144 : i32
          %add3A_784 = arith.addi %add3A_782, %add3A_783 : i32
          %swap3A_785 = arith.index_cast %add3A_784 : i32 to index
          %swap3A_786 = tpu.vector_load %arg8[%swap3A_785] {strides = array<i32>} : memref<3072xf32, #tpu.memory_space<vmem>>, vector<16xf32>,
          %swap3A_787 = vector.shape_cast %swap3A_786 : vector<16xf32> to vector<16xf32>
          %swap3A_788 = vector.shape_cast %while3A_744#18 : vector<16xf32> to vector<16xf32>
          tpu.vector_store %arg8[%swap3A_785], %swap3A_788 {strides = array<i32>} : memref<3072xf32, #tpu.memory_space<vmem>>, vector<16xf32>,
          %add3A_789 = arith.constant 160 : i32
          %add3A_790 = arith.addi %mul3A_238, %add3A_789 : i32
          %swap3A_791 = arith.index_cast %add3A_790 : i32 to index
          %swap3A_792 = tpu.vector_load %arg8[%swap3A_791] {strides = array<i32>} : memref<3072xf32, #tpu.memory_space<vmem>>, vector<16xf32>,
          %swap3A_793 = vector.shape_cast %swap3A_792 : vector<16xf32> to vector<16xf32>
          %swap3A_794 = vector.shape_cast %while3A_744#3 : vector<16xf32> to vector<16xf32>
          tpu.vector_store %arg8[%swap3A_791], %swap3A_794 {strides = array<i32>} : memref<3072xf32, #tpu.memory_space<vmem>>, vector<16xf32>,
          %add3A_795 = arith.constant 256 : i32
          %add3A_796 = arith.addi %mul3A_238, %add3A_795 : i32
          %add3A_797 = arith.constant 160 : i32
          %add3A_798 = arith.addi %add3A_796, %add3A_797 : i32
          %swap3A_799 = arith.index_cast %add3A_798 : i32 to index
          %swap3A_800 = tpu.vector_load %arg8[%swap3A_799] {strides = array<i32>} : memref<3072xf32, #tpu.memory_space<vmem>>, vector<16xf32>,
          %swap3A_801 = vector.shape_cast %swap3A_800 : vector<16xf32> to vector<16xf32>
          %swap3A_802 = vector.shape_cast %while3A_744#11 : vector<16xf32> to vector<16xf32>
          tpu.vector_store %arg8[%swap3A_799], %swap3A_802 {strides = array<i32>} : memref<3072xf32, #tpu.memory_space<vmem>>, vector<16xf32>,
          %add3A_803 = arith.constant 512 : i32
          %add3A_804 = arith.addi %mul3A_238, %add3A_803 : i32
          %add3A_805 = arith.constant 160 : i32
          %add3A_806 = arith.addi %add3A_804, %add3A_805 : i32
          %swap3A_807 = arith.index_cast %add3A_806 : i32 to index
          %swap3A_808 = tpu.vector_load %arg8[%swap3A_807] {strides = array<i32>} : memref<3072xf32, #tpu.memory_space<vmem>>, vector<16xf32>,
          %swap3A_809 = vector.shape_cast %swap3A_808 : vector<16xf32> to vector<16xf32>
          %swap3A_810 = vector.shape_cast %while3A_744#19 : vector<16xf32> to vector<16xf32>
          tpu.vector_store %arg8[%swap3A_807], %swap3A_810 {strides = array<i32>} : memref<3072xf32, #tpu.memory_space<vmem>>, vector<16xf32>,
          %add3A_811 = arith.constant 176 : i32
          %add3A_812 = arith.addi %mul3A_238, %add3A_811 : i32
          %swap3A_813 = arith.index_cast %add3A_812 : i32 to index
          %swap3A_814 = tpu.vector_load %arg8[%swap3A_813] {strides = array<i32>} : memref<3072xf32, #tpu.memory_space<vmem>>, vector<16xf32>,
          %swap3A_815 = vector.shape_cast %swap3A_814 : vector<16xf32> to vector<16xf32>
          %swap3A_816 = vector.shape_cast %while3A_744#4 : vector<16xf32> to vector<16xf32>
          tpu.vector_store %arg8[%swap3A_813], %swap3A_816 {strides = array<i32>} : memref<3072xf32, #tpu.memory_space<vmem>>, vector<16xf32>,
          %add3A_817 = arith.constant 256 : i32
          %add3A_818 = arith.addi %mul3A_238, %add3A_817 : i32
          %add3A_819 = arith.constant 176 : i32
          %add3A_820 = arith.addi %add3A_818, %add3A_819 : i32
          %swap3A_821 = arith.index_cast %add3A_820 : i32 to index
          %swap3A_822 = tpu.vector_load %arg8[%swap3A_821] {strides = array<i32>} : memref<3072xf32, #tpu.memory_space<vmem>>, vector<16xf32>,
          %swap3A_823 = vector.shape_cast %swap3A_822 : vector<16xf32> to vector<16xf32>
          %swap3A_824 = vector.shape_cast %while3A_744#12 : vector<16xf32> to vector<16xf32>
          tpu.vector_store %arg8[%swap3A_821], %swap3A_824 {strides = array<i32>} : memref<3072xf32, #tpu.memory_space<vmem>>, vector<16xf32>,
          %add3A_825 = arith.constant 512 : i32
          %add3A_826 = arith.addi %mul3A_238, %add3A_825 : i32
          %add3A_827 = arith.constant 176 : i32
          %add3A_828 = arith.addi %add3A_826, %add3A_827 : i32
          %swap3A_829 = arith.index_cast %add3A_828 : i32 to index
          %swap3A_830 = tpu.vector_load %arg8[%swap3A_829] {strides = array<i32>} : memref<3072xf32, #tpu.memory_space<vmem>>, vector<16xf32>,
          %swap3A_831 = vector.shape_cast %swap3A_830 : vector<16xf32> to vector<16xf32>
          %swap3A_832 = vector.shape_cast %while3A_744#20 : vector<16xf32> to vector<16xf32>
          tpu.vector_store %arg8[%swap3A_829], %swap3A_832 {strides = array<i32>} : memref<3072xf32, #tpu.memory_space<vmem>>, vector<16xf32>,
          %add3A_833 = arith.constant 192 : i32
          %add3A_834 = arith.addi %mul3A_238, %add3A_833 : i32
          %swap3A_835 = arith.index_cast %add3A_834 : i32 to index
          %swap3A_836 = tpu.vector_load %arg8[%swap3A_835] {strides = array<i32>} : memref<3072xf32, #tpu.memory_space<vmem>>, vector<16xf32>,
          %swap3A_837 = vector.shape_cast %swap3A_836 : vector<16xf32> to vector<16xf32>
          %swap3A_838 = vector.shape_cast %while3A_744#5 : vector<16xf32> to vector<16xf32>
          tpu.vector_store %arg8[%swap3A_835], %swap3A_838 {strides = array<i32>} : memref<3072xf32, #tpu.memory_space<vmem>>, vector<16xf32>,
          %add3A_839 = arith.constant 256 : i32
          %add3A_840 = arith.addi %mul3A_238, %add3A_839 : i32
          %add3A_841 = arith.constant 192 : i32
          %add3A_842 = arith.addi %add3A_840, %add3A_841 : i32
          %swap3A_843 = arith.index_cast %add3A_842 : i32 to index
          %swap3A_844 = tpu.vector_load %arg8[%swap3A_843] {strides = array<i32>} : memref<3072xf32, #tpu.memory_space<vmem>>, vector<16xf32>,
          %swap3A_845 = vector.shape_cast %swap3A_844 : vector<16xf32> to vector<16xf32>
          %swap3A_846 = vector.shape_cast %while3A_744#13 : vector<16xf32> to vector<16xf32>
          tpu.vector_store %arg8[%swap3A_843], %swap3A_846 {strides = array<i32>} : memref<3072xf32, #tpu.memory_space<vmem>>, vector<16xf32>,
          %add3A_847 = arith.constant 512 : i32
          %add3A_848 = arith.addi %mul3A_238, %add3A_847 : i32
          %add3A_849 = arith.constant 192 : i32
          %add3A_850 = arith.addi %add3A_848, %add3A_849 : i32
          %swap3A_851 = arith.index_cast %add3A_850 : i32 to index
          %swap3A_852 = tpu.vector_load %arg8[%swap3A_851] {strides = array<i32>} : memref<3072xf32, #tpu.memory_space<vmem>>, vector<16xf32>,
          %swap3A_853 = vector.shape_cast %swap3A_852 : vector<16xf32> to vector<16xf32>
          %swap3A_854 = vector.shape_cast %while3A_744#21 : vector<16xf32> to vector<16xf32>
          tpu.vector_store %arg8[%swap3A_851], %swap3A_854 {strides = array<i32>} : memref<3072xf32, #tpu.memory_space<vmem>>, vector<16xf32>,
          %add3A_855 = arith.constant 208 : i32
          %add3A_856 = arith.addi %mul3A_238, %add3A_855 : i32
          %swap3A_857 = arith.index_cast %add3A_856 : i32 to index
          %swap3A_858 = tpu.vector_load %arg8[%swap3A_857] {strides = array<i32>} : memref<3072xf32, #tpu.memory_space<vmem>>, vector<16xf32>,
          %swap3A_859 = vector.shape_cast %swap3A_858 : vector<16xf32> to vector<16xf32>
          %swap3A_860 = vector.shape_cast %while3A_744#6 : vector<16xf32> to vector<16xf32>
          tpu.vector_store %arg8[%swap3A_857], %swap3A_860 {strides = array<i32>} : memref<3072xf32, #tpu.memory_space<vmem>>, vector<16xf32>,
          %add3A_861 = arith.constant 256 : i32
          %add3A_862 = arith.addi %mul3A_238, %add3A_861 : i32
          %add3A_863 = arith.constant 208 : i32
          %add3A_864 = arith.addi %add3A_862, %add3A_863 : i32
          %swap3A_865 = arith.index_cast %add3A_864 : i32 to index
          %swap3A_866 = tpu.vector_load %arg8[%swap3A_865] {strides = array<i32>} : memref<3072xf32, #tpu.memory_space<vmem>>, vector<16xf32>,
          %swap3A_867 = vector.shape_cast %swap3A_866 : vector<16xf32> to vector<16xf32>
          %swap3A_868 = vector.shape_cast %while3A_744#14 : vector<16xf32> to vector<16xf32>
          tpu.vector_store %arg8[%swap3A_865], %swap3A_868 {strides = array<i32>} : memref<3072xf32, #tpu.memory_space<vmem>>, vector<16xf32>,
          %add3A_869 = arith.constant 512 : i32
          %add3A_870 = arith.addi %mul3A_238, %add3A_869 : i32
          %add3A_871 = arith.constant 208 : i32
          %add3A_872 = arith.addi %add3A_870, %add3A_871 : i32
          %swap3A_873 = arith.index_cast %add3A_872 : i32 to index
          %swap3A_874 = tpu.vector_load %arg8[%swap3A_873] {strides = array<i32>} : memref<3072xf32, #tpu.memory_space<vmem>>, vector<16xf32>,
          %swap3A_875 = vector.shape_cast %swap3A_874 : vector<16xf32> to vector<16xf32>
          %swap3A_876 = vector.shape_cast %while3A_744#22 : vector<16xf32> to vector<16xf32>
          tpu.vector_store %arg8[%swap3A_873], %swap3A_876 {strides = array<i32>} : memref<3072xf32, #tpu.memory_space<vmem>>, vector<16xf32>,
          %add3A_877 = arith.constant 224 : i32
          %add3A_878 = arith.addi %mul3A_238, %add3A_877 : i32
          %swap3A_879 = arith.index_cast %add3A_878 : i32 to index
          %swap3A_880 = tpu.vector_load %arg8[%swap3A_879] {strides = array<i32>} : memref<3072xf32, #tpu.memory_space<vmem>>, vector<16xf32>,
          %swap3A_881 = vector.shape_cast %swap3A_880 : vector<16xf32> to vector<16xf32>
          %swap3A_882 = vector.shape_cast %while3A_744#7 : vector<16xf32> to vector<16xf32>
          tpu.vector_store %arg8[%swap3A_879], %swap3A_882 {strides = array<i32>} : memref<3072xf32, #tpu.memory_space<vmem>>, vector<16xf32>,
          %add3A_883 = arith.constant 256 : i32
          %add3A_884 = arith.addi %mul3A_238, %add3A_883 : i32
          %add3A_885 = arith.constant 224 : i32
          %add3A_886 = arith.addi %add3A_884, %add3A_885 : i32
          %swap3A_887 = arith.index_cast %add3A_886 : i32 to index
          %swap3A_888 = tpu.vector_load %arg8[%swap3A_887] {strides = array<i32>} : memref<3072xf32, #tpu.memory_space<vmem>>, vector<16xf32>,
          %swap3A_889 = vector.shape_cast %swap3A_888 : vector<16xf32> to vector<16xf32>
          %swap3A_890 = vector.shape_cast %while3A_744#15 : vector<16xf32> to vector<16xf32>
          tpu.vector_store %arg8[%swap3A_887], %swap3A_890 {strides = array<i32>} : memref<3072xf32, #tpu.memory_space<vmem>>, vector<16xf32>,
          %add3A_891 = arith.constant 512 : i32
          %add3A_892 = arith.addi %mul3A_238, %add3A_891 : i32
          %add3A_893 = arith.constant 224 : i32
          %add3A_894 = arith.addi %add3A_892, %add3A_893 : i32
          %swap3A_895 = arith.index_cast %add3A_894 : i32 to index
          %swap3A_896 = tpu.vector_load %arg8[%swap3A_895] {strides = array<i32>} : memref<3072xf32, #tpu.memory_space<vmem>>, vector<16xf32>,
          %swap3A_897 = vector.shape_cast %swap3A_896 : vector<16xf32> to vector<16xf32>
          %swap3A_898 = vector.shape_cast %while3A_744#23 : vector<16xf32> to vector<16xf32>
          tpu.vector_store %arg8[%swap3A_895], %swap3A_898 {strides = array<i32>} : memref<3072xf32, #tpu.memory_space<vmem>>, vector<16xf32>,
          %add3A_899 = arith.constant 240 : i32
          %add3A_900 = arith.addi %mul3A_238, %add3A_899 : i32
          %swap3A_901 = arith.index_cast %add3A_900 : i32 to index
          %swap3A_902 = tpu.vector_load %arg8[%swap3A_901] {strides = array<i32>} : memref<3072xf32, #tpu.memory_space<vmem>>, vector<16xf32>,
          %swap3A_903 = vector.shape_cast %swap3A_902 : vector<16xf32> to vector<16xf32>
          %swap3A_904 = vector.shape_cast %while3A_744#8 : vector<16xf32> to vector<16xf32>
          tpu.vector_store %arg8[%swap3A_901], %swap3A_904 {strides = array<i32>} : memref<3072xf32, #tpu.memory_space<vmem>>, vector<16xf32>,
          %add3A_905 = arith.constant 256 : i32
          %add3A_906 = arith.addi %mul3A_238, %add3A_905 : i32
          %add3A_907 = arith.constant 240 : i32
          %add3A_908 = arith.addi %add3A_906, %add3A_907 : i32
          %swap3A_909 = arith.index_cast %add3A_908 : i32 to index
          %swap3A_910 = tpu.vector_load %arg8[%swap3A_909] {strides = array<i32>} : memref<3072xf32, #tpu.memory_space<vmem>>, vector<16xf32>,
          %swap3A_911 = vector.shape_cast %swap3A_910 : vector<16xf32> to vector<16xf32>
          %swap3A_912 = vector.shape_cast %while3A_744#16 : vector<16xf32> to vector<16xf32>
          tpu.vector_store %arg8[%swap3A_909], %swap3A_912 {strides = array<i32>} : memref<3072xf32, #tpu.memory_space<vmem>>, vector<16xf32>,
          %add3A_913 = arith.constant 512 : i32
          %add3A_914 = arith.addi %mul3A_238, %add3A_913 : i32
          %add3A_915 = arith.constant 240 : i32
          %add3A_916 = arith.addi %add3A_914, %add3A_915 : i32
          %swap3A_917 = arith.index_cast %add3A_916 : i32 to index
          %swap3A_918 = tpu.vector_load %arg8[%swap3A_917] {strides = array<i32>} : memref<3072xf32, #tpu.memory_space<vmem>>, vector<16xf32>,
          %swap3A_919 = vector.shape_cast %swap3A_918 : vector<16xf32> to vector<16xf32>
          %swap3A_920 = vector.shape_cast %while3A_744#24 : vector<16xf32> to vector<16xf32>
          tpu.vector_store %arg8[%swap3A_917], %swap3A_920 {strides = array<i32>} : memref<3072xf32, #tpu.memory_space<vmem>>, vector<16xf32>,
        } else {
        }
        %scan3A_234 = arith.constant 0 : i32
        scf.yield %scan3A_234 : i32
      }
      %scan3A_207 = arith.constant 4 : i32
      %add3A_208 = arith.constant 2 : i32
      %add3A_209 = arith.addi %mul3A_179, %add3A_208 : i32
      %lt3A_210 = arith.cmpi slt, %add3A_209, %select_n3A_129 : i32
      %convert_element_type3A_211 = arith.extui %lt3A_210 : i1 to i32
      %cond3A_212 = arith.constant 0 : i32
      %cond3A_213 = arith.cmpi ne, %convert_element_type3A_211, %cond3A_212 : i32
      scf.if %cond3A_213 {
        %add3A_219 = arith.constant 2 : i32
        %add3A_220 = arith.addi %mul3A_179, %add3A_219 : i32
        %mul3A_221 = arith.constant 144 : i32
        %mul3A_222 = arith.muli %add3A_220, %mul3A_221 : i32
        %add3A_223 = arith.addi %mul3A_100, %mul3A_222 : i32
        %min3A_224 = arith.constant 49856 : i32
        %min3A_225 = arith.minsi %add3A_223, %min3A_224 : i32
        %multiple_of3A_226 = tpu.assume_multiple %min3A_225, 8 : i32
        %dma_start3A = arith.constant 0 : i32
        %dma_start3A_227 = tpu.memref_slice %arg2[%multiple_of3A_226, %dma_start3A] : memref<50000x256xf32, #tpu.memory_space<hbm>> -> memref<144x256xf32, #tpu.memory_space<hbm>>
        %dma_start3A_228 = arith.constant 0 : i32
        %dma_start3A_229 = tpu.memref_slice %arg2[%multiple_of3A_226, %dma_start3A_228] : memref<50000x256xf32, #tpu.memory_space<hbm>> -> memref<144x256xf32, #tpu.memory_space<hbm>>
        tpu.enqueue_dma source(%dma_start3A_229 : memref<144x256xf32, #tpu.memory_space<hbm>>) target(%arg6 : memref<144x256xf32, #tpu.memory_space<vmem>>) target_semaphore(%arg10 : memref<!tpu.dma_semaphore, #tpu.memory_space<semaphore_mem>>)
      } else {
      }
      %lt3A_214 = arith.cmpi slt, %add3A_181, %select_n3A_129 : i32
      %convert_element_type3A_215 = arith.extui %lt3A_214 : i1 to i32
      %cond3A_216 = arith.constant 0 : i32
      %cond3A_217 = arith.cmpi ne, %convert_element_type3A_215, %cond3A_216 : i32
      scf.if %cond3A_217 {
        %mul3A_219 = arith.constant 144 : i32
        %mul3A_220 = arith.muli %add3A_181, %mul3A_219 : i32
        %add3A_221 = arith.addi %mul3A_100, %mul3A_220 : i32
        %min3A_222 = arith.constant 49856 : i32
        %min3A_223 = arith.minsi %add3A_221, %min3A_222 : i32
        %multiple_of3A_224 = tpu.assume_multiple %min3A_223, 8 : i32
        %dma_wait3A_225 = arith.constant 0 : i32
        %dma_wait3A_226 = tpu.memref_slice %arg2[%multiple_of3A_224, %dma_wait3A_225] : memref<50000x256xf32, #tpu.memory_space<hbm>> -> memref<144x256xf32, #tpu.memory_space<hbm>>
        %dma_wait3A_227 = arith.constant 0 : i32
        %dma_wait3A_228 = tpu.memref_slice %arg2[%multiple_of3A_224, %dma_wait3A_227] : memref<50000x256xf32, #tpu.memory_space<hbm>> -> memref<144x256xf32, #tpu.memory_space<hbm>>
        tpu.wait_dma2 semaphore(%arg11 : memref<!tpu.dma_semaphore, #tpu.memory_space<semaphore_mem>>) src(%dma_wait3A_228 : memref<144x256xf32, #tpu.memory_space<hbm>>) dst(%arg7 : memref<144x256xf32, #tpu.memory_space<vmem>>)
        %mul3A_229 = arith.constant 144 : i32
        %mul3A_230 = arith.muli %add3A_181, %mul3A_229 : i32
        %add3A_231 = arith.addi %mul3A_100, %mul3A_230 : i32
        %mul3A_232 = arith.constant 144 : i32
        %mul3A_233 = arith.muli %add3A_181, %mul3A_232 : i32
        %add3A_234 = arith.addi %mul3A_100, %mul3A_233 : i32
        %min3A_235 = arith.constant 49856 : i32
        %min3A_236 = arith.minsi %add3A_234, %min3A_235 : i32
        %multiple_of3A_237 = tpu.assume_multiple %min3A_236, 8 : i32
        %scan3A_238 = arith.constant 0 : i32
        %scan3A_239 = arith.constant 0 : i32
        %scan3A_240 = arith.constant 4 : i32
        %scan3A_241 = arith.addi %scan3A_239, %scan3A_240 : i32
        %scan3A_242 = arith.constant 1 : i32
        %scan3A_243 = scf.for %scan3A_245 = %scan3A_239 to %scan3A_241 step %scan3A_242 iter_args(%scan3A_246 = %scan3A_238) -> (i32)  : i32 {
          %get3A_247 = arith.index_cast %scan3A_245 : i32 to index
          %get3A_248 = memref.load %arg9[%get3A_247] : memref<5xi32, #tpu.memory_space<smem>>
          %max3A = arith.maxsi %get3A_248, %add3A_231 : i32
          %add3A_249 = arith.constant 1 : i32
          %add3A_250 = arith.addi %scan3A_245, %add3A_249 : i32
          %get3A_251 = arith.index_cast %add3A_250 : i32 to index
          %get3A_252 = memref.load %arg9[%get3A_251] : memref<5xi32, #tpu.memory_space<smem>>
          %add3A_253 = arith.constant 144 : i32
          %add3A_254 = arith.addi %add3A_231, %add3A_253 : i32
          %min3A_255 = arith.minsi %get3A_252, %add3A_254 : i32
          %gt3A_256 = arith.cmpi sgt, %min3A_255, %max3A : i32
          %convert_element_type3A_257 = arith.extui %gt3A_256 : i1 to i32
          %cond3A_258 = arith.constant 0 : i32
          %cond3A_259 = arith.cmpi ne, %convert_element_type3A_257, %cond3A_258 : i32
          scf.if %cond3A_259 {
            %mul3A_261 = arith.constant 3 : i32
            %mul3A_262 = arith.muli %scan3A_245, %mul3A_261 : i32
            %mul3A_263 = arith.constant 256 : i32
            %mul3A_264 = arith.muli %mul3A_262, %mul3A_263 : i32
            %sub3A_265 = arith.subi %max3A, %multiple_of3A_237 : i32
            %sub3A_266 = arith.subi %min3A_255, %max3A : i32
            %max3A_267 = arith.constant 0 : i32
            %max3A_268 = arith.maxsi %sub3A_266, %max3A_267 : i32
            %add3A_269 = arith.constant 0 : i32
            %add3A_270 = arith.addi %mul3A_264, %add3A_269 : i32
            %get3A_271 = arith.index_cast %add3A_270 : i32 to index
            %get3A_272 = tpu.vector_load %arg8[%get3A_271] {strides = array<i32>} : memref<3072xf32, #tpu.memory_space<vmem>>, vector<16xf32>,
            %get3A_273 = vector.shape_cast %get3A_272 : vector<16xf32> to vector<16xf32>
            %add3A_274 = arith.constant 16 : i32
            %add3A_275 = arith.addi %mul3A_264, %add3A_274 : i32
            %get3A_276 = arith.index_cast %add3A_275 : i32 to index
            %get3A_277 = tpu.vector_load %arg8[%get3A_276] {strides = array<i32>} : memref<3072xf32, #tpu.memory_space<vmem>>, vector<16xf32>,
            %get3A_278 = vector.shape_cast %get3A_277 : vector<16xf32> to vector<16xf32>
            %add3A_279 = arith.constant 32 : i32
            %add3A_280 = arith.addi %mul3A_264, %add3A_279 : i32
            %get3A_281 = arith.index_cast %add3A_280 : i32 to index
            %get3A_282 = tpu.vector_load %arg8[%get3A_281] {strides = array<i32>} : memref<3072xf32, #tpu.memory_space<vmem>>, vector<16xf32>,
            %get3A_283 = vector.shape_cast %get3A_282 : vector<16xf32> to vector<16xf32>
            %add3A_284 = arith.constant 48 : i32
            %add3A_285 = arith.addi %mul3A_264, %add3A_284 : i32
            %get3A_286 = arith.index_cast %add3A_285 : i32 to index
            %get3A_287 = tpu.vector_load %arg8[%get3A_286] {strides = array<i32>} : memref<3072xf32, #tpu.memory_space<vmem>>, vector<16xf32>,
            %get3A_288 = vector.shape_cast %get3A_287 : vector<16xf32> to vector<16xf32>
            %add3A_289 = arith.constant 64 : i32
            %add3A_290 = arith.addi %mul3A_264, %add3A_289 : i32
            %get3A_291 = arith.index_cast %add3A_290 : i32 to index
            %get3A_292 = tpu.vector_load %arg8[%get3A_291] {strides = array<i32>} : memref<3072xf32, #tpu.memory_space<vmem>>, vector<16xf32>,
            %get3A_293 = vector.shape_cast %get3A_292 : vector<16xf32> to vector<16xf32>
            %add3A_294 = arith.constant 80 : i32
            %add3A_295 = arith.addi %mul3A_264, %add3A_294 : i32
            %get3A_296 = arith.index_cast %add3A_295 : i32 to index
            %get3A_297 = tpu.vector_load %arg8[%get3A_296] {strides = array<i32>} : memref<3072xf32, #tpu.memory_space<vmem>>, vector<16xf32>,
            %get3A_298 = vector.shape_cast %get3A_297 : vector<16xf32> to vector<16xf32>
            %add3A_299 = arith.constant 96 : i32
            %add3A_300 = arith.addi %mul3A_264, %add3A_299 : i32
            %get3A_301 = arith.index_cast %add3A_300 : i32 to index
            %get3A_302 = tpu.vector_load %arg8[%get3A_301] {strides = array<i32>} : memref<3072xf32, #tpu.memory_space<vmem>>, vector<16xf32>,
            %get3A_303 = vector.shape_cast %get3A_302 : vector<16xf32> to vector<16xf32>
            %add3A_304 = arith.constant 112 : i32
            %add3A_305 = arith.addi %mul3A_264, %add3A_304 : i32
            %get3A_306 = arith.index_cast %add3A_305 : i32 to index
            %get3A_307 = tpu.vector_load %arg8[%get3A_306] {strides = array<i32>} : memref<3072xf32, #tpu.memory_space<vmem>>, vector<16xf32>,
            %get3A_308 = vector.shape_cast %get3A_307 : vector<16xf32> to vector<16xf32>
            %add3A_309 = arith.constant 256 : i32
            %add3A_310 = arith.addi %mul3A_264, %add3A_309 : i32
            %add3A_311 = arith.constant 0 : i32
            %add3A_312 = arith.addi %add3A_310, %add3A_311 : i32
            %get3A_313 = arith.index_cast %add3A_312 : i32 to index
            %get3A_314 = tpu.vector_load %arg8[%get3A_313] {strides = array<i32>} : memref<3072xf32, #tpu.memory_space<vmem>>, vector<16xf32>,
            %get3A_315 = vector.shape_cast %get3A_314 : vector<16xf32> to vector<16xf32>
            %add3A_316 = arith.constant 256 : i32
            %add3A_317 = arith.addi %mul3A_264, %add3A_316 : i32
            %add3A_318 = arith.constant 16 : i32
            %add3A_319 = arith.addi %add3A_317, %add3A_318 : i32
            %get3A_320 = arith.index_cast %add3A_319 : i32 to index
            %get3A_321 = tpu.vector_load %arg8[%get3A_320] {strides = array<i32>} : memref<3072xf32, #tpu.memory_space<vmem>>, vector<16xf32>,
            %get3A_322 = vector.shape_cast %get3A_321 : vector<16xf32> to vector<16xf32>
            %add3A_323 = arith.constant 256 : i32
            %add3A_324 = arith.addi %mul3A_264, %add3A_323 : i32
            %add3A_325 = arith.constant 32 : i32
            %add3A_326 = arith.addi %add3A_324, %add3A_325 : i32
            %get3A_327 = arith.index_cast %add3A_326 : i32 to index
            %get3A_328 = tpu.vector_load %arg8[%get3A_327] {strides = array<i32>} : memref<3072xf32, #tpu.memory_space<vmem>>, vector<16xf32>,
            %get3A_329 = vector.shape_cast %get3A_328 : vector<16xf32> to vector<16xf32>
            %add3A_330 = arith.constant 256 : i32
            %add3A_331 = arith.addi %mul3A_264, %add3A_330 : i32
            %add3A_332 = arith.constant 48 : i32
            %add3A_333 = arith.addi %add3A_331, %add3A_332 : i32
            %get3A_334 = arith.index_cast %add3A_333 : i32 to index
            %get3A_335 = tpu.vector_load %arg8[%get3A_334] {strides = array<i32>} : memref<3072xf32, #tpu.memory_space<vmem>>, vector<16xf32>,
            %get3A_336 = vector.shape_cast %get3A_335 : vector<16xf32> to vector<16xf32>
            %add3A_337 = arith.constant 256 : i32
            %add3A_338 = arith.addi %mul3A_264, %add3A_337 : i32
            %add3A_339 = arith.constant 64 : i32
            %add3A_340 = arith.addi %add3A_338, %add3A_339 : i32
            %get3A_341 = arith.index_cast %add3A_340 : i32 to index
            %get3A_342 = tpu.vector_load %arg8[%get3A_341] {strides = array<i32>} : memref<3072xf32, #tpu.memory_space<vmem>>, vector<16xf32>,
            %get3A_343 = vector.shape_cast %get3A_342 : vector<16xf32> to vector<16xf32>
            %add3A_344 = arith.constant 256 : i32
            %add3A_345 = arith.addi %mul3A_264, %add3A_344 : i32
            %add3A_346 = arith.constant 80 : i32
            %add3A_347 = arith.addi %add3A_345, %add3A_346 : i32
            %get3A_348 = arith.index_cast %add3A_347 : i32 to index
            %get3A_349 = tpu.vector_load %arg8[%get3A_348] {strides = array<i32>} : memref<3072xf32, #tpu.memory_space<vmem>>, vector<16xf32>,
            %get3A_350 = vector.shape_cast %get3A_349 : vector<16xf32> to vector<16xf32>
            %add3A_351 = arith.constant 256 : i32
            %add3A_352 = arith.addi %mul3A_264, %add3A_351 : i32
            %add3A_353 = arith.constant 96 : i32
            %add3A_354 = arith.addi %add3A_352, %add3A_353 : i32
            %get3A_355 = arith.index_cast %add3A_354 : i32 to index
            %get3A_356 = tpu.vector_load %arg8[%get3A_355] {strides = array<i32>} : memref<3072xf32, #tpu.memory_space<vmem>>, vector<16xf32>,
            %get3A_357 = vector.shape_cast %get3A_356 : vector<16xf32> to vector<16xf32>
            %add3A_358 = arith.constant 256 : i32
            %add3A_359 = arith.addi %mul3A_264, %add3A_358 : i32
            %add3A_360 = arith.constant 112 : i32
            %add3A_361 = arith.addi %add3A_359, %add3A_360 : i32
            %get3A_362 = arith.index_cast %add3A_361 : i32 to index
            %get3A_363 = tpu.vector_load %arg8[%get3A_362] {strides = array<i32>} : memref<3072xf32, #tpu.memory_space<vmem>>, vector<16xf32>,
            %get3A_364 = vector.shape_cast %get3A_363 : vector<16xf32> to vector<16xf32>
            %add3A_365 = arith.constant 512 : i32
            %add3A_366 = arith.addi %mul3A_264, %add3A_365 : i32
            %add3A_367 = arith.constant 0 : i32
            %add3A_368 = arith.addi %add3A_366, %add3A_367 : i32
            %get3A_369 = arith.index_cast %add3A_368 : i32 to index
            %get3A_370 = tpu.vector_load %arg8[%get3A_369] {strides = array<i32>} : memref<3072xf32, #tpu.memory_space<vmem>>, vector<16xf32>,
            %get3A_371 = vector.shape_cast %get3A_370 : vector<16xf32> to vector<16xf32>
            %add3A_372 = arith.constant 512 : i32
            %add3A_373 = arith.addi %mul3A_264, %add3A_372 : i32
            %add3A_374 = arith.constant 16 : i32
            %add3A_375 = arith.addi %add3A_373, %add3A_374 : i32
            %get3A_376 = arith.index_cast %add3A_375 : i32 to index
            %get3A_377 = tpu.vector_load %arg8[%get3A_376] {strides = array<i32>} : memref<3072xf32, #tpu.memory_space<vmem>>, vector<16xf32>,
            %get3A_378 = vector.shape_cast %get3A_377 : vector<16xf32> to vector<16xf32>
            %add3A_379 = arith.constant 512 : i32
            %add3A_380 = arith.addi %mul3A_264, %add3A_379 : i32
            %add3A_381 = arith.constant 32 : i32
            %add3A_382 = arith.addi %add3A_380, %add3A_381 : i32
            %get3A_383 = arith.index_cast %add3A_382 : i32 to index
            %get3A_384 = tpu.vector_load %arg8[%get3A_383] {strides = array<i32>} : memref<3072xf32, #tpu.memory_space<vmem>>, vector<16xf32>,
            %get3A_385 = vector.shape_cast %get3A_384 : vector<16xf32> to vector<16xf32>
            %add3A_386 = arith.constant 512 : i32
            %add3A_387 = arith.addi %mul3A_264, %add3A_386 : i32
            %add3A_388 = arith.constant 48 : i32
            %add3A_389 = arith.addi %add3A_387, %add3A_388 : i32
            %get3A_390 = arith.index_cast %add3A_389 : i32 to index
            %get3A_391 = tpu.vector_load %arg8[%get3A_390] {strides = array<i32>} : memref<3072xf32, #tpu.memory_space<vmem>>, vector<16xf32>,
            %get3A_392 = vector.shape_cast %get3A_391 : vector<16xf32> to vector<16xf32>
            %add3A_393 = arith.constant 512 : i32
            %add3A_394 = arith.addi %mul3A_264, %add3A_393 : i32
            %add3A_395 = arith.constant 64 : i32
            %add3A_396 = arith.addi %add3A_394, %add3A_395 : i32
            %get3A_397 = arith.index_cast %add3A_396 : i32 to index
            %get3A_398 = tpu.vector_load %arg8[%get3A_397] {strides = array<i32>} : memref<3072xf32, #tpu.memory_space<vmem>>, vector<16xf32>,
            %get3A_399 = vector.shape_cast %get3A_398 : vector<16xf32> to vector<16xf32>
            %add3A_400 = arith.constant 512 : i32
            %add3A_401 = arith.addi %mul3A_264, %add3A_400 : i32
            %add3A_402 = arith.constant 80 : i32
            %add3A_403 = arith.addi %add3A_401, %add3A_402 : i32
            %get3A_404 = arith.index_cast %add3A_403 : i32 to index
            %get3A_405 = tpu.vector_load %arg8[%get3A_404] {strides = array<i32>} : memref<3072xf32, #tpu.memory_space<vmem>>, vector<16xf32>,
            %get3A_406 = vector.shape_cast %get3A_405 : vector<16xf32> to vector<16xf32>
            %add3A_407 = arith.constant 512 : i32
            %add3A_408 = arith.addi %mul3A_264, %add3A_407 : i32
            %add3A_409 = arith.constant 96 : i32
            %add3A_410 = arith.addi %add3A_408, %add3A_409 : i32
            %get3A_411 = arith.index_cast %add3A_410 : i32 to index
            %get3A_412 = tpu.vector_load %arg8[%get3A_411] {strides = array<i32>} : memref<3072xf32, #tpu.memory_space<vmem>>, vector<16xf32>,
            %get3A_413 = vector.shape_cast %get3A_412 : vector<16xf32> to vector<16xf32>
            %add3A_414 = arith.constant 512 : i32
            %add3A_415 = arith.addi %mul3A_264, %add3A_414 : i32
            %add3A_416 = arith.constant 112 : i32
            %add3A_417 = arith.addi %add3A_415, %add3A_416 : i32
            %get3A_418 = arith.index_cast %add3A_417 : i32 to index
            %get3A_419 = tpu.vector_load %arg8[%get3A_418] {strides = array<i32>} : memref<3072xf32, #tpu.memory_space<vmem>>, vector<16xf32>,
            %get3A_420 = vector.shape_cast %get3A_419 : vector<16xf32> to vector<16xf32>
            %while3A_421 = arith.constant 0 : i32
            %while3A_422 = arith.subi %max3A_268, %while3A_421 : i32
            %while3A_423 = arith.addi %while3A_421, %while3A_422 : i32
            %while3A_424 = arith.constant 1 : i32
            %while3A_425 = arith.divsi %while3A_422, %while3A_424 : i32
            %while3A_426 = arith.muli %while3A_425, %while3A_424 : i32
            %while3A_427 = arith.addi %while3A_421, %while3A_426 : i32
            %while3A_428 = arith.constant 1 : i32
            %while3A_429:25 = scf.for %while3A_947 = %while3A_421 to %while3A_427 step %while3A_428 iter_args(%while3A_948 = %sub3A_265, %while3A_949 = %get3A_273, %while3A_950 = %get3A_278, %while3A_951 = %get3A_283, %while3A_952 = %get3A_288, %while3A_953 = %get3A_293, %while3A_954 = %get3A_298, %while3A_955 = %get3A_303, %while3A_956 = %get3A_308, %while3A_957 = %get3A_315, %while3A_958 = %get3A_322, %while3A_959 = %get3A_329, %while3A_960 = %get3A_336, %while3A_961 = %get3A_343, %while3A_962 = %get3A_350, %while3A_963 = %get3A_357, %while3A_964 = %get3A_364, %while3A_965 = %get3A_371, %while3A_966 = %get3A_378, %while3A_967 = %get3A_385, %while3A_968 = %get3A_392, %while3A_969 = %get3A_399, %while3A_970 = %get3A_406, %while3A_971 = %get3A_413, %while3A_972 = %get3A_420) -> (i32, vector<16xf32>, vector<16xf32>, vector<16xf32>, vector<16xf32>, vector<16xf32>, vector<16xf32>, vector<16xf32>, vector<16xf32>, vector<16xf32>, vector<16xf32>, vector<16xf32>, vector<16xf32>, vector<16xf32>, vector<16xf32>, vector<16xf32>, vector<16xf32>, vector<16xf32>, vector<16xf32>, vector<16xf32>, vector<16xf32>, vector<16xf32>, vector<16xf32>, vector<16xf32>, vector<16xf32>)  : i32 {
              %get3A_973 = arith.index_cast %while3A_948 : i32 to index
              %get3A_974 = arith.constant 0 : index
              %get3A_975 = tpu.vector_load %arg7[%get3A_973, %get3A_974] {strides = array<i32>} : memref<144x256xf32, #tpu.memory_space<vmem>>, vector<1x16xf32>,
              %get3A_976 = vector.shape_cast %get3A_975 : vector<1x16xf32> to vector<16xf32>
              %get3A_977 = arith.index_cast %while3A_948 : i32 to index
              %get3A_978 = arith.constant 16 : index
              %get3A_979 = tpu.vector_load %arg7[%get3A_977, %get3A_978] {strides = array<i32>} : memref<144x256xf32, #tpu.memory_space<vmem>>, vector<1x16xf32>,
              %get3A_980 = vector.shape_cast %get3A_979 : vector<1x16xf32> to vector<16xf32>
              %get3A_981 = arith.index_cast %while3A_948 : i32 to index
              %get3A_982 = arith.constant 32 : index
              %get3A_983 = tpu.vector_load %arg7[%get3A_981, %get3A_982] {strides = array<i32>} : memref<144x256xf32, #tpu.memory_space<vmem>>, vector<1x16xf32>,
              %get3A_984 = vector.shape_cast %get3A_983 : vector<1x16xf32> to vector<16xf32>
              %get3A_985 = arith.index_cast %while3A_948 : i32 to index
              %get3A_986 = arith.constant 48 : index
              %get3A_987 = tpu.vector_load %arg7[%get3A_985, %get3A_986] {strides = array<i32>} : memref<144x256xf32, #tpu.memory_space<vmem>>, vector<1x16xf32>,
              %get3A_988 = vector.shape_cast %get3A_987 : vector<1x16xf32> to vector<16xf32>
              %get3A_989 = arith.index_cast %while3A_948 : i32 to index
              %get3A_990 = arith.constant 64 : index
              %get3A_991 = tpu.vector_load %arg7[%get3A_989, %get3A_990] {strides = array<i32>} : memref<144x256xf32, #tpu.memory_space<vmem>>, vector<1x16xf32>,
              %get3A_992 = vector.shape_cast %get3A_991 : vector<1x16xf32> to vector<16xf32>
              %get3A_993 = arith.index_cast %while3A_948 : i32 to index
              %get3A_994 = arith.constant 80 : index
              %get3A_995 = tpu.vector_load %arg7[%get3A_993, %get3A_994] {strides = array<i32>} : memref<144x256xf32, #tpu.memory_space<vmem>>, vector<1x16xf32>,
              %get3A_996 = vector.shape_cast %get3A_995 : vector<1x16xf32> to vector<16xf32>
              %get3A_997 = arith.index_cast %while3A_948 : i32 to index
              %get3A_998 = arith.constant 96 : index
              %get3A_999 = tpu.vector_load %arg7[%get3A_997, %get3A_998] {strides = array<i32>} : memref<144x256xf32, #tpu.memory_space<vmem>>, vector<1x16xf32>,
              %get3A_1000 = vector.shape_cast %get3A_999 : vector<1x16xf32> to vector<16xf32>
              %get3A_1001 = arith.index_cast %while3A_948 : i32 to index
              %get3A_1002 = arith.constant 112 : index
              %get3A_1003 = tpu.vector_load %arg7[%get3A_1001, %get3A_1002] {strides = array<i32>} : memref<144x256xf32, #tpu.memory_space<vmem>>, vector<1x16xf32>,
              %get3A_1004 = vector.shape_cast %get3A_1003 : vector<1x16xf32> to vector<16xf32>
              %max3A_1005 = arith.maximumf %while3A_949, %get3A_976 : vector<16xf32>
              %max3A_1006 = arith.maximumf %while3A_950, %get3A_980 : vector<16xf32>
              %max3A_1007 = arith.maximumf %while3A_951, %get3A_984 : vector<16xf32>
              %max3A_1008 = arith.maximumf %while3A_952, %get3A_988 : vector<16xf32>
              %max3A_1009 = arith.maximumf %while3A_953, %get3A_992 : vector<16xf32>
              %max3A_1010 = arith.maximumf %while3A_954, %get3A_996 : vector<16xf32>
              %max3A_1011 = arith.maximumf %while3A_955, %get3A_1000 : vector<16xf32>
              %max3A_1012 = arith.maximumf %while3A_956, %get3A_1004 : vector<16xf32>
              %min3A_1013 = arith.minimumf %while3A_957, %get3A_976 : vector<16xf32>
              %min3A_1014 = arith.minimumf %while3A_958, %get3A_980 : vector<16xf32>
              %min3A_1015 = arith.minimumf %while3A_959, %get3A_984 : vector<16xf32>
              %min3A_1016 = arith.minimumf %while3A_960, %get3A_988 : vector<16xf32>
              %min3A_1017 = arith.minimumf %while3A_961, %get3A_992 : vector<16xf32>
              %min3A_1018 = arith.minimumf %while3A_962, %get3A_996 : vector<16xf32>
              %min3A_1019 = arith.minimumf %while3A_963, %get3A_1000 : vector<16xf32>
              %min3A_1020 = arith.minimumf %while3A_964, %get3A_1004 : vector<16xf32>
              %add3A_1021 = arith.addf %while3A_965, %get3A_976 : vector<16xf32>
              %add3A_1022 = arith.addf %while3A_966, %get3A_980 : vector<16xf32>
              %add3A_1023 = arith.addf %while3A_967, %get3A_984 : vector<16xf32>
              %add3A_1024 = arith.addf %while3A_968, %get3A_988 : vector<16xf32>
              %add3A_1025 = arith.addf %while3A_969, %get3A_992 : vector<16xf32>
              %add3A_1026 = arith.addf %while3A_970, %get3A_996 : vector<16xf32>
              %add3A_1027 = arith.addf %while3A_971, %get3A_1000 : vector<16xf32>
              %add3A_1028 = arith.addf %while3A_972, %get3A_1004 : vector<16xf32>
              %add3A_1029 = arith.constant 1 : i32
              %add3A_1030 = arith.addi %while3A_948, %add3A_1029 : i32
              scf.yield %add3A_1030, %max3A_1005, %max3A_1006, %max3A_1007, %max3A_1008, %max3A_1009, %max3A_1010, %max3A_1011, %max3A_1012, %min3A_1013, %min3A_1014, %min3A_1015, %min3A_1016, %min3A_1017, %min3A_1018, %min3A_1019, %min3A_1020, %add3A_1021, %add3A_1022, %add3A_1023, %add3A_1024, %add3A_1025, %add3A_1026, %add3A_1027, %add3A_1028 : i32, vector<16xf32>, vector<16xf32>, vector<16xf32>, vector<16xf32>, vector<16xf32>, vector<16xf32>, vector<16xf32>, vector<16xf32>, vector<16xf32>, vector<16xf32>, vector<16xf32>, vector<16xf32>, vector<16xf32>, vector<16xf32>, vector<16xf32>, vector<16xf32>, vector<16xf32>, vector<16xf32>, vector<16xf32>, vector<16xf32>, vector<16xf32>, vector<16xf32>, vector<16xf32>, vector<16xf32>
            }
            %while3A_430 = arith.constant 1 : i32
            %while3A_431:25 = scf.for %while3A_947 = %while3A_427 to %while3A_423 step %while3A_430 iter_args(%while3A_948 = %while3A_429#0, %while3A_949 = %while3A_429#1, %while3A_950 = %while3A_429#2, %while3A_951 = %while3A_429#3, %while3A_952 = %while3A_429#4, %while3A_953 = %while3A_429#5, %while3A_954 = %while3A_429#6, %while3A_955 = %while3A_429#7, %while3A_956 = %while3A_429#8, %while3A_957 = %while3A_429#9, %while3A_958 = %while3A_429#10, %while3A_959 = %while3A_429#11, %while3A_960 = %while3A_429#12, %while3A_961 = %while3A_429#13, %while3A_962 = %while3A_429#14, %while3A_963 = %while3A_429#15, %while3A_964 = %while3A_429#16, %while3A_965 = %while3A_429#17, %while3A_966 = %while3A_429#18, %while3A_967 = %while3A_429#19, %while3A_968 = %while3A_429#20, %while3A_969 = %while3A_429#21, %while3A_970 = %while3A_429#22, %while3A_971 = %while3A_429#23, %while3A_972 = %while3A_429#24) -> (i32, vector<16xf32>, vector<16xf32>, vector<16xf32>, vector<16xf32>, vector<16xf32>, vector<16xf32>, vector<16xf32>, vector<16xf32>, vector<16xf32>, vector<16xf32>, vector<16xf32>, vector<16xf32>, vector<16xf32>, vector<16xf32>, vector<16xf32>, vector<16xf32>, vector<16xf32>, vector<16xf32>, vector<16xf32>, vector<16xf32>, vector<16xf32>, vector<16xf32>, vector<16xf32>, vector<16xf32>)  : i32 {
              %get3A_973 = arith.index_cast %while3A_948 : i32 to index
              %get3A_974 = arith.constant 0 : index
              %get3A_975 = tpu.vector_load %arg7[%get3A_973, %get3A_974] {strides = array<i32>} : memref<144x256xf32, #tpu.memory_space<vmem>>, vector<1x16xf32>,
              %get3A_976 = vector.shape_cast %get3A_975 : vector<1x16xf32> to vector<16xf32>
              %get3A_977 = arith.index_cast %while3A_948 : i32 to index
              %get3A_978 = arith.constant 16 : index
              %get3A_979 = tpu.vector_load %arg7[%get3A_977, %get3A_978] {strides = array<i32>} : memref<144x256xf32, #tpu.memory_space<vmem>>, vector<1x16xf32>,
              %get3A_980 = vector.shape_cast %get3A_979 : vector<1x16xf32> to vector<16xf32>
              %get3A_981 = arith.index_cast %while3A_948 : i32 to index
              %get3A_982 = arith.constant 32 : index
              %get3A_983 = tpu.vector_load %arg7[%get3A_981, %get3A_982] {strides = array<i32>} : memref<144x256xf32, #tpu.memory_space<vmem>>, vector<1x16xf32>,
              %get3A_984 = vector.shape_cast %get3A_983 : vector<1x16xf32> to vector<16xf32>
              %get3A_985 = arith.index_cast %while3A_948 : i32 to index
              %get3A_986 = arith.constant 48 : index
              %get3A_987 = tpu.vector_load %arg7[%get3A_985, %get3A_986] {strides = array<i32>} : memref<144x256xf32, #tpu.memory_space<vmem>>, vector<1x16xf32>,
              %get3A_988 = vector.shape_cast %get3A_987 : vector<1x16xf32> to vector<16xf32>
              %get3A_989 = arith.index_cast %while3A_948 : i32 to index
              %get3A_990 = arith.constant 64 : index
              %get3A_991 = tpu.vector_load %arg7[%get3A_989, %get3A_990] {strides = array<i32>} : memref<144x256xf32, #tpu.memory_space<vmem>>, vector<1x16xf32>,
              %get3A_992 = vector.shape_cast %get3A_991 : vector<1x16xf32> to vector<16xf32>
              %get3A_993 = arith.index_cast %while3A_948 : i32 to index
              %get3A_994 = arith.constant 80 : index
              %get3A_995 = tpu.vector_load %arg7[%get3A_993, %get3A_994] {strides = array<i32>} : memref<144x256xf32, #tpu.memory_space<vmem>>, vector<1x16xf32>,
              %get3A_996 = vector.shape_cast %get3A_995 : vector<1x16xf32> to vector<16xf32>
              %get3A_997 = arith.index_cast %while3A_948 : i32 to index
              %get3A_998 = arith.constant 96 : index
              %get3A_999 = tpu.vector_load %arg7[%get3A_997, %get3A_998] {strides = array<i32>} : memref<144x256xf32, #tpu.memory_space<vmem>>, vector<1x16xf32>,
              %get3A_1000 = vector.shape_cast %get3A_999 : vector<1x16xf32> to vector<16xf32>
              %get3A_1001 = arith.index_cast %while3A_948 : i32 to index
              %get3A_1002 = arith.constant 112 : index
              %get3A_1003 = tpu.vector_load %arg7[%get3A_1001, %get3A_1002] {strides = array<i32>} : memref<144x256xf32, #tpu.memory_space<vmem>>, vector<1x16xf32>,
              %get3A_1004 = vector.shape_cast %get3A_1003 : vector<1x16xf32> to vector<16xf32>
              %max3A_1005 = arith.maximumf %while3A_949, %get3A_976 : vector<16xf32>
              %max3A_1006 = arith.maximumf %while3A_950, %get3A_980 : vector<16xf32>
              %max3A_1007 = arith.maximumf %while3A_951, %get3A_984 : vector<16xf32>
              %max3A_1008 = arith.maximumf %while3A_952, %get3A_988 : vector<16xf32>
              %max3A_1009 = arith.maximumf %while3A_953, %get3A_992 : vector<16xf32>
              %max3A_1010 = arith.maximumf %while3A_954, %get3A_996 : vector<16xf32>
              %max3A_1011 = arith.maximumf %while3A_955, %get3A_1000 : vector<16xf32>
              %max3A_1012 = arith.maximumf %while3A_956, %get3A_1004 : vector<16xf32>
              %min3A_1013 = arith.minimumf %while3A_957, %get3A_976 : vector<16xf32>
              %min3A_1014 = arith.minimumf %while3A_958, %get3A_980 : vector<16xf32>
              %min3A_1015 = arith.minimumf %while3A_959, %get3A_984 : vector<16xf32>
              %min3A_1016 = arith.minimumf %while3A_960, %get3A_988 : vector<16xf32>
              %min3A_1017 = arith.minimumf %while3A_961, %get3A_992 : vector<16xf32>
              %min3A_1018 = arith.minimumf %while3A_962, %get3A_996 : vector<16xf32>
              %min3A_1019 = arith.minimumf %while3A_963, %get3A_1000 : vector<16xf32>
              %min3A_1020 = arith.minimumf %while3A_964, %get3A_1004 : vector<16xf32>
              %add3A_1021 = arith.addf %while3A_965, %get3A_976 : vector<16xf32>
              %add3A_1022 = arith.addf %while3A_966, %get3A_980 : vector<16xf32>
              %add3A_1023 = arith.addf %while3A_967, %get3A_984 : vector<16xf32>
              %add3A_1024 = arith.addf %while3A_968, %get3A_988 : vector<16xf32>
              %add3A_1025 = arith.addf %while3A_969, %get3A_992 : vector<16xf32>
              %add3A_1026 = arith.addf %while3A_970, %get3A_996 : vector<16xf32>
              %add3A_1027 = arith.addf %while3A_971, %get3A_1000 : vector<16xf32>
              %add3A_1028 = arith.addf %while3A_972, %get3A_1004 : vector<16xf32>
              %add3A_1029 = arith.constant 1 : i32
              %add3A_1030 = arith.addi %while3A_948, %add3A_1029 : i32
              scf.yield %add3A_1030, %max3A_1005, %max3A_1006, %max3A_1007, %max3A_1008, %max3A_1009, %max3A_1010, %max3A_1011, %max3A_1012, %min3A_1013, %min3A_1014, %min3A_1015, %min3A_1016, %min3A_1017, %min3A_1018, %min3A_1019, %min3A_1020, %add3A_1021, %add3A_1022, %add3A_1023, %add3A_1024, %add3A_1025, %add3A_1026, %add3A_1027, %add3A_1028 : i32, vector<16xf32>, vector<16xf32>, vector<16xf32>, vector<16xf32>, vector<16xf32>, vector<16xf32>, vector<16xf32>, vector<16xf32>, vector<16xf32>, vector<16xf32>, vector<16xf32>, vector<16xf32>, vector<16xf32>, vector<16xf32>, vector<16xf32>, vector<16xf32>, vector<16xf32>, vector<16xf32>, vector<16xf32>, vector<16xf32>, vector<16xf32>, vector<16xf32>, vector<16xf32>, vector<16xf32>
            }
            %add3A_432 = arith.constant 0 : i32
            %add3A_433 = arith.addi %mul3A_264, %add3A_432 : i32
            %swap3A_434 = arith.index_cast %add3A_433 : i32 to index
            %swap3A_435 = tpu.vector_load %arg8[%swap3A_434] {strides = array<i32>} : memref<3072xf32, #tpu.memory_space<vmem>>, vector<16xf32>,
            %swap3A_436 = vector.shape_cast %swap3A_435 : vector<16xf32> to vector<16xf32>
            %swap3A_437 = vector.shape_cast %while3A_431#1 : vector<16xf32> to vector<16xf32>
            tpu.vector_store %arg8[%swap3A_434], %swap3A_437 {strides = array<i32>} : memref<3072xf32, #tpu.memory_space<vmem>>, vector<16xf32>,
            %add3A_438 = arith.constant 256 : i32
            %add3A_439 = arith.addi %mul3A_264, %add3A_438 : i32
            %add3A_440 = arith.constant 0 : i32
            %add3A_441 = arith.addi %add3A_439, %add3A_440 : i32
            %swap3A_442 = arith.index_cast %add3A_441 : i32 to index
            %swap3A_443 = tpu.vector_load %arg8[%swap3A_442] {strides = array<i32>} : memref<3072xf32, #tpu.memory_space<vmem>>, vector<16xf32>,
            %swap3A_444 = vector.shape_cast %swap3A_443 : vector<16xf32> to vector<16xf32>
            %swap3A_445 = vector.shape_cast %while3A_431#9 : vector<16xf32> to vector<16xf32>
            tpu.vector_store %arg8[%swap3A_442], %swap3A_445 {strides = array<i32>} : memref<3072xf32, #tpu.memory_space<vmem>>, vector<16xf32>,
            %add3A_446 = arith.constant 512 : i32
            %add3A_447 = arith.addi %mul3A_264, %add3A_446 : i32
            %add3A_448 = arith.constant 0 : i32
            %add3A_449 = arith.addi %add3A_447, %add3A_448 : i32
            %swap3A_450 = arith.index_cast %add3A_449 : i32 to index
            %swap3A_451 = tpu.vector_load %arg8[%swap3A_450] {strides = array<i32>} : memref<3072xf32, #tpu.memory_space<vmem>>, vector<16xf32>,
            %swap3A_452 = vector.shape_cast %swap3A_451 : vector<16xf32> to vector<16xf32>
            %swap3A_453 = vector.shape_cast %while3A_431#17 : vector<16xf32> to vector<16xf32>
            tpu.vector_store %arg8[%swap3A_450], %swap3A_453 {strides = array<i32>} : memref<3072xf32, #tpu.memory_space<vmem>>, vector<16xf32>,
            %add3A_454 = arith.constant 16 : i32
            %add3A_455 = arith.addi %mul3A_264, %add3A_454 : i32
            %swap3A_456 = arith.index_cast %add3A_455 : i32 to index
            %swap3A_457 = tpu.vector_load %arg8[%swap3A_456] {strides = array<i32>} : memref<3072xf32, #tpu.memory_space<vmem>>, vector<16xf32>,
            %swap3A_458 = vector.shape_cast %swap3A_457 : vector<16xf32> to vector<16xf32>
            %swap3A_459 = vector.shape_cast %while3A_431#2 : vector<16xf32> to vector<16xf32>
            tpu.vector_store %arg8[%swap3A_456], %swap3A_459 {strides = array<i32>} : memref<3072xf32, #tpu.memory_space<vmem>>, vector<16xf32>,
            %add3A_460 = arith.constant 256 : i32
            %add3A_461 = arith.addi %mul3A_264, %add3A_460 : i32
            %add3A_462 = arith.constant 16 : i32
            %add3A_463 = arith.addi %add3A_461, %add3A_462 : i32
            %swap3A_464 = arith.index_cast %add3A_463 : i32 to index
            %swap3A_465 = tpu.vector_load %arg8[%swap3A_464] {strides = array<i32>} : memref<3072xf32, #tpu.memory_space<vmem>>, vector<16xf32>,
            %swap3A_466 = vector.shape_cast %swap3A_465 : vector<16xf32> to vector<16xf32>
            %swap3A_467 = vector.shape_cast %while3A_431#10 : vector<16xf32> to vector<16xf32>
            tpu.vector_store %arg8[%swap3A_464], %swap3A_467 {strides = array<i32>} : memref<3072xf32, #tpu.memory_space<vmem>>, vector<16xf32>,
            %add3A_468 = arith.constant 512 : i32
            %add3A_469 = arith.addi %mul3A_264, %add3A_468 : i32
            %add3A_470 = arith.constant 16 : i32
            %add3A_471 = arith.addi %add3A_469, %add3A_470 : i32
            %swap3A_472 = arith.index_cast %add3A_471 : i32 to index
            %swap3A_473 = tpu.vector_load %arg8[%swap3A_472] {strides = array<i32>} : memref<3072xf32, #tpu.memory_space<vmem>>, vector<16xf32>,
            %swap3A_474 = vector.shape_cast %swap3A_473 : vector<16xf32> to vector<16xf32>
            %swap3A_475 = vector.shape_cast %while3A_431#18 : vector<16xf32> to vector<16xf32>
            tpu.vector_store %arg8[%swap3A_472], %swap3A_475 {strides = array<i32>} : memref<3072xf32, #tpu.memory_space<vmem>>, vector<16xf32>,
            %add3A_476 = arith.constant 32 : i32
            %add3A_477 = arith.addi %mul3A_264, %add3A_476 : i32
            %swap3A_478 = arith.index_cast %add3A_477 : i32 to index
            %swap3A_479 = tpu.vector_load %arg8[%swap3A_478] {strides = array<i32>} : memref<3072xf32, #tpu.memory_space<vmem>>, vector<16xf32>,
            %swap3A_480 = vector.shape_cast %swap3A_479 : vector<16xf32> to vector<16xf32>
            %swap3A_481 = vector.shape_cast %while3A_431#3 : vector<16xf32> to vector<16xf32>
            tpu.vector_store %arg8[%swap3A_478], %swap3A_481 {strides = array<i32>} : memref<3072xf32, #tpu.memory_space<vmem>>, vector<16xf32>,
            %add3A_482 = arith.constant 256 : i32
            %add3A_483 = arith.addi %mul3A_264, %add3A_482 : i32
            %add3A_484 = arith.constant 32 : i32
            %add3A_485 = arith.addi %add3A_483, %add3A_484 : i32
            %swap3A_486 = arith.index_cast %add3A_485 : i32 to index
            %swap3A_487 = tpu.vector_load %arg8[%swap3A_486] {strides = array<i32>} : memref<3072xf32, #tpu.memory_space<vmem>>, vector<16xf32>,
            %swap3A_488 = vector.shape_cast %swap3A_487 : vector<16xf32> to vector<16xf32>
            %swap3A_489 = vector.shape_cast %while3A_431#11 : vector<16xf32> to vector<16xf32>
            tpu.vector_store %arg8[%swap3A_486], %swap3A_489 {strides = array<i32>} : memref<3072xf32, #tpu.memory_space<vmem>>, vector<16xf32>,
            %add3A_490 = arith.constant 512 : i32
            %add3A_491 = arith.addi %mul3A_264, %add3A_490 : i32
            %add3A_492 = arith.constant 32 : i32
            %add3A_493 = arith.addi %add3A_491, %add3A_492 : i32
            %swap3A_494 = arith.index_cast %add3A_493 : i32 to index
            %swap3A_495 = tpu.vector_load %arg8[%swap3A_494] {strides = array<i32>} : memref<3072xf32, #tpu.memory_space<vmem>>, vector<16xf32>,
            %swap3A_496 = vector.shape_cast %swap3A_495 : vector<16xf32> to vector<16xf32>
            %swap3A_497 = vector.shape_cast %while3A_431#19 : vector<16xf32> to vector<16xf32>
            tpu.vector_store %arg8[%swap3A_494], %swap3A_497 {strides = array<i32>} : memref<3072xf32, #tpu.memory_space<vmem>>, vector<16xf32>,
            %add3A_498 = arith.constant 48 : i32
            %add3A_499 = arith.addi %mul3A_264, %add3A_498 : i32
            %swap3A_500 = arith.index_cast %add3A_499 : i32 to index
            %swap3A_501 = tpu.vector_load %arg8[%swap3A_500] {strides = array<i32>} : memref<3072xf32, #tpu.memory_space<vmem>>, vector<16xf32>,
            %swap3A_502 = vector.shape_cast %swap3A_501 : vector<16xf32> to vector<16xf32>
            %swap3A_503 = vector.shape_cast %while3A_431#4 : vector<16xf32> to vector<16xf32>
            tpu.vector_store %arg8[%swap3A_500], %swap3A_503 {strides = array<i32>} : memref<3072xf32, #tpu.memory_space<vmem>>, vector<16xf32>,
            %add3A_504 = arith.constant 256 : i32
            %add3A_505 = arith.addi %mul3A_264, %add3A_504 : i32
            %add3A_506 = arith.constant 48 : i32
            %add3A_507 = arith.addi %add3A_505, %add3A_506 : i32
            %swap3A_508 = arith.index_cast %add3A_507 : i32 to index
            %swap3A_509 = tpu.vector_load %arg8[%swap3A_508] {strides = array<i32>} : memref<3072xf32, #tpu.memory_space<vmem>>, vector<16xf32>,
            %swap3A_510 = vector.shape_cast %swap3A_509 : vector<16xf32> to vector<16xf32>
            %swap3A_511 = vector.shape_cast %while3A_431#12 : vector<16xf32> to vector<16xf32>
            tpu.vector_store %arg8[%swap3A_508], %swap3A_511 {strides = array<i32>} : memref<3072xf32, #tpu.memory_space<vmem>>, vector<16xf32>,
            %add3A_512 = arith.constant 512 : i32
            %add3A_513 = arith.addi %mul3A_264, %add3A_512 : i32
            %add3A_514 = arith.constant 48 : i32
            %add3A_515 = arith.addi %add3A_513, %add3A_514 : i32
            %swap3A_516 = arith.index_cast %add3A_515 : i32 to index
            %swap3A_517 = tpu.vector_load %arg8[%swap3A_516] {strides = array<i32>} : memref<3072xf32, #tpu.memory_space<vmem>>, vector<16xf32>,
            %swap3A_518 = vector.shape_cast %swap3A_517 : vector<16xf32> to vector<16xf32>
            %swap3A_519 = vector.shape_cast %while3A_431#20 : vector<16xf32> to vector<16xf32>
            tpu.vector_store %arg8[%swap3A_516], %swap3A_519 {strides = array<i32>} : memref<3072xf32, #tpu.memory_space<vmem>>, vector<16xf32>,
            %add3A_520 = arith.constant 64 : i32
            %add3A_521 = arith.addi %mul3A_264, %add3A_520 : i32
            %swap3A_522 = arith.index_cast %add3A_521 : i32 to index
            %swap3A_523 = tpu.vector_load %arg8[%swap3A_522] {strides = array<i32>} : memref<3072xf32, #tpu.memory_space<vmem>>, vector<16xf32>,
            %swap3A_524 = vector.shape_cast %swap3A_523 : vector<16xf32> to vector<16xf32>
            %swap3A_525 = vector.shape_cast %while3A_431#5 : vector<16xf32> to vector<16xf32>
            tpu.vector_store %arg8[%swap3A_522], %swap3A_525 {strides = array<i32>} : memref<3072xf32, #tpu.memory_space<vmem>>, vector<16xf32>,
            %add3A_526 = arith.constant 256 : i32
            %add3A_527 = arith.addi %mul3A_264, %add3A_526 : i32
            %add3A_528 = arith.constant 64 : i32
            %add3A_529 = arith.addi %add3A_527, %add3A_528 : i32
            %swap3A_530 = arith.index_cast %add3A_529 : i32 to index
            %swap3A_531 = tpu.vector_load %arg8[%swap3A_530] {strides = array<i32>} : memref<3072xf32, #tpu.memory_space<vmem>>, vector<16xf32>,
            %swap3A_532 = vector.shape_cast %swap3A_531 : vector<16xf32> to vector<16xf32>
            %swap3A_533 = vector.shape_cast %while3A_431#13 : vector<16xf32> to vector<16xf32>
            tpu.vector_store %arg8[%swap3A_530], %swap3A_533 {strides = array<i32>} : memref<3072xf32, #tpu.memory_space<vmem>>, vector<16xf32>,
            %add3A_534 = arith.constant 512 : i32
            %add3A_535 = arith.addi %mul3A_264, %add3A_534 : i32
            %add3A_536 = arith.constant 64 : i32
            %add3A_537 = arith.addi %add3A_535, %add3A_536 : i32
            %swap3A_538 = arith.index_cast %add3A_537 : i32 to index
            %swap3A_539 = tpu.vector_load %arg8[%swap3A_538] {strides = array<i32>} : memref<3072xf32, #tpu.memory_space<vmem>>, vector<16xf32>,
            %swap3A_540 = vector.shape_cast %swap3A_539 : vector<16xf32> to vector<16xf32>
            %swap3A_541 = vector.shape_cast %while3A_431#21 : vector<16xf32> to vector<16xf32>
            tpu.vector_store %arg8[%swap3A_538], %swap3A_541 {strides = array<i32>} : memref<3072xf32, #tpu.memory_space<vmem>>, vector<16xf32>,
            %add3A_542 = arith.constant 80 : i32
            %add3A_543 = arith.addi %mul3A_264, %add3A_542 : i32
            %swap3A_544 = arith.index_cast %add3A_543 : i32 to index
            %swap3A_545 = tpu.vector_load %arg8[%swap3A_544] {strides = array<i32>} : memref<3072xf32, #tpu.memory_space<vmem>>, vector<16xf32>,
            %swap3A_546 = vector.shape_cast %swap3A_545 : vector<16xf32> to vector<16xf32>
            %swap3A_547 = vector.shape_cast %while3A_431#6 : vector<16xf32> to vector<16xf32>
            tpu.vector_store %arg8[%swap3A_544], %swap3A_547 {strides = array<i32>} : memref<3072xf32, #tpu.memory_space<vmem>>, vector<16xf32>,
            %add3A_548 = arith.constant 256 : i32
            %add3A_549 = arith.addi %mul3A_264, %add3A_548 : i32
            %add3A_550 = arith.constant 80 : i32
            %add3A_551 = arith.addi %add3A_549, %add3A_550 : i32
            %swap3A_552 = arith.index_cast %add3A_551 : i32 to index
            %swap3A_553 = tpu.vector_load %arg8[%swap3A_552] {strides = array<i32>} : memref<3072xf32, #tpu.memory_space<vmem>>, vector<16xf32>,
            %swap3A_554 = vector.shape_cast %swap3A_553 : vector<16xf32> to vector<16xf32>
            %swap3A_555 = vector.shape_cast %while3A_431#14 : vector<16xf32> to vector<16xf32>
            tpu.vector_store %arg8[%swap3A_552], %swap3A_555 {strides = array<i32>} : memref<3072xf32, #tpu.memory_space<vmem>>, vector<16xf32>,
            %add3A_556 = arith.constant 512 : i32
            %add3A_557 = arith.addi %mul3A_264, %add3A_556 : i32
            %add3A_558 = arith.constant 80 : i32
            %add3A_559 = arith.addi %add3A_557, %add3A_558 : i32
            %swap3A_560 = arith.index_cast %add3A_559 : i32 to index
            %swap3A_561 = tpu.vector_load %arg8[%swap3A_560] {strides = array<i32>} : memref<3072xf32, #tpu.memory_space<vmem>>, vector<16xf32>,
            %swap3A_562 = vector.shape_cast %swap3A_561 : vector<16xf32> to vector<16xf32>
            %swap3A_563 = vector.shape_cast %while3A_431#22 : vector<16xf32> to vector<16xf32>
            tpu.vector_store %arg8[%swap3A_560], %swap3A_563 {strides = array<i32>} : memref<3072xf32, #tpu.memory_space<vmem>>, vector<16xf32>,
            %add3A_564 = arith.constant 96 : i32
            %add3A_565 = arith.addi %mul3A_264, %add3A_564 : i32
            %swap3A_566 = arith.index_cast %add3A_565 : i32 to index
            %swap3A_567 = tpu.vector_load %arg8[%swap3A_566] {strides = array<i32>} : memref<3072xf32, #tpu.memory_space<vmem>>, vector<16xf32>,
            %swap3A_568 = vector.shape_cast %swap3A_567 : vector<16xf32> to vector<16xf32>
            %swap3A_569 = vector.shape_cast %while3A_431#7 : vector<16xf32> to vector<16xf32>
            tpu.vector_store %arg8[%swap3A_566], %swap3A_569 {strides = array<i32>} : memref<3072xf32, #tpu.memory_space<vmem>>, vector<16xf32>,
            %add3A_570 = arith.constant 256 : i32
            %add3A_571 = arith.addi %mul3A_264, %add3A_570 : i32
            %add3A_572 = arith.constant 96 : i32
            %add3A_573 = arith.addi %add3A_571, %add3A_572 : i32
            %swap3A_574 = arith.index_cast %add3A_573 : i32 to index
            %swap3A_575 = tpu.vector_load %arg8[%swap3A_574] {strides = array<i32>} : memref<3072xf32, #tpu.memory_space<vmem>>, vector<16xf32>,
            %swap3A_576 = vector.shape_cast %swap3A_575 : vector<16xf32> to vector<16xf32>
            %swap3A_577 = vector.shape_cast %while3A_431#15 : vector<16xf32> to vector<16xf32>
            tpu.vector_store %arg8[%swap3A_574], %swap3A_577 {strides = array<i32>} : memref<3072xf32, #tpu.memory_space<vmem>>, vector<16xf32>,
            %add3A_578 = arith.constant 512 : i32
            %add3A_579 = arith.addi %mul3A_264, %add3A_578 : i32
            %add3A_580 = arith.constant 96 : i32
            %add3A_581 = arith.addi %add3A_579, %add3A_580 : i32
            %swap3A_582 = arith.index_cast %add3A_581 : i32 to index
            %swap3A_583 = tpu.vector_load %arg8[%swap3A_582] {strides = array<i32>} : memref<3072xf32, #tpu.memory_space<vmem>>, vector<16xf32>,
            %swap3A_584 = vector.shape_cast %swap3A_583 : vector<16xf32> to vector<16xf32>
            %swap3A_585 = vector.shape_cast %while3A_431#23 : vector<16xf32> to vector<16xf32>
            tpu.vector_store %arg8[%swap3A_582], %swap3A_585 {strides = array<i32>} : memref<3072xf32, #tpu.memory_space<vmem>>, vector<16xf32>,
            %add3A_586 = arith.constant 112 : i32
            %add3A_587 = arith.addi %mul3A_264, %add3A_586 : i32
            %swap3A_588 = arith.index_cast %add3A_587 : i32 to index
            %swap3A_589 = tpu.vector_load %arg8[%swap3A_588] {strides = array<i32>} : memref<3072xf32, #tpu.memory_space<vmem>>, vector<16xf32>,
            %swap3A_590 = vector.shape_cast %swap3A_589 : vector<16xf32> to vector<16xf32>
            %swap3A_591 = vector.shape_cast %while3A_431#8 : vector<16xf32> to vector<16xf32>
            tpu.vector_store %arg8[%swap3A_588], %swap3A_591 {strides = array<i32>} : memref<3072xf32, #tpu.memory_space<vmem>>, vector<16xf32>,
            %add3A_592 = arith.constant 256 : i32
            %add3A_593 = arith.addi %mul3A_264, %add3A_592 : i32
            %add3A_594 = arith.constant 112 : i32
            %add3A_595 = arith.addi %add3A_593, %add3A_594 : i32
            %swap3A_596 = arith.index_cast %add3A_595 : i32 to index
            %swap3A_597 = tpu.vector_load %arg8[%swap3A_596] {strides = array<i32>} : memref<3072xf32, #tpu.memory_space<vmem>>, vector<16xf32>,
            %swap3A_598 = vector.shape_cast %swap3A_597 : vector<16xf32> to vector<16xf32>
            %swap3A_599 = vector.shape_cast %while3A_431#16 : vector<16xf32> to vector<16xf32>
            tpu.vector_store %arg8[%swap3A_596], %swap3A_599 {strides = array<i32>} : memref<3072xf32, #tpu.memory_space<vmem>>, vector<16xf32>,
            %add3A_600 = arith.constant 512 : i32
            %add3A_601 = arith.addi %mul3A_264, %add3A_600 : i32
            %add3A_602 = arith.constant 112 : i32
            %add3A_603 = arith.addi %add3A_601, %add3A_602 : i32
            %swap3A_604 = arith.index_cast %add3A_603 : i32 to index
            %swap3A_605 = tpu.vector_load %arg8[%swap3A_604] {strides = array<i32>} : memref<3072xf32, #tpu.memory_space<vmem>>, vector<16xf32>,
            %swap3A_606 = vector.shape_cast %swap3A_605 : vector<16xf32> to vector<16xf32>
            %swap3A_607 = vector.shape_cast %while3A_431#24 : vector<16xf32> to vector<16xf32>
            tpu.vector_store %arg8[%swap3A_604], %swap3A_607 {strides = array<i32>} : memref<3072xf32, #tpu.memory_space<vmem>>, vector<16xf32>,
            %add3A_608 = arith.constant 128 : i32
            %add3A_609 = arith.addi %mul3A_264, %add3A_608 : i32
            %get3A_610 = arith.index_cast %add3A_609 : i32 to index
            %get3A_611 = tpu.vector_load %arg8[%get3A_610] {strides = array<i32>} : memref<3072xf32, #tpu.memory_space<vmem>>, vector<16xf32>,
            %get3A_612 = vector.shape_cast %get3A_611 : vector<16xf32> to vector<16xf32>
            %add3A_613 = arith.constant 144 : i32
            %add3A_614 = arith.addi %mul3A_264, %add3A_613 : i32
            %get3A_615 = arith.index_cast %add3A_614 : i32 to index
            %get3A_616 = tpu.vector_load %arg8[%get3A_615] {strides = array<i32>} : memref<3072xf32, #tpu.memory_space<vmem>>, vector<16xf32>,
            %get3A_617 = vector.shape_cast %get3A_616 : vector<16xf32> to vector<16xf32>
            %add3A_618 = arith.constant 160 : i32
            %add3A_619 = arith.addi %mul3A_264, %add3A_618 : i32
            %get3A_620 = arith.index_cast %add3A_619 : i32 to index
            %get3A_621 = tpu.vector_load %arg8[%get3A_620] {strides = array<i32>} : memref<3072xf32, #tpu.memory_space<vmem>>, vector<16xf32>,
            %get3A_622 = vector.shape_cast %get3A_621 : vector<16xf32> to vector<16xf32>
            %add3A_623 = arith.constant 176 : i32
            %add3A_624 = arith.addi %mul3A_264, %add3A_623 : i32
            %get3A_625 = arith.index_cast %add3A_624 : i32 to index
            %get3A_626 = tpu.vector_load %arg8[%get3A_625] {strides = array<i32>} : memref<3072xf32, #tpu.memory_space<vmem>>, vector<16xf32>,
            %get3A_627 = vector.shape_cast %get3A_626 : vector<16xf32> to vector<16xf32>
            %add3A_628 = arith.constant 192 : i32
            %add3A_629 = arith.addi %mul3A_264, %add3A_628 : i32
            %get3A_630 = arith.index_cast %add3A_629 : i32 to index
            %get3A_631 = tpu.vector_load %arg8[%get3A_630] {strides = array<i32>} : memref<3072xf32, #tpu.memory_space<vmem>>, vector<16xf32>,
            %get3A_632 = vector.shape_cast %get3A_631 : vector<16xf32> to vector<16xf32>
            %add3A_633 = arith.constant 208 : i32
            %add3A_634 = arith.addi %mul3A_264, %add3A_633 : i32
            %get3A_635 = arith.index_cast %add3A_634 : i32 to index
            %get3A_636 = tpu.vector_load %arg8[%get3A_635] {strides = array<i32>} : memref<3072xf32, #tpu.memory_space<vmem>>, vector<16xf32>,
            %get3A_637 = vector.shape_cast %get3A_636 : vector<16xf32> to vector<16xf32>
            %add3A_638 = arith.constant 224 : i32
            %add3A_639 = arith.addi %mul3A_264, %add3A_638 : i32
            %get3A_640 = arith.index_cast %add3A_639 : i32 to index
            %get3A_641 = tpu.vector_load %arg8[%get3A_640] {strides = array<i32>} : memref<3072xf32, #tpu.memory_space<vmem>>, vector<16xf32>,
            %get3A_642 = vector.shape_cast %get3A_641 : vector<16xf32> to vector<16xf32>
            %add3A_643 = arith.constant 240 : i32
            %add3A_644 = arith.addi %mul3A_264, %add3A_643 : i32
            %get3A_645 = arith.index_cast %add3A_644 : i32 to index
            %get3A_646 = tpu.vector_load %arg8[%get3A_645] {strides = array<i32>} : memref<3072xf32, #tpu.memory_space<vmem>>, vector<16xf32>,
            %get3A_647 = vector.shape_cast %get3A_646 : vector<16xf32> to vector<16xf32>
            %add3A_648 = arith.constant 256 : i32
            %add3A_649 = arith.addi %mul3A_264, %add3A_648 : i32
            %add3A_650 = arith.constant 128 : i32
            %add3A_651 = arith.addi %add3A_649, %add3A_650 : i32
            %get3A_652 = arith.index_cast %add3A_651 : i32 to index
            %get3A_653 = tpu.vector_load %arg8[%get3A_652] {strides = array<i32>} : memref<3072xf32, #tpu.memory_space<vmem>>, vector<16xf32>,
            %get3A_654 = vector.shape_cast %get3A_653 : vector<16xf32> to vector<16xf32>
            %add3A_655 = arith.constant 256 : i32
            %add3A_656 = arith.addi %mul3A_264, %add3A_655 : i32
            %add3A_657 = arith.constant 144 : i32
            %add3A_658 = arith.addi %add3A_656, %add3A_657 : i32
            %get3A_659 = arith.index_cast %add3A_658 : i32 to index
            %get3A_660 = tpu.vector_load %arg8[%get3A_659] {strides = array<i32>} : memref<3072xf32, #tpu.memory_space<vmem>>, vector<16xf32>,
            %get3A_661 = vector.shape_cast %get3A_660 : vector<16xf32> to vector<16xf32>
            %add3A_662 = arith.constant 256 : i32
            %add3A_663 = arith.addi %mul3A_264, %add3A_662 : i32
            %add3A_664 = arith.constant 160 : i32
            %add3A_665 = arith.addi %add3A_663, %add3A_664 : i32
            %get3A_666 = arith.index_cast %add3A_665 : i32 to index
            %get3A_667 = tpu.vector_load %arg8[%get3A_666] {strides = array<i32>} : memref<3072xf32, #tpu.memory_space<vmem>>, vector<16xf32>,
            %get3A_668 = vector.shape_cast %get3A_667 : vector<16xf32> to vector<16xf32>
            %add3A_669 = arith.constant 256 : i32
            %add3A_670 = arith.addi %mul3A_264, %add3A_669 : i32
            %add3A_671 = arith.constant 176 : i32
            %add3A_672 = arith.addi %add3A_670, %add3A_671 : i32
            %get3A_673 = arith.index_cast %add3A_672 : i32 to index
            %get3A_674 = tpu.vector_load %arg8[%get3A_673] {strides = array<i32>} : memref<3072xf32, #tpu.memory_space<vmem>>, vector<16xf32>,
            %get3A_675 = vector.shape_cast %get3A_674 : vector<16xf32> to vector<16xf32>
            %add3A_676 = arith.constant 256 : i32
            %add3A_677 = arith.addi %mul3A_264, %add3A_676 : i32
            %add3A_678 = arith.constant 192 : i32
            %add3A_679 = arith.addi %add3A_677, %add3A_678 : i32
            %get3A_680 = arith.index_cast %add3A_679 : i32 to index
            %get3A_681 = tpu.vector_load %arg8[%get3A_680] {strides = array<i32>} : memref<3072xf32, #tpu.memory_space<vmem>>, vector<16xf32>,
            %get3A_682 = vector.shape_cast %get3A_681 : vector<16xf32> to vector<16xf32>
            %add3A_683 = arith.constant 256 : i32
            %add3A_684 = arith.addi %mul3A_264, %add3A_683 : i32
            %add3A_685 = arith.constant 208 : i32
            %add3A_686 = arith.addi %add3A_684, %add3A_685 : i32
            %get3A_687 = arith.index_cast %add3A_686 : i32 to index
            %get3A_688 = tpu.vector_load %arg8[%get3A_687] {strides = array<i32>} : memref<3072xf32, #tpu.memory_space<vmem>>, vector<16xf32>,
            %get3A_689 = vector.shape_cast %get3A_688 : vector<16xf32> to vector<16xf32>
            %add3A_690 = arith.constant 256 : i32
            %add3A_691 = arith.addi %mul3A_264, %add3A_690 : i32
            %add3A_692 = arith.constant 224 : i32
            %add3A_693 = arith.addi %add3A_691, %add3A_692 : i32
            %get3A_694 = arith.index_cast %add3A_693 : i32 to index
            %get3A_695 = tpu.vector_load %arg8[%get3A_694] {strides = array<i32>} : memref<3072xf32, #tpu.memory_space<vmem>>, vector<16xf32>,
            %get3A_696 = vector.shape_cast %get3A_695 : vector<16xf32> to vector<16xf32>
            %add3A_697 = arith.constant 256 : i32
            %add3A_698 = arith.addi %mul3A_264, %add3A_697 : i32
            %add3A_699 = arith.constant 240 : i32
            %add3A_700 = arith.addi %add3A_698, %add3A_699 : i32
            %get3A_701 = arith.index_cast %add3A_700 : i32 to index
            %get3A_702 = tpu.vector_load %arg8[%get3A_701] {strides = array<i32>} : memref<3072xf32, #tpu.memory_space<vmem>>, vector<16xf32>,
            %get3A_703 = vector.shape_cast %get3A_702 : vector<16xf32> to vector<16xf32>
            %add3A_704 = arith.constant 512 : i32
            %add3A_705 = arith.addi %mul3A_264, %add3A_704 : i32
            %add3A_706 = arith.constant 128 : i32
            %add3A_707 = arith.addi %add3A_705, %add3A_706 : i32
            %get3A_708 = arith.index_cast %add3A_707 : i32 to index
            %get3A_709 = tpu.vector_load %arg8[%get3A_708] {strides = array<i32>} : memref<3072xf32, #tpu.memory_space<vmem>>, vector<16xf32>,
            %get3A_710 = vector.shape_cast %get3A_709 : vector<16xf32> to vector<16xf32>
            %add3A_711 = arith.constant 512 : i32
            %add3A_712 = arith.addi %mul3A_264, %add3A_711 : i32
            %add3A_713 = arith.constant 144 : i32
            %add3A_714 = arith.addi %add3A_712, %add3A_713 : i32
            %get3A_715 = arith.index_cast %add3A_714 : i32 to index
            %get3A_716 = tpu.vector_load %arg8[%get3A_715] {strides = array<i32>} : memref<3072xf32, #tpu.memory_space<vmem>>, vector<16xf32>,
            %get3A_717 = vector.shape_cast %get3A_716 : vector<16xf32> to vector<16xf32>
            %add3A_718 = arith.constant 512 : i32
            %add3A_719 = arith.addi %mul3A_264, %add3A_718 : i32
            %add3A_720 = arith.constant 160 : i32
            %add3A_721 = arith.addi %add3A_719, %add3A_720 : i32
            %get3A_722 = arith.index_cast %add3A_721 : i32 to index
            %get3A_723 = tpu.vector_load %arg8[%get3A_722] {strides = array<i32>} : memref<3072xf32, #tpu.memory_space<vmem>>, vector<16xf32>,
            %get3A_724 = vector.shape_cast %get3A_723 : vector<16xf32> to vector<16xf32>
            %add3A_725 = arith.constant 512 : i32
            %add3A_726 = arith.addi %mul3A_264, %add3A_725 : i32
            %add3A_727 = arith.constant 176 : i32
            %add3A_728 = arith.addi %add3A_726, %add3A_727 : i32
            %get3A_729 = arith.index_cast %add3A_728 : i32 to index
            %get3A_730 = tpu.vector_load %arg8[%get3A_729] {strides = array<i32>} : memref<3072xf32, #tpu.memory_space<vmem>>, vector<16xf32>,
            %get3A_731 = vector.shape_cast %get3A_730 : vector<16xf32> to vector<16xf32>
            %add3A_732 = arith.constant 512 : i32
            %add3A_733 = arith.addi %mul3A_264, %add3A_732 : i32
            %add3A_734 = arith.constant 192 : i32
            %add3A_735 = arith.addi %add3A_733, %add3A_734 : i32
            %get3A_736 = arith.index_cast %add3A_735 : i32 to index
            %get3A_737 = tpu.vector_load %arg8[%get3A_736] {strides = array<i32>} : memref<3072xf32, #tpu.memory_space<vmem>>, vector<16xf32>,
            %get3A_738 = vector.shape_cast %get3A_737 : vector<16xf32> to vector<16xf32>
            %add3A_739 = arith.constant 512 : i32
            %add3A_740 = arith.addi %mul3A_264, %add3A_739 : i32
            %add3A_741 = arith.constant 208 : i32
            %add3A_742 = arith.addi %add3A_740, %add3A_741 : i32
            %get3A_743 = arith.index_cast %add3A_742 : i32 to index
            %get3A_744 = tpu.vector_load %arg8[%get3A_743] {strides = array<i32>} : memref<3072xf32, #tpu.memory_space<vmem>>, vector<16xf32>,
            %get3A_745 = vector.shape_cast %get3A_744 : vector<16xf32> to vector<16xf32>
            %add3A_746 = arith.constant 512 : i32
            %add3A_747 = arith.addi %mul3A_264, %add3A_746 : i32
            %add3A_748 = arith.constant 224 : i32
            %add3A_749 = arith.addi %add3A_747, %add3A_748 : i32
            %get3A_750 = arith.index_cast %add3A_749 : i32 to index
            %get3A_751 = tpu.vector_load %arg8[%get3A_750] {strides = array<i32>} : memref<3072xf32, #tpu.memory_space<vmem>>, vector<16xf32>,
            %get3A_752 = vector.shape_cast %get3A_751 : vector<16xf32> to vector<16xf32>
            %add3A_753 = arith.constant 512 : i32
            %add3A_754 = arith.addi %mul3A_264, %add3A_753 : i32
            %add3A_755 = arith.constant 240 : i32
            %add3A_756 = arith.addi %add3A_754, %add3A_755 : i32
            %get3A_757 = arith.index_cast %add3A_756 : i32 to index
            %get3A_758 = tpu.vector_load %arg8[%get3A_757] {strides = array<i32>} : memref<3072xf32, #tpu.memory_space<vmem>>, vector<16xf32>,
            %get3A_759 = vector.shape_cast %get3A_758 : vector<16xf32> to vector<16xf32>
            %while3A_760 = arith.constant 0 : i32
            %while3A_761 = arith.subi %max3A_268, %while3A_760 : i32
            %while3A_762 = arith.addi %while3A_760, %while3A_761 : i32
            %while3A_763 = arith.constant 1 : i32
            %while3A_764 = arith.divsi %while3A_761, %while3A_763 : i32
            %while3A_765 = arith.muli %while3A_764, %while3A_763 : i32
            %while3A_766 = arith.addi %while3A_760, %while3A_765 : i32
            %while3A_767 = arith.constant 1 : i32
            %while3A_768:25 = scf.for %while3A_947 = %while3A_760 to %while3A_766 step %while3A_767 iter_args(%while3A_948 = %sub3A_265, %while3A_949 = %get3A_612, %while3A_950 = %get3A_617, %while3A_951 = %get3A_622, %while3A_952 = %get3A_627, %while3A_953 = %get3A_632, %while3A_954 = %get3A_637, %while3A_955 = %get3A_642, %while3A_956 = %get3A_647, %while3A_957 = %get3A_654, %while3A_958 = %get3A_661, %while3A_959 = %get3A_668, %while3A_960 = %get3A_675, %while3A_961 = %get3A_682, %while3A_962 = %get3A_689, %while3A_963 = %get3A_696, %while3A_964 = %get3A_703, %while3A_965 = %get3A_710, %while3A_966 = %get3A_717, %while3A_967 = %get3A_724, %while3A_968 = %get3A_731, %while3A_969 = %get3A_738, %while3A_970 = %get3A_745, %while3A_971 = %get3A_752, %while3A_972 = %get3A_759) -> (i32, vector<16xf32>, vector<16xf32>, vector<16xf32>, vector<16xf32>, vector<16xf32>, vector<16xf32>, vector<16xf32>, vector<16xf32>, vector<16xf32>, vector<16xf32>, vector<16xf32>, vector<16xf32>, vector<16xf32>, vector<16xf32>, vector<16xf32>, vector<16xf32>, vector<16xf32>, vector<16xf32>, vector<16xf32>, vector<16xf32>, vector<16xf32>, vector<16xf32>, vector<16xf32>, vector<16xf32>)  : i32 {
              %get3A_973 = arith.index_cast %while3A_948 : i32 to index
              %get3A_974 = arith.constant 128 : index
              %get3A_975 = tpu.vector_load %arg7[%get3A_973, %get3A_974] {strides = array<i32>} : memref<144x256xf32, #tpu.memory_space<vmem>>, vector<1x16xf32>,
              %get3A_976 = vector.shape_cast %get3A_975 : vector<1x16xf32> to vector<16xf32>
              %get3A_977 = arith.index_cast %while3A_948 : i32 to index
              %get3A_978 = arith.constant 144 : index
              %get3A_979 = tpu.vector_load %arg7[%get3A_977, %get3A_978] {strides = array<i32>} : memref<144x256xf32, #tpu.memory_space<vmem>>, vector<1x16xf32>,
              %get3A_980 = vector.shape_cast %get3A_979 : vector<1x16xf32> to vector<16xf32>
              %get3A_981 = arith.index_cast %while3A_948 : i32 to index
              %get3A_982 = arith.constant 160 : index
              %get3A_983 = tpu.vector_load %arg7[%get3A_981, %get3A_982] {strides = array<i32>} : memref<144x256xf32, #tpu.memory_space<vmem>>, vector<1x16xf32>,
              %get3A_984 = vector.shape_cast %get3A_983 : vector<1x16xf32> to vector<16xf32>
              %get3A_985 = arith.index_cast %while3A_948 : i32 to index
              %get3A_986 = arith.constant 176 : index
              %get3A_987 = tpu.vector_load %arg7[%get3A_985, %get3A_986] {strides = array<i32>} : memref<144x256xf32, #tpu.memory_space<vmem>>, vector<1x16xf32>,
              %get3A_988 = vector.shape_cast %get3A_987 : vector<1x16xf32> to vector<16xf32>
              %get3A_989 = arith.index_cast %while3A_948 : i32 to index
              %get3A_990 = arith.constant 192 : index
              %get3A_991 = tpu.vector_load %arg7[%get3A_989, %get3A_990] {strides = array<i32>} : memref<144x256xf32, #tpu.memory_space<vmem>>, vector<1x16xf32>,
              %get3A_992 = vector.shape_cast %get3A_991 : vector<1x16xf32> to vector<16xf32>
              %get3A_993 = arith.index_cast %while3A_948 : i32 to index
              %get3A_994 = arith.constant 208 : index
              %get3A_995 = tpu.vector_load %arg7[%get3A_993, %get3A_994] {strides = array<i32>} : memref<144x256xf32, #tpu.memory_space<vmem>>, vector<1x16xf32>,
              %get3A_996 = vector.shape_cast %get3A_995 : vector<1x16xf32> to vector<16xf32>
              %get3A_997 = arith.index_cast %while3A_948 : i32 to index
              %get3A_998 = arith.constant 224 : index
              %get3A_999 = tpu.vector_load %arg7[%get3A_997, %get3A_998] {strides = array<i32>} : memref<144x256xf32, #tpu.memory_space<vmem>>, vector<1x16xf32>,
              %get3A_1000 = vector.shape_cast %get3A_999 : vector<1x16xf32> to vector<16xf32>
              %get3A_1001 = arith.index_cast %while3A_948 : i32 to index
              %get3A_1002 = arith.constant 240 : index
              %get3A_1003 = tpu.vector_load %arg7[%get3A_1001, %get3A_1002] {strides = array<i32>} : memref<144x256xf32, #tpu.memory_space<vmem>>, vector<1x16xf32>,
              %get3A_1004 = vector.shape_cast %get3A_1003 : vector<1x16xf32> to vector<16xf32>
              %max3A_1005 = arith.maximumf %while3A_949, %get3A_976 : vector<16xf32>
              %max3A_1006 = arith.maximumf %while3A_950, %get3A_980 : vector<16xf32>
              %max3A_1007 = arith.maximumf %while3A_951, %get3A_984 : vector<16xf32>
              %max3A_1008 = arith.maximumf %while3A_952, %get3A_988 : vector<16xf32>
              %max3A_1009 = arith.maximumf %while3A_953, %get3A_992 : vector<16xf32>
              %max3A_1010 = arith.maximumf %while3A_954, %get3A_996 : vector<16xf32>
              %max3A_1011 = arith.maximumf %while3A_955, %get3A_1000 : vector<16xf32>
              %max3A_1012 = arith.maximumf %while3A_956, %get3A_1004 : vector<16xf32>
              %min3A_1013 = arith.minimumf %while3A_957, %get3A_976 : vector<16xf32>
              %min3A_1014 = arith.minimumf %while3A_958, %get3A_980 : vector<16xf32>
              %min3A_1015 = arith.minimumf %while3A_959, %get3A_984 : vector<16xf32>
              %min3A_1016 = arith.minimumf %while3A_960, %get3A_988 : vector<16xf32>
              %min3A_1017 = arith.minimumf %while3A_961, %get3A_992 : vector<16xf32>
              %min3A_1018 = arith.minimumf %while3A_962, %get3A_996 : vector<16xf32>
              %min3A_1019 = arith.minimumf %while3A_963, %get3A_1000 : vector<16xf32>
              %min3A_1020 = arith.minimumf %while3A_964, %get3A_1004 : vector<16xf32>
              %add3A_1021 = arith.addf %while3A_965, %get3A_976 : vector<16xf32>
              %add3A_1022 = arith.addf %while3A_966, %get3A_980 : vector<16xf32>
              %add3A_1023 = arith.addf %while3A_967, %get3A_984 : vector<16xf32>
              %add3A_1024 = arith.addf %while3A_968, %get3A_988 : vector<16xf32>
              %add3A_1025 = arith.addf %while3A_969, %get3A_992 : vector<16xf32>
              %add3A_1026 = arith.addf %while3A_970, %get3A_996 : vector<16xf32>
              %add3A_1027 = arith.addf %while3A_971, %get3A_1000 : vector<16xf32>
              %add3A_1028 = arith.addf %while3A_972, %get3A_1004 : vector<16xf32>
              %add3A_1029 = arith.constant 1 : i32
              %add3A_1030 = arith.addi %while3A_948, %add3A_1029 : i32
              scf.yield %add3A_1030, %max3A_1005, %max3A_1006, %max3A_1007, %max3A_1008, %max3A_1009, %max3A_1010, %max3A_1011, %max3A_1012, %min3A_1013, %min3A_1014, %min3A_1015, %min3A_1016, %min3A_1017, %min3A_1018, %min3A_1019, %min3A_1020, %add3A_1021, %add3A_1022, %add3A_1023, %add3A_1024, %add3A_1025, %add3A_1026, %add3A_1027, %add3A_1028 : i32, vector<16xf32>, vector<16xf32>, vector<16xf32>, vector<16xf32>, vector<16xf32>, vector<16xf32>, vector<16xf32>, vector<16xf32>, vector<16xf32>, vector<16xf32>, vector<16xf32>, vector<16xf32>, vector<16xf32>, vector<16xf32>, vector<16xf32>, vector<16xf32>, vector<16xf32>, vector<16xf32>, vector<16xf32>, vector<16xf32>, vector<16xf32>, vector<16xf32>, vector<16xf32>, vector<16xf32>
            }
            %while3A_769 = arith.constant 1 : i32
            %while3A_770:25 = scf.for %while3A_947 = %while3A_766 to %while3A_762 step %while3A_769 iter_args(%while3A_948 = %while3A_768#0, %while3A_949 = %while3A_768#1, %while3A_950 = %while3A_768#2, %while3A_951 = %while3A_768#3, %while3A_952 = %while3A_768#4, %while3A_953 = %while3A_768#5, %while3A_954 = %while3A_768#6, %while3A_955 = %while3A_768#7, %while3A_956 = %while3A_768#8, %while3A_957 = %while3A_768#9, %while3A_958 = %while3A_768#10, %while3A_959 = %while3A_768#11, %while3A_960 = %while3A_768#12, %while3A_961 = %while3A_768#13, %while3A_962 = %while3A_768#14, %while3A_963 = %while3A_768#15, %while3A_964 = %while3A_768#16, %while3A_965 = %while3A_768#17, %while3A_966 = %while3A_768#18, %while3A_967 = %while3A_768#19, %while3A_968 = %while3A_768#20, %while3A_969 = %while3A_768#21, %while3A_970 = %while3A_768#22, %while3A_971 = %while3A_768#23, %while3A_972 = %while3A_768#24) -> (i32, vector<16xf32>, vector<16xf32>, vector<16xf32>, vector<16xf32>, vector<16xf32>, vector<16xf32>, vector<16xf32>, vector<16xf32>, vector<16xf32>, vector<16xf32>, vector<16xf32>, vector<16xf32>, vector<16xf32>, vector<16xf32>, vector<16xf32>, vector<16xf32>, vector<16xf32>, vector<16xf32>, vector<16xf32>, vector<16xf32>, vector<16xf32>, vector<16xf32>, vector<16xf32>, vector<16xf32>)  : i32 {
              %get3A_973 = arith.index_cast %while3A_948 : i32 to index
              %get3A_974 = arith.constant 128 : index
              %get3A_975 = tpu.vector_load %arg7[%get3A_973, %get3A_974] {strides = array<i32>} : memref<144x256xf32, #tpu.memory_space<vmem>>, vector<1x16xf32>,
              %get3A_976 = vector.shape_cast %get3A_975 : vector<1x16xf32> to vector<16xf32>
              %get3A_977 = arith.index_cast %while3A_948 : i32 to index
              %get3A_978 = arith.constant 144 : index
              %get3A_979 = tpu.vector_load %arg7[%get3A_977, %get3A_978] {strides = array<i32>} : memref<144x256xf32, #tpu.memory_space<vmem>>, vector<1x16xf32>,
              %get3A_980 = vector.shape_cast %get3A_979 : vector<1x16xf32> to vector<16xf32>
              %get3A_981 = arith.index_cast %while3A_948 : i32 to index
              %get3A_982 = arith.constant 160 : index
              %get3A_983 = tpu.vector_load %arg7[%get3A_981, %get3A_982] {strides = array<i32>} : memref<144x256xf32, #tpu.memory_space<vmem>>, vector<1x16xf32>,
              %get3A_984 = vector.shape_cast %get3A_983 : vector<1x16xf32> to vector<16xf32>
              %get3A_985 = arith.index_cast %while3A_948 : i32 to index
              %get3A_986 = arith.constant 176 : index
              %get3A_987 = tpu.vector_load %arg7[%get3A_985, %get3A_986] {strides = array<i32>} : memref<144x256xf32, #tpu.memory_space<vmem>>, vector<1x16xf32>,
              %get3A_988 = vector.shape_cast %get3A_987 : vector<1x16xf32> to vector<16xf32>
              %get3A_989 = arith.index_cast %while3A_948 : i32 to index
              %get3A_990 = arith.constant 192 : index
              %get3A_991 = tpu.vector_load %arg7[%get3A_989, %get3A_990] {strides = array<i32>} : memref<144x256xf32, #tpu.memory_space<vmem>>, vector<1x16xf32>,
              %get3A_992 = vector.shape_cast %get3A_991 : vector<1x16xf32> to vector<16xf32>
              %get3A_993 = arith.index_cast %while3A_948 : i32 to index
              %get3A_994 = arith.constant 208 : index
              %get3A_995 = tpu.vector_load %arg7[%get3A_993, %get3A_994] {strides = array<i32>} : memref<144x256xf32, #tpu.memory_space<vmem>>, vector<1x16xf32>,
              %get3A_996 = vector.shape_cast %get3A_995 : vector<1x16xf32> to vector<16xf32>
              %get3A_997 = arith.index_cast %while3A_948 : i32 to index
              %get3A_998 = arith.constant 224 : index
              %get3A_999 = tpu.vector_load %arg7[%get3A_997, %get3A_998] {strides = array<i32>} : memref<144x256xf32, #tpu.memory_space<vmem>>, vector<1x16xf32>,
              %get3A_1000 = vector.shape_cast %get3A_999 : vector<1x16xf32> to vector<16xf32>
              %get3A_1001 = arith.index_cast %while3A_948 : i32 to index
              %get3A_1002 = arith.constant 240 : index
              %get3A_1003 = tpu.vector_load %arg7[%get3A_1001, %get3A_1002] {strides = array<i32>} : memref<144x256xf32, #tpu.memory_space<vmem>>, vector<1x16xf32>,
              %get3A_1004 = vector.shape_cast %get3A_1003 : vector<1x16xf32> to vector<16xf32>
              %max3A_1005 = arith.maximumf %while3A_949, %get3A_976 : vector<16xf32>
              %max3A_1006 = arith.maximumf %while3A_950, %get3A_980 : vector<16xf32>
              %max3A_1007 = arith.maximumf %while3A_951, %get3A_984 : vector<16xf32>
              %max3A_1008 = arith.maximumf %while3A_952, %get3A_988 : vector<16xf32>
              %max3A_1009 = arith.maximumf %while3A_953, %get3A_992 : vector<16xf32>
              %max3A_1010 = arith.maximumf %while3A_954, %get3A_996 : vector<16xf32>
              %max3A_1011 = arith.maximumf %while3A_955, %get3A_1000 : vector<16xf32>
              %max3A_1012 = arith.maximumf %while3A_956, %get3A_1004 : vector<16xf32>
              %min3A_1013 = arith.minimumf %while3A_957, %get3A_976 : vector<16xf32>
              %min3A_1014 = arith.minimumf %while3A_958, %get3A_980 : vector<16xf32>
              %min3A_1015 = arith.minimumf %while3A_959, %get3A_984 : vector<16xf32>
              %min3A_1016 = arith.minimumf %while3A_960, %get3A_988 : vector<16xf32>
              %min3A_1017 = arith.minimumf %while3A_961, %get3A_992 : vector<16xf32>
              %min3A_1018 = arith.minimumf %while3A_962, %get3A_996 : vector<16xf32>
              %min3A_1019 = arith.minimumf %while3A_963, %get3A_1000 : vector<16xf32>
              %min3A_1020 = arith.minimumf %while3A_964, %get3A_1004 : vector<16xf32>
              %add3A_1021 = arith.addf %while3A_965, %get3A_976 : vector<16xf32>
              %add3A_1022 = arith.addf %while3A_966, %get3A_980 : vector<16xf32>
              %add3A_1023 = arith.addf %while3A_967, %get3A_984 : vector<16xf32>
              %add3A_1024 = arith.addf %while3A_968, %get3A_988 : vector<16xf32>
              %add3A_1025 = arith.addf %while3A_969, %get3A_992 : vector<16xf32>
              %add3A_1026 = arith.addf %while3A_970, %get3A_996 : vector<16xf32>
              %add3A_1027 = arith.addf %while3A_971, %get3A_1000 : vector<16xf32>
              %add3A_1028 = arith.addf %while3A_972, %get3A_1004 : vector<16xf32>
              %add3A_1029 = arith.constant 1 : i32
              %add3A_1030 = arith.addi %while3A_948, %add3A_1029 : i32
              scf.yield %add3A_1030, %max3A_1005, %max3A_1006, %max3A_1007, %max3A_1008, %max3A_1009, %max3A_1010, %max3A_1011, %max3A_1012, %min3A_1013, %min3A_1014, %min3A_1015, %min3A_1016, %min3A_1017, %min3A_1018, %min3A_1019, %min3A_1020, %add3A_1021, %add3A_1022, %add3A_1023, %add3A_1024, %add3A_1025, %add3A_1026, %add3A_1027, %add3A_1028 : i32, vector<16xf32>, vector<16xf32>, vector<16xf32>, vector<16xf32>, vector<16xf32>, vector<16xf32>, vector<16xf32>, vector<16xf32>, vector<16xf32>, vector<16xf32>, vector<16xf32>, vector<16xf32>, vector<16xf32>, vector<16xf32>, vector<16xf32>, vector<16xf32>, vector<16xf32>, vector<16xf32>, vector<16xf32>, vector<16xf32>, vector<16xf32>, vector<16xf32>, vector<16xf32>, vector<16xf32>
            }
            %add3A_771 = arith.constant 128 : i32
            %add3A_772 = arith.addi %mul3A_264, %add3A_771 : i32
            %swap3A_773 = arith.index_cast %add3A_772 : i32 to index
            %swap3A_774 = tpu.vector_load %arg8[%swap3A_773] {strides = array<i32>} : memref<3072xf32, #tpu.memory_space<vmem>>, vector<16xf32>,
            %swap3A_775 = vector.shape_cast %swap3A_774 : vector<16xf32> to vector<16xf32>
            %swap3A_776 = vector.shape_cast %while3A_770#1 : vector<16xf32> to vector<16xf32>
            tpu.vector_store %arg8[%swap3A_773], %swap3A_776 {strides = array<i32>} : memref<3072xf32, #tpu.memory_space<vmem>>, vector<16xf32>,
            %add3A_777 = arith.constant 256 : i32
            %add3A_778 = arith.addi %mul3A_264, %add3A_777 : i32
            %add3A_779 = arith.constant 128 : i32
            %add3A_780 = arith.addi %add3A_778, %add3A_779 : i32
            %swap3A_781 = arith.index_cast %add3A_780 : i32 to index
            %swap3A_782 = tpu.vector_load %arg8[%swap3A_781] {strides = array<i32>} : memref<3072xf32, #tpu.memory_space<vmem>>, vector<16xf32>,
            %swap3A_783 = vector.shape_cast %swap3A_782 : vector<16xf32> to vector<16xf32>
            %swap3A_784 = vector.shape_cast %while3A_770#9 : vector<16xf32> to vector<16xf32>
            tpu.vector_store %arg8[%swap3A_781], %swap3A_784 {strides = array<i32>} : memref<3072xf32, #tpu.memory_space<vmem>>, vector<16xf32>,
            %add3A_785 = arith.constant 512 : i32
            %add3A_786 = arith.addi %mul3A_264, %add3A_785 : i32
            %add3A_787 = arith.constant 128 : i32
            %add3A_788 = arith.addi %add3A_786, %add3A_787 : i32
            %swap3A_789 = arith.index_cast %add3A_788 : i32 to index
            %swap3A_790 = tpu.vector_load %arg8[%swap3A_789] {strides = array<i32>} : memref<3072xf32, #tpu.memory_space<vmem>>, vector<16xf32>,
            %swap3A_791 = vector.shape_cast %swap3A_790 : vector<16xf32> to vector<16xf32>
            %swap3A_792 = vector.shape_cast %while3A_770#17 : vector<16xf32> to vector<16xf32>
            tpu.vector_store %arg8[%swap3A_789], %swap3A_792 {strides = array<i32>} : memref<3072xf32, #tpu.memory_space<vmem>>, vector<16xf32>,
            %add3A_793 = arith.constant 144 : i32
            %add3A_794 = arith.addi %mul3A_264, %add3A_793 : i32
            %swap3A_795 = arith.index_cast %add3A_794 : i32 to index
            %swap3A_796 = tpu.vector_load %arg8[%swap3A_795] {strides = array<i32>} : memref<3072xf32, #tpu.memory_space<vmem>>, vector<16xf32>,
            %swap3A_797 = vector.shape_cast %swap3A_796 : vector<16xf32> to vector<16xf32>
            %swap3A_798 = vector.shape_cast %while3A_770#2 : vector<16xf32> to vector<16xf32>
            tpu.vector_store %arg8[%swap3A_795], %swap3A_798 {strides = array<i32>} : memref<3072xf32, #tpu.memory_space<vmem>>, vector<16xf32>,
            %add3A_799 = arith.constant 256 : i32
            %add3A_800 = arith.addi %mul3A_264, %add3A_799 : i32
            %add3A_801 = arith.constant 144 : i32
            %add3A_802 = arith.addi %add3A_800, %add3A_801 : i32
            %swap3A_803 = arith.index_cast %add3A_802 : i32 to index
            %swap3A_804 = tpu.vector_load %arg8[%swap3A_803] {strides = array<i32>} : memref<3072xf32, #tpu.memory_space<vmem>>, vector<16xf32>,
            %swap3A_805 = vector.shape_cast %swap3A_804 : vector<16xf32> to vector<16xf32>
            %swap3A_806 = vector.shape_cast %while3A_770#10 : vector<16xf32> to vector<16xf32>
            tpu.vector_store %arg8[%swap3A_803], %swap3A_806 {strides = array<i32>} : memref<3072xf32, #tpu.memory_space<vmem>>, vector<16xf32>,
            %add3A_807 = arith.constant 512 : i32
            %add3A_808 = arith.addi %mul3A_264, %add3A_807 : i32
            %add3A_809 = arith.constant 144 : i32
            %add3A_810 = arith.addi %add3A_808, %add3A_809 : i32
            %swap3A_811 = arith.index_cast %add3A_810 : i32 to index
            %swap3A_812 = tpu.vector_load %arg8[%swap3A_811] {strides = array<i32>} : memref<3072xf32, #tpu.memory_space<vmem>>, vector<16xf32>,
            %swap3A_813 = vector.shape_cast %swap3A_812 : vector<16xf32> to vector<16xf32>
            %swap3A_814 = vector.shape_cast %while3A_770#18 : vector<16xf32> to vector<16xf32>
            tpu.vector_store %arg8[%swap3A_811], %swap3A_814 {strides = array<i32>} : memref<3072xf32, #tpu.memory_space<vmem>>, vector<16xf32>,
            %add3A_815 = arith.constant 160 : i32
            %add3A_816 = arith.addi %mul3A_264, %add3A_815 : i32
            %swap3A_817 = arith.index_cast %add3A_816 : i32 to index
            %swap3A_818 = tpu.vector_load %arg8[%swap3A_817] {strides = array<i32>} : memref<3072xf32, #tpu.memory_space<vmem>>, vector<16xf32>,
            %swap3A_819 = vector.shape_cast %swap3A_818 : vector<16xf32> to vector<16xf32>
            %swap3A_820 = vector.shape_cast %while3A_770#3 : vector<16xf32> to vector<16xf32>
            tpu.vector_store %arg8[%swap3A_817], %swap3A_820 {strides = array<i32>} : memref<3072xf32, #tpu.memory_space<vmem>>, vector<16xf32>,
            %add3A_821 = arith.constant 256 : i32
            %add3A_822 = arith.addi %mul3A_264, %add3A_821 : i32
            %add3A_823 = arith.constant 160 : i32
            %add3A_824 = arith.addi %add3A_822, %add3A_823 : i32
            %swap3A_825 = arith.index_cast %add3A_824 : i32 to index
            %swap3A_826 = tpu.vector_load %arg8[%swap3A_825] {strides = array<i32>} : memref<3072xf32, #tpu.memory_space<vmem>>, vector<16xf32>,
            %swap3A_827 = vector.shape_cast %swap3A_826 : vector<16xf32> to vector<16xf32>
            %swap3A_828 = vector.shape_cast %while3A_770#11 : vector<16xf32> to vector<16xf32>
            tpu.vector_store %arg8[%swap3A_825], %swap3A_828 {strides = array<i32>} : memref<3072xf32, #tpu.memory_space<vmem>>, vector<16xf32>,
            %add3A_829 = arith.constant 512 : i32
            %add3A_830 = arith.addi %mul3A_264, %add3A_829 : i32
            %add3A_831 = arith.constant 160 : i32
            %add3A_832 = arith.addi %add3A_830, %add3A_831 : i32
            %swap3A_833 = arith.index_cast %add3A_832 : i32 to index
            %swap3A_834 = tpu.vector_load %arg8[%swap3A_833] {strides = array<i32>} : memref<3072xf32, #tpu.memory_space<vmem>>, vector<16xf32>,
            %swap3A_835 = vector.shape_cast %swap3A_834 : vector<16xf32> to vector<16xf32>
            %swap3A_836 = vector.shape_cast %while3A_770#19 : vector<16xf32> to vector<16xf32>
            tpu.vector_store %arg8[%swap3A_833], %swap3A_836 {strides = array<i32>} : memref<3072xf32, #tpu.memory_space<vmem>>, vector<16xf32>,
            %add3A_837 = arith.constant 176 : i32
            %add3A_838 = arith.addi %mul3A_264, %add3A_837 : i32
            %swap3A_839 = arith.index_cast %add3A_838 : i32 to index
            %swap3A_840 = tpu.vector_load %arg8[%swap3A_839] {strides = array<i32>} : memref<3072xf32, #tpu.memory_space<vmem>>, vector<16xf32>,
            %swap3A_841 = vector.shape_cast %swap3A_840 : vector<16xf32> to vector<16xf32>
            %swap3A_842 = vector.shape_cast %while3A_770#4 : vector<16xf32> to vector<16xf32>
            tpu.vector_store %arg8[%swap3A_839], %swap3A_842 {strides = array<i32>} : memref<3072xf32, #tpu.memory_space<vmem>>, vector<16xf32>,
            %add3A_843 = arith.constant 256 : i32
            %add3A_844 = arith.addi %mul3A_264, %add3A_843 : i32
            %add3A_845 = arith.constant 176 : i32
            %add3A_846 = arith.addi %add3A_844, %add3A_845 : i32
            %swap3A_847 = arith.index_cast %add3A_846 : i32 to index
            %swap3A_848 = tpu.vector_load %arg8[%swap3A_847] {strides = array<i32>} : memref<3072xf32, #tpu.memory_space<vmem>>, vector<16xf32>,
            %swap3A_849 = vector.shape_cast %swap3A_848 : vector<16xf32> to vector<16xf32>
            %swap3A_850 = vector.shape_cast %while3A_770#12 : vector<16xf32> to vector<16xf32>
            tpu.vector_store %arg8[%swap3A_847], %swap3A_850 {strides = array<i32>} : memref<3072xf32, #tpu.memory_space<vmem>>, vector<16xf32>,
            %add3A_851 = arith.constant 512 : i32
            %add3A_852 = arith.addi %mul3A_264, %add3A_851 : i32
            %add3A_853 = arith.constant 176 : i32
            %add3A_854 = arith.addi %add3A_852, %add3A_853 : i32
            %swap3A_855 = arith.index_cast %add3A_854 : i32 to index
            %swap3A_856 = tpu.vector_load %arg8[%swap3A_855] {strides = array<i32>} : memref<3072xf32, #tpu.memory_space<vmem>>, vector<16xf32>,
            %swap3A_857 = vector.shape_cast %swap3A_856 : vector<16xf32> to vector<16xf32>
            %swap3A_858 = vector.shape_cast %while3A_770#20 : vector<16xf32> to vector<16xf32>
            tpu.vector_store %arg8[%swap3A_855], %swap3A_858 {strides = array<i32>} : memref<3072xf32, #tpu.memory_space<vmem>>, vector<16xf32>,
            %add3A_859 = arith.constant 192 : i32
            %add3A_860 = arith.addi %mul3A_264, %add3A_859 : i32
            %swap3A_861 = arith.index_cast %add3A_860 : i32 to index
            %swap3A_862 = tpu.vector_load %arg8[%swap3A_861] {strides = array<i32>} : memref<3072xf32, #tpu.memory_space<vmem>>, vector<16xf32>,
            %swap3A_863 = vector.shape_cast %swap3A_862 : vector<16xf32> to vector<16xf32>
            %swap3A_864 = vector.shape_cast %while3A_770#5 : vector<16xf32> to vector<16xf32>
            tpu.vector_store %arg8[%swap3A_861], %swap3A_864 {strides = array<i32>} : memref<3072xf32, #tpu.memory_space<vmem>>, vector<16xf32>,
            %add3A_865 = arith.constant 256 : i32
            %add3A_866 = arith.addi %mul3A_264, %add3A_865 : i32
            %add3A_867 = arith.constant 192 : i32
            %add3A_868 = arith.addi %add3A_866, %add3A_867 : i32
            %swap3A_869 = arith.index_cast %add3A_868 : i32 to index
            %swap3A_870 = tpu.vector_load %arg8[%swap3A_869] {strides = array<i32>} : memref<3072xf32, #tpu.memory_space<vmem>>, vector<16xf32>,
            %swap3A_871 = vector.shape_cast %swap3A_870 : vector<16xf32> to vector<16xf32>
            %swap3A_872 = vector.shape_cast %while3A_770#13 : vector<16xf32> to vector<16xf32>
            tpu.vector_store %arg8[%swap3A_869], %swap3A_872 {strides = array<i32>} : memref<3072xf32, #tpu.memory_space<vmem>>, vector<16xf32>,
            %add3A_873 = arith.constant 512 : i32
            %add3A_874 = arith.addi %mul3A_264, %add3A_873 : i32
            %add3A_875 = arith.constant 192 : i32
            %add3A_876 = arith.addi %add3A_874, %add3A_875 : i32
            %swap3A_877 = arith.index_cast %add3A_876 : i32 to index
            %swap3A_878 = tpu.vector_load %arg8[%swap3A_877] {strides = array<i32>} : memref<3072xf32, #tpu.memory_space<vmem>>, vector<16xf32>,
            %swap3A_879 = vector.shape_cast %swap3A_878 : vector<16xf32> to vector<16xf32>
            %swap3A_880 = vector.shape_cast %while3A_770#21 : vector<16xf32> to vector<16xf32>
            tpu.vector_store %arg8[%swap3A_877], %swap3A_880 {strides = array<i32>} : memref<3072xf32, #tpu.memory_space<vmem>>, vector<16xf32>,
            %add3A_881 = arith.constant 208 : i32
            %add3A_882 = arith.addi %mul3A_264, %add3A_881 : i32
            %swap3A_883 = arith.index_cast %add3A_882 : i32 to index
            %swap3A_884 = tpu.vector_load %arg8[%swap3A_883] {strides = array<i32>} : memref<3072xf32, #tpu.memory_space<vmem>>, vector<16xf32>,
            %swap3A_885 = vector.shape_cast %swap3A_884 : vector<16xf32> to vector<16xf32>
            %swap3A_886 = vector.shape_cast %while3A_770#6 : vector<16xf32> to vector<16xf32>
            tpu.vector_store %arg8[%swap3A_883], %swap3A_886 {strides = array<i32>} : memref<3072xf32, #tpu.memory_space<vmem>>, vector<16xf32>,
            %add3A_887 = arith.constant 256 : i32
            %add3A_888 = arith.addi %mul3A_264, %add3A_887 : i32
            %add3A_889 = arith.constant 208 : i32
            %add3A_890 = arith.addi %add3A_888, %add3A_889 : i32
            %swap3A_891 = arith.index_cast %add3A_890 : i32 to index
            %swap3A_892 = tpu.vector_load %arg8[%swap3A_891] {strides = array<i32>} : memref<3072xf32, #tpu.memory_space<vmem>>, vector<16xf32>,
            %swap3A_893 = vector.shape_cast %swap3A_892 : vector<16xf32> to vector<16xf32>
            %swap3A_894 = vector.shape_cast %while3A_770#14 : vector<16xf32> to vector<16xf32>
            tpu.vector_store %arg8[%swap3A_891], %swap3A_894 {strides = array<i32>} : memref<3072xf32, #tpu.memory_space<vmem>>, vector<16xf32>,
            %add3A_895 = arith.constant 512 : i32
            %add3A_896 = arith.addi %mul3A_264, %add3A_895 : i32
            %add3A_897 = arith.constant 208 : i32
            %add3A_898 = arith.addi %add3A_896, %add3A_897 : i32
            %swap3A_899 = arith.index_cast %add3A_898 : i32 to index
            %swap3A_900 = tpu.vector_load %arg8[%swap3A_899] {strides = array<i32>} : memref<3072xf32, #tpu.memory_space<vmem>>, vector<16xf32>,
            %swap3A_901 = vector.shape_cast %swap3A_900 : vector<16xf32> to vector<16xf32>
            %swap3A_902 = vector.shape_cast %while3A_770#22 : vector<16xf32> to vector<16xf32>
            tpu.vector_store %arg8[%swap3A_899], %swap3A_902 {strides = array<i32>} : memref<3072xf32, #tpu.memory_space<vmem>>, vector<16xf32>,
            %add3A_903 = arith.constant 224 : i32
            %add3A_904 = arith.addi %mul3A_264, %add3A_903 : i32
            %swap3A_905 = arith.index_cast %add3A_904 : i32 to index
            %swap3A_906 = tpu.vector_load %arg8[%swap3A_905] {strides = array<i32>} : memref<3072xf32, #tpu.memory_space<vmem>>, vector<16xf32>,
            %swap3A_907 = vector.shape_cast %swap3A_906 : vector<16xf32> to vector<16xf32>
            %swap3A_908 = vector.shape_cast %while3A_770#7 : vector<16xf32> to vector<16xf32>
            tpu.vector_store %arg8[%swap3A_905], %swap3A_908 {strides = array<i32>} : memref<3072xf32, #tpu.memory_space<vmem>>, vector<16xf32>,
            %add3A_909 = arith.constant 256 : i32
            %add3A_910 = arith.addi %mul3A_264, %add3A_909 : i32
            %add3A_911 = arith.constant 224 : i32
            %add3A_912 = arith.addi %add3A_910, %add3A_911 : i32
            %swap3A_913 = arith.index_cast %add3A_912 : i32 to index
            %swap3A_914 = tpu.vector_load %arg8[%swap3A_913] {strides = array<i32>} : memref<3072xf32, #tpu.memory_space<vmem>>, vector<16xf32>,
            %swap3A_915 = vector.shape_cast %swap3A_914 : vector<16xf32> to vector<16xf32>
            %swap3A_916 = vector.shape_cast %while3A_770#15 : vector<16xf32> to vector<16xf32>
            tpu.vector_store %arg8[%swap3A_913], %swap3A_916 {strides = array<i32>} : memref<3072xf32, #tpu.memory_space<vmem>>, vector<16xf32>,
            %add3A_917 = arith.constant 512 : i32
            %add3A_918 = arith.addi %mul3A_264, %add3A_917 : i32
            %add3A_919 = arith.constant 224 : i32
            %add3A_920 = arith.addi %add3A_918, %add3A_919 : i32
            %swap3A_921 = arith.index_cast %add3A_920 : i32 to index
            %swap3A_922 = tpu.vector_load %arg8[%swap3A_921] {strides = array<i32>} : memref<3072xf32, #tpu.memory_space<vmem>>, vector<16xf32>,
            %swap3A_923 = vector.shape_cast %swap3A_922 : vector<16xf32> to vector<16xf32>
            %swap3A_924 = vector.shape_cast %while3A_770#23 : vector<16xf32> to vector<16xf32>
            tpu.vector_store %arg8[%swap3A_921], %swap3A_924 {strides = array<i32>} : memref<3072xf32, #tpu.memory_space<vmem>>, vector<16xf32>,
            %add3A_925 = arith.constant 240 : i32
            %add3A_926 = arith.addi %mul3A_264, %add3A_925 : i32
            %swap3A_927 = arith.index_cast %add3A_926 : i32 to index
            %swap3A_928 = tpu.vector_load %arg8[%swap3A_927] {strides = array<i32>} : memref<3072xf32, #tpu.memory_space<vmem>>, vector<16xf32>,
            %swap3A_929 = vector.shape_cast %swap3A_928 : vector<16xf32> to vector<16xf32>
            %swap3A_930 = vector.shape_cast %while3A_770#8 : vector<16xf32> to vector<16xf32>
            tpu.vector_store %arg8[%swap3A_927], %swap3A_930 {strides = array<i32>} : memref<3072xf32, #tpu.memory_space<vmem>>, vector<16xf32>,
            %add3A_931 = arith.constant 256 : i32
            %add3A_932 = arith.addi %mul3A_264, %add3A_931 : i32
            %add3A_933 = arith.constant 240 : i32
            %add3A_934 = arith.addi %add3A_932, %add3A_933 : i32
            %swap3A_935 = arith.index_cast %add3A_934 : i32 to index
            %swap3A_936 = tpu.vector_load %arg8[%swap3A_935] {strides = array<i32>} : memref<3072xf32, #tpu.memory_space<vmem>>, vector<16xf32>,
            %swap3A_937 = vector.shape_cast %swap3A_936 : vector<16xf32> to vector<16xf32>
            %swap3A_938 = vector.shape_cast %while3A_770#16 : vector<16xf32> to vector<16xf32>
            tpu.vector_store %arg8[%swap3A_935], %swap3A_938 {strides = array<i32>} : memref<3072xf32, #tpu.memory_space<vmem>>, vector<16xf32>,
            %add3A_939 = arith.constant 512 : i32
            %add3A_940 = arith.addi %mul3A_264, %add3A_939 : i32
            %add3A_941 = arith.constant 240 : i32
            %add3A_942 = arith.addi %add3A_940, %add3A_941 : i32
            %swap3A_943 = arith.index_cast %add3A_942 : i32 to index
            %swap3A_944 = tpu.vector_load %arg8[%swap3A_943] {strides = array<i32>} : memref<3072xf32, #tpu.memory_space<vmem>>, vector<16xf32>,
            %swap3A_945 = vector.shape_cast %swap3A_944 : vector<16xf32> to vector<16xf32>
            %swap3A_946 = vector.shape_cast %while3A_770#24 : vector<16xf32> to vector<16xf32>
            tpu.vector_store %arg8[%swap3A_943], %swap3A_946 {strides = array<i32>} : memref<3072xf32, #tpu.memory_space<vmem>>, vector<16xf32>,
          } else {
          }
          %scan3A_260 = arith.constant 0 : i32
          scf.yield %scan3A_260 : i32
        }
        %scan3A_244 = arith.constant 4 : i32
      } else {
      }
      %while3A_218 = arith.constant 0 : i32
      scf.yield %while3A_218 : i32
    }
    %scan3A_169 = arith.constant 0 : i32
    %scan3A_170 = arith.constant 0 : i32
    %scan3A_171 = arith.constant 4 : i32
    %scan3A_172 = arith.addi %scan3A_170, %scan3A_171 : i32
    %scan3A_173 = arith.constant 1 : i32
    %scan3A_174 = scf.for %scan3A_176 = %scan3A_170 to %scan3A_172 step %scan3A_173 iter_args(%scan3A_177 = %scan3A_169) -> (i32)  : i32 {
      %mul3A_178 = arith.constant 3 : i32
      %mul3A_179 = arith.muli %scan3A_176, %mul3A_178 : i32
      %mul3A_180 = arith.constant 256 : i32
      %mul3A_181 = arith.muli %mul3A_179, %mul3A_180 : i32
      %add3A_182 = arith.constant 1 : i32
      %add3A_183 = arith.addi %scan3A_176, %add3A_182 : i32
      %get3A_184 = arith.index_cast %add3A_183 : i32 to index
      %get3A_185 = memref.load %arg9[%get3A_184] : memref<5xi32, #tpu.memory_space<smem>>
      %get3A_186 = arith.index_cast %scan3A_176 : i32 to index
      %get3A_187 = memref.load %arg9[%get3A_186] : memref<5xi32, #tpu.memory_space<smem>>
      %sub3A_188 = arith.subi %get3A_185, %get3A_187 : i32
      %convert_element_type3A_189 = arith.sitofp %sub3A_188 : i32 to f32
      %max3A = arith.constant 1.000000e+00 : f32
      %max3A_190 = arith.maximumf %convert_element_type3A_189, %max3A : f32
      %add3A_191 = arith.constant 512 : i32
      %add3A_192 = arith.addi %mul3A_181, %add3A_191 : i32
      %add3A_193 = arith.constant 0 : i32
      %add3A_194 = arith.addi %add3A_192, %add3A_193 : i32
      %get3A_195 = arith.index_cast %add3A_194 : i32 to index
      %get3A_196 = tpu.vector_load %arg8[%get3A_195] {strides = array<i32>} : memref<3072xf32, #tpu.memory_space<vmem>>, vector<16xf32>,
      %get3A_197 = vector.shape_cast %get3A_196 : vector<16xf32> to vector<16xf32>
      %div3A_198 = vector.broadcast %max3A_190 : f32 to vector<16xf32>
      %div3A_199 = arith.divf %get3A_197, %div3A_198 : vector<16xf32>
      %add3A_200 = arith.constant 512 : i32
      %add3A_201 = arith.addi %mul3A_181, %add3A_200 : i32
      %add3A_202 = arith.constant 0 : i32
      %add3A_203 = arith.addi %add3A_201, %add3A_202 : i32
      %swap3A_204 = arith.index_cast %add3A_203 : i32 to index
      %swap3A_205 = tpu.vector_load %arg8[%swap3A_204] {strides = array<i32>} : memref<3072xf32, #tpu.memory_space<vmem>>, vector<16xf32>,
      %swap3A_206 = vector.shape_cast %swap3A_205 : vector<16xf32> to vector<16xf32>
      %swap3A_207 = vector.shape_cast %div3A_199 : vector<16xf32> to vector<16xf32>
      tpu.vector_store %arg8[%swap3A_204], %swap3A_207 {strides = array<i32>} : memref<3072xf32, #tpu.memory_space<vmem>>, vector<16xf32>,
      %add3A_208 = arith.constant 512 : i32
      %add3A_209 = arith.addi %mul3A_181, %add3A_208 : i32
      %add3A_210 = arith.constant 16 : i32
      %add3A_211 = arith.addi %add3A_209, %add3A_210 : i32
      %get3A_212 = arith.index_cast %add3A_211 : i32 to index
      %get3A_213 = tpu.vector_load %arg8[%get3A_212] {strides = array<i32>} : memref<3072xf32, #tpu.memory_space<vmem>>, vector<16xf32>,
      %get3A_214 = vector.shape_cast %get3A_213 : vector<16xf32> to vector<16xf32>
      %div3A_215 = vector.broadcast %max3A_190 : f32 to vector<16xf32>
      %div3A_216 = arith.divf %get3A_214, %div3A_215 : vector<16xf32>
      %add3A_217 = arith.constant 512 : i32
      %add3A_218 = arith.addi %mul3A_181, %add3A_217 : i32
      %add3A_219 = arith.constant 16 : i32
      %add3A_220 = arith.addi %add3A_218, %add3A_219 : i32
      %swap3A_221 = arith.index_cast %add3A_220 : i32 to index
      %swap3A_222 = tpu.vector_load %arg8[%swap3A_221] {strides = array<i32>} : memref<3072xf32, #tpu.memory_space<vmem>>, vector<16xf32>,
      %swap3A_223 = vector.shape_cast %swap3A_222 : vector<16xf32> to vector<16xf32>
      %swap3A_224 = vector.shape_cast %div3A_216 : vector<16xf32> to vector<16xf32>
      tpu.vector_store %arg8[%swap3A_221], %swap3A_224 {strides = array<i32>} : memref<3072xf32, #tpu.memory_space<vmem>>, vector<16xf32>,
      %add3A_225 = arith.constant 512 : i32
      %add3A_226 = arith.addi %mul3A_181, %add3A_225 : i32
      %add3A_227 = arith.constant 32 : i32
      %add3A_228 = arith.addi %add3A_226, %add3A_227 : i32
      %get3A_229 = arith.index_cast %add3A_228 : i32 to index
      %get3A_230 = tpu.vector_load %arg8[%get3A_229] {strides = array<i32>} : memref<3072xf32, #tpu.memory_space<vmem>>, vector<16xf32>,
      %get3A_231 = vector.shape_cast %get3A_230 : vector<16xf32> to vector<16xf32>
      %div3A_232 = vector.broadcast %max3A_190 : f32 to vector<16xf32>
      %div3A_233 = arith.divf %get3A_231, %div3A_232 : vector<16xf32>
      %add3A_234 = arith.constant 512 : i32
      %add3A_235 = arith.addi %mul3A_181, %add3A_234 : i32
      %add3A_236 = arith.constant 32 : i32
      %add3A_237 = arith.addi %add3A_235, %add3A_236 : i32
      %swap3A_238 = arith.index_cast %add3A_237 : i32 to index
      %swap3A_239 = tpu.vector_load %arg8[%swap3A_238] {strides = array<i32>} : memref<3072xf32, #tpu.memory_space<vmem>>, vector<16xf32>,
      %swap3A_240 = vector.shape_cast %swap3A_239 : vector<16xf32> to vector<16xf32>
      %swap3A_241 = vector.shape_cast %div3A_233 : vector<16xf32> to vector<16xf32>
      tpu.vector_store %arg8[%swap3A_238], %swap3A_241 {strides = array<i32>} : memref<3072xf32, #tpu.memory_space<vmem>>, vector<16xf32>,
      %add3A_242 = arith.constant 512 : i32
      %add3A_243 = arith.addi %mul3A_181, %add3A_242 : i32
      %add3A_244 = arith.constant 48 : i32
      %add3A_245 = arith.addi %add3A_243, %add3A_244 : i32
      %get3A_246 = arith.index_cast %add3A_245 : i32 to index
      %get3A_247 = tpu.vector_load %arg8[%get3A_246] {strides = array<i32>} : memref<3072xf32, #tpu.memory_space<vmem>>, vector<16xf32>,
      %get3A_248 = vector.shape_cast %get3A_247 : vector<16xf32> to vector<16xf32>
      %div3A_249 = vector.broadcast %max3A_190 : f32 to vector<16xf32>
      %div3A_250 = arith.divf %get3A_248, %div3A_249 : vector<16xf32>
      %add3A_251 = arith.constant 512 : i32
      %add3A_252 = arith.addi %mul3A_181, %add3A_251 : i32
      %add3A_253 = arith.constant 48 : i32
      %add3A_254 = arith.addi %add3A_252, %add3A_253 : i32
      %swap3A_255 = arith.index_cast %add3A_254 : i32 to index
      %swap3A_256 = tpu.vector_load %arg8[%swap3A_255] {strides = array<i32>} : memref<3072xf32, #tpu.memory_space<vmem>>, vector<16xf32>,
      %swap3A_257 = vector.shape_cast %swap3A_256 : vector<16xf32> to vector<16xf32>
      %swap3A_258 = vector.shape_cast %div3A_250 : vector<16xf32> to vector<16xf32>
      tpu.vector_store %arg8[%swap3A_255], %swap3A_258 {strides = array<i32>} : memref<3072xf32, #tpu.memory_space<vmem>>, vector<16xf32>,
      %add3A_259 = arith.constant 512 : i32
      %add3A_260 = arith.addi %mul3A_181, %add3A_259 : i32
      %add3A_261 = arith.constant 64 : i32
      %add3A_262 = arith.addi %add3A_260, %add3A_261 : i32
      %get3A_263 = arith.index_cast %add3A_262 : i32 to index
      %get3A_264 = tpu.vector_load %arg8[%get3A_263] {strides = array<i32>} : memref<3072xf32, #tpu.memory_space<vmem>>, vector<16xf32>,
      %get3A_265 = vector.shape_cast %get3A_264 : vector<16xf32> to vector<16xf32>
      %div3A_266 = vector.broadcast %max3A_190 : f32 to vector<16xf32>
      %div3A_267 = arith.divf %get3A_265, %div3A_266 : vector<16xf32>
      %add3A_268 = arith.constant 512 : i32
      %add3A_269 = arith.addi %mul3A_181, %add3A_268 : i32
      %add3A_270 = arith.constant 64 : i32
      %add3A_271 = arith.addi %add3A_269, %add3A_270 : i32
      %swap3A_272 = arith.index_cast %add3A_271 : i32 to index
      %swap3A_273 = tpu.vector_load %arg8[%swap3A_272] {strides = array<i32>} : memref<3072xf32, #tpu.memory_space<vmem>>, vector<16xf32>,
      %swap3A_274 = vector.shape_cast %swap3A_273 : vector<16xf32> to vector<16xf32>
      %swap3A_275 = vector.shape_cast %div3A_267 : vector<16xf32> to vector<16xf32>
      tpu.vector_store %arg8[%swap3A_272], %swap3A_275 {strides = array<i32>} : memref<3072xf32, #tpu.memory_space<vmem>>, vector<16xf32>,
      %add3A_276 = arith.constant 512 : i32
      %add3A_277 = arith.addi %mul3A_181, %add3A_276 : i32
      %add3A_278 = arith.constant 80 : i32
      %add3A_279 = arith.addi %add3A_277, %add3A_278 : i32
      %get3A_280 = arith.index_cast %add3A_279 : i32 to index
      %get3A_281 = tpu.vector_load %arg8[%get3A_280] {strides = array<i32>} : memref<3072xf32, #tpu.memory_space<vmem>>, vector<16xf32>,
      %get3A_282 = vector.shape_cast %get3A_281 : vector<16xf32> to vector<16xf32>
      %div3A_283 = vector.broadcast %max3A_190 : f32 to vector<16xf32>
      %div3A_284 = arith.divf %get3A_282, %div3A_283 : vector<16xf32>
      %add3A_285 = arith.constant 512 : i32
      %add3A_286 = arith.addi %mul3A_181, %add3A_285 : i32
      %add3A_287 = arith.constant 80 : i32
      %add3A_288 = arith.addi %add3A_286, %add3A_287 : i32
      %swap3A_289 = arith.index_cast %add3A_288 : i32 to index
      %swap3A_290 = tpu.vector_load %arg8[%swap3A_289] {strides = array<i32>} : memref<3072xf32, #tpu.memory_space<vmem>>, vector<16xf32>,
      %swap3A_291 = vector.shape_cast %swap3A_290 : vector<16xf32> to vector<16xf32>
      %swap3A_292 = vector.shape_cast %div3A_284 : vector<16xf32> to vector<16xf32>
      tpu.vector_store %arg8[%swap3A_289], %swap3A_292 {strides = array<i32>} : memref<3072xf32, #tpu.memory_space<vmem>>, vector<16xf32>,
      %add3A_293 = arith.constant 512 : i32
      %add3A_294 = arith.addi %mul3A_181, %add3A_293 : i32
      %add3A_295 = arith.constant 96 : i32
      %add3A_296 = arith.addi %add3A_294, %add3A_295 : i32
      %get3A_297 = arith.index_cast %add3A_296 : i32 to index
      %get3A_298 = tpu.vector_load %arg8[%get3A_297] {strides = array<i32>} : memref<3072xf32, #tpu.memory_space<vmem>>, vector<16xf32>,
      %get3A_299 = vector.shape_cast %get3A_298 : vector<16xf32> to vector<16xf32>
      %div3A_300 = vector.broadcast %max3A_190 : f32 to vector<16xf32>
      %div3A_301 = arith.divf %get3A_299, %div3A_300 : vector<16xf32>
      %add3A_302 = arith.constant 512 : i32
      %add3A_303 = arith.addi %mul3A_181, %add3A_302 : i32
      %add3A_304 = arith.constant 96 : i32
      %add3A_305 = arith.addi %add3A_303, %add3A_304 : i32
      %swap3A_306 = arith.index_cast %add3A_305 : i32 to index
      %swap3A_307 = tpu.vector_load %arg8[%swap3A_306] {strides = array<i32>} : memref<3072xf32, #tpu.memory_space<vmem>>, vector<16xf32>,
      %swap3A_308 = vector.shape_cast %swap3A_307 : vector<16xf32> to vector<16xf32>
      %swap3A_309 = vector.shape_cast %div3A_301 : vector<16xf32> to vector<16xf32>
      tpu.vector_store %arg8[%swap3A_306], %swap3A_309 {strides = array<i32>} : memref<3072xf32, #tpu.memory_space<vmem>>, vector<16xf32>,
      %add3A_310 = arith.constant 512 : i32
      %add3A_311 = arith.addi %mul3A_181, %add3A_310 : i32
      %add3A_312 = arith.constant 112 : i32
      %add3A_313 = arith.addi %add3A_311, %add3A_312 : i32
      %get3A_314 = arith.index_cast %add3A_313 : i32 to index
      %get3A_315 = tpu.vector_load %arg8[%get3A_314] {strides = array<i32>} : memref<3072xf32, #tpu.memory_space<vmem>>, vector<16xf32>,
      %get3A_316 = vector.shape_cast %get3A_315 : vector<16xf32> to vector<16xf32>
      %div3A_317 = vector.broadcast %max3A_190 : f32 to vector<16xf32>
      %div3A_318 = arith.divf %get3A_316, %div3A_317 : vector<16xf32>
      %add3A_319 = arith.constant 512 : i32
      %add3A_320 = arith.addi %mul3A_181, %add3A_319 : i32
      %add3A_321 = arith.constant 112 : i32
      %add3A_322 = arith.addi %add3A_320, %add3A_321 : i32
      %swap3A_323 = arith.index_cast %add3A_322 : i32 to index
      %swap3A_324 = tpu.vector_load %arg8[%swap3A_323] {strides = array<i32>} : memref<3072xf32, #tpu.memory_space<vmem>>, vector<16xf32>,
      %swap3A_325 = vector.shape_cast %swap3A_324 : vector<16xf32> to vector<16xf32>
      %swap3A_326 = vector.shape_cast %div3A_318 : vector<16xf32> to vector<16xf32>
      tpu.vector_store %arg8[%swap3A_323], %swap3A_326 {strides = array<i32>} : memref<3072xf32, #tpu.memory_space<vmem>>, vector<16xf32>,
      %add3A_327 = arith.constant 512 : i32
      %add3A_328 = arith.addi %mul3A_181, %add3A_327 : i32
      %add3A_329 = arith.constant 128 : i32
      %add3A_330 = arith.addi %add3A_328, %add3A_329 : i32
      %get3A_331 = arith.index_cast %add3A_330 : i32 to index
      %get3A_332 = tpu.vector_load %arg8[%get3A_331] {strides = array<i32>} : memref<3072xf32, #tpu.memory_space<vmem>>, vector<16xf32>,
      %get3A_333 = vector.shape_cast %get3A_332 : vector<16xf32> to vector<16xf32>
      %div3A_334 = vector.broadcast %max3A_190 : f32 to vector<16xf32>
      %div3A_335 = arith.divf %get3A_333, %div3A_334 : vector<16xf32>
      %add3A_336 = arith.constant 512 : i32
      %add3A_337 = arith.addi %mul3A_181, %add3A_336 : i32
      %add3A_338 = arith.constant 128 : i32
      %add3A_339 = arith.addi %add3A_337, %add3A_338 : i32
      %swap3A_340 = arith.index_cast %add3A_339 : i32 to index
      %swap3A_341 = tpu.vector_load %arg8[%swap3A_340] {strides = array<i32>} : memref<3072xf32, #tpu.memory_space<vmem>>, vector<16xf32>,
      %swap3A_342 = vector.shape_cast %swap3A_341 : vector<16xf32> to vector<16xf32>
      %swap3A_343 = vector.shape_cast %div3A_335 : vector<16xf32> to vector<16xf32>
      tpu.vector_store %arg8[%swap3A_340], %swap3A_343 {strides = array<i32>} : memref<3072xf32, #tpu.memory_space<vmem>>, vector<16xf32>,
      %add3A_344 = arith.constant 512 : i32
      %add3A_345 = arith.addi %mul3A_181, %add3A_344 : i32
      %add3A_346 = arith.constant 144 : i32
      %add3A_347 = arith.addi %add3A_345, %add3A_346 : i32
      %get3A_348 = arith.index_cast %add3A_347 : i32 to index
      %get3A_349 = tpu.vector_load %arg8[%get3A_348] {strides = array<i32>} : memref<3072xf32, #tpu.memory_space<vmem>>, vector<16xf32>,
      %get3A_350 = vector.shape_cast %get3A_349 : vector<16xf32> to vector<16xf32>
      %div3A_351 = vector.broadcast %max3A_190 : f32 to vector<16xf32>
      %div3A_352 = arith.divf %get3A_350, %div3A_351 : vector<16xf32>
      %add3A_353 = arith.constant 512 : i32
      %add3A_354 = arith.addi %mul3A_181, %add3A_353 : i32
      %add3A_355 = arith.constant 144 : i32
      %add3A_356 = arith.addi %add3A_354, %add3A_355 : i32
      %swap3A_357 = arith.index_cast %add3A_356 : i32 to index
      %swap3A_358 = tpu.vector_load %arg8[%swap3A_357] {strides = array<i32>} : memref<3072xf32, #tpu.memory_space<vmem>>, vector<16xf32>,
      %swap3A_359 = vector.shape_cast %swap3A_358 : vector<16xf32> to vector<16xf32>
      %swap3A_360 = vector.shape_cast %div3A_352 : vector<16xf32> to vector<16xf32>
      tpu.vector_store %arg8[%swap3A_357], %swap3A_360 {strides = array<i32>} : memref<3072xf32, #tpu.memory_space<vmem>>, vector<16xf32>,
      %add3A_361 = arith.constant 512 : i32
      %add3A_362 = arith.addi %mul3A_181, %add3A_361 : i32
      %add3A_363 = arith.constant 160 : i32
      %add3A_364 = arith.addi %add3A_362, %add3A_363 : i32
      %get3A_365 = arith.index_cast %add3A_364 : i32 to index
      %get3A_366 = tpu.vector_load %arg8[%get3A_365] {strides = array<i32>} : memref<3072xf32, #tpu.memory_space<vmem>>, vector<16xf32>,
      %get3A_367 = vector.shape_cast %get3A_366 : vector<16xf32> to vector<16xf32>
      %div3A_368 = vector.broadcast %max3A_190 : f32 to vector<16xf32>
      %div3A_369 = arith.divf %get3A_367, %div3A_368 : vector<16xf32>
      %add3A_370 = arith.constant 512 : i32
      %add3A_371 = arith.addi %mul3A_181, %add3A_370 : i32
      %add3A_372 = arith.constant 160 : i32
      %add3A_373 = arith.addi %add3A_371, %add3A_372 : i32
      %swap3A_374 = arith.index_cast %add3A_373 : i32 to index
      %swap3A_375 = tpu.vector_load %arg8[%swap3A_374] {strides = array<i32>} : memref<3072xf32, #tpu.memory_space<vmem>>, vector<16xf32>,
      %swap3A_376 = vector.shape_cast %swap3A_375 : vector<16xf32> to vector<16xf32>
      %swap3A_377 = vector.shape_cast %div3A_369 : vector<16xf32> to vector<16xf32>
      tpu.vector_store %arg8[%swap3A_374], %swap3A_377 {strides = array<i32>} : memref<3072xf32, #tpu.memory_space<vmem>>, vector<16xf32>,
      %add3A_378 = arith.constant 512 : i32
      %add3A_379 = arith.addi %mul3A_181, %add3A_378 : i32
      %add3A_380 = arith.constant 176 : i32
      %add3A_381 = arith.addi %add3A_379, %add3A_380 : i32
      %get3A_382 = arith.index_cast %add3A_381 : i32 to index
      %get3A_383 = tpu.vector_load %arg8[%get3A_382] {strides = array<i32>} : memref<3072xf32, #tpu.memory_space<vmem>>, vector<16xf32>,
      %get3A_384 = vector.shape_cast %get3A_383 : vector<16xf32> to vector<16xf32>
      %div3A_385 = vector.broadcast %max3A_190 : f32 to vector<16xf32>
      %div3A_386 = arith.divf %get3A_384, %div3A_385 : vector<16xf32>
      %add3A_387 = arith.constant 512 : i32
      %add3A_388 = arith.addi %mul3A_181, %add3A_387 : i32
      %add3A_389 = arith.constant 176 : i32
      %add3A_390 = arith.addi %add3A_388, %add3A_389 : i32
      %swap3A_391 = arith.index_cast %add3A_390 : i32 to index
      %swap3A_392 = tpu.vector_load %arg8[%swap3A_391] {strides = array<i32>} : memref<3072xf32, #tpu.memory_space<vmem>>, vector<16xf32>,
      %swap3A_393 = vector.shape_cast %swap3A_392 : vector<16xf32> to vector<16xf32>
      %swap3A_394 = vector.shape_cast %div3A_386 : vector<16xf32> to vector<16xf32>
      tpu.vector_store %arg8[%swap3A_391], %swap3A_394 {strides = array<i32>} : memref<3072xf32, #tpu.memory_space<vmem>>, vector<16xf32>,
      %add3A_395 = arith.constant 512 : i32
      %add3A_396 = arith.addi %mul3A_181, %add3A_395 : i32
      %add3A_397 = arith.constant 192 : i32
      %add3A_398 = arith.addi %add3A_396, %add3A_397 : i32
      %get3A_399 = arith.index_cast %add3A_398 : i32 to index
      %get3A_400 = tpu.vector_load %arg8[%get3A_399] {strides = array<i32>} : memref<3072xf32, #tpu.memory_space<vmem>>, vector<16xf32>,
      %get3A_401 = vector.shape_cast %get3A_400 : vector<16xf32> to vector<16xf32>
      %div3A_402 = vector.broadcast %max3A_190 : f32 to vector<16xf32>
      %div3A_403 = arith.divf %get3A_401, %div3A_402 : vector<16xf32>
      %add3A_404 = arith.constant 512 : i32
      %add3A_405 = arith.addi %mul3A_181, %add3A_404 : i32
      %add3A_406 = arith.constant 192 : i32
      %add3A_407 = arith.addi %add3A_405, %add3A_406 : i32
      %swap3A_408 = arith.index_cast %add3A_407 : i32 to index
      %swap3A_409 = tpu.vector_load %arg8[%swap3A_408] {strides = array<i32>} : memref<3072xf32, #tpu.memory_space<vmem>>, vector<16xf32>,
      %swap3A_410 = vector.shape_cast %swap3A_409 : vector<16xf32> to vector<16xf32>
      %swap3A_411 = vector.shape_cast %div3A_403 : vector<16xf32> to vector<16xf32>
      tpu.vector_store %arg8[%swap3A_408], %swap3A_411 {strides = array<i32>} : memref<3072xf32, #tpu.memory_space<vmem>>, vector<16xf32>,
      %add3A_412 = arith.constant 512 : i32
      %add3A_413 = arith.addi %mul3A_181, %add3A_412 : i32
      %add3A_414 = arith.constant 208 : i32
      %add3A_415 = arith.addi %add3A_413, %add3A_414 : i32
      %get3A_416 = arith.index_cast %add3A_415 : i32 to index
      %get3A_417 = tpu.vector_load %arg8[%get3A_416] {strides = array<i32>} : memref<3072xf32, #tpu.memory_space<vmem>>, vector<16xf32>,
      %get3A_418 = vector.shape_cast %get3A_417 : vector<16xf32> to vector<16xf32>
      %div3A_419 = vector.broadcast %max3A_190 : f32 to vector<16xf32>
      %div3A_420 = arith.divf %get3A_418, %div3A_419 : vector<16xf32>
      %add3A_421 = arith.constant 512 : i32
      %add3A_422 = arith.addi %mul3A_181, %add3A_421 : i32
      %add3A_423 = arith.constant 208 : i32
      %add3A_424 = arith.addi %add3A_422, %add3A_423 : i32
      %swap3A_425 = arith.index_cast %add3A_424 : i32 to index
      %swap3A_426 = tpu.vector_load %arg8[%swap3A_425] {strides = array<i32>} : memref<3072xf32, #tpu.memory_space<vmem>>, vector<16xf32>,
      %swap3A_427 = vector.shape_cast %swap3A_426 : vector<16xf32> to vector<16xf32>
      %swap3A_428 = vector.shape_cast %div3A_420 : vector<16xf32> to vector<16xf32>
      tpu.vector_store %arg8[%swap3A_425], %swap3A_428 {strides = array<i32>} : memref<3072xf32, #tpu.memory_space<vmem>>, vector<16xf32>,
      %add3A_429 = arith.constant 512 : i32
      %add3A_430 = arith.addi %mul3A_181, %add3A_429 : i32
      %add3A_431 = arith.constant 224 : i32
      %add3A_432 = arith.addi %add3A_430, %add3A_431 : i32
      %get3A_433 = arith.index_cast %add3A_432 : i32 to index
      %get3A_434 = tpu.vector_load %arg8[%get3A_433] {strides = array<i32>} : memref<3072xf32, #tpu.memory_space<vmem>>, vector<16xf32>,
      %get3A_435 = vector.shape_cast %get3A_434 : vector<16xf32> to vector<16xf32>
      %div3A_436 = vector.broadcast %max3A_190 : f32 to vector<16xf32>
      %div3A_437 = arith.divf %get3A_435, %div3A_436 : vector<16xf32>
      %add3A_438 = arith.constant 512 : i32
      %add3A_439 = arith.addi %mul3A_181, %add3A_438 : i32
      %add3A_440 = arith.constant 224 : i32
      %add3A_441 = arith.addi %add3A_439, %add3A_440 : i32
      %swap3A_442 = arith.index_cast %add3A_441 : i32 to index
      %swap3A_443 = tpu.vector_load %arg8[%swap3A_442] {strides = array<i32>} : memref<3072xf32, #tpu.memory_space<vmem>>, vector<16xf32>,
      %swap3A_444 = vector.shape_cast %swap3A_443 : vector<16xf32> to vector<16xf32>
      %swap3A_445 = vector.shape_cast %div3A_437 : vector<16xf32> to vector<16xf32>
      tpu.vector_store %arg8[%swap3A_442], %swap3A_445 {strides = array<i32>} : memref<3072xf32, #tpu.memory_space<vmem>>, vector<16xf32>,
      %add3A_446 = arith.constant 512 : i32
      %add3A_447 = arith.addi %mul3A_181, %add3A_446 : i32
      %add3A_448 = arith.constant 240 : i32
      %add3A_449 = arith.addi %add3A_447, %add3A_448 : i32
      %get3A_450 = arith.index_cast %add3A_449 : i32 to index
      %get3A_451 = tpu.vector_load %arg8[%get3A_450] {strides = array<i32>} : memref<3072xf32, #tpu.memory_space<vmem>>, vector<16xf32>,
      %get3A_452 = vector.shape_cast %get3A_451 : vector<16xf32> to vector<16xf32>
      %div3A_453 = vector.broadcast %max3A_190 : f32 to vector<16xf32>
      %div3A_454 = arith.divf %get3A_452, %div3A_453 : vector<16xf32>
      %add3A_455 = arith.constant 512 : i32
      %add3A_456 = arith.addi %mul3A_181, %add3A_455 : i32
      %add3A_457 = arith.constant 240 : i32
      %add3A_458 = arith.addi %add3A_456, %add3A_457 : i32
      %swap3A_459 = arith.index_cast %add3A_458 : i32 to index
      %swap3A_460 = tpu.vector_load %arg8[%swap3A_459] {strides = array<i32>} : memref<3072xf32, #tpu.memory_space<vmem>>, vector<16xf32>,
      %swap3A_461 = vector.shape_cast %swap3A_460 : vector<16xf32> to vector<16xf32>
      %swap3A_462 = vector.shape_cast %div3A_454 : vector<16xf32> to vector<16xf32>
      tpu.vector_store %arg8[%swap3A_459], %swap3A_462 {strides = array<i32>} : memref<3072xf32, #tpu.memory_space<vmem>>, vector<16xf32>,
      %add3A_463 = arith.addi %mul3A_2, %scan3A_176 : i32
      "tpu.region"() ({
        %run_scoped3A = tpu.sem_alloc : memref<!tpu.dma_semaphore, #tpu.memory_space<semaphore_mem>>
        %dma_start3A = tpu.memref_slice %arg8[%mul3A_181] : memref<3072xf32, #tpu.memory_space<vmem>> -> memref<768xf32, #tpu.memory_space<vmem>>
        %dma_start3A_465 = arith.constant 0 : i32
        %dma_start3A_466 = tpu.memref_slice %arg4[%add3A_463, %dma_start3A_465] : memref<128x768xf32, #tpu.memory_space<hbm>> -> memref<1x768xf32, #tpu.memory_space<hbm>>
        %dma_start3A_467 = tpu.memref_squeeze %dma_start3A_466 : memref<1x768xf32, #tpu.memory_space<hbm>> -> memref<768xf32, #tpu.memory_space<hbm>>
        %dma_start3A_468 = arith.constant 0 : i32
        %dma_start3A_469 = tpu.memref_slice %arg4[%add3A_463, %dma_start3A_468] : memref<128x768xf32, #tpu.memory_space<hbm>> -> memref<1x768xf32, #tpu.memory_space<hbm>>
        %dma_start3A_470 = tpu.memref_squeeze %dma_start3A_469 : memref<1x768xf32, #tpu.memory_space<hbm>> -> memref<768xf32, #tpu.memory_space<hbm>>
        %dma_start3A_471 = tpu.memref_slice %arg8[%mul3A_181] : memref<3072xf32, #tpu.memory_space<vmem>> -> memref<768xf32, #tpu.memory_space<vmem>>
        tpu.enqueue_dma source(%dma_start3A_471 : memref<768xf32, #tpu.memory_space<vmem>>) target(%dma_start3A_470 : memref<768xf32, #tpu.memory_space<hbm>>) target_semaphore(%run_scoped3A : memref<!tpu.dma_semaphore, #tpu.memory_space<semaphore_mem>>)
        %dma_wait3A = tpu.memref_slice %arg8[%mul3A_181] : memref<3072xf32, #tpu.memory_space<vmem>> -> memref<768xf32, #tpu.memory_space<vmem>>
        %dma_wait3A_472 = arith.constant 0 : i32
        %dma_wait3A_473 = tpu.memref_slice %arg4[%add3A_463, %dma_wait3A_472] : memref<128x768xf32, #tpu.memory_space<hbm>> -> memref<1x768xf32, #tpu.memory_space<hbm>>
        %dma_wait3A_474 = tpu.memref_squeeze %dma_wait3A_473 : memref<1x768xf32, #tpu.memory_space<hbm>> -> memref<768xf32, #tpu.memory_space<hbm>>
        %dma_wait3A_475 = arith.constant 0 : i32
        %dma_wait3A_476 = tpu.memref_slice %arg4[%add3A_463, %dma_wait3A_475] : memref<128x768xf32, #tpu.memory_space<hbm>> -> memref<1x768xf32, #tpu.memory_space<hbm>>
        %dma_wait3A_477 = tpu.memref_squeeze %dma_wait3A_476 : memref<1x768xf32, #tpu.memory_space<hbm>> -> memref<768xf32, #tpu.memory_space<hbm>>
        %dma_wait3A_478 = tpu.memref_slice %arg8[%mul3A_181] : memref<3072xf32, #tpu.memory_space<vmem>> -> memref<768xf32, #tpu.memory_space<vmem>>
        tpu.wait_dma2 semaphore(%run_scoped3A : memref<!tpu.dma_semaphore, #tpu.memory_space<semaphore_mem>>) src(%dma_wait3A_478 : memref<768xf32, #tpu.memory_space<vmem>>) dst(%dma_wait3A_477 : memref<768xf32, #tpu.memory_space<hbm>>)
        tpu.yield
      }) : () -> ()
      %scan3A_464 = arith.constant 0 : i32
      scf.yield %scan3A_464 : i32
    }
    %scan3A_175 = arith.constant 4 : i32
    return
  }
}

module attributes {stable_mosaic.version = 14 : i64} {
  func.func @_mm_kernel(%arg0: memref<128x768xf32, #tpu.memory_space<vmem>>, %arg1: memref<768x256xf32, #tpu.memory_space<vmem>>, %arg2: memref<1x256xf32, #tpu.memory_space<vmem>>, %arg3: memref<128x256xf32, #tpu.memory_space<vmem>>) attributes {dimension_semantics = [], scalar_prefetch = 0 : i64, scratch_operands = 0 : i64, tpu.core_type = #tpu.core_type<tc>} {
    %get3A = arith.constant 0 : index
    %get3A_0 = arith.constant 0 : index
    %get3A_1 = vector.load %arg0[%get3A, %get3A_0] : memref<128x768xf32, #tpu.memory_space<vmem>>, vector<128x768xf32>
    %get3A_2 = arith.constant 0 : index
    %get3A_3 = arith.constant 0 : index
    %get3A_4 = vector.load %arg1[%get3A_2, %get3A_3] : memref<768x256xf32, #tpu.memory_space<vmem>>, vector<768x256xf32>
    %dot_general3A = arith.constant dense<0.000000e+00> : vector<128x256xf32>
    %dot_general3A_5 = tpu.matmul %get3A_1, %get3A_4, %dot_general3A {dimension_numbers = #tpu.dot_dimension_numbers<[1], [0], [0], [1], [0, 0, 1, 1], [], []>, transpose_lhs_hint = false} : vector<128x768xf32>, vector<768x256xf32>, vector<128x256xf32> -> vector<128x256xf32>
    %get3A_6 = arith.constant 0 : index
    %get3A_7 = arith.constant 0 : index
    %get3A_8 = vector.load %arg2[%get3A_6, %get3A_7] : memref<1x256xf32, #tpu.memory_space<vmem>>, vector<1x256xf32>
    %add3A = vector.broadcast %get3A_8 : vector<1x256xf32> to vector<128x256xf32>
    %add3A_9 = arith.addf %dot_general3A_5, %add3A : vector<128x256xf32>
    %swap3A = arith.constant 0 : index
    %swap3A_10 = arith.constant 0 : index
    %swap3A_11 = vector.load %arg3[%swap3A, %swap3A_10] : memref<128x256xf32, #tpu.memory_space<vmem>>, vector<128x256xf32>
    tpu.vector_store %arg3[%swap3A, %swap3A_10], %add3A_9 {strides = array<i32>} : memref<128x256xf32, #tpu.memory_space<vmem>>, vector<128x256xf32>,
    return
  }
}

</mosaic_0001>

<sc_bundles>
// kernel: kernel.4.cloned.1.call-start
scs
__scs_entry_jumppad:
0x0: {  	(pc) =	sbr.rel $0x88, $3  }
0x1: {  	(tag) =	ssettag $0x0;
	lr =	simm.s32 $0x1  }
0x2: {  	[smem:$0x3F9D] =	sst lr;
	_ =	strace $0xD0000000  }
0x3: {  	_ = 	snop  }
0x4: {  	_ = 	snop  }
0x5: {  	_ = 	snop  }
0x6: {  	_ = 	snop  }
0x7: {  	_ = 	snop  }
__scs_overlays_trampoline_lowered:
0x8: {  	[smem:$0x3FAC] =	sst s0  }
0x9: {  	[smem:$0x3FAD] =	sst s1  }
0xa: {  	[smem:$0x3FAE] =	sst s2  }
0xb: {  	[smem:$0x3FAF] =	sst s3  }
0xc: {  	[smem:$0x3FB0] =	sst s4  }
0xd: {  	[smem:$0x3FB1] =	sst s5  }
0xe: {  	[smem:$0x3FB2] =	sst s6  }
0xf: {  	[smem:$0x3FB3] =	sst s7  }
0x10: {  	[smem:$0x3FB4] =	sst s8  }
0x11: {  	[smem:$0x3FB5] =	sst s9;
	s0 =	simm.s32 @!p0 $0x0  }
0x12: {  	s1 =	sld [smem:$0x3F9B];
	s0 =	simm.s32 @p0 $0x1  }
0x13: {  	[smem:$0x3FB6] =	sst s0;
	s0 =	simm.s32 @!p1 $0x0  }
0x14: {  	s2 =	sld [smem:$0x3F9A];
	s0 =	simm.s32 @p1 $0x1  }
0x15: {  	[smem:$0x3FB7] =	sst s0;
	s0 =	simm.s32 @!p2 $0x0  }
0x16: {  	s3 =	sld [smem:$0x3FDB];
	s0 =	simm.s32 @p2 $0x1  }
0x17: {  	s4 =	simm.s32 $0x1BF5;
	[smem:$0x3FB9] =	sst s0  }
0x18: {  	s0 =	sld [smem:$0x3F9C];
	_ =	swait.ge [sflag:s4], $0x0  }
0x19: {  	s7 =	sld [smem:$0x3F9D]  }
0x1a: {  	s8 =	sadd.s32 $0xFFFFE003, lr  }
0x1b: {  	s9 =	sadd.s32 $0xFFFFFEF7, lr;
	s5 =	simm.s32 $0xFFFFFFFF;
	p2 =	slt.u32 s8, $0xFFFFF086  }
0x1c: {  	p1 =	slt.u32 s9, $0xF7A;
	s5 =	simm.s32 @!p2 $0x0  }
0x1d: {  	s5 =	simm.s32 @p1 $0x1;
	p0 =	seq.s32 s7, s2  }
0x1e: {  	s7 =	smul.u32 @!p0 $0xF7A, s2;
	p2 =	seq.s32 @!p0 s5, $0x0  }
0x1f: {  	s9 =	smul.u32 $0xF7A, s1;
	s8 =	simm.s32 @!p0 $0x1BF5;
	p2 =	por !p2, p0  }
0x20: {  	[sflag:s8] =	ssyncset.s32 @!p0 $0xFFFFF086;
	s6 =	sadd.s32 @!p0 s3, s7;
	s7 =	simm.s32 @!p0 $0x108  }
0x21: {  	s3 =	sadd.s32 s3, s9;
	s6 =	sadd.s32 @!p0 $0x88, s6;
	s7 =	simm.s32 @p2 $0x1082  }
0x22: {  	[simem:s7], [sflag:s8] =	dma.local @!p0 [hbm:s6], $0xF7A  }
0x23: {  	s9 =	sor.u32 $0xD0000000, s2;
	s6 =	simm.s32 $0x108;
	_ =	swait.ge @!p0 [sflag:s8], $0x0  }
0x24: {  	s3 =	sadd.s32 $0x88, s3;
	s6 =	simm.s32 @!p1 $0x1082;
	[sflag:s4] =	ssyncset.s32 $0xFFFFF086  }
0x25: {  	[simem:s6], [sflag:s4] =	dma.local [hbm:s3], $0xF7A  }
0x26: {  	[smem:$0x3F9D] =	sst s1;
	(tag) =	ssettag s2;
	_ =	strace s9  }
0x27: {  	s1 =	sld [smem:$0x3FAD]  }
0x28: {  	s2 =	sld [smem:$0x3FAE]  }
0x29: {  	s4 =	sld [smem:$0x3FB0]  }
0x2a: {  	p0 =	seq.s32 s5, $0x0;
	s5 =	sld [smem:$0x3FB1]  }
0x2b: {  	s6 =	sld [smem:$0x3FB2]  }
0x2c: {  	s7 =	sld [smem:$0x3FB3]  }
0x2d: {  	s3 =	simm.s32 $0x108;
	s8 =	sld [smem:$0x3FB4]  }
0x2e: {  	s3 =	simm.s32 @!p0 $0x1082;
	s9 =	sld [smem:$0x3FB5]  }
0x2f: {  	lr =	sadd.s32 s0, s3;
	s0 =	sld [smem:$0x3FAC]  }
0x30: {  	s3 =	sld [smem:$0x3FAF]  }
0x31: {  	[smem:$0x3FB8] =	sst s10  }
0x32: {  	s10 =	sld [smem:$0x3FB6];
	_ =	sdelay $0x3  }
0x33: {  	p0 =	seq.s32 s10, $0x1;
	s10 =	sld [smem:$0x3FB8];
	_ =	sdelay $0x3  }
0x34: {  	[smem:$0x3FB8] =	sst s10  }
0x35: {  	s10 =	sld [smem:$0x3FB7];
	_ =	sdelay $0x3  }
0x36: {  	p1 =	seq.s32 s10, $0x1;
	s10 =	sld [smem:$0x3FB8];
	_ =	sdelay $0x3  }
0x37: {  	[smem:$0x3FB8] =	sst s10  }
0x38: {  	s10 =	sld [smem:$0x3FB9]  }
0x39: {  	_ = 	snop;
	(pc) =	sbr.ind lr, $3  }
0x3a: {  	_ = 	snop  }
0x3b: {  	_ = 	snop  }
0x3c: {  	p2 =	seq.s32 s10, $0x1;
	s10 =	sld [smem:$0x3FB8]  }
0x3d: {  	_ =	shalt  }
0x3e: {  	_ =	shalt  }
0x3f: {  	_ =	shalt  }
0x40: {  	_ =	shalt  }
0x41: {  	_ =	shalt  }
0x42: {  	_ =	shalt  }
0x43: {  	_ =	shalt  }
0x44: {  	_ =	shalt  }
0x45: {  	_ =	shalt  }
0x46: {  	_ =	shalt  }
0x47: {  	_ =	shalt  }
0x48: {  	_ =	shalt  }
0x49: {  	_ =	shalt  }
0x4a: {  	_ =	shalt  }
0x4b: {  	_ =	shalt  }
0x4c: {  	_ =	shalt  }
0x4d: {  	_ =	shalt  }
0x4e: {  	_ =	shalt  }
0x4f: {  	_ =	shalt  }
0x50: {  	_ =	shalt  }
0x51: {  	_ =	shalt  }
0x52: {  	_ =	shalt  }
0x53: {  	_ =	shalt  }
0x54: {  	_ =	shalt  }
0x55: {  	_ =	shalt  }
0x56: {  	_ =	shalt  }
0x57: {  	_ =	shalt  }
0x58: {  	_ =	shalt  }
0x59: {  	_ =	shalt  }
0x5a: {  	_ =	shalt  }
0x5b: {  	_ =	shalt  }
0x5c: {  	_ =	shalt  }
0x5d: {  	_ =	shalt  }
0x5e: {  	_ =	shalt  }
0x5f: {  	_ =	shalt  }
0x60: {  	_ =	shalt  }
0x61: {  	_ =	shalt  }
0x62: {  	_ =	shalt  }
0x63: {  	_ =	shalt  }
0x64: {  	_ =	shalt  }
0x65: {  	_ =	shalt  }
0x66: {  	_ =	shalt  }
0x67: {  	_ =	shalt  }
0x68: {  	_ =	shalt  }
0x69: {  	_ =	shalt  }
0x6a: {  	_ =	shalt  }
0x6b: {  	_ =	shalt  }
0x6c: {  	_ =	shalt  }
0x6d: {  	_ =	shalt  }
0x6e: {  	_ =	shalt  }
0x6f: {  	_ =	shalt  }
0x70: {  	_ =	shalt  }
0x71: {  	_ =	shalt  }
0x72: {  	_ =	shalt  }
0x73: {  	_ =	shalt  }
0x74: {  	_ =	shalt  }
0x75: {  	_ =	shalt  }
0x76: {  	_ =	shalt  }
0x77: {  	_ =	shalt  }
0x78: {  	_ =	shalt  }
0x79: {  	_ =	shalt  }
0x7a: {  	_ =	shalt  }
0x7b: {  	_ =	shalt  }
0x7c: {  	_ =	shalt  }
0x7d: {  	_ =	shalt  }
0x7e: {  	_ =	shalt  }
0x7f: {  	_ =	shalt  }
0x80: {  	_ =	shalt  }
0x81: {  	_ =	shalt  }
0x82: {  	_ =	shalt  }
0x83: {  	_ =	shalt  }
0x84: {  	_ =	shalt  }
0x85: {  	_ =	shalt  }
0x86: {  	_ =	shalt  }
0x87: {  	_ =	shalt  }
.Lfunc_end0:
.L_simem_size_0:
called_computation_lowered:
.L_overlay_start_0:
0x88: {  	s2 =	sld [smem:$0x3FD9]  }
0x89: {  	s3 =	sld [smem:$0x3FFE];
	_ =	sdelay $0x1  }
0x8a: {  	s1 =	srdreg.scid  }
0x8b: {  	s0 =	sand.u32 $0x1, s1  }
0x8c: {  	s17 =	sshll.u32 s0, $0xA;
	s2 =	sadd.s32 s3, s2  }
0x8d: {  	s2 =	sadd.s32 s2, s17  }
0x8e: {  	[smem:$0x3FC4] =	sst s2  }
0x8f: {  	_ = 	snop  }
0x90: {  	s2 =	sld [smem:$0x3FC9]  }
0x91: {  	s18 =	sld [smem:$0x3FC8];
	(tm) =	ssettm $0x1  }
0x92: {  	s4 =	sld [smem:$0x3FFB];
	_ =	sdelay $0x3  }
0x93: {  	_ =	strace s4  }
0x94: {  	s4 =	sld [smem:$0x3FFC];
	_ =	sdelay $0x3  }
0x95: {  	_ =	strace s4  }
0x96: {  	s4 =	sld [smem:$0x3FFD];
	_ =	sdelay $0x3  }
0x97: {  	_ =	strace s4  }
0x98: {  	_ =	strace $0x8FFFFFFF  }
0x99: {  	s19 =	sld [smem:$0x3FDB];
	_ =	sdelay $0x1  }
0x9a: {  	s5 =	simm.s32 $_scs_section_size  }
0x9b: {  	s6 =	simm.s32 $_size__tile_overlayer_lowered;
	s7 =	simm.s32 $_tile_overlayer_lowered  }
0x9c: {  	s22 =	simm.s32 $0x1BFF;
	s21 =	sshll.u32 s7, $0x1;
	s4 =	sadd.s32 s5, s19  }
0x9d: {  	s8 =	simm.s32 $0x0;
	s20 =	sshll.u32 s6, $0x1;
	s6 =	sadd.s32 s21, s4  }
0x9e: {  	[timem:s8], [sflag:s22] =	dma.local [hbm:s6], s20  }
0x9f: {  	_ =	swait.ge [sflag:s22], s20  }
0xa0: {  	s5 =	ssub.s32 $0x0, s20;
	[sflag:s22] =	ssyncset.done $0x0  }
0xa1: {  	[sflag:s22] =	ssyncadd.s32 s5;
	_ =	sdelay $0x1  }
0xa2: {  	s23 =	simm.s32 $0x1B8B  }
0xa3: {  	_ =	swait.ge [sflag:s23], $0x1  }
0xa4: {  	[sflag:s23] =	ssyncset.done $0x0  }
0xa5: {  	s25 =	simm.s32 $0x1B8E;
	s24 =	sld [smem:$0x3FFE];
	[sflag:s23] =	ssyncadd.s32 $0xFFFFFFFF  }
0xa6: {  	s26 =	simm.s32 $execute0_lowered;
	[smem:$0x3FD2] =	sst s25  }
0xa7: {  	s6 =	sshll.u32 s26, $0x1;
	_ =	strace $0x80000046;
	[dreg:$0x1] =	wrdreg $0xFFFFFFFF  }
0xa8: {  	s28 =	simm.s32 $_size_execute0_lowered;
	s4 =	sadd.s32 s4, s6;
	[dreg:$0x0] =	wrdreg $0x0  }
0xa9: {  	s6 =	sshll.u32 s28, $0x1;
	[dreg:$0x2] =	wrdreg s4  }
0xaa: {  	[dreg:$0x3] =	wrdreg s6  }
0xab: {  	[dreg:$0x4] =	wrdreg $0xC0  }
0xac: {  	_ =	task [dreg:s8], $0x5FFFF  }
0xad: {  	[dreg:$0x1] =	wrdreg $0xFFFFFFFF  }
0xae: {  	[dreg:$0x0] =	wrdreg $0x60  }
0xaf: {  	[dreg:$0x2] =	wrdreg s2  }
0xb0: {  	[dreg:$0x3] =	wrdreg s18  }
0xb1: {  	[dreg:$0x4] =	wrdreg s24  }
0xb2: {  	[dreg:$0x5] =	wrdreg $0x9  }
0xb3: {  	_ =	task.clear_ibuf [dreg:s8], $0x6FFFF;
	_ =	strace $0x90000046  }
0xb4: {  	s29 =	simm.s32 $0x9;
	_ =	strace $0x80000048  }
0xb5: {  	_ =	swait.ge [sflag:s29], $0x1  }
0xb6: {  	[sflag:s29] =	ssyncadd.s32 $0xFFFFFFFF  }
0xb7: {  	_ =	strace $0x90000048  }
0xb8: {  	_ =	sfence  }
0xb9: {  	s30 =	sld [smem:$0x0];
	_ =	sdelay $0x2  }
0xba: {  	s31 =	sshll.u32 s1, $0xD;
	s1 =	sshrl.u32 s1, $0x2  }
0xbb: {  	s3 =	sand.u32 $0x4000, s31;
	s1 =	sadd.s32 s1, s30  }
0xbc: {  	s0 =	sor.u32 s3, s0;
	s1 =	sshll.u32 s1, $0x11  }
0xbd: {  	s0 =	sor.u32 s1, s0  }
0xbe: {  	s0 =	sadd.s32 $0x8F2B, s0  }
0xbf: {  	[sflag:s0] =	ssyncadd.remote.s32 $0x1  }
0xc0: {  	_ =	sfence.sel $0xFFFF  }
0xc1: {  	[dreg:$0x0] =	wrdreg $0xFFFFFFFF;
	(pc) =	sbr.abs _section_cstart, $3  }
0xc2: {  	[dreg:$0x1] =	wrdreg $0xFFFFFFFF  }
0xc3: {  	_ =	task.clear_ibuf [dreg:s8], $0x2FFFF;
	_ =	strace $0x9FFFFFFF  }
0xc4: {  	(tm) =	ssettm $0x7FFFFFFF  }
0xc5: {  	_ =	shalt  }
tec
execute0_lowered:
.L_overlay_start_1:
0x0: {  	(tag) =	ssettag $0x1  }
0x1: {  	s19 =	rddreg [dreg:$0x0];
	s0 =	srdreg.scid  }
0x2: {  	s4 =	stileid.u32;
	s1 =	rddreg [dreg:$0x2];
	s5 =	simm.s32 $0x0  }
0x3: {  	s11 =	simm.s32 $0x3;
	s14 =	simm.s32 $0x80;
	s15 =	simm.s32 $0x400  }
0x4: {  	s0 =	sand.u32 $0x1, s0;
	s2 =	smul.u32 $0x1800, s4;
	[smem:$0x7FF] =	sst s5  }
0x5: {  	s4 =	sshll.u32 s4, $0x3;
	s3 =	sshll.u32 s0, $0x9;
	_ =	strace $0x80000047  }
0x6: {  	s29 =	ssub.s32 $0x2, s0;
	s0 =	sshll.u32 s0, $0x2;
	s2 =	sor.u32 s3, s2  }
0x7: {  	s30 =	sshrl.u32 s29, $0x1;
	s5 =	sor.u32 s0, s4;
	s2 =	sshrl.u32 s2, $0x3  }
0x8: {  	s31 =	ssub.s32 s29, s30;
	s6 =	sor.u32 $0x2, s5;
	s7 =	sor.u32 $0x3, s5  }
0x9: {  	v0 =	vimm.s32 $0x80;
	s8 =	sadd.s32 $0x4, s5;
	s1 =	sadd.s32 s2, s1;
	s0 =	smax.u32 s31, $0x1  }
0xa: {  	v1 =	vimm.f32 $-Inf;
	v2 =	vimm.f32 $+Inf;
	v3 =	vimm.f32 $0.0e+00;
	[dreg:$0x4] =	wrdreg s0;
	s10 =	sadd.s32 $0xA00, s1;
	s1 =	simm.s32 $0x0  }
.LBB2_1:
0xb: {  	[dreg:$0x5] =	wrdreg s1  }
0xc: {  	s0 =	rddreg [dreg:$0x1];
	s31 =	simm.s32 $0x0  }
0xd: {  	[tilespmem:s31], [sflag:$0x3] =	stream.linear.gather [hbm4b:s0+s31], $0xC350, $0x38;
	[tilespmem:$0x1EF80] =	vst v63  }
0xe: {  	_ =	swait.ge [sflag:s11], $0xC350  }
0xf: {  	[sflag:s11] =	ssyncset.done $0x0  }
0x10: {  	s1 =	simm.s32 $0xC350;
	[sflag:s11] =	ssyncadd.s32 $0xFFFF3CB0  }
0x11: {  	s2 =	simm.s32 $0xC350;
	s17 =	simm.s32 $0x0;
	s0 =	simm.s32 $0xF;
	[tilespmem:$0xC350] =	vst v0  }
.LBB2_2:
0x12: {  	s3 =	smov.u32 s1  }
0x13: {  	p0 =	sne.s32 s0, $0x1;
	s1 =	sand.u32 $0x1, s2  }
0x14: {  	p1 =	slt.s32 s2, $0x1;
	p2 =	seq.s32 s1, $0x1  }
0x15: {  	s1 =	sshrl.u32 s2, $0x1F;
	p1 =	por !p1, !p2  }
0x16: {  	s1 =	sadd.s32 s1, s2;
	s2 =	simm.s32 $0x1;
	p1 =	por !p1, !p1  }
0x17: {  	s1 =	sshra.s32 s1, $0x1;
	s2 =	simm.s32 @!p1 $0x0  }
0x18: {  	s1 =	ssub.s32 s1, s2  }
0x19: {  	v4 =	vld [tilespmem:s1+$0x0];
	_ =	sdelay $0x4  }
0x1a: {  	(v2sf) =	vpush v4, $0x0;
	_ =	sdelay $0xd  }
.Ltmp0:
0x1b: {  	(pc) =	sbr.rel @p0 .LBB2_2-.Ltmp0, $4  }
0x1c: {  	s2 =	spop (v2sf)  }
0x1d: {  	p1 =	slt.s32 s2, s5;
	s2 =	sadd.s32 $0x1, s1  }
0x1e: {  	s17 =	smov.u32 @p1 s2;
	s1 =	smov.u32 @p1 s3  }
0x1f: {  	s0 =	sadd.s32 $0xFFFFFFFF, s0;
	s2 =	sadd.s32 s17, s1  }
0x20: {  	s0 =	sand.u32 $0x1, s2  }
0x21: {  	p0 =	slt.s32 s2, $0x1;
	p1 =	seq.s32 s0, $0x1  }
0x22: {  	s30 =	sshrl.u32 s2, $0x1F;
	p0 =	por !p0, !p1  }
0x23: {  	s1 =	simm.s32 $0x1;
	s0 =	sadd.s32 s30, s2;
	p0 =	por !p0, !p0  }
0x24: {  	s0 =	sshra.s32 s0, $0x1;
	s1 =	simm.s32 @!p0 $0x0  }
0x25: {  	s0 =	ssub.s32 s0, s1  }
0x26: {  	v4 =	vld [tilespmem:s0+$0x0];
	_ =	sdelay $0x4  }
0x27: {  	(v2sf) =	vpush v4, $0x0;
	_ =	sdelay $0xe  }
0x28: {  	s31 =	spop (v2sf)  }
0x29: {  	s0 =	sadd.s32 $0x1, s0;
	p0 =	slt.s32 s31, s5  }
0x2a: {  	s3 =	simm.s32 $0xC350;
	s2 =	simm.s32 $0xF;
	s17 =	smov.u32 @p0 s0  }
0x2b: {  	s1 =	simm.s32 $0x0;
	s0 =	simm.s32 $0xC350;
	[smem:$0x0] =	sst s17  }
.LBB2_4:
0x2c: {  	s4 =	smov.u32 s1  }
0x2d: {  	p0 =	sne.s32 s2, $0x1;
	s1 =	sand.u32 $0x1, s3  }
0x2e: {  	p1 =	slt.s32 s3, $0x1;
	p2 =	seq.s32 s1, $0x1  }
0x2f: {  	s1 =	sshrl.u32 s3, $0x1F;
	p1 =	por !p1, !p2  }
0x30: {  	s1 =	sadd.s32 s1, s3;
	s3 =	simm.s32 $0x1;
	p1 =	por !p1, !p1  }
0x31: {  	s1 =	sshra.s32 s1, $0x1;
	s3 =	simm.s32 @!p1 $0x0  }
0x32: {  	s3 =	ssub.s32 s1, s3  }
0x33: {  	v4 =	vld [tilespmem:s3+$0x0];
	_ =	sdelay $0x4  }
0x34: {  	(v2sf) =	vpush v4, $0x0;
	_ =	sdelay $0xd  }
.Ltmp1:
0x35: {  	(pc) =	sbr.rel @p0 .LBB2_4-.Ltmp1, $4  }
0x36: {  	s1 =	spop (v2sf)  }
0x37: {  	p1 =	sgt.s32 s1, s5;
	s1 =	sadd.s32 $0x1, s3  }
0x38: {  	s1 =	smov.u32 @p1 s4;
	s0 =	smov.u32 @p1 s3  }
0x39: {  	s2 =	sadd.s32 $0xFFFFFFFF, s2;
	s3 =	sadd.s32 s1, s0  }
0x3a: {  	s0 =	sand.u32 $0x1, s3  }
0x3b: {  	p0 =	slt.s32 s3, $0x1;
	p1 =	seq.s32 s0, $0x1  }
0x3c: {  	s30 =	sshrl.u32 s3, $0x1F;
	p0 =	por !p0, !p1  }
0x3d: {  	s2 =	simm.s32 $0x1;
	s0 =	sadd.s32 s30, s3;
	p0 =	por !p0, !p0  }
0x3e: {  	s0 =	sshra.s32 s0, $0x1;
	s2 =	simm.s32 @!p0 $0x0  }
0x3f: {  	s0 =	ssub.s32 s0, s2  }
0x40: {  	v4 =	vld [tilespmem:s0+$0x0];
	_ =	sdelay $0x4  }
0x41: {  	(v2sf) =	vpush v4, $0x0;
	_ =	sdelay $0xe  }
0x42: {  	s31 =	spop (v2sf)  }
0x43: {  	s0 =	sadd.s32 $0x1, s0;
	p0 =	sgt.s32 s31, s5  }
0x44: {  	s3 =	simm.s32 $0xC350;
	s2 =	simm.s32 $0xF;
	s0 =	smov.u32 @p0 s1  }
0x45: {  	s1 =	simm.s32 $0xC350;
	[smem:$0x1] =	sst s0;
	s0 =	simm.s32 $0x0  }
.LBB2_6:
0x46: {  	s4 =	smov.u32 s1  }
0x47: {  	p0 =	sne.s32 s2, $0x1;
	s1 =	sand.u32 $0x1, s3  }
0x48: {  	p1 =	slt.s32 s3, $0x1;
	p2 =	seq.s32 s1, $0x1  }
0x49: {  	s1 =	sshrl.u32 s3, $0x1F;
	p1 =	por !p1, !p2  }
0x4a: {  	s1 =	sadd.s32 s1, s3;
	s3 =	simm.s32 $0x1;
	p1 =	por !p1, !p1  }
0x4b: {  	s1 =	sshra.s32 s1, $0x1;
	s3 =	simm.s32 @!p1 $0x0  }
0x4c: {  	s1 =	ssub.s32 s1, s3  }
0x4d: {  	v4 =	vld [tilespmem:s1+$0x0];
	_ =	sdelay $0x4  }
0x4e: {  	(v2sf) =	vpush v4, $0x0;
	_ =	sdelay $0xd  }
.Ltmp2:
0x4f: {  	(pc) =	sbr.rel @p0 .LBB2_6-.Ltmp2, $4  }
0x50: {  	s3 =	spop (v2sf)  }
0x51: {  	p1 =	slt.s32 s3, s6;
	s3 =	sadd.s32 $0x1, s1  }
0x52: {  	s0 =	smov.u32 @p1 s3;
	s1 =	smov.u32 @p1 s4  }
0x53: {  	s2 =	sadd.s32 $0xFFFFFFFF, s2;
	s3 =	sadd.s32 s0, s1  }
0x54: {  	s1 =	sand.u32 $0x1, s3  }
0x55: {  	p0 =	slt.s32 s3, $0x1;
	p1 =	seq.s32 s1, $0x1  }
0x56: {  	s30 =	sshrl.u32 s3, $0x1F;
	p0 =	por !p0, !p1  }
0x57: {  	s2 =	simm.s32 $0x1;
	s1 =	sadd.s32 s30, s3;
	p0 =	por !p0, !p0  }
0x58: {  	s1 =	sshra.s32 s1, $0x1;
	s2 =	simm.s32 @!p0 $0x0  }
0x59: {  	s1 =	ssub.s32 s1, s2  }
0x5a: {  	v4 =	vld [tilespmem:s1+$0x0];
	_ =	sdelay $0x4  }
0x5b: {  	(v2sf) =	vpush v4, $0x0;
	_ =	sdelay $0xe  }
0x5c: {  	s31 =	spop (v2sf)  }
0x5d: {  	s1 =	sadd.s32 $0x1, s1;
	p0 =	slt.s32 s31, s6  }
0x5e: {  	s3 =	simm.s32 $0xC350;
	s2 =	simm.s32 $0xF;
	s0 =	smov.u32 @p0 s1  }
0x5f: {  	s1 =	simm.s32 $0xC350;
	[smem:$0x2] =	sst s0;
	s0 =	simm.s32 $0x0  }
.LBB2_8:
0x60: {  	s4 =	smov.u32 s1  }
0x61: {  	p0 =	sne.s32 s2, $0x1;
	s1 =	sand.u32 $0x1, s3  }
0x62: {  	p1 =	slt.s32 s3, $0x1;
	p2 =	seq.s32 s1, $0x1  }
0x63: {  	s1 =	sshrl.u32 s3, $0x1F;
	p1 =	por !p1, !p2  }
0x64: {  	s1 =	sadd.s32 s1, s3;
	s3 =	simm.s32 $0x1;
	p1 =	por !p1, !p1  }
0x65: {  	s1 =	sshra.s32 s1, $0x1;
	s3 =	simm.s32 @!p1 $0x0  }
0x66: {  	s1 =	ssub.s32 s1, s3  }
0x67: {  	v4 =	vld [tilespmem:s1+$0x0];
	_ =	sdelay $0x4  }
0x68: {  	(v2sf) =	vpush v4, $0x0;
	_ =	sdelay $0xd  }
.Ltmp3:
0x69: {  	(pc) =	sbr.rel @p0 .LBB2_8-.Ltmp3, $4  }
0x6a: {  	s3 =	spop (v2sf)  }
0x6b: {  	p1 =	slt.s32 s3, s7;
	s3 =	sadd.s32 $0x1, s1  }
0x6c: {  	s0 =	smov.u32 @p1 s3;
	s1 =	smov.u32 @p1 s4  }
0x6d: {  	s2 =	sadd.s32 $0xFFFFFFFF, s2;
	s3 =	sadd.s32 s0, s1  }
0x6e: {  	s1 =	sand.u32 $0x1, s3  }
0x6f: {  	p0 =	slt.s32 s3, $0x1;
	p1 =	seq.s32 s1, $0x1  }
0x70: {  	s30 =	sshrl.u32 s3, $0x1F;
	p0 =	por !p0, !p1  }
0x71: {  	s2 =	simm.s32 $0x1;
	s1 =	sadd.s32 s30, s3;
	p0 =	por !p0, !p0  }
0x72: {  	s1 =	sshra.s32 s1, $0x1;
	s2 =	simm.s32 @!p0 $0x0  }
0x73: {  	s1 =	ssub.s32 s1, s2  }
0x74: {  	v4 =	vld [tilespmem:s1+$0x0];
	_ =	sdelay $0x4  }
0x75: {  	(v2sf) =	vpush v4, $0x0;
	_ =	sdelay $0xe  }
0x76: {  	s31 =	spop (v2sf)  }
0x77: {  	s1 =	sadd.s32 $0x1, s1;
	p0 =	slt.s32 s31, s7  }
0x78: {  	s3 =	simm.s32 $0xC350;
	s2 =	simm.s32 $0xF;
	s0 =	smov.u32 @p0 s1  }
0x79: {  	s1 =	simm.s32 $0xC350;
	[smem:$0x3] =	sst s0;
	s0 =	simm.s32 $0x0  }
.LBB2_10:
0x7a: {  	s4 =	smov.u32 s1  }
0x7b: {  	p0 =	sne.s32 s2, $0x1;
	s1 =	sand.u32 $0x1, s3  }
0x7c: {  	p1 =	slt.s32 s3, $0x1;
	p2 =	seq.s32 s1, $0x1  }
0x7d: {  	s1 =	sshrl.u32 s3, $0x1F;
	p1 =	por !p1, !p2  }
0x7e: {  	s1 =	sadd.s32 s1, s3;
	s3 =	simm.s32 $0x1;
	p1 =	por !p1, !p1  }
0x7f: {  	s1 =	sshra.s32 s1, $0x1;
	s3 =	simm.s32 @!p1 $0x0  }
0x80: {  	s1 =	ssub.s32 s1, s3  }
0x81: {  	v4 =	vld [tilespmem:s1+$0x0];
	_ =	sdelay $0x4  }
0x82: {  	(v2sf) =	vpush v4, $0x0;
	_ =	sdelay $0xd  }
.Ltmp4:
0x83: {  	(pc) =	sbr.rel @p0 .LBB2_10-.Ltmp4, $4  }
0x84: {  	s3 =	spop (v2sf)  }
0x85: {  	p1 =	slt.s32 s3, s8;
	s3 =	sadd.s32 $0x1, s1  }
0x86: {  	s0 =	smov.u32 @p1 s3;
	s1 =	smov.u32 @p1 s4  }
0x87: {  	s2 =	sadd.s32 $0xFFFFFFFF, s2;
	s3 =	sadd.s32 s0, s1  }
0x88: {  	s1 =	sand.u32 $0x1, s3  }
0x89: {  	p0 =	slt.s32 s3, $0x1;
	p1 =	seq.s32 s1, $0x1  }
0x8a: {  	s30 =	sshrl.u32 s3, $0x1F;
	p0 =	por !p0, !p1  }
0x8b: {  	s2 =	simm.s32 $0x1;
	s1 =	sadd.s32 s30, s3;
	p0 =	por !p0, !p0  }
0x8c: {  	s1 =	sshra.s32 s1, $0x1;
	s2 =	simm.s32 @!p0 $0x0  }
0x8d: {  	s1 =	ssub.s32 s1, s2  }
0x8e: {  	v4 =	vld [tilespmem:s1+$0x0];
	_ =	sdelay $0x4  }
0x8f: {  	(v2sf) =	vpush v4, $0x0;
	_ =	sdelay $0xe  }
0x90: {  	s31 =	spop (v2sf)  }
0x91: {  	s1 =	sadd.s32 $0x1, s1;
	p0 =	slt.s32 s31, s8  }
0x92: {  	s0 =	smov.u32 @p0 s1  }
0x93: {  	s3 =	simm.s32 $0xC00;
	s2 =	simm.s32 $0x0;
	[smem:$0x4] =	sst s0  }
.LBB2_12:
0x94: {  	p0 =	sne.s32 s3, $0x2400;
	[tilespmem:s2+$0x1E670] =	vst v3  }
0x95: {  	[tilespmem:s2+$0x1E380] =	vst v1  }
0x96: {  	[tilespmem:s2+$0x1E480] =	vst v2  }
0x97: {  	[tilespmem:s2+$0x1E580] =	vst v3  }
0x98: {  	[tilespmem:s2+$0x1E390] =	vst v1  }
0x99: {  	[tilespmem:s2+$0x1E490] =	vst v2  }
0x9a: {  	[tilespmem:s2+$0x1E590] =	vst v3  }
0x9b: {  	[tilespmem:s2+$0x1E3A0] =	vst v1  }
0x9c: {  	[tilespmem:s2+$0x1E4A0] =	vst v2  }
0x9d: {  	[tilespmem:s2+$0x1E5A0] =	vst v3  }
0x9e: {  	[tilespmem:s2+$0x1E3B0] =	vst v1  }
0x9f: {  	[tilespmem:s2+$0x1E4B0] =	vst v2  }
0xa0: {  	[tilespmem:s2+$0x1E5B0] =	vst v3  }
0xa1: {  	[tilespmem:s2+$0x1E3C0] =	vst v1  }
0xa2: {  	[tilespmem:s2+$0x1E4C0] =	vst v2  }
0xa3: {  	[tilespmem:s2+$0x1E5C0] =	vst v3  }
0xa4: {  	[tilespmem:s2+$0x1E3D0] =	vst v1  }
0xa5: {  	[tilespmem:s2+$0x1E4D0] =	vst v2  }
0xa6: {  	[tilespmem:s2+$0x1E5D0] =	vst v3  }
0xa7: {  	[tilespmem:s2+$0x1E3E0] =	vst v1  }
0xa8: {  	[tilespmem:s2+$0x1E4E0] =	vst v2  }
0xa9: {  	[tilespmem:s2+$0x1E5E0] =	vst v3  }
0xaa: {  	[tilespmem:s2+$0x1E3F0] =	vst v1  }
0xab: {  	[tilespmem:s2+$0x1E4F0] =	vst v2  }
0xac: {  	[tilespmem:s2+$0x1E5F0] =	vst v3  }
0xad: {  	[tilespmem:s2+$0x1E400] =	vst v1  }
0xae: {  	[tilespmem:s2+$0x1E500] =	vst v2  }
0xaf: {  	[tilespmem:s2+$0x1E600] =	vst v3  }
0xb0: {  	[tilespmem:s2+$0x1E410] =	vst v1  }
0xb1: {  	[tilespmem:s2+$0x1E510] =	vst v2  }
0xb2: {  	[tilespmem:s2+$0x1E610] =	vst v3  }
0xb3: {  	[tilespmem:s2+$0x1E420] =	vst v1  }
0xb4: {  	[tilespmem:s2+$0x1E520] =	vst v2  }
0xb5: {  	[tilespmem:s2+$0x1E620] =	vst v3  }
0xb6: {  	[tilespmem:s2+$0x1E430] =	vst v1  }
0xb7: {  	[tilespmem:s2+$0x1E530] =	vst v2  }
0xb8: {  	[tilespmem:s2+$0x1E630] =	vst v3  }
0xb9: {  	[tilespmem:s2+$0x1E440] =	vst v1  }
0xba: {  	[tilespmem:s2+$0x1E540] =	vst v2  }
0xbb: {  	[tilespmem:s2+$0x1E640] =	vst v3  }
0xbc: {  	[tilespmem:s2+$0x1E450] =	vst v1  }
0xbd: {  	[tilespmem:s2+$0x1E550] =	vst v2  }
0xbe: {  	[tilespmem:s2+$0x1E650] =	vst v3  }
.Ltmp5:
0xbf: {  	[tilespmem:s2+$0x1E460] =	vst v1;
	(pc) =	sbr.rel @p0 .LBB2_12-.Ltmp5, $4  }
0xc0: {  	[tilespmem:s2+$0x1E560] =	vst v2  }
0xc1: {  	[tilespmem:s2+$0x1E660] =	vst v3  }
0xc2: {  	[tilespmem:s2+$0x1E470] =	vst v1  }
0xc3: {  	[tilespmem:s2+$0x1E570] =	vst v2;
	s2 =	sshra.s32 s3, $0x2;
	s3 =	sadd.s32 $0xC00, s3  }
0xc4: {  	[tilespmem:s2+$0x1E670] =	vst v3  }
0xc5: {  	[tilespmem:s2+$0x1E380] =	vst v1  }
0xc6: {  	[tilespmem:s2+$0x1E480] =	vst v2  }
0xc7: {  	[tilespmem:s2+$0x1E580] =	vst v3  }
0xc8: {  	[tilespmem:s2+$0x1E390] =	vst v1  }
0xc9: {  	[tilespmem:s2+$0x1E490] =	vst v2  }
0xca: {  	[tilespmem:s2+$0x1E590] =	vst v3  }
0xcb: {  	[tilespmem:s2+$0x1E3A0] =	vst v1  }
0xcc: {  	[tilespmem:s2+$0x1E4A0] =	vst v2  }
0xcd: {  	[tilespmem:s2+$0x1E5A0] =	vst v3  }
0xce: {  	[tilespmem:s2+$0x1E3B0] =	vst v1  }
0xcf: {  	[tilespmem:s2+$0x1E4B0] =	vst v2  }
0xd0: {  	[tilespmem:s2+$0x1E5B0] =	vst v3  }
0xd1: {  	[tilespmem:s2+$0x1E3C0] =	vst v1  }
0xd2: {  	[tilespmem:s2+$0x1E4C0] =	vst v2  }
0xd3: {  	[tilespmem:s2+$0x1E5C0] =	vst v3  }
0xd4: {  	[tilespmem:s2+$0x1E3D0] =	vst v1  }
0xd5: {  	[tilespmem:s2+$0x1E4D0] =	vst v2  }
0xd6: {  	[tilespmem:s2+$0x1E5D0] =	vst v3  }
0xd7: {  	[tilespmem:s2+$0x1E3E0] =	vst v1  }
0xd8: {  	[tilespmem:s2+$0x1E4E0] =	vst v2;
	s1 =	sand.u32 $0x7, s17  }
0xd9: {  	[tilespmem:s2+$0x1E5E0] =	vst v3;
	s3 =	sshra.s32 s17, $0x1F;
	p0 =	slt.s32 s17, $0x1;
	p1 =	sne.s32 s1, $0x0  }
0xda: {  	[tilespmem:s2+$0x1E3F0] =	vst v1;
	s23 =	sshrl.u32 s3, $0x1D;
	p0 =	por !p0, !p1  }
0xdb: {  	[tilespmem:s2+$0x1E4F0] =	vst v2;
	s3 =	simm.s32 $0x1;
	s1 =	sadd.s32 s23, s17;
	p0 =	por !p0, !p0  }
0xdc: {  	[tilespmem:s2+$0x1E5F0] =	vst v3;
	s1 =	sshrl.u32 s1, $0x3;
	s3 =	simm.s32 @!p0 $0x0  }
0xdd: {  	[tilespmem:s2+$0x1E400] =	vst v1;
	s1 =	ssub.s32 s1, s3  }
0xde: {  	[tilespmem:s2+$0x1E500] =	vst v2;
	s30 =	sshll.u32 s1, $0x3  }
0xdf: {  	[tilespmem:s2+$0x1E600] =	vst v3;
	s0 =	ssub.s32 s0, s30  }
0xe0: {  	[tilespmem:s2+$0x1E410] =	vst v1;
	s24 =	sadd.s32 $0x8F, s0  }
0xe1: {  	[tilespmem:s2+$0x1E510] =	vst v2;
	s25 =	smulhi.u32 $0x38E38E39, s24;
	s9 =	sshra.s32 s24, $0x1F  }
0xe2: {  	[tilespmem:s2+$0x1E610] =	vst v3;
	s9 =	smul.u32 $0x38E38E39, s9  }
0xe3: {  	[tilespmem:s2+$0x1E420] =	vst v1  }
0xe4: {  	[tilespmem:s2+$0x1E520] =	vst v2;
	s3 =	sadd.s32 s9, s25  }
0xe5: {  	[tilespmem:s2+$0x1E620] =	vst v3;
	s9 =	sshrl.u32 s3, $0x1F;
	s3 =	sshra.s32 s3, $0x5  }
0xe6: {  	[tilespmem:s2+$0x1E430] =	vst v1;
	s3 =	sadd.s32 s9, s3  }
0xe7: {  	[tilespmem:s2+$0x1E530] =	vst v2;
	s9 =	smul.u32 $0xFFFFFF70, s3  }
0xe8: {  	[tilespmem:s2+$0x1E630] =	vst v3;
	s0 =	ssub.s32 $0xFFFFFF71, s0  }
0xe9: {  	[tilespmem:s2+$0x1E440] =	vst v1;
	p3 =	slt.s32 s24, $0x1;
	p4 =	sne.s32 s9, s0  }
0xea: {  	[tilespmem:s2+$0x1E540] =	vst v2;
	p0 =	por !p3, !p4  }
0xeb: {  	[tilespmem:s2+$0x1E640] =	vst v3;
	s0 =	simm.s32 $0x1;
	p0 =	por !p0, !p0  }
0xec: {  	[tilespmem:s2+$0x1E450] =	vst v1;
	s0 =	simm.s32 @!p0 $0x0  }
0xed: {  	[tilespmem:s2+$0x1E550] =	vst v2;
	s29 =	ssub.s32 s3, s0  }
0xee: {  	[tilespmem:s2+$0x1E650] =	vst v3;
	p0 =	slt.s32 s29, $0x1  }
0xef: {  	[tilespmem:s2+$0x1E460] =	vst v1;
	p1 =	slt.s32 @!p0 s30, $0xC2C0  }
0xf0: {  	[tilespmem:s2+$0x1E560] =	vst v2;
	s0 =	smov.u32 s30;
	p1 =	por !p1, p0  }
0xf1: {  	[tilespmem:s2+$0x1E660] =	vst v3;
	s26 =	sadd.s32 $0x1, s29;
	p5 =	slt.s32 s29, $0x0;
	s0 =	simm.s32 @p1 $0xC2C0  }
0xf2: {  	[tilespmem:s2+$0x1E470] =	vst v1;
	s1 =	simm.s32 @!p0 $0x0;
	s28 =	sand.u32 $0x1, s26;
	s0 =	sshll.u32 @!p0 s0, $0x5  }
0xf3: {  	[tilespmem:s2+$0x1E570] =	vst v2;
	s2 =	simm.s32 @!p0 $0xC380;
	p6 =	seq.s32 s28, $0x1;
	s0 =	sadd.s32 @!p0 s19, s0  }
0xf4: {  	[tilespmem:s2], [sflag:$0x1] =	stream.linear.gather @!p0 [hbm4b:s0+s1], $0x9000, $0x38;
	[tilespmem:$0x1EF80] =	vst v63  }
0xf5: {  	s31 =	sshrl.u32 s26, $0x1F;
	p0 =	por !p5, !p6  }
0xf6: {  	s0 =	sadd.s32 s31, s26;
	s1 =	simm.s32 $0x1;
	p0 =	por !p0, !p0  }
0xf7: {  	s0 =	sshra.s32 s0, $0x1;
	s1 =	simm.s32 @!p0 $0x0  }
0xf8: {  	s0 =	ssub.s32 s0, s1  }
0xf9: {  	p0 =	slt.s32 s0, $0x1  }
.Ltmp6:
0xfa: {  	_ = 	snop;
	(pc) =	sbr.rel @p0 .LBB2_41-.Ltmp6, $2  }
0xfb: {  	_ =	sdelay $0x2  }
0xfc: {  	[dreg:$0x7] =	wrdreg s0  }
.Ltmp7:
0xfd: {  	(pc) =	sbr.rel .LBB2_15-.Ltmp7, $3  }
0xfe: {  	_ =	sdelay $0x1  }
0xff: {  	s20 =	sadd.s32 $0x90, s30  }
0x100: {  	s21 =	simm.s32 $0x0;
	s17 =	smov.u32 s30;
	[dreg:$0x6] =	wrdreg s29  }
.LBB2_40:
0x101: {  	s21 =	sadd.s32 $0x1, s21;
	s0 =	rddreg [dreg:$0x7]  }
0x102: {  	p0 =	sne.s32 s21, s0  }
.Ltmp8:
0x103: {  	_ = 	snop;
	(pc) =	sbr.rel @!p0 .LBB2_41-.Ltmp8, $2  }
0x104: {  	_ =	sdelay $0x2  }
0x105: {  	s17 =	sadd.s32 $0x120, s17;
	s20 =	sadd.s32 $0x120, s20  }
.LBB2_15:
0x106: {  	s25 =	sshllo.u32 s21, $0x1  }
0x107: {  	p0 =	sge.s32 s25, s29  }
0x108: {  	p1 =	slt.s32 s20, $0xC2C0;
	s0 =	smul.u32 @!p0 $0x90, s25  }
0x109: {  	s1 =	smov.u32 s20;
	s18 =	smov.u32 s19;
	s22 =	simm.s32 $0x1  }
0x10a: {  	s4 =	smov.u32 s30;
	s1 =	simm.s32 @!p1 $0xC2C0;
	s0 =	sadd.s32 @!p0 s30, s0  }
0x10b: {  	s29 =	sshll.u32 s21, $0x1;
	s2 =	sshll.u32 s1, $0x8;
	p1 =	slt.s32 @!p0 s0, $0xC2C0  }
0x10c: {  	s1 =	sshll.u32 s1, $0x7;
	s3 =	simm.s32 @!p0 $0x15380;
	p1 =	por !p1, p0  }
0x10d: {  	s23 =	ssub.s32 $0x0, s2;
	s2 =	smov.u32 s17;
	s0 =	simm.s32 @p1 $0xC2C0  }
0x10e: {  	s24 =	ssub.s32 $0x0, s1;
	p1 =	slt.s32 s17, $0xC2C0;
	s0 =	sshll.u32 @!p0 s0, $0x5  }
0x10f: {  	s2 =	simm.s32 @!p1 $0xC2C0;
	s0 =	sadd.s32 @!p0 s19, s0;
	s19 =	smul.u32 $0x120, s21  }
.Ltmp9:
0x110: {  	s1 =	simm.s32 @!p0 $0x0;
	s13 =	sshll.u32 s2, $0x8;
	(pc) =	sbr.rel .LBB2_16-.Ltmp9, $4  }
0x111: {  	[tilespmem:s3], [sflag:$0x2] =	stream.linear.gather @!p0 [hbm4b:s0+s1], $0x9000, $0x38;
	[tilespmem:$0x1EF80] =	vst v63  }
0x112: {  	s16 =	sshll.u32 s2, $0x7;
	s2 =	simm.s32 $0x0;
	_ =	swait.ge [sflag:s22], $0x9000  }
0x113: {  	s26 =	ssub.s32 $0x0, s13;
	s30 =	sadd.s32 s30, s19;
	[sflag:s22] =	ssyncset.done $0x0  }
0x114: {  	s28 =	ssub.s32 $0x0, s16;
	s31 =	sadd.s32 $0x90, s30;
	[sflag:s22] =	ssyncadd.s32 $0xFFFF7000  }
.LBB2_24:
0x115: {  	v33 =	vld [tilespmem:s9+$0xC7D0];
	v19 =	vmax.f32 v19, v32;
	v30 =	vmin.f32 v30, v32;
	v29 =	vadd.f32 v32, v29  }
0x116: {  	v63 =	vld [tilespmem:s9+$0xC7E0];
	v18 =	vmax.f32 v18, v31;
	v28 =	vmin.f32 v28, v31;
	v25 =	vadd.f32 v31, v25  }
0x117: {  	v15 =	vmax.f32 v15, v20;
	v27 =	vmin.f32 v27, v20;
	v23 =	vadd.f32 v20, v23  }
0x118: {  	v13 =	vmax.f32 v13, v17;
	v26 =	vmin.f32 v26, v17;
	v22 =	vadd.f32 v17, v22  }
0x119: {  	v12 =	vmax.f32 v12, v6;
	v24 =	vmin.f32 v24, v6;
	v16 =	vadd.f32 v6, v16  }
0x11a: {  	v11 =	vmax.f32 v11, v33;
	v21 =	vmin.f32 v21, v33;
	v9 =	vadd.f32 v33, v9  }
0x11b: {  	v10 =	vmax.f32 v10, v63;
	v14 =	vmin.f32 v14, v63;
	v5 =	vadd.f32 v63, v5  }
.LBB2_25:
0x11c: {  	[tilespmem:s0+$0x1E400] =	vst v19  }
0x11d: {  	[tilespmem:s0+$0x1E500] =	vst v30  }
0x11e: {  	[tilespmem:s0+$0x1E600] =	vst v29  }
0x11f: {  	[tilespmem:s0+$0x1E410] =	vst v18  }
0x120: {  	[tilespmem:s0+$0x1E510] =	vst v28  }
0x121: {  	[tilespmem:s0+$0x1E610] =	vst v25  }
0x122: {  	[tilespmem:s0+$0x1E420] =	vst v15  }
0x123: {  	[tilespmem:s0+$0x1E520] =	vst v27  }
0x124: {  	[tilespmem:s0+$0x1E620] =	vst v23  }
0x125: {  	[tilespmem:s0+$0x1E430] =	vst v13  }
0x126: {  	[tilespmem:s0+$0x1E530] =	vst v26  }
0x127: {  	[tilespmem:s0+$0x1E630] =	vst v22  }
0x128: {  	[tilespmem:s0+$0x1E440] =	vst v12  }
0x129: {  	[tilespmem:s0+$0x1E540] =	vst v24  }
0x12a: {  	[tilespmem:s0+$0x1E640] =	vst v16  }
0x12b: {  	[tilespmem:s0+$0x1E450] =	vst v11  }
0x12c: {  	[tilespmem:s0+$0x1E550] =	vst v21  }
0x12d: {  	[tilespmem:s0+$0x1E650] =	vst v9  }
0x12e: {  	[tilespmem:s0+$0x1E460] =	vst v10  }
0x12f: {  	[tilespmem:s0+$0x1E560] =	vst v14  }
0x130: {  	[tilespmem:s0+$0x1E470] =	vst v8  }
0x131: {  	[tilespmem:s0+$0x1E570] =	vst v7  }
0x132: {  	[tilespmem:s0+$0x1E670] =	vst v4  }
0x133: {  	[tilespmem:s0+$0x1E660] =	vst v5  }
.LBB2_26:
0x134: {  	s2 =	sadd.s32 $0x1, s2  }
0x135: {  	p1 =	sne.s32 s2, $0x4  }
.Ltmp10:
0x136: {  	_ = 	snop;
	(pc) =	sbr.rel @!p1 .LBB2_27-.Ltmp10, $1  }
0x137: {  	_ =	sdelay $0x3  }
.LBB2_16:
0x138: {  	s1 =	sld [smem:s2+$0x0]  }
0x139: {  	s0 =	sld [smem:s2+$0x1];
	_ =	sdelay $0x1  }
0x13a: {  	s3 =	smov.u32 s30  }
0x13b: {  	s9 =	smov.u32 s31;
	p1 =	sgt.s32 s1, s30;
	p2 =	slt.s32 s0, s31  }
0x13c: {  	s3 =	smov.u32 @p1 s1;
	s9 =	smov.u32 @p2 s0  }
0x13d: {  	p1 =	sle.s32 s9, s3  }
.Ltmp11:
0x13e: {  	_ = 	snop;
	(pc) =	sbr.rel @p1 .LBB2_26-.Ltmp11, $1  }
0x13f: {  	_ =	sdelay $0x3  }
0x140: {  	s0 =	smul.u32 $0xC00, s2;
	_ =	sdelay $0x1  }
0x141: {  	s0 =	sshra.s32 s0, $0x2  }
0x142: {  	v11 =	vld [tilespmem:s0+$0x1E380]  }
0x143: {  	v10 =	vld [tilespmem:s0+$0x1E390]  }
0x144: {  	v8 =	vld [tilespmem:s0+$0x1E3A0]  }
0x145: {  	v21 =	vld [tilespmem:s0+$0x1E3B0]  }
0x146: {  	v14 =	vld [tilespmem:s0+$0x1E3C0]  }
0x147: {  	v7 =	vld [tilespmem:s0+$0x1E3D0]  }
0x148: {  	v5 =	vld [tilespmem:s0+$0x1E3E0]  }
0x149: {  	v4 =	vld [tilespmem:s0+$0x1E3F0]  }
0x14a: {  	v13 =	vld [tilespmem:s0+$0x1E480]  }
0x14b: {  	v12 =	vld [tilespmem:s0+$0x1E490]  }
0x14c: {  	v26 =	vld [tilespmem:s0+$0x1E4A0]  }
0x14d: {  	v24 =	vld [tilespmem:s0+$0x1E4B0]  }
0x14e: {  	v22 =	vld [tilespmem:s0+$0x1E4C0]  }
0x14f: {  	v16 =	vld [tilespmem:s0+$0x1E4D0]  }
0x150: {  	v9 =	vld [tilespmem:s0+$0x1E4E0]  }
0x151: {  	v6 =	vld [tilespmem:s0+$0x1E4F0]  }
0x152: {  	v15 =	vld [tilespmem:s0+$0x1E580]  }
0x153: {  	s3 =	ssub.s32 s9, s3;
	v28 =	vld [tilespmem:s0+$0x1E590]  }
0x154: {  	p1 =	slt.s32 s3, $0x1;
	v27 =	vld [tilespmem:s0+$0x1E5A0]  }
.Ltmp12:
0x155: {  	v29 =	vld [tilespmem:s0+$0x1E5B0];
	(pc) =	sbr.rel @p1 .LBB2_21-.Ltmp12, $4  }
0x156: {  	v25 =	vld [tilespmem:s0+$0x1E5C0]  }
0x157: {  	v23 =	vld [tilespmem:s0+$0x1E5D0]  }
0x158: {  	p2 =	sgt.s32 s1, s17;
	s22 =	smov.u32 s17;
	v20 =	vld [tilespmem:s0+$0x1E5E0]  }
0x159: {  	s22 =	smov.u32 @p2 s1;
	v17 =	vld [tilespmem:s0+$0x1E5F0]  }
0x15a: {  	s1 =	sshll.u32 s22, $0x8;
	s9 =	sshll.u32 s22, $0x7  }
0x15b: {  	s1 =	sadd.s32 s1, s26;
	s12 =	sadd.s32 s9, s28  }
0x15c: {  	s19 =	sand.u32 $0xFFFFF800, s1;
	s13 =	sand.u32 $0x380, s12  }
0x15d: {  	s9 =	sor.u32 s13, s19  }
0x15e: {  	p2 =	sgt.s32 s3, $0x1;
	v33 =	vld [tilespmem:s9+$0xC3F0]  }
.Ltmp13:
0x15f: {  	v32 =	vld [tilespmem:s9+$0xC380];
	(pc) =	sbr.rel @!p2 .LBB2_20-.Ltmp13, $4  }
0x160: {  	v31 =	vld [tilespmem:s9+$0xC390]  }
0x161: {  	v30 =	vld [tilespmem:s9+$0xC3A0]  }
0x162: {  	v19 =	vld [tilespmem:s9+$0xC3B0]  }
0x163: {  	s16 =	simm.s32 $0x1;
	s13 =	sadd.s32 $0x100, s1;
	s1 =	sadd.s32 $0x80, s12;
	v18 =	vld [tilespmem:s9+$0xC3C0];
	v4 =	vmax.f32 v4, v33;
	v6 =	vmin.f32 v6, v33;
	v17 =	vadd.f32 v33, v17  }
.LBB2_19:
0x164: {  	s12 =	sand.u32 $0xFFFFF800, s13;
	s19 =	sand.u32 $0x380, s1;
	s16 =	sadd.s32 $0x1, s16;
	v33 =	vld [tilespmem:s9+$0xC3D0];
	v11 =	vmax.f32 v11, v32;
	v13 =	vmin.f32 v13, v32;
	v15 =	vadd.f32 v32, v15  }
0x165: {  	p2 =	sgt.s32 s3, s16;
	v34 =	vld [tilespmem:s9+$0xC3E0];
	s9 =	sor.u32 s19, s12;
	v10 =	vmax.f32 v10, v31;
	v12 =	vmin.f32 v12, v31;
	v28 =	vadd.f32 v31, v28  }
0x166: {  	v35 =	vld [tilespmem:s9+$0xC3F0];
	v8 =	vmax.f32 v8, v30;
	v26 =	vmin.f32 v26, v30;
	v27 =	vadd.f32 v30, v27  }
.Ltmp14:
0x167: {  	v32 =	vld [tilespmem:s9+$0xC380];
	v21 =	vmax.f32 v21, v19;
	v24 =	vmin.f32 v24, v19;
	v29 =	vadd.f32 v19, v29;
	(pc) =	sbr.rel @p2 .LBB2_19-.Ltmp14, $4  }
0x168: {  	v31 =	vld [tilespmem:s9+$0xC390];
	v14 =	vmax.f32 v14, v18;
	v22 =	vmin.f32 v22, v18;
	v25 =	vadd.f32 v18, v25  }
0x169: {  	v30 =	vld [tilespmem:s9+$0xC3A0];
	v7 =	vmax.f32 v7, v33;
	v16 =	vmin.f32 v16, v33;
	v23 =	vadd.f32 v33, v23  }
0x16a: {  	v19 =	vld [tilespmem:s9+$0xC3B0];
	v5 =	vmax.f32 v5, v34;
	v9 =	vmin.f32 v9, v34;
	v20 =	vadd.f32 v34, v20  }
0x16b: {  	s13 =	sadd.s32 $0x100, s13;
	s1 =	sadd.s32 $0x80, s1;
	v18 =	vld [tilespmem:s9+$0xC3C0];
	v4 =	vmax.f32 v4, v35;
	v6 =	vmin.f32 v6, v35;
	v17 =	vadd.f32 v35, v17  }
.LBB2_20:
0x16c: {  	v33 =	vld [tilespmem:s9+$0xC3D0];
	v11 =	vmax.f32 v11, v32;
	v13 =	vmin.f32 v13, v32;
	v15 =	vadd.f32 v32, v15  }
0x16d: {  	v63 =	vld [tilespmem:s9+$0xC3E0];
	v10 =	vmax.f32 v10, v31;
	v12 =	vmin.f32 v12, v31;
	v28 =	vadd.f32 v31, v28  }
0x16e: {  	v8 =	vmax.f32 v8, v30;
	v26 =	vmin.f32 v26, v30;
	v27 =	vadd.f32 v30, v27  }
0x16f: {  	v21 =	vmax.f32 v21, v19;
	v24 =	vmin.f32 v24, v19;
	v29 =	vadd.f32 v19, v29  }
0x170: {  	v14 =	vmax.f32 v14, v18;
	v22 =	vmin.f32 v22, v18;
	v25 =	vadd.f32 v18, v25  }
0x171: {  	v7 =	vmax.f32 v7, v33;
	v16 =	vmin.f32 v16, v33;
	v23 =	vadd.f32 v33, v23  }
0x172: {  	v5 =	vmax.f32 v5, v63;
	v9 =	vmin.f32 v9, v63;
	v20 =	vadd.f32 v63, v20  }
.LBB2_21:
0x173: {  	[tilespmem:s0+$0x1E380] =	vst v11;
	v19 =	vld [tilespmem:s0+$0x1E400]  }
0x174: {  	[tilespmem:s0+$0x1E480] =	vst v13;
	v18 =	vld [tilespmem:s0+$0x1E410]  }
0x175: {  	[tilespmem:s0+$0x1E580] =	vst v15;
	v15 =	vld [tilespmem:s0+$0x1E420]  }
0x176: {  	[tilespmem:s0+$0x1E390] =	vst v10;
	v13 =	vld [tilespmem:s0+$0x1E430]  }
0x177: {  	[tilespmem:s0+$0x1E490] =	vst v12;
	v12 =	vld [tilespmem:s0+$0x1E440]  }
0x178: {  	[tilespmem:s0+$0x1E590] =	vst v28;
	v11 =	vld [tilespmem:s0+$0x1E450]  }
0x179: {  	[tilespmem:s0+$0x1E3A0] =	vst v8;
	v10 =	vld [tilespmem:s0+$0x1E460]  }
0x17a: {  	[tilespmem:s0+$0x1E4A0] =	vst v26;
	v8 =	vld [tilespmem:s0+$0x1E470]  }
0x17b: {  	[tilespmem:s0+$0x1E5A0] =	vst v27;
	v30 =	vld [tilespmem:s0+$0x1E500]  }
0x17c: {  	[tilespmem:s0+$0x1E3B0] =	vst v21;
	v28 =	vld [tilespmem:s0+$0x1E510]  }
0x17d: {  	[tilespmem:s0+$0x1E4B0] =	vst v24;
	v27 =	vld [tilespmem:s0+$0x1E520]  }
0x17e: {  	[tilespmem:s0+$0x1E5B0] =	vst v29;
	v26 =	vld [tilespmem:s0+$0x1E530]  }
0x17f: {  	[tilespmem:s0+$0x1E3C0] =	vst v14;
	v24 =	vld [tilespmem:s0+$0x1E540]  }
0x180: {  	[tilespmem:s0+$0x1E4C0] =	vst v22;
	v21 =	vld [tilespmem:s0+$0x1E550]  }
0x181: {  	v14 =	vld [tilespmem:s0+$0x1E560];
	[tilespmem:s0+$0x1E3D0] =	vst v7  }
0x182: {  	v7 =	vld [tilespmem:s0+$0x1E570];
	[tilespmem:s0+$0x1E4D0] =	vst v16  }
0x183: {  	v29 =	vld [tilespmem:s0+$0x1E600];
	[tilespmem:s0+$0x1E3E0] =	vst v5  }
0x184: {  	[tilespmem:s0+$0x1E4E0] =	vst v9;
	v22 =	vld [tilespmem:s0+$0x1E630]  }
0x185: {  	v16 =	vld [tilespmem:s0+$0x1E640];
	[tilespmem:s0+$0x1E3F0] =	vst v4  }
.Ltmp15:
0x186: {  	v9 =	vld [tilespmem:s0+$0x1E650];
	[tilespmem:s0+$0x1E4F0] =	vst v6;
	(pc) =	sbr.rel @p1 .LBB2_25-.Ltmp15, $4  }
0x187: {  	[tilespmem:s0+$0x1E5C0] =	vst v25;
	v25 =	vld [tilespmem:s0+$0x1E610]  }
0x188: {  	[tilespmem:s0+$0x1E5D0] =	vst v23;
	v23 =	vld [tilespmem:s0+$0x1E620]  }
0x189: {  	v5 =	vld [tilespmem:s0+$0x1E660];
	[tilespmem:s0+$0x1E5E0] =	vst v20  }
0x18a: {  	v4 =	vld [tilespmem:s0+$0x1E670];
	[tilespmem:s0+$0x1E5F0] =	vst v17  }
0x18b: {  	s1 =	sshll.u32 s22, $0x8;
	s9 =	sshll.u32 s22, $0x7  }
0x18c: {  	s1 =	sadd.s32 s1, s26;
	s12 =	sadd.s32 s9, s28  }
0x18d: {  	s22 =	sand.u32 $0xFFFFF800, s1;
	s13 =	sand.u32 $0x380, s12  }
0x18e: {  	s9 =	sor.u32 s13, s22  }
0x18f: {  	p1 =	sgt.s32 s3, $0x1;
	v33 =	vld [tilespmem:s9+$0xC7F0]  }
.Ltmp16:
0x190: {  	v32 =	vld [tilespmem:s9+$0xC780];
	(pc) =	sbr.rel @!p1 .LBB2_24-.Ltmp16, $4  }
0x191: {  	v31 =	vld [tilespmem:s9+$0xC790]  }
0x192: {  	v20 =	vld [tilespmem:s9+$0xC7A0]  }
0x193: {  	v17 =	vld [tilespmem:s9+$0xC7B0]  }
0x194: {  	s16 =	simm.s32 $0x1;
	s13 =	sadd.s32 $0x100, s1;
	s1 =	sadd.s32 $0x80, s12;
	v6 =	vld [tilespmem:s9+$0xC7C0];
	v8 =	vmax.f32 v8, v33;
	v7 =	vmin.f32 v7, v33;
	v4 =	vadd.f32 v33, v4  }
.LBB2_23:
0x195: {  	s12 =	sand.u32 $0xFFFFF800, s13;
	s19 =	sand.u32 $0x380, s1;
	s16 =	sadd.s32 $0x1, s16;
	v33 =	vld [tilespmem:s9+$0xC7D0];
	v19 =	vmax.f32 v19, v32;
	v30 =	vmin.f32 v30, v32;
	v29 =	vadd.f32 v32, v29  }
0x196: {  	v18 =	vmax.f32 v18, v31;
	v28 =	vmin.f32 v28, v31;
	v25 =	vadd.f32 v31, v25;
	p1 =	sgt.s32 s3, s16;
	v34 =	vld [tilespmem:s9+$0xC7E0];
	s9 =	sor.u32 s19, s12  }
0x197: {  	v15 =	vmax.f32 v15, v20;
	v27 =	vmin.f32 v27, v20;
	v23 =	vadd.f32 v20, v23;
	v35 =	vld [tilespmem:s9+$0xC7F0]  }
.Ltmp17:
0x198: {  	v13 =	vmax.f32 v13, v17;
	v26 =	vmin.f32 v26, v17;
	v22 =	vadd.f32 v17, v22;
	v32 =	vld [tilespmem:s9+$0xC780];
	(pc) =	sbr.rel @p1 .LBB2_23-.Ltmp17, $4  }
0x199: {  	v12 =	vmax.f32 v12, v6;
	v24 =	vmin.f32 v24, v6;
	v16 =	vadd.f32 v6, v16;
	v31 =	vld [tilespmem:s9+$0xC790]  }
0x19a: {  	v20 =	vld [tilespmem:s9+$0xC7A0];
	v11 =	vmax.f32 v11, v33;
	v21 =	vmin.f32 v21, v33;
	v9 =	vadd.f32 v33, v9  }
0x19b: {  	v17 =	vld [tilespmem:s9+$0xC7B0];
	v10 =	vmax.f32 v10, v34;
	v14 =	vmin.f32 v14, v34;
	v5 =	vadd.f32 v34, v5  }
0x19c: {  	s13 =	sadd.s32 $0x100, s13;
	s1 =	sadd.s32 $0x80, s1;
	v6 =	vld [tilespmem:s9+$0xC7C0];
	v8 =	vmax.f32 v8, v35;
	v7 =	vmin.f32 v7, v35;
	v4 =	vadd.f32 v35, v4  }
.Ltmp18:
0x19d: {  	_ = 	snop;
	(pc) =	sbr.rel .LBB2_24-.Ltmp18, $1  }
0x19e: {  	_ =	sdelay $0x3  }
.LBB2_27:
0x19f: {  	s0 =	sadd.s32 $0x2, s29;
	s29 =	rddreg [dreg:$0x6]  }
0x1a0: {  	p1 =	sge.s32 s0, s29  }
0x1a1: {  	s0 =	smul.u32 @!p1 $0x90, s0;
	_ =	sdelay $0x1  }
0x1a2: {  	s0 =	sadd.s32 @!p1 s4, s0  }
0x1a3: {  	p2 =	slt.s32 @!p1 s0, $0xC2C0  }
.Ltmp19:
0x1a4: {  	p2 =	por !p2, p1;
	(pc) =	sbr.rel @p0 .LBB2_40-.Ltmp19, $4  }
0x1a5: {  	s0 =	simm.s32 @p2 $0xC2C0  }
0x1a6: {  	s30 =	smov.u32 s4;
	s19 =	smov.u32 s18;
	s0 =	sshll.u32 @!p1 s0, $0x5  }
0x1a7: {  	s1 =	simm.s32 @!p1 $0x0;
	s2 =	simm.s32 @!p1 $0xC380;
	s0 =	sadd.s32 @!p1 s18, s0  }
0x1a8: {  	[tilespmem:s2], [sflag:$0x1] =	stream.linear.gather @!p1 [hbm4b:s0+s1], $0x9000, $0x38;
	[tilespmem:$0x1EF80] =	vst v63  }
.Ltmp20:
0x1a9: {  	(pc) =	sbr.rel .LBB2_29-.Ltmp20, $4  }
0x1aa: {  	s0 =	smul.u32 $0x90, s25;
	s1 =	simm.s32 $0x2  }
0x1ab: {  	_ =	swait.ge [sflag:s1], $0x9000  }
0x1ac: {  	s25 =	sadd.s32 s30, s0;
	[sflag:s1] =	ssyncset.done $0x0  }
0x1ad: {  	s28 =	simm.s32 $0x0;
	[sflag:s1] =	ssyncadd.s32 $0xFFFF7000;
	s26 =	sadd.s32 $0x90, s25  }
.LBB2_37:
0x1ae: {  	v33 =	vld [tilespmem:s3+$0x440];
	v8 =	vmax.f32 v8, v32;
	v7 =	vmin.f32 v7, v32;
	v4 =	vadd.f32 v32, v4  }
0x1af: {  	v63 =	vld [tilespmem:s3+$0x450];
	v19 =	vmax.f32 v19, v31;
	v30 =	vmin.f32 v30, v31;
	v29 =	vadd.f32 v31, v29  }
0x1b0: {  	v31 =	vld [tilespmem:s3+$0x460];
	v18 =	vmax.f32 v18, v20;
	v28 =	vmin.f32 v28, v20;
	v25 =	vadd.f32 v20, v25  }
0x1b1: {  	v15 =	vmax.f32 v15, v16;
	v27 =	vmin.f32 v27, v16;
	v23 =	vadd.f32 v16, v23  }
0x1b2: {  	v13 =	vmax.f32 v13, v6;
	v26 =	vmin.f32 v26, v6;
	v22 =	vadd.f32 v6, v22  }
0x1b3: {  	v12 =	vmax.f32 v12, v33;
	v24 =	vmin.f32 v24, v33;
	v17 =	vadd.f32 v33, v17  }
0x1b4: {  	v11 =	vmax.f32 v11, v63;
	v21 =	vmin.f32 v21, v63;
	v9 =	vadd.f32 v63, v9  }
0x1b5: {  	v10 =	vmax.f32 v10, v31;
	v14 =	vmin.f32 v14, v31;
	v5 =	vadd.f32 v31, v5  }
.LBB2_38:
0x1b6: {  	[tilespmem:s2+$0x1E400] =	vst v19  }
0x1b7: {  	[tilespmem:s2+$0x1E500] =	vst v30  }
0x1b8: {  	[tilespmem:s2+$0x1E600] =	vst v29  }
0x1b9: {  	[tilespmem:s2+$0x1E410] =	vst v18  }
0x1ba: {  	[tilespmem:s2+$0x1E510] =	vst v28  }
0x1bb: {  	[tilespmem:s2+$0x1E610] =	vst v25  }
0x1bc: {  	[tilespmem:s2+$0x1E420] =	vst v15  }
0x1bd: {  	[tilespmem:s2+$0x1E520] =	vst v27  }
0x1be: {  	[tilespmem:s2+$0x1E620] =	vst v23  }
0x1bf: {  	[tilespmem:s2+$0x1E430] =	vst v13  }
0x1c0: {  	[tilespmem:s2+$0x1E530] =	vst v26  }
0x1c1: {  	[tilespmem:s2+$0x1E630] =	vst v22  }
0x1c2: {  	[tilespmem:s2+$0x1E440] =	vst v12  }
0x1c3: {  	[tilespmem:s2+$0x1E540] =	vst v24  }
0x1c4: {  	[tilespmem:s2+$0x1E640] =	vst v17  }
0x1c5: {  	[tilespmem:s2+$0x1E450] =	vst v11  }
0x1c6: {  	[tilespmem:s2+$0x1E550] =	vst v21  }
0x1c7: {  	[tilespmem:s2+$0x1E650] =	vst v9  }
0x1c8: {  	[tilespmem:s2+$0x1E460] =	vst v10  }
0x1c9: {  	[tilespmem:s2+$0x1E560] =	vst v14  }
0x1ca: {  	[tilespmem:s2+$0x1E470] =	vst v8  }
0x1cb: {  	[tilespmem:s2+$0x1E570] =	vst v7  }
0x1cc: {  	[tilespmem:s2+$0x1E670] =	vst v4  }
0x1cd: {  	[tilespmem:s2+$0x1E660] =	vst v5  }
.LBB2_39:
0x1ce: {  	s28 =	sadd.s32 $0x1, s28  }
0x1cf: {  	p0 =	sne.s32 s28, $0x4  }
.Ltmp21:
0x1d0: {  	_ = 	snop;
	(pc) =	sbr.rel @!p0 .LBB2_40-.Ltmp21, $1  }
0x1d1: {  	_ =	sdelay $0x3  }
.LBB2_29:
0x1d2: {  	s1 =	sld [smem:s28+$0x0]  }
0x1d3: {  	s2 =	sld [smem:s28+$0x1];
	_ =	sdelay $0x1  }
0x1d4: {  	s0 =	smov.u32 s25  }
0x1d5: {  	s3 =	smov.u32 s26;
	p0 =	sgt.s32 s1, s25;
	p1 =	slt.s32 s2, s26  }
0x1d6: {  	s0 =	smov.u32 @p0 s1;
	s3 =	smov.u32 @p1 s2  }
0x1d7: {  	p0 =	sle.s32 s3, s0  }
.Ltmp22:
0x1d8: {  	_ = 	snop;
	(pc) =	sbr.rel @p0 .LBB2_39-.Ltmp22, $1  }
0x1d9: {  	_ =	sdelay $0x3  }
0x1da: {  	s2 =	smul.u32 $0xC00, s28;
	_ =	sdelay $0x1  }
0x1db: {  	s2 =	sshra.s32 s2, $0x2  }
0x1dc: {  	v11 =	vld [tilespmem:s2+$0x1E380]  }
0x1dd: {  	v10 =	vld [tilespmem:s2+$0x1E390]  }
0x1de: {  	v8 =	vld [tilespmem:s2+$0x1E3A0]  }
0x1df: {  	v21 =	vld [tilespmem:s2+$0x1E3B0]  }
0x1e0: {  	v14 =	vld [tilespmem:s2+$0x1E3C0]  }
0x1e1: {  	v7 =	vld [tilespmem:s2+$0x1E3D0]  }
0x1e2: {  	v5 =	vld [tilespmem:s2+$0x1E3E0]  }
0x1e3: {  	v4 =	vld [tilespmem:s2+$0x1E3F0]  }
0x1e4: {  	v13 =	vld [tilespmem:s2+$0x1E480]  }
0x1e5: {  	v12 =	vld [tilespmem:s2+$0x1E490]  }
0x1e6: {  	v26 =	vld [tilespmem:s2+$0x1E4A0]  }
0x1e7: {  	v24 =	vld [tilespmem:s2+$0x1E4B0]  }
0x1e8: {  	v22 =	vld [tilespmem:s2+$0x1E4C0]  }
0x1e9: {  	v17 =	vld [tilespmem:s2+$0x1E4D0]  }
0x1ea: {  	v9 =	vld [tilespmem:s2+$0x1E4E0]  }
0x1eb: {  	v6 =	vld [tilespmem:s2+$0x1E4F0]  }
0x1ec: {  	v15 =	vld [tilespmem:s2+$0x1E580]  }
0x1ed: {  	s0 =	ssub.s32 s3, s0;
	v28 =	vld [tilespmem:s2+$0x1E590]  }
0x1ee: {  	p0 =	slt.s32 s0, $0x1;
	v27 =	vld [tilespmem:s2+$0x1E5A0]  }
.Ltmp23:
0x1ef: {  	v16 =	vld [tilespmem:s2+$0x1E5F0];
	(pc) =	sbr.rel @p0 .LBB2_34-.Ltmp23, $4  }
0x1f0: {  	v29 =	vld [tilespmem:s2+$0x1E5B0]  }
0x1f1: {  	v25 =	vld [tilespmem:s2+$0x1E5C0]  }
0x1f2: {  	p1 =	sgt.s32 s1, s20;
	s3 =	smov.u32 s20;
	v23 =	vld [tilespmem:s2+$0x1E5D0]  }
0x1f3: {  	s3 =	smov.u32 @p1 s1;
	v20 =	vld [tilespmem:s2+$0x1E5E0]  }
0x1f4: {  	s1 =	sshll.u32 s3, $0x8;
	s9 =	sshll.u32 s3, $0x7  }
0x1f5: {  	s1 =	sadd.s32 s1, s23;
	s12 =	sadd.s32 s9, s24  }
0x1f6: {  	s31 =	sand.u32 $0xFFFFF800, s1;
	s13 =	sand.u32 $0x380, s12  }
0x1f7: {  	s13 =	sor.u32 s13, s31  }
0x1f8: {  	p1 =	sgt.s32 s0, $0x1;
	s9 =	sadd.s32 $0x15380, s13;
	v33 =	vld [tilespmem:s13+$0x15380]  }
.Ltmp24:
0x1f9: {  	v32 =	vld [tilespmem:s9+$0x70];
	(pc) =	sbr.rel @!p1 .LBB2_33-.Ltmp24, $4  }
0x1fa: {  	v31 =	vld [tilespmem:s9+$0x10]  }
0x1fb: {  	v30 =	vld [tilespmem:s9+$0x20]  }
0x1fc: {  	v19 =	vld [tilespmem:s9+$0x30]  }
0x1fd: {  	s22 =	simm.s32 $0x1;
	s16 =	sadd.s32 $0x100, s1;
	s13 =	sadd.s32 $0x80, s12;
	v18 =	vld [tilespmem:s9+$0x40];
	v11 =	vmax.f32 v11, v33;
	v13 =	vmin.f32 v13, v33;
	v15 =	vadd.f32 v33, v15  }
.LBB2_32:
0x1fe: {  	s1 =	sand.u32 $0xFFFFF800, s16;
	s12 =	sand.u32 $0x380, s13;
	s22 =	sadd.s32 $0x1, s22;
	v33 =	vld [tilespmem:s9+$0x50];
	v4 =	vmax.f32 v4, v32;
	v6 =	vmin.f32 v6, v32;
	v16 =	vadd.f32 v32, v16  }
0x1ff: {  	s1 =	sor.u32 s12, s1;
	p1 =	sgt.s32 s0, s22;
	v34 =	vld [tilespmem:s9+$0x60];
	v10 =	vmax.f32 v10, v31;
	v12 =	vmin.f32 v12, v31;
	v28 =	vadd.f32 v31, v28  }
0x200: {  	s9 =	sadd.s32 $0x15380, s1;
	v35 =	vld [tilespmem:s1+$0x15380];
	v8 =	vmax.f32 v8, v30;
	v26 =	vmin.f32 v26, v30;
	v27 =	vadd.f32 v30, v27  }
.Ltmp25:
0x201: {  	v32 =	vld [tilespmem:s9+$0x70];
	v21 =	vmax.f32 v21, v19;
	v24 =	vmin.f32 v24, v19;
	v29 =	vadd.f32 v19, v29;
	(pc) =	sbr.rel @p1 .LBB2_32-.Ltmp25, $4  }
0x202: {  	v31 =	vld [tilespmem:s9+$0x10];
	v14 =	vmax.f32 v14, v18;
	v22 =	vmin.f32 v22, v18;
	v25 =	vadd.f32 v18, v25  }
0x203: {  	v30 =	vld [tilespmem:s9+$0x20];
	v7 =	vmax.f32 v7, v33;
	v17 =	vmin.f32 v17, v33;
	v23 =	vadd.f32 v33, v23  }
0x204: {  	v19 =	vld [tilespmem:s9+$0x30];
	v5 =	vmax.f32 v5, v34;
	v9 =	vmin.f32 v9, v34;
	v20 =	vadd.f32 v34, v20  }
0x205: {  	s16 =	sadd.s32 $0x100, s16;
	s13 =	sadd.s32 $0x80, s13;
	v18 =	vld [tilespmem:s9+$0x40];
	v11 =	vmax.f32 v11, v35;
	v13 =	vmin.f32 v13, v35;
	v15 =	vadd.f32 v35, v15  }
.LBB2_33:
0x206: {  	v33 =	vld [tilespmem:s9+$0x50];
	v4 =	vmax.f32 v4, v32;
	v6 =	vmin.f32 v6, v32;
	v16 =	vadd.f32 v32, v16  }
0x207: {  	v63 =	vld [tilespmem:s9+$0x60];
	v10 =	vmax.f32 v10, v31;
	v12 =	vmin.f32 v12, v31;
	v28 =	vadd.f32 v31, v28  }
0x208: {  	v8 =	vmax.f32 v8, v30;
	v26 =	vmin.f32 v26, v30;
	v27 =	vadd.f32 v30, v27  }
0x209: {  	v21 =	vmax.f32 v21, v19;
	v24 =	vmin.f32 v24, v19;
	v29 =	vadd.f32 v19, v29  }
0x20a: {  	v14 =	vmax.f32 v14, v18;
	v22 =	vmin.f32 v22, v18;
	v25 =	vadd.f32 v18, v25  }
0x20b: {  	v7 =	vmax.f32 v7, v33;
	v17 =	vmin.f32 v17, v33;
	v23 =	vadd.f32 v33, v23  }
0x20c: {  	v5 =	vmax.f32 v5, v63;
	v9 =	vmin.f32 v9, v63;
	v20 =	vadd.f32 v63, v20  }
.LBB2_34:
0x20d: {  	[tilespmem:s2+$0x1E380] =	vst v11;
	v19 =	vld [tilespmem:s2+$0x1E400]  }
0x20e: {  	[tilespmem:s2+$0x1E480] =	vst v13;
	v18 =	vld [tilespmem:s2+$0x1E410]  }
0x20f: {  	[tilespmem:s2+$0x1E580] =	vst v15;
	v15 =	vld [tilespmem:s2+$0x1E420]  }
0x210: {  	[tilespmem:s2+$0x1E390] =	vst v10;
	v13 =	vld [tilespmem:s2+$0x1E430]  }
0x211: {  	[tilespmem:s2+$0x1E490] =	vst v12;
	v12 =	vld [tilespmem:s2+$0x1E440]  }
0x212: {  	[tilespmem:s2+$0x1E590] =	vst v28;
	v11 =	vld [tilespmem:s2+$0x1E450]  }
0x213: {  	[tilespmem:s2+$0x1E3A0] =	vst v8;
	v10 =	vld [tilespmem:s2+$0x1E460]  }
0x214: {  	[tilespmem:s2+$0x1E4A0] =	vst v26;
	v8 =	vld [tilespmem:s2+$0x1E470]  }
0x215: {  	[tilespmem:s2+$0x1E5A0] =	vst v27;
	v30 =	vld [tilespmem:s2+$0x1E500]  }
0x216: {  	[tilespmem:s2+$0x1E3B0] =	vst v21;
	v28 =	vld [tilespmem:s2+$0x1E510]  }
0x217: {  	[tilespmem:s2+$0x1E4B0] =	vst v24;
	v27 =	vld [tilespmem:s2+$0x1E520]  }
0x218: {  	v26 =	vld [tilespmem:s2+$0x1E530];
	[tilespmem:s2+$0x1E3C0] =	vst v14  }
0x219: {  	v24 =	vld [tilespmem:s2+$0x1E540];
	[tilespmem:s2+$0x1E4C0] =	vst v22  }
0x21a: {  	v21 =	vld [tilespmem:s2+$0x1E550];
	[tilespmem:s2+$0x1E3D0] =	vst v7  }
0x21b: {  	v14 =	vld [tilespmem:s2+$0x1E560];
	[tilespmem:s2+$0x1E4D0] =	vst v17  }
0x21c: {  	v7 =	vld [tilespmem:s2+$0x1E570];
	[tilespmem:s2+$0x1E3E0] =	vst v5  }
0x21d: {  	[tilespmem:s2+$0x1E4E0] =	vst v9;
	v22 =	vld [tilespmem:s2+$0x1E630]  }
0x21e: {  	v17 =	vld [tilespmem:s2+$0x1E640];
	[tilespmem:s2+$0x1E3F0] =	vst v4  }
0x21f: {  	v9 =	vld [tilespmem:s2+$0x1E650];
	[tilespmem:s2+$0x1E4F0] =	vst v6  }
.Ltmp26:
0x220: {  	[tilespmem:s2+$0x1E5F0] =	vst v16;
	v4 =	vld [tilespmem:s2+$0x1E670];
	(pc) =	sbr.rel @p0 .LBB2_38-.Ltmp26, $4  }
0x221: {  	[tilespmem:s2+$0x1E5B0] =	vst v29;
	v29 =	vld [tilespmem:s2+$0x1E600]  }
0x222: {  	[tilespmem:s2+$0x1E5C0] =	vst v25;
	v25 =	vld [tilespmem:s2+$0x1E610]  }
0x223: {  	[tilespmem:s2+$0x1E5D0] =	vst v23;
	v23 =	vld [tilespmem:s2+$0x1E620]  }
0x224: {  	v5 =	vld [tilespmem:s2+$0x1E660];
	[tilespmem:s2+$0x1E5E0] =	vst v20  }
0x225: {  	s1 =	sshll.u32 s3, $0x8;
	s22 =	sshll.u32 s3, $0x7  }
0x226: {  	s1 =	sadd.s32 s1, s23;
	s12 =	sadd.s32 s22, s24  }
0x227: {  	s31 =	sand.u32 $0xFFFFF800, s1;
	s9 =	sand.u32 $0x380, s12  }
0x228: {  	s3 =	sor.u32 s9, s31  }
0x229: {  	p0 =	sgt.s32 s0, $0x1;
	s3 =	sadd.s32 $0x15380, s3  }
.Ltmp27:
0x22a: {  	v32 =	vld [tilespmem:s3+$0x470];
	(pc) =	sbr.rel @!p0 .LBB2_37-.Ltmp27, $4  }
0x22b: {  	v31 =	vld [tilespmem:s3+$0x400]  }
0x22c: {  	v20 =	vld [tilespmem:s3+$0x410]  }
0x22d: {  	v16 =	vld [tilespmem:s3+$0x420]  }
0x22e: {  	s16 =	sadd.s32 $0x100, s1;
	s13 =	sadd.s32 $0x80, s12;
	s9 =	simm.s32 $0x1;
	v6 =	vld [tilespmem:s3+$0x430]  }
.LBB2_36:
0x22f: {  	s1 =	sand.u32 $0xFFFFF800, s16;
	s12 =	sand.u32 $0x380, s13;
	s9 =	sadd.s32 $0x1, s9;
	v33 =	vld [tilespmem:s3+$0x440];
	v8 =	vmax.f32 v8, v32;
	v7 =	vmin.f32 v7, v32;
	v4 =	vadd.f32 v32, v4  }
0x230: {  	v19 =	vmax.f32 v19, v31;
	v30 =	vmin.f32 v30, v31;
	v29 =	vadd.f32 v31, v29;
	s1 =	sor.u32 s12, s1;
	p0 =	sgt.s32 s0, s9;
	v34 =	vld [tilespmem:s3+$0x450]  }
0x231: {  	v18 =	vmax.f32 v18, v20;
	v28 =	vmin.f32 v28, v20;
	v25 =	vadd.f32 v20, v25;
	v35 =	vld [tilespmem:s3+$0x460];
	s3 =	sadd.s32 $0x15380, s1  }
.Ltmp28:
0x232: {  	v15 =	vmax.f32 v15, v16;
	v27 =	vmin.f32 v27, v16;
	v23 =	vadd.f32 v16, v23;
	v32 =	vld [tilespmem:s3+$0x470];
	(pc) =	sbr.rel @p0 .LBB2_36-.Ltmp28, $4  }
0x233: {  	v13 =	vmax.f32 v13, v6;
	v26 =	vmin.f32 v26, v6;
	v22 =	vadd.f32 v6, v22;
	v31 =	vld [tilespmem:s3+$0x400]  }
0x234: {  	v20 =	vld [tilespmem:s3+$0x410];
	v12 =	vmax.f32 v12, v33;
	v24 =	vmin.f32 v24, v33;
	v17 =	vadd.f32 v33, v17  }
0x235: {  	v16 =	vld [tilespmem:s3+$0x420];
	v11 =	vmax.f32 v11, v34;
	v21 =	vmin.f32 v21, v34;
	v9 =	vadd.f32 v34, v9  }
0x236: {  	s16 =	sadd.s32 $0x100, s16;
	s13 =	sadd.s32 $0x80, s13;
	v6 =	vld [tilespmem:s3+$0x430];
	v10 =	vmax.f32 v10, v35;
	v14 =	vmin.f32 v14, v35;
	v5 =	vadd.f32 v35, v5  }
.Ltmp29:
0x237: {  	_ = 	snop;
	(pc) =	sbr.rel .LBB2_37-.Ltmp29, $1  }
0x238: {  	_ =	sdelay $0x3  }
.LBB2_41:
0x239: {  	s0 =	sld [smem:$0x1]  }
0x23a: {  	s1 =	sld [smem:$0x0];
	_ =	sdelay $0x2  }
0x23b: {  	s0 =	ssub.s32 s0, s1  }
0x23c: {  	s1 =	scvt.s32.f32 s0;
	s0 =	simm.s32 $0x1E380  }
0x23d: {  	v4 =	vld [tilespmem:s0+$0x2E0]  }
0x23e: {  	v11 =	vld [tilespmem:s0+$0x2A0];
	s1 =	smax.f32 s1, $1.000000000e+00  }
0x23f: {  	v8 =	vld [tilespmem:s0+$0x270];
	v5 =	vmov s1  }
0x240: {  	v14 =	vld [tilespmem:s0+$0x250];
	(erf) = vrcp.f32 v5  }
0x241: {  	v9 =	vld [tilespmem:s0+$0x2B0]  }
0x242: {  	v7 =	vld [tilespmem:s0+$0x280]  }
0x243: {  	v10 =	vld [tilespmem:s0+$0x210]  }
0x244: {  	v12 =	vld [tilespmem:s0+$0x200]  }
0x245: {  	v5 =	vld [tilespmem:s0+$0x2F0]  }
0x246: {  	v13 =	vld [tilespmem:s0+$0x220]  }
0x247: {  	v15 =	vld [tilespmem:s0+$0x230]  }
0x248: {  	v16 =	vld [tilespmem:s0+$0x240]  }
0x249: {  	v17 =	vld [tilespmem:s0+$0x290];
	v6 =	vpop (erf)  }
0x24a: {  	v10 =	vmul.f32 v6, v10;
	v18 =	vmul.f32 v5, v6;
	v5 =	vld [tilespmem:s0+$0x2C0]  }
0x24b: {  	v19 =	vmul.f32 v7, v6;
	v7 =	vmul.f32 v6, v13;
	v13 =	vld [tilespmem:s0+$0x260]  }
0x24c: {  	v12 =	vmul.f32 v6, v12;
	v20 =	vmul.f32 v9, v6;
	[tilespmem:s0+$0x210] =	vst v10;
	v10 =	vld [tilespmem:s0+$0x2D0]  }
0x24d: {  	v9 =	vmul.f32 v15, v6;
	v15 =	vmul.f32 v14, v6;
	[tilespmem:s0+$0x2F0] =	vst v18  }
0x24e: {  	s2 =	simm.s32 $0x0;
	v14 =	vmul.f32 v16, v6;
	v16 =	vmul.f32 v8, v6;
	[tilespmem:s0+$0x280] =	vst v19  }
0x24f: {  	s3 =	simm.s32 $0x1;
	s4 =	simm.s32 $0x10;
	s17 =	simm.s32 $0x1E380;
	v8 =	vmul.f32 v17, v6;
	v11 =	vmul.f32 v11, v6;
	[tilespmem:s0+$0x2B0] =	vst v20  }
.LBB2_42:
0x250: {  	p0 =	sne.s32 s4, $0x30;
	[tilespmem:s0+$0x200] =	vst v12;
	v12 =	vmul.f32 v13, v6;
	v5 =	vmul.f32 v5, v6;
	s3 =	sadd.s32 $0x1, s3;
	s17 =	sadd.s32 $0x300, s17  }
0x251: {  	v4 =	vmul.f32 v4, v6;
	s1 =	smov.u32 s4;
	s4 =	sadd.s32 $0x10, s4;
	[tilespmem:s0+$0x250] =	vst v15;
	v10 =	vmul.f32 v10, v6  }
0x252: {  	[tilespmem:s0+$0x270] =	vst v16  }
0x253: {  	[tilespmem:s0+$0x240] =	vst v14  }
0x254: {  	[tilespmem:s0+$0x2C0] =	vst v5  }
0x255: {  	[tilespmem:s0+$0x230] =	vst v9  }
0x256: {  	[tilespmem:s0+$0x220] =	vst v7  }
0x257: {  	[tilespmem:s0+$0x260] =	vst v12  }
0x258: {  	[tilespmem:s0+$0x2E0] =	vst v4  }
0x259: {  	[tilespmem:s0+$0x2A0] =	vst v11  }
0x25a: {  	s9 =	sadd.s32 s2, s10;
	s2 =	smov.u32 s1;
	[tilespmem:s0+$0x2D0] =	vst v10  }
0x25b: {  	[tilespmem:s0+$0x290] =	vst v8  }
0x25c: {  	[hbm4b:s9+s14] =	stream.strided.scatter [tilespmem:s0], [sflag:$0x3], $0x300, s15, s14, $0x38;
	[tilespmem:$0x1EF80] =	vst v63  }
0x25d: {  	s0 =	smov.u32 s17;
	_ =	swait.ge [sflag:s11], $0x300  }
0x25e: {  	[sflag:s11] =	ssyncset.done $0x0  }
0x25f: {  	[sflag:s11] =	ssyncadd.s32 $0xFFFFFD00  }
0x260: {  	s1 =	sld [smem:s3+$0x0]  }
0x261: {  	s9 =	sld [smem:s3+$0xFFFFFFFF];
	_ =	sdelay $0x2  }
0x262: {  	s1 =	ssub.s32 s1, s9  }
0x263: {  	s1 =	scvt.s32.f32 s1  }
0x264: {  	v4 =	vld [tilespmem:s17+$0x2E0]  }
0x265: {  	s1 =	smax.f32 s1, $1.000000000e+00;
	v5 =	vld [tilespmem:s17+$0x2C0]  }
0x266: {  	v6 =	vmov s1;
	v11 =	vld [tilespmem:s17+$0x2A0]  }
0x267: {  	v8 =	vld [tilespmem:s17+$0x270];
	(erf) = vrcp.f32 v6  }
0x268: {  	v14 =	vld [tilespmem:s17+$0x250]  }
0x269: {  	v9 =	vld [tilespmem:s17+$0x2B0]  }
0x26a: {  	v7 =	vld [tilespmem:s17+$0x280]  }
0x26b: {  	v10 =	vld [tilespmem:s17+$0x2F0]  }
0x26c: {  	v12 =	vld [tilespmem:s17+$0x210]  }
0x26d: {  	v13 =	vld [tilespmem:s17+$0x200]  }
0x26e: {  	v15 =	vld [tilespmem:s17+$0x220]  }
0x26f: {  	v16 =	vld [tilespmem:s17+$0x230]  }
0x270: {  	v17 =	vld [tilespmem:s17+$0x240];
	v6 =	vpop (erf)  }
0x271: {  	v18 =	vmul.f32 v6, v12;
	v19 =	vld [tilespmem:s17+$0x290];
	v20 =	vmul.f32 v10, v6  }
.Ltmp30:
0x272: {  	v21 =	vmul.f32 v7, v6;
	v12 =	vmul.f32 v6, v13;
	v13 =	vld [tilespmem:s17+$0x260];
	(pc) =	sbr.rel @p0 .LBB2_42-.Ltmp30, $4  }
0x273: {  	[tilespmem:s17+$0x210] =	vst v18;
	v7 =	vmul.f32 v6, v15;
	v18 =	vmul.f32 v9, v6;
	v10 =	vld [tilespmem:s17+$0x2D0]  }
0x274: {  	v15 =	vmul.f32 v14, v6;
	v9 =	vmul.f32 v16, v6;
	[tilespmem:s17+$0x2F0] =	vst v20  }
0x275: {  	v16 =	vmul.f32 v8, v6;
	v14 =	vmul.f32 v17, v6;
	[tilespmem:s17+$0x280] =	vst v21  }
0x276: {  	v11 =	vmul.f32 v11, v6;
	v8 =	vmul.f32 v19, v6;
	[tilespmem:s17+$0x2B0] =	vst v18  }
0x277: {  	[tilespmem:s0+$0x200] =	vst v12  }
0x278: {  	[tilespmem:s0+$0x250] =	vst v15  }
0x279: {  	[tilespmem:s0+$0x270] =	vst v16  }
0x27a: {  	[tilespmem:s0+$0x240] =	vst v14  }
0x27b: {  	[tilespmem:s0+$0x230] =	vst v9  }
0x27c: {  	v5 =	vmul.f32 v5, v6;
	[tilespmem:s0+$0x220] =	vst v7  }
0x27d: {  	[tilespmem:s0+$0x2A0] =	vst v11  }
0x27e: {  	[tilespmem:s0+$0x2C0] =	vst v5;
	v5 =	vmul.f32 v13, v6  }
0x27f: {  	v4 =	vmul.f32 v4, v6;
	[tilespmem:s0+$0x290] =	vst v8  }
0x280: {  	[tilespmem:s0+$0x260] =	vst v5;
	v5 =	vmul.f32 v10, v6  }
0x281: {  	[tilespmem:s0+$0x2E0] =	vst v4  }
0x282: {  	s1 =	sadd.s32 s2, s10;
	[tilespmem:s0+$0x2D0] =	vst v5  }
0x283: {  	[hbm4b:s1+s14] =	stream.strided.scatter [tilespmem:s0], [sflag:$0x3], $0x300, s15, s14, $0x38;
	[tilespmem:$0x1EF80] =	vst v63  }
0x284: {  	_ =	swait.ge [sflag:s11], $0x300  }
0x285: {  	s30 =	rddreg [dreg:$0x5]  }
0x286: {  	s31 =	rddreg [dreg:$0x4];
	s1 =	sadd.s32 $0x1, s30  }
0x287: {  	p0 =	sne.s32 s1, s31  }
.Ltmp31:
0x288: {  	_ = 	snop;
	(pc) =	sbr.rel @p0 .LBB2_1-.Ltmp31, $3  }
0x289: {  	_ =	sdelay $0x1  }
0x28a: {  	[sflag:s11] =	ssyncset.done $0x0  }
0x28b: {  	[sflag:s11] =	ssyncadd.s32 $0xFFFFFD00  }
0x28c: {  	_ =	sfence.sel $0x180000  }
0x28d: {  	[bflag:$0x0] =	sbarrier.arrive $0xFFFF  }
0x28e: {  	_ =	strace $0x90000047  }
0x28f: {  	s0 =	stileid.u32;
	[bflag:$0x2] =	sbarrier.arrive $0xFFFF  }
0x290: {  	p0 =	sne.s32 s0, $0x0;
	s0 =	rddreg [dreg:$0x3]  }
0x291: {  	s0 =	sadd.s32 @!p0 $0x100000, s0  }
0x292: {  	[sflag:s0] =	ssyncadd.tile.s32 @!p0 $0x1;
	_ =	shalt  }
.Lfunc_end2:
_tile_overlayer_lowered:
.L_overlay_start_2:
0x293: {  	(tag) =	ssettag $0x2  }
0x294: {  	s0 =	rddreg [dreg:$0x0];
	s2 =	stileid.u32  }
0x295: {  	s1 =	rddreg [dreg:$0x1];
	p0 =	sne.s32 s2, $0x0  }
0x296: {  	s3 =	rddreg [dreg:$0x2];
	[bflag:$0x3] =	sbarrier.arrive $0xFFFF;
	s2 =	simm.s32 @!p0 $0x1C03  }
0x297: {  	[timem:s3], [sflag:s2] =	dma.local @!p0 [hbm:s0], s1  }
0x298: {  	s0 =	simm.s32 @!p0 $0x3  }
0x299: {  	_ =	swait.ge @!p0 [sflag:s0], s1  }
0x29a: {  	s1 =	ssub.s32 @!p0 $0x0, s1;
	[sflag:s0] =	ssyncset.done @!p0 $0x0  }
0x29b: {  	[sflag:s0] =	ssyncadd.s32 @!p0 s1  }
0x29c: {  	[bflag:$0x3] =	sbarrier.arrive $0xFFFF  }
0x29d: {  	_ =	shalt  }

</sc_bundles>
